<compile_context>
chip_gen: v7x
topology: tpu7x:2x2x1
jax: 0.10.2.dev20260603
libtpu: 0.0.44.dev20260713+nightly
codegen_flags: <defaults>
</compile_context>

<pallas_src>
import functools

import jax
import jax.numpy as jnp
import numpy as np
from jax import lax
from jax.experimental import pallas as pl
from jax.experimental.pallas import tpu as pltpu
from jax.experimental.pallas import tpu_sc as plsc

N = 10000
E = 320000
D = 128
HID = 128
NUM_REPS = 512

NC = 2
NS = 16
N_PAD = 10240
E_PAD = 327680
CHUNK = 128
E_ROWS = E_PAD // CHUNK
ROWS_PER_WORKER = E_ROWS // (NC * NS)
ACH = 64
A_ROWS = E_PAD // ACH
A_PER_TILE = A_ROWS // NS
AGRP = 16
NGRP = A_PER_TILE // AGRP
NBUF = 4
AHEAD = NBUF - 1
NODES_PER_TILE = N_PAD // NS
BLK_MM = 1000
GRID_MM = N // BLK_MM
BLK1 = 2000
GRID1 = N // BLK1
BLK2 = 1000
GRID2 = N // BLK2
PADK = 4096

_SELU_ALPHA = 1.6732632423543772
_SELU_SCALE = 1.0507009873554805
_HIGHEST = jax.lax.Precision.HIGHEST

_MESH = plsc.VectorSubcoreMesh(
    core_axis_name="c", subcore_axis_name="s", num_cores=NC, num_subcores=NS)


@functools.partial(
    pl.kernel,
    out_type=pltpu.HBM((NC, 2, N_PAD), jnp.float32),
    mesh=_MESH,
    scratch_types=[
        pltpu.VMEM((ROWS_PER_WORKER, CHUNK), jnp.int32),
        pltpu.VMEM((ROWS_PER_WORKER, CHUNK), jnp.int32),
        pltpu.VMEM((CHUNK,), jnp.float32),
        pltpu.VMEM_SHARED((N_PAD,), jnp.float32),
        pltpu.VMEM_SHARED((N_PAD,), jnp.float32),
        pltpu.SemaphoreType.DMA,
    ],
)
def _deg_kernel(s2d, r2d, zeros_n, out, idx_s, idx_r, ones_b, hist_s, hist_r,
                sem):
    c = lax.axis_index("c")
    s = lax.axis_index("s")
    w = c * NS + s
    for i in range(CHUNK // 16):
        ones_b[pl.ds(i * 16, 16)] = jnp.ones((16,), jnp.float32)
    zsl = pl.ds(s * NODES_PER_TILE, NODES_PER_TILE)
    pltpu.sync_copy(zeros_n.at[zsl], hist_s.at[zsl])
    pltpu.sync_copy(zeros_n.at[zsl], hist_r.at[zsl])
    row0 = w * ROWS_PER_WORKER
    pltpu.sync_copy(s2d.at[pl.ds(row0, ROWS_PER_WORKER), :], idx_s)
    pltpu.sync_copy(r2d.at[pl.ds(row0, ROWS_PER_WORKER), :], idx_r)
    plsc.subcore_barrier()

    def body(j, carry):
        d1 = pltpu.async_copy(ones_b, hist_s.at[idx_s.at[j]], sem, add=True)
        d2 = pltpu.async_copy(ones_b, hist_r.at[idx_r.at[j]], sem, add=True)
        d1.wait()
        d2.wait()
        return carry

    lax.fori_loop(0, ROWS_PER_WORKER, body, 0)
    plsc.subcore_barrier()
    pltpu.sync_copy(hist_s.at[zsl], out.at[c, 0, zsl])
    pltpu.sync_copy(hist_r.at[zsl], out.at[c, 1, zsl])


@functools.partial(
    pl.kernel,
    out_type=pltpu.HBM((NC, N_PAD, D), jnp.float32),
    mesh=_MESH,
    scratch_types=[
        pltpu.VMEM((3, AGRP, ACH), jnp.int32),
        pltpu.VMEM((3, AGRP, ACH), jnp.int32),
        pltpu.VMEM((NBUF, ACH, D), jnp.float32),
        pltpu.VMEM_SHARED((N_PAD, D), jnp.float32),
        pltpu.SemaphoreType.DMA((NBUF,)),
        pltpu.SemaphoreType.DMA((NBUF,)),
        pltpu.SemaphoreType.DMA((3,)),
    ],
)
def _agg_kernel(hcat, s2a, r2d, zeros2d, out, sidx, ridx, rows, agg, gsem,
                ssem, isem):
    c = lax.axis_index("c")
    s = lax.axis_index("s")
    zsl = pl.ds(s * NODES_PER_TILE, NODES_PER_TILE)
    pltpu.sync_copy(zeros2d.at[zsl, :], agg.at[zsl, :])
    plsc.subcore_barrier()
    row0 = s * A_PER_TILE
    coff = (c * N) * jnp.ones((16,), jnp.int32)

    def idx_start(g, slot):
        gr = row0 + g * AGRP
        pltpu.async_copy(s2a.at[pl.ds(gr, AGRP), :], sidx.at[slot],
                         isem.at[slot])
        pltpu.async_copy(r2d.at[pl.ds(gr, AGRP), :], ridx.at[slot],
                         isem.at[slot])

    def idx_wait(slot):
        pltpu.make_async_copy(s2a.at[pl.ds(row0, AGRP), :],
                              sidx.at[slot], isem.at[slot]).wait()
        pltpu.make_async_copy(r2d.at[pl.ds(row0, AGRP), :],
                              ridx.at[slot], isem.at[slot]).wait()
        for k in range(AGRP):
            for q in range(ACH // 16):
                sl = pl.ds(q * 16, 16)
                sidx[slot, k, sl] = sidx[slot, k, sl] + coff

    def gather_start(j):
        slot = lax.rem(lax.div(j, AGRP), 3)
        k = lax.rem(j, AGRP)
        b = lax.rem(j, NBUF)
        pltpu.async_copy(hcat.at[sidx.at[slot, k]], rows.at[b], gsem.at[b])

    idx_start(0, 0)
    idx_wait(0)
    idx_start(1, 1)
    for j in range(AHEAD):
        gather_start(j)

    def body(j, carry):
        b = lax.rem(j, NBUF)
        jn = j + AHEAD
        bn = lax.rem(jn, NBUF)

        @pl.when(jnp.logical_and(j >= 1, jn < A_PER_TILE))
        def _():
            pltpu.make_async_copy(rows.at[bn], agg.at[ridx.at[0, 0]],
                                  ssem.at[bn]).wait()

        @pl.when(lax.rem(j, AGRP) == 0)
        def _():
            g = lax.div(j, AGRP)

            @pl.when(g + 2 < NGRP)
            def _():
                idx_start(g + 2, lax.rem(g + 2, 3))

            @pl.when(g + 1 < NGRP)
            def _():
                idx_wait(lax.rem(g + 1, 3))

        @pl.when(jn < A_PER_TILE)
        def _():
            gather_start(jn)

        pltpu.make_async_copy(hcat.at[sidx.at[0, 0]], rows.at[b],
                              gsem.at[b]).wait()
        slot = lax.rem(lax.div(j, AGRP), 3)
        k = lax.rem(j, AGRP)
        pltpu.async_copy(rows.at[b], agg.at[ridx.at[slot, k]], ssem.at[b],
                         add=True)
        return carry

    lax.fori_loop(0, A_PER_TILE, body, 0)
    for b in range(NBUF):
        pltpu.make_async_copy(rows.at[b], agg.at[ridx.at[0, 0]],
                              ssem.at[b]).wait()
    plsc.subcore_barrier()
    pltpu.sync_copy(agg.at[zsl, :], out.at[c, zsl, :])


def _mm_scale_body(x_ref, cx_ref, w_ref, b_ref, degs_ref, padc_ref, out_ref):
    w = w_ref[...]
    b = b_ref[...]
    z1 = jnp.dot(x_ref[...], w, preferred_element_type=jnp.float32) + b
    z2 = jnp.dot(cx_ref[...], w, preferred_element_type=jnp.float32) + b
    dsum = (degs_ref[...][:, 0:1] + degs_ref[...][:, 1:2]
            - padc_ref[...])
    ss = lax.rsqrt(jnp.maximum(dsum, 1.0))
    out_ref[0, :, :] = z1 * ss
    out_ref[1, :, :] = z2 * ss


def _mm_scale(x, c_x, w, b2, deg_s2, padc):
    return pl.pallas_call(
        _mm_scale_body,
        grid=(GRID_MM,),
        in_specs=[
            pl.BlockSpec((BLK_MM, D), lambda i: (i, 0)),
            pl.BlockSpec((BLK_MM, D), lambda i: (i, 0)),
            pl.BlockSpec((D, HID), lambda i: (0, 0)),
            pl.BlockSpec((1, HID), lambda i: (0, 0)),
            pl.BlockSpec((BLK_MM, 2), lambda i: (i, 0)),
            pl.BlockSpec((BLK_MM, 1), lambda i: (i, 0)),
        ],
        out_specs=pl.BlockSpec((2, BLK_MM, HID), lambda i: (0, i, 0)),
        out_shape=jax.ShapeDtypeStruct((2, N, HID), jnp.float32),
    )(x, c_x, w, b2, deg_s2, padc)


def _selu(x):
    return _SELU_SCALE * jnp.where(x > 0, x, _SELU_ALPHA * (jnp.exp(x) - 1.0))


def _rr(degr):
    return lax.rsqrt(jnp.maximum(degr[:, 0:1] + degr[:, 1:2], 1.0))


def _post1_body(agg1_ref, degr_ref, cs_ref):
    i = pl.program_id(0)
    n1 = _selu(agg1_ref[0] * _rr(degr_ref[...]))

    @pl.when(i == 0)
    def _():
        cs_ref[...] = jnp.zeros_like(cs_ref)

    cs_ref[...] += jnp.sum(n1, axis=0, keepdims=True)


def _post1(agg1, deg_r2):
    return pl.pallas_call(
        _post1_body,
        grid=(GRID1,),
        in_specs=[
            pl.BlockSpec((1, BLK1, HID), lambda i: (0, i, 0)),
            pl.BlockSpec((BLK1, 2), lambda i: (i, 0)),
        ],
        out_specs=pl.BlockSpec((1, HID), lambda i: (0, 0)),
        out_shape=jax.ShapeDtypeStruct((1, HID), jnp.float32),
    )(agg1, deg_r2)


def _post2_body(agg1_ref, agg2_ref, degr_ref, cs_ref, wb_ref, cen_ref,
                ones_ref, h_ref, rep_ref, l1_ref, l2_ref, loss_ref):
    i = pl.program_id(0)
    rr = _rr(degr_ref[...])
    n1 = _selu(agg1_ref[0] * rr)
    n2 = _selu(agg2_ref[0] * rr)
    summ = jax.nn.sigmoid(cs_ref[...] * (1.0 / N))
    v = lax.dot_general(summ, wb_ref[...], (((1,), (1,)), ((), ())))
    l1_ref[0] = lax.dot_general(v, n1, (((1,), (1,)), ((), ())))
    l2_ref[0] = lax.dot_general(v, n2, (((1,), (1,)), ((), ())))
    nrm = jnp.sqrt(jnp.sum(n1 * n1, axis=1, keepdims=True))
    h = n1 / jnp.maximum(nrm, 1e-12)
    h_ref[...] = h
    cen = cen_ref[...]
    hh = jnp.sum(h * h, axis=1, keepdims=True)
    cc = lax.dot_general(ones_ref[...], cen * cen,
                         (((1,), (1,)), ((), ())), precision=_HIGHEST)
    g = lax.dot_general(h, cen, (((1,), (1,)), ((), ())))
    d2 = hh + cc - 2.0 * g
    dists = jnp.sqrt(jnp.maximum(d2, 0.0) + 1e-12)
    mind = jnp.min(dists, axis=1, keepdims=True)
    ids = lax.broadcasted_iota(jnp.int32, (BLK2, NUM_REPS), 1)
    rep_ref[...] = jnp.min(jnp.where(dists <= mind, ids, NUM_REPS), axis=1,
                           keepdims=True)
    contrib = jnp.sum(mind, keepdims=True)

    @pl.when(i == 0)
    def _():
        loss_ref[...] = jnp.zeros_like(loss_ref)

    loss_ref[...] += contrib


def _post2(agg, deg_r2, colsum, wb, centers, ones_row):
    return pl.pallas_call(
        _post2_body,
        grid=(GRID2,),
        in_specs=[
            pl.BlockSpec((1, BLK2, HID), lambda i: (0, i, 0)),
            pl.BlockSpec((1, BLK2, HID), lambda i: (1, i, 0)),
            pl.BlockSpec((BLK2, 2), lambda i: (i, 0)),
            pl.BlockSpec((1, HID), lambda i: (0, 0)),
            pl.BlockSpec((HID, HID), lambda i: (0, 0)),
            pl.BlockSpec((NUM_REPS, HID), lambda i: (0, 0)),
            pl.BlockSpec((1, HID), lambda i: (0, 0)),
        ],
        out_specs=[
            pl.BlockSpec((BLK2, HID), lambda i: (i, 0)),
            pl.BlockSpec((BLK2, 1), lambda i: (i, 0)),
            pl.BlockSpec((1, 1, BLK2), lambda i: (i, 0, 0)),
            pl.BlockSpec((1, 1, BLK2), lambda i: (i, 0, 0)),
            pl.BlockSpec((1, 1), lambda i: (0, 0)),
        ],
        out_shape=[
            jax.ShapeDtypeStruct((N, HID), jnp.float32),
            jax.ShapeDtypeStruct((N, 1), jnp.int32),
            jax.ShapeDtypeStruct((GRID2, 1, BLK2), jnp.float32),
            jax.ShapeDtypeStruct((GRID2, 1, BLK2), jnp.float32),
            jax.ShapeDtypeStruct((1, 1), jnp.float32),
        ],
    )(agg, agg, deg_r2, colsum, wb, centers, ones_row)


def kernel(x, c_x, senders, receivers, W, b, Wb, centers):
    npad = E_PAD - E
    pad_s = jnp.asarray(np.arange(npad, dtype=np.int32) % PADK)
    pad_r = jnp.asarray(N + np.arange(npad, dtype=np.int32) % (N_PAD - N))
    padc = jnp.asarray(
        np.bincount(np.arange(npad) % PADK, minlength=N)
        .astype(np.float32)[:, None])
    s_pad = jnp.concatenate([senders, pad_s])
    r_pad = jnp.concatenate([receivers, pad_r])
    s2d = s_pad.reshape(E_ROWS, CHUNK)
    r2d = r_pad.reshape(E_ROWS, CHUNK)
    sa2d = s_pad.reshape(A_ROWS, ACH)
    ra2d = r_pad.reshape(A_ROWS, ACH)

    zeros_n = jnp.zeros((N_PAD,), jnp.float32)
    zeros2d = jnp.zeros((N_PAD, D), jnp.float32)

    deg = _deg_kernel(s2d, r2d, zeros_n)
    deg_s2 = deg[:, 0, :N].T
    deg_r2 = deg[:, 1, :N].T

    hcat = _mm_scale(x, c_x, W, b.reshape(1, HID), deg_s2, padc)
    hflat = hcat.reshape(2 * N, HID)

    agg = _agg_kernel(hflat, sa2d, ra2d, zeros2d)

    colsum = _post1(agg, deg_r2)
    ones_row = jnp.ones((1, HID), jnp.float32)
    h, rep, l1, l2, loss = _post2(agg, deg_r2, colsum, Wb, centers, ones_row)

    rep_ids = rep[:, 0]
    logits = jnp.concatenate([l1.reshape(-1), l2.reshape(-1)])
    cluster_loss = loss[0, 0]
    return (h, centers, rep_ids, cluster_loss, logits)

# --- scband reference (transcript-rebuilt; emitter-appended) ---
"""Pipeline reference for scband-rsgnn-24223615550077 (READ-ONLY COPY).

The authoritative reference and input builder live on the scoring server;
editing this copy changes nothing except your own understanding.
"""

import jax, jax.numpy as jnp
import numpy as np

N = 10000
E = 320000
D = 128
HID = 128
NUM_REPS = 512


def setup_inputs(seed: int = 0):
    key = jax.random.key(seed)
    ks = jax.random.split(key, 8)
    x = jax.random.normal(ks[0], (N, D), dtype=jnp.float32)
    c_x = jax.random.normal(ks[1], (N, D), dtype=jnp.float32)
    senders = jax.random.randint(ks[2], (E,), 0, N, dtype=jnp.int32)
    receivers = jax.random.randint(ks[3], (E,), 0, N, dtype=jnp.int32)
    # learned parameters
    W = jax.random.normal(ks[4], (D, HID), dtype=jnp.float32) * np.sqrt(2.0 / (D + HID))
    b = jnp.zeros((HID,), dtype=jnp.float32)
    Wb = jax.random.normal(ks[5], (HID, HID), dtype=jnp.float32) * np.sqrt(2.0 / (HID + HID))
    centers = jax.random.normal(ks[6], (NUM_REPS, HID), dtype=jnp.float32) * np.sqrt(2.0 / (NUM_REPS + HID))
    return {"x": x, "c_x": c_x, "senders": senders, "receivers": receivers,
            "W": W, "b": b, "Wb": Wb, "centers": centers}


def _gcn_layer(x, senders, receivers, W, b):
    # jraph.GraphConvolution(nn.Dense, add_self_edges=False, symmetric_normalization=True)
    n = x.shape[0]
    h = x @ W + b
    ones = jnp.ones((senders.shape[0],), dtype=h.dtype)
    send_deg = jax.ops.segment_sum(ones, senders, n)
    recv_deg = jax.ops.segment_sum(ones, receivers, n)
    h = h * jax.lax.rsqrt(jnp.maximum(send_deg, 1.0))[:, None]
    agg = jax.ops.segment_sum(h[senders], receivers, n)
    agg = agg * jax.lax.rsqrt(jnp.maximum(recv_deg, 1.0))[:, None]
    return agg


def reference(x, c_x, senders, receivers, W, b, Wb, centers):
    # DGI: shared single-layer GCN (features=[hid_dim], SeLU activation; dropout skipped on last layer)
    nodes1 = jax.nn.selu(_gcn_layer(x, senders, receivers, W, b))
    nodes2 = jax.nn.selu(_gcn_layer(c_x, senders, receivers, W, b))
    # dgi_readout: sigmoid of mean-pooled embeddings
    summary = jax.nn.sigmoid(jnp.mean(nodes1, axis=0))
    nodes = jnp.concatenate([nodes1, nodes2], axis=0)
    # Bilinear discriminator: logits_i = nodes_i^T Wb summary
    logits = nodes @ (Wb @ summary)
    # normalize: L2 row normalization
    h = nodes1 / jnp.maximum(jnp.linalg.norm(nodes1, axis=1, keepdims=True), 1e-12)
    # EucCluster: euclidean distances to learnable centers
    d2 = (jnp.sum(h * h, axis=1)[:, None]
          + jnp.sum(centers * centers, axis=1)[None, :]
          - 2.0 * (h @ centers.T))
    dists = jnp.sqrt(jnp.maximum(d2, 0.0) + 1e-12)
    rep_ids = jnp.argmin(dists, axis=1)
    cluster_dists = jnp.min(dists, axis=1)
    cluster_loss = jnp.sum(cluster_dists)
    return (h, centers, rep_ids, cluster_loss, logits)

if __name__ == "__main__":
    import jax
    _d = setup_inputs()
    print(jax.jit(kernel)(*tuple(_d.values())))

</pallas_src>

<mosaic_0001>
#map = affine_map<(d0, d1) -> (0, 0)>
#map1 = affine_map<(d0, d1) -> (0)>
#map2 = affine_map<(d0, d1) -> (0, 0, 0)>
module attributes {stable_mosaic.version = 14 : i64} {
  func.func @_deg_kernel(%arg0: i32, %arg1: i32, %arg2: memref<2560x128xi32, #tpu.memory_space<hbm>>, %arg3: memref<2560x128xi32, #tpu.memory_space<hbm>>, %arg4: memref<10240xf32, #tpu.memory_space<hbm>>, %arg5: memref<2x2x10240xf32, #tpu.memory_space<hbm>>, %arg6: memref<80x128xi32, #tpu.memory_space<vmem>>, %arg7: memref<80x128xi32, #tpu.memory_space<vmem>>, %arg8: memref<128xf32, #tpu.memory_space<vmem>>, %arg9: memref<10240xf32, #tpu.memory_space<vmem_shared>>, %arg10: memref<10240xf32, #tpu.memory_space<vmem_shared>>, %arg11: memref<!tpu.dma_semaphore, #tpu.memory_space<semaphore_mem>>) attributes {dimension_semantics = [#tpu.dimension_semantics<core_parallel>, #tpu.dimension_semantics<subcore_parallel>], iteration_bounds = array<i64: 2, 16>, scalar_prefetch = 0 : i64, scratch_operands = 6 : i64, tpu.core_type = #tpu.core_type<sc_vector_subcore>, window_params = [{transform_indices = #map}, {transform_indices = #map}, {transform_indices = #map1}, {transform_indices = #map2}]} {
    %mul3A = arith.constant 16 : i32
    %mul3A_0 = arith.muli %arg0, %mul3A : i32
    %add3A = arith.addi %mul3A_0, %arg1 : i32
    %broadcast_in_dim3A = arith.constant 1.000000e+00 : f32
    %broadcast_in_dim3A_1 = vector.broadcast %broadcast_in_dim3A : f32 to vector<16xf32>
    %swap3A = arith.constant 0 : index
    %swap3A_2 = tpu.vector_load %arg8[%swap3A] {strides = array<i32>} : memref<128xf32, #tpu.memory_space<vmem>>, vector<16xf32>,
    %swap3A_3 = vector.shape_cast %swap3A_2 : vector<16xf32> to vector<16xf32>
    %swap3A_4 = vector.shape_cast %broadcast_in_dim3A_1 : vector<16xf32> to vector<16xf32>
    tpu.vector_store %arg8[%swap3A], %swap3A_4 {strides = array<i32>} : memref<128xf32, #tpu.memory_space<vmem>>, vector<16xf32>,
    %broadcast_in_dim3A_5 = arith.constant 1.000000e+00 : f32
    %broadcast_in_dim3A_6 = vector.broadcast %broadcast_in_dim3A_5 : f32 to vector<16xf32>
    %swap3A_7 = arith.constant 16 : index
    %swap3A_8 = tpu.vector_load %arg8[%swap3A_7] {strides = array<i32>} : memref<128xf32, #tpu.memory_space<vmem>>, vector<16xf32>,
    %swap3A_9 = vector.shape_cast %swap3A_8 : vector<16xf32> to vector<16xf32>
    %swap3A_10 = vector.shape_cast %broadcast_in_dim3A_6 : vector<16xf32> to vector<16xf32>
    tpu.vector_store %arg8[%swap3A_7], %swap3A_10 {strides = array<i32>} : memref<128xf32, #tpu.memory_space<vmem>>, vector<16xf32>,
    %broadcast_in_dim3A_11 = arith.constant 1.000000e+00 : f32
    %broadcast_in_dim3A_12 = vector.broadcast %broadcast_in_dim3A_11 : f32 to vector<16xf32>
    %swap3A_13 = arith.constant 32 : index
    %swap3A_14 = tpu.vector_load %arg8[%swap3A_13] {strides = array<i32>} : memref<128xf32, #tpu.memory_space<vmem>>, vector<16xf32>,
    %swap3A_15 = vector.shape_cast %swap3A_14 : vector<16xf32> to vector<16xf32>
    %swap3A_16 = vector.shape_cast %broadcast_in_dim3A_12 : vector<16xf32> to vector<16xf32>
    tpu.vector_store %arg8[%swap3A_13], %swap3A_16 {strides = array<i32>} : memref<128xf32, #tpu.memory_space<vmem>>, vector<16xf32>,
    %broadcast_in_dim3A_17 = arith.constant 1.000000e+00 : f32
    %broadcast_in_dim3A_18 = vector.broadcast %broadcast_in_dim3A_17 : f32 to vector<16xf32>
    %swap3A_19 = arith.constant 48 : index
    %swap3A_20 = tpu.vector_load %arg8[%swap3A_19] {strides = array<i32>} : memref<128xf32, #tpu.memory_space<vmem>>, vector<16xf32>,
    %swap3A_21 = vector.shape_cast %swap3A_20 : vector<16xf32> to vector<16xf32>
    %swap3A_22 = vector.shape_cast %broadcast_in_dim3A_18 : vector<16xf32> to vector<16xf32>
    tpu.vector_store %arg8[%swap3A_19], %swap3A_22 {strides = array<i32>} : memref<128xf32, #tpu.memory_space<vmem>>, vector<16xf32>,
    %broadcast_in_dim3A_23 = arith.constant 1.000000e+00 : f32
    %broadcast_in_dim3A_24 = vector.broadcast %broadcast_in_dim3A_23 : f32 to vector<16xf32>
    %swap3A_25 = arith.constant 64 : index
    %swap3A_26 = tpu.vector_load %arg8[%swap3A_25] {strides = array<i32>} : memref<128xf32, #tpu.memory_space<vmem>>, vector<16xf32>,
    %swap3A_27 = vector.shape_cast %swap3A_26 : vector<16xf32> to vector<16xf32>
    %swap3A_28 = vector.shape_cast %broadcast_in_dim3A_24 : vector<16xf32> to vector<16xf32>
    tpu.vector_store %arg8[%swap3A_25], %swap3A_28 {strides = array<i32>} : memref<128xf32, #tpu.memory_space<vmem>>, vector<16xf32>,
    %broadcast_in_dim3A_29 = arith.constant 1.000000e+00 : f32
    %broadcast_in_dim3A_30 = vector.broadcast %broadcast_in_dim3A_29 : f32 to vector<16xf32>
    %swap3A_31 = arith.constant 80 : index
    %swap3A_32 = tpu.vector_load %arg8[%swap3A_31] {strides = array<i32>} : memref<128xf32, #tpu.memory_space<vmem>>, vector<16xf32>,
    %swap3A_33 = vector.shape_cast %swap3A_32 : vector<16xf32> to vector<16xf32>
    %swap3A_34 = vector.shape_cast %broadcast_in_dim3A_30 : vector<16xf32> to vector<16xf32>
    tpu.vector_store %arg8[%swap3A_31], %swap3A_34 {strides = array<i32>} : memref<128xf32, #tpu.memory_space<vmem>>, vector<16xf32>,
    %broadcast_in_dim3A_35 = arith.constant 1.000000e+00 : f32
    %broadcast_in_dim3A_36 = vector.broadcast %broadcast_in_dim3A_35 : f32 to vector<16xf32>
    %swap3A_37 = arith.constant 96 : index
    %swap3A_38 = tpu.vector_load %arg8[%swap3A_37] {strides = array<i32>} : memref<128xf32, #tpu.memory_space<vmem>>, vector<16xf32>,
    %swap3A_39 = vector.shape_cast %swap3A_38 : vector<16xf32> to vector<16xf32>
    %swap3A_40 = vector.shape_cast %broadcast_in_dim3A_36 : vector<16xf32> to vector<16xf32>
    tpu.vector_store %arg8[%swap3A_37], %swap3A_40 {strides = array<i32>} : memref<128xf32, #tpu.memory_space<vmem>>, vector<16xf32>,
    %broadcast_in_dim3A_41 = arith.constant 1.000000e+00 : f32
    %broadcast_in_dim3A_42 = vector.broadcast %broadcast_in_dim3A_41 : f32 to vector<16xf32>
    %swap3A_43 = arith.constant 112 : index
    %swap3A_44 = tpu.vector_load %arg8[%swap3A_43] {strides = array<i32>} : memref<128xf32, #tpu.memory_space<vmem>>, vector<16xf32>,
    %swap3A_45 = vector.shape_cast %swap3A_44 : vector<16xf32> to vector<16xf32>
    %swap3A_46 = vector.shape_cast %broadcast_in_dim3A_42 : vector<16xf32> to vector<16xf32>
    tpu.vector_store %arg8[%swap3A_43], %swap3A_46 {strides = array<i32>} : memref<128xf32, #tpu.memory_space<vmem>>, vector<16xf32>,
    %mul3A_47 = arith.constant 640 : i32
    %mul3A_48 = arith.muli %arg1, %mul3A_47 : i32
    "tpu.region"() ({
      %run_scoped3A_58 = tpu.sem_alloc : memref<!tpu.dma_semaphore, #tpu.memory_space<semaphore_mem>>
      %dma_start3A = tpu.memref_slice %arg9[%mul3A_48] : memref<10240xf32, #tpu.memory_space<vmem_shared>> -> memref<640xf32, #tpu.memory_space<vmem_shared>>
      %dma_start3A_59 = tpu.memref_slice %arg4[%mul3A_48] : memref<10240xf32, #tpu.memory_space<hbm>> -> memref<640xf32, #tpu.memory_space<hbm>>
      tpu.enqueue_dma source(%dma_start3A_59 : memref<640xf32, #tpu.memory_space<hbm>>) target(%dma_start3A : memref<640xf32, #tpu.memory_space<vmem_shared>>) target_semaphore(%run_scoped3A_58 : memref<!tpu.dma_semaphore, #tpu.memory_space<semaphore_mem>>)
      %dma_wait3A = tpu.memref_slice %arg9[%mul3A_48] : memref<10240xf32, #tpu.memory_space<vmem_shared>> -> memref<640xf32, #tpu.memory_space<vmem_shared>>
      %dma_wait3A_60 = tpu.memref_slice %arg4[%mul3A_48] : memref<10240xf32, #tpu.memory_space<hbm>> -> memref<640xf32, #tpu.memory_space<hbm>>
      tpu.wait_dma2 semaphore(%run_scoped3A_58 : memref<!tpu.dma_semaphore, #tpu.memory_space<semaphore_mem>>) src(%dma_wait3A_60 : memref<640xf32, #tpu.memory_space<hbm>>) dst(%dma_wait3A : memref<640xf32, #tpu.memory_space<vmem_shared>>)
      tpu.yield
    }) : () -> ()
    "tpu.region"() ({
      %run_scoped3A_58 = tpu.sem_alloc : memref<!tpu.dma_semaphore, #tpu.memory_space<semaphore_mem>>
      %dma_start3A = tpu.memref_slice %arg10[%mul3A_48] : memref<10240xf32, #tpu.memory_space<vmem_shared>> -> memref<640xf32, #tpu.memory_space<vmem_shared>>
      %dma_start3A_59 = tpu.memref_slice %arg4[%mul3A_48] : memref<10240xf32, #tpu.memory_space<hbm>> -> memref<640xf32, #tpu.memory_space<hbm>>
      tpu.enqueue_dma source(%dma_start3A_59 : memref<640xf32, #tpu.memory_space<hbm>>) target(%dma_start3A : memref<640xf32, #tpu.memory_space<vmem_shared>>) target_semaphore(%run_scoped3A_58 : memref<!tpu.dma_semaphore, #tpu.memory_space<semaphore_mem>>)
      %dma_wait3A = tpu.memref_slice %arg10[%mul3A_48] : memref<10240xf32, #tpu.memory_space<vmem_shared>> -> memref<640xf32, #tpu.memory_space<vmem_shared>>
      %dma_wait3A_60 = tpu.memref_slice %arg4[%mul3A_48] : memref<10240xf32, #tpu.memory_space<hbm>> -> memref<640xf32, #tpu.memory_space<hbm>>
      tpu.wait_dma2 semaphore(%run_scoped3A_58 : memref<!tpu.dma_semaphore, #tpu.memory_space<semaphore_mem>>) src(%dma_wait3A_60 : memref<640xf32, #tpu.memory_space<hbm>>) dst(%dma_wait3A : memref<640xf32, #tpu.memory_space<vmem_shared>>)
      tpu.yield
    }) : () -> ()
    %mul3A_49 = arith.constant 80 : i32
    %mul3A_50 = arith.muli %add3A, %mul3A_49 : i32
    "tpu.region"() ({
      %run_scoped3A_58 = tpu.sem_alloc : memref<!tpu.dma_semaphore, #tpu.memory_space<semaphore_mem>>
      %dma_start3A = arith.constant 0 : i32
      %dma_start3A_59 = tpu.memref_slice %arg2[%mul3A_50, %dma_start3A] : memref<2560x128xi32, #tpu.memory_space<hbm>> -> memref<80x128xi32, #tpu.memory_space<hbm>>
      %dma_start3A_60 = arith.constant 0 : i32
      %dma_start3A_61 = tpu.memref_slice %arg2[%mul3A_50, %dma_start3A_60] : memref<2560x128xi32, #tpu.memory_space<hbm>> -> memref<80x128xi32, #tpu.memory_space<hbm>>
      tpu.enqueue_dma source(%dma_start3A_61 : memref<80x128xi32, #tpu.memory_space<hbm>>) target(%arg6 : memref<80x128xi32, #tpu.memory_space<vmem>>) target_semaphore(%run_scoped3A_58 : memref<!tpu.dma_semaphore, #tpu.memory_space<semaphore_mem>>)
      %dma_wait3A = arith.constant 0 : i32
      %dma_wait3A_62 = tpu.memref_slice %arg2[%mul3A_50, %dma_wait3A] : memref<2560x128xi32, #tpu.memory_space<hbm>> -> memref<80x128xi32, #tpu.memory_space<hbm>>
      %dma_wait3A_63 = arith.constant 0 : i32
      %dma_wait3A_64 = tpu.memref_slice %arg2[%mul3A_50, %dma_wait3A_63] : memref<2560x128xi32, #tpu.memory_space<hbm>> -> memref<80x128xi32, #tpu.memory_space<hbm>>
      tpu.wait_dma2 semaphore(%run_scoped3A_58 : memref<!tpu.dma_semaphore, #tpu.memory_space<semaphore_mem>>) src(%dma_wait3A_64 : memref<80x128xi32, #tpu.memory_space<hbm>>) dst(%arg6 : memref<80x128xi32, #tpu.memory_space<vmem>>)
      tpu.yield
    }) : () -> ()
    "tpu.region"() ({
      %run_scoped3A_58 = tpu.sem_alloc : memref<!tpu.dma_semaphore, #tpu.memory_space<semaphore_mem>>
      %dma_start3A = arith.constant 0 : i32
      %dma_start3A_59 = tpu.memref_slice %arg3[%mul3A_50, %dma_start3A] : memref<2560x128xi32, #tpu.memory_space<hbm>> -> memref<80x128xi32, #tpu.memory_space<hbm>>
      %dma_start3A_60 = arith.constant 0 : i32
      %dma_start3A_61 = tpu.memref_slice %arg3[%mul3A_50, %dma_start3A_60] : memref<2560x128xi32, #tpu.memory_space<hbm>> -> memref<80x128xi32, #tpu.memory_space<hbm>>
      tpu.enqueue_dma source(%dma_start3A_61 : memref<80x128xi32, #tpu.memory_space<hbm>>) target(%arg7 : memref<80x128xi32, #tpu.memory_space<vmem>>) target_semaphore(%run_scoped3A_58 : memref<!tpu.dma_semaphore, #tpu.memory_space<semaphore_mem>>)
      %dma_wait3A = arith.constant 0 : i32
      %dma_wait3A_62 = tpu.memref_slice %arg3[%mul3A_50, %dma_wait3A] : memref<2560x128xi32, #tpu.memory_space<hbm>> -> memref<80x128xi32, #tpu.memory_space<hbm>>
      %dma_wait3A_63 = arith.constant 0 : i32
      %dma_wait3A_64 = tpu.memref_slice %arg3[%mul3A_50, %dma_wait3A_63] : memref<2560x128xi32, #tpu.memory_space<hbm>> -> memref<80x128xi32, #tpu.memory_space<hbm>>
      tpu.wait_dma2 semaphore(%run_scoped3A_58 : memref<!tpu.dma_semaphore, #tpu.memory_space<semaphore_mem>>) src(%dma_wait3A_64 : memref<80x128xi32, #tpu.memory_space<hbm>>) dst(%arg7 : memref<80x128xi32, #tpu.memory_space<vmem>>)
      tpu.yield
    }) : () -> ()
    %barrier3A = arith.constant 0 : index
    tpu.barrier barrier_id(%barrier3A)
    %scan3A = arith.constant 0 : i32
    %scan3A_51 = arith.constant 0 : i32
    %scan3A_52 = arith.constant 80 : i32
    %scan3A_53 = arith.addi %scan3A_51, %scan3A_52 : i32
    %scan3A_54 = arith.constant 1 : i32
    scf.for %scan3A_58 = %scan3A_51 to %scan3A_53 step %scan3A_54  : i32 {
      %dma_start3A = arith.constant 0 : i32
      %dma_start3A_59 = tpu.memref_slice %arg6[%scan3A_58, %dma_start3A] : memref<80x128xi32, #tpu.memory_space<vmem>> -> memref<1x128xi32, #tpu.memory_space<vmem>>
      %dma_start3A_60 = tpu.memref_squeeze %dma_start3A_59 : memref<1x128xi32, #tpu.memory_space<vmem>> -> memref<128xi32, #tpu.memory_space<vmem>>
      %dma_start3A_61 = arith.constant 0 : i32
      %dma_start3A_62 = tpu.memref_slice %arg9[%dma_start3A_61] : memref<10240xf32, #tpu.memory_space<vmem_shared>> -> memref<10240xf32, #tpu.memory_space<vmem_shared>>
      tpu.enqueue_indirect_dma source(%arg8 : memref<128xf32, #tpu.memory_space<vmem>>) target(%dma_start3A_62 : memref<10240xf32, #tpu.memory_space<vmem_shared>>) offsets(%dma_start3A_60 : memref<128xi32, #tpu.memory_space<vmem>>) semaphore(%arg11 : memref<!tpu.dma_semaphore, #tpu.memory_space<semaphore_mem>>) {add = true}
      %dma_start3A_63 = arith.constant 0 : i32
      %dma_start3A_64 = tpu.memref_slice %arg7[%scan3A_58, %dma_start3A_63] : memref<80x128xi32, #tpu.memory_space<vmem>> -> memref<1x128xi32, #tpu.memory_space<vmem>>
      %dma_start3A_65 = tpu.memref_squeeze %dma_start3A_64 : memref<1x128xi32, #tpu.memory_space<vmem>> -> memref<128xi32, #tpu.memory_space<vmem>>
      %dma_start3A_66 = arith.constant 0 : i32
      %dma_start3A_67 = tpu.memref_slice %arg10[%dma_start3A_66] : memref<10240xf32, #tpu.memory_space<vmem_shared>> -> memref<10240xf32, #tpu.memory_space<vmem_shared>>
      tpu.enqueue_indirect_dma source(%arg8 : memref<128xf32, #tpu.memory_space<vmem>>) target(%dma_start3A_67 : memref<10240xf32, #tpu.memory_space<vmem_shared>>) offsets(%dma_start3A_65 : memref<128xi32, #tpu.memory_space<vmem>>) semaphore(%arg11 : memref<!tpu.dma_semaphore, #tpu.memory_space<semaphore_mem>>) {add = true}
      %dma_wait3A = arith.constant 0 : i32
      %dma_wait3A_68 = tpu.memref_slice %arg6[%scan3A_58, %dma_wait3A] : memref<80x128xi32, #tpu.memory_space<vmem>> -> memref<1x128xi32, #tpu.memory_space<vmem>>
      %dma_wait3A_69 = tpu.memref_squeeze %dma_wait3A_68 : memref<1x128xi32, #tpu.memory_space<vmem>> -> memref<128xi32, #tpu.memory_space<vmem>>
      %dma_wait3A_70 = arith.constant 0 : i32
      %dma_wait3A_71 = tpu.memref_slice %arg9[%dma_wait3A_70] : memref<10240xf32, #tpu.memory_space<vmem_shared>> -> memref<10240xf32, #tpu.memory_space<vmem_shared>>
      tpu.wait_indirect_dma semaphore(%arg11 : memref<!tpu.dma_semaphore, #tpu.memory_space<semaphore_mem>>) src(%arg8 : memref<128xf32, #tpu.memory_space<vmem>>) dst(%dma_wait3A_71 : memref<10240xf32, #tpu.memory_space<vmem_shared>>)
      %dma_wait3A_72 = arith.constant 0 : i32
      %dma_wait3A_73 = tpu.memref_slice %arg7[%scan3A_58, %dma_wait3A_72] : memref<80x128xi32, #tpu.memory_space<vmem>> -> memref<1x128xi32, #tpu.memory_space<vmem>>
      %dma_wait3A_74 = tpu.memref_squeeze %dma_wait3A_73 : memref<1x128xi32, #tpu.memory_space<vmem>> -> memref<128xi32, #tpu.memory_space<vmem>>
      %dma_wait3A_75 = arith.constant 0 : i32
      %dma_wait3A_76 = tpu.memref_slice %arg10[%dma_wait3A_75] : memref<10240xf32, #tpu.memory_space<vmem_shared>> -> memref<10240xf32, #tpu.memory_space<vmem_shared>>
      tpu.wait_indirect_dma semaphore(%arg11 : memref<!tpu.dma_semaphore, #tpu.memory_space<semaphore_mem>>) src(%arg8 : memref<128xf32, #tpu.memory_space<vmem>>) dst(%dma_wait3A_76 : memref<10240xf32, #tpu.memory_space<vmem_shared>>)
    }
    %scan3A_55 = arith.constant 80 : i32
    %barrier3A_56 = arith.constant 0 : index
    tpu.barrier barrier_id(%barrier3A_56)
    %run_scoped3A = arith.constant 0 : i32
    "tpu.region"() ({
      %run_scoped3A_58 = tpu.sem_alloc : memref<!tpu.dma_semaphore, #tpu.memory_space<semaphore_mem>>
      %dma_start3A = tpu.memref_slice %arg5[%arg0, %run_scoped3A, %mul3A_48] : memref<2x2x10240xf32, #tpu.memory_space<hbm>> -> memref<1x1x640xf32, #tpu.memory_space<hbm>>
      %dma_start3A_59 = tpu.memref_squeeze %dma_start3A : memref<1x1x640xf32, #tpu.memory_space<hbm>> -> memref<640xf32, #tpu.memory_space<hbm>>
      %dma_start3A_60 = tpu.memref_slice %arg9[%mul3A_48] : memref<10240xf32, #tpu.memory_space<vmem_shared>> -> memref<640xf32, #tpu.memory_space<vmem_shared>>
      tpu.enqueue_dma source(%dma_start3A_60 : memref<640xf32, #tpu.memory_space<vmem_shared>>) target(%dma_start3A_59 : memref<640xf32, #tpu.memory_space<hbm>>) target_semaphore(%run_scoped3A_58 : memref<!tpu.dma_semaphore, #tpu.memory_space<semaphore_mem>>)
      %dma_wait3A = tpu.memref_slice %arg5[%arg0, %run_scoped3A, %mul3A_48] : memref<2x2x10240xf32, #tpu.memory_space<hbm>> -> memref<1x1x640xf32, #tpu.memory_space<hbm>>
      %dma_wait3A_61 = tpu.memref_squeeze %dma_wait3A : memref<1x1x640xf32, #tpu.memory_space<hbm>> -> memref<640xf32, #tpu.memory_space<hbm>>
      %dma_wait3A_62 = tpu.memref_slice %arg9[%mul3A_48] : memref<10240xf32, #tpu.memory_space<vmem_shared>> -> memref<640xf32, #tpu.memory_space<vmem_shared>>
      tpu.wait_dma2 semaphore(%run_scoped3A_58 : memref<!tpu.dma_semaphore, #tpu.memory_space<semaphore_mem>>) src(%dma_wait3A_62 : memref<640xf32, #tpu.memory_space<vmem_shared>>) dst(%dma_wait3A_61 : memref<640xf32, #tpu.memory_space<hbm>>)
      tpu.yield
    }) : () -> ()
    %run_scoped3A_57 = arith.constant 1 : i32
    "tpu.region"() ({
      %run_scoped3A_58 = tpu.sem_alloc : memref<!tpu.dma_semaphore, #tpu.memory_space<semaphore_mem>>
      %dma_start3A = tpu.memref_slice %arg5[%arg0, %run_scoped3A_57, %mul3A_48] : memref<2x2x10240xf32, #tpu.memory_space<hbm>> -> memref<1x1x640xf32, #tpu.memory_space<hbm>>
      %dma_start3A_59 = tpu.memref_squeeze %dma_start3A : memref<1x1x640xf32, #tpu.memory_space<hbm>> -> memref<640xf32, #tpu.memory_space<hbm>>
      %dma_start3A_60 = tpu.memref_slice %arg10[%mul3A_48] : memref<10240xf32, #tpu.memory_space<vmem_shared>> -> memref<640xf32, #tpu.memory_space<vmem_shared>>
      tpu.enqueue_dma source(%dma_start3A_60 : memref<640xf32, #tpu.memory_space<vmem_shared>>) target(%dma_start3A_59 : memref<640xf32, #tpu.memory_space<hbm>>) target_semaphore(%run_scoped3A_58 : memref<!tpu.dma_semaphore, #tpu.memory_space<semaphore_mem>>)
      %dma_wait3A = tpu.memref_slice %arg5[%arg0, %run_scoped3A_57, %mul3A_48] : memref<2x2x10240xf32, #tpu.memory_space<hbm>> -> memref<1x1x640xf32, #tpu.memory_space<hbm>>
      %dma_wait3A_61 = tpu.memref_squeeze %dma_wait3A : memref<1x1x640xf32, #tpu.memory_space<hbm>> -> memref<640xf32, #tpu.memory_space<hbm>>
      %dma_wait3A_62 = tpu.memref_slice %arg10[%mul3A_48] : memref<10240xf32, #tpu.memory_space<vmem_shared>> -> memref<640xf32, #tpu.memory_space<vmem_shared>>
      tpu.wait_dma2 semaphore(%run_scoped3A_58 : memref<!tpu.dma_semaphore, #tpu.memory_space<semaphore_mem>>) src(%dma_wait3A_62 : memref<640xf32, #tpu.memory_space<vmem_shared>>) dst(%dma_wait3A_61 : memref<640xf32, #tpu.memory_space<hbm>>)
      tpu.yield
    }) : () -> ()
    return
  }
}

#map = affine_map<(d0, d1) -> (0, 0)>
#map1 = affine_map<(d0, d1) -> (0, 0, 0)>
module attributes {stable_mosaic.version = 14 : i64} {
  func.func @_agg_kernel(%arg0: i32, %arg1: i32, %arg2: memref<20000x128xf32, #tpu.memory_space<hbm>>, %arg3: memref<5120x64xi32, #tpu.memory_space<hbm>>, %arg4: memref<5120x64xi32, #tpu.memory_space<hbm>>, %arg5: memref<10240x128xf32, #tpu.memory_space<hbm>>, %arg6: memref<2x10240x128xf32, #tpu.memory_space<hbm>>, %arg7: memref<3x16x64xi32, #tpu.memory_space<vmem>>, %arg8: memref<3x16x64xi32, #tpu.memory_space<vmem>>, %arg9: memref<4x64x128xf32, #tpu.memory_space<vmem>>, %arg10: memref<10240x128xf32, #tpu.memory_space<vmem_shared>>, %arg11: memref<4x!tpu.dma_semaphore, #tpu.memory_space<semaphore_mem>>, %arg12: memref<4x!tpu.dma_semaphore, #tpu.memory_space<semaphore_mem>>, %arg13: memref<3x!tpu.dma_semaphore, #tpu.memory_space<semaphore_mem>>) attributes {dimension_semantics = [#tpu.dimension_semantics<core_parallel>, #tpu.dimension_semantics<subcore_parallel>], iteration_bounds = array<i64: 2, 16>, scalar_prefetch = 0 : i64, scratch_operands = 7 : i64, tpu.core_type = #tpu.core_type<sc_vector_subcore>, window_params = [{transform_indices = #map}, {transform_indices = #map}, {transform_indices = #map}, {transform_indices = #map}, {transform_indices = #map1}]} {
    %mul3A = arith.constant 640 : i32
    %mul3A_0 = arith.muli %arg1, %mul3A : i32
    "tpu.region"() ({
      %run_scoped3A = tpu.sem_alloc : memref<!tpu.dma_semaphore, #tpu.memory_space<semaphore_mem>>
      %dma_start3A_1264 = arith.constant 0 : i32
      %dma_start3A_1265 = tpu.memref_slice %arg10[%mul3A_0, %dma_start3A_1264] : memref<10240x128xf32, #tpu.memory_space<vmem_shared>> -> memref<640x128xf32, #tpu.memory_space<vmem_shared>>
      %dma_start3A_1266 = arith.constant 0 : i32
      %dma_start3A_1267 = tpu.memref_slice %arg5[%mul3A_0, %dma_start3A_1266] : memref<10240x128xf32, #tpu.memory_space<hbm>> -> memref<640x128xf32, #tpu.memory_space<hbm>>
      tpu.enqueue_dma source(%dma_start3A_1267 : memref<640x128xf32, #tpu.memory_space<hbm>>) target(%dma_start3A_1265 : memref<640x128xf32, #tpu.memory_space<vmem_shared>>) target_semaphore(%run_scoped3A : memref<!tpu.dma_semaphore, #tpu.memory_space<semaphore_mem>>)
      %dma_wait3A_1268 = arith.constant 0 : i32
      %dma_wait3A_1269 = tpu.memref_slice %arg10[%mul3A_0, %dma_wait3A_1268] : memref<10240x128xf32, #tpu.memory_space<vmem_shared>> -> memref<640x128xf32, #tpu.memory_space<vmem_shared>>
      %dma_wait3A_1270 = arith.constant 0 : i32
      %dma_wait3A_1271 = tpu.memref_slice %arg5[%mul3A_0, %dma_wait3A_1270] : memref<10240x128xf32, #tpu.memory_space<hbm>> -> memref<640x128xf32, #tpu.memory_space<hbm>>
      tpu.wait_dma2 semaphore(%run_scoped3A : memref<!tpu.dma_semaphore, #tpu.memory_space<semaphore_mem>>) src(%dma_wait3A_1271 : memref<640x128xf32, #tpu.memory_space<hbm>>) dst(%dma_wait3A_1269 : memref<640x128xf32, #tpu.memory_space<vmem_shared>>)
      tpu.yield
    }) : () -> ()
    %barrier3A = arith.constant 0 : index
    tpu.barrier barrier_id(%barrier3A)
    %mul3A_1 = arith.constant 320 : i32
    %mul3A_2 = arith.muli %arg1, %mul3A_1 : i32
    %mul3A_3 = arith.constant 10000 : i32
    %mul3A_4 = arith.muli %arg0, %mul3A_3 : i32
    %broadcast_in_dim3A = arith.constant 1 : i32
    %broadcast_in_dim3A_5 = vector.broadcast %broadcast_in_dim3A : i32 to vector<16xi32>
    %mul3A_6 = vector.broadcast %mul3A_4 : i32 to vector<16xi32>
    %mul3A_7 = arith.muli %mul3A_6, %broadcast_in_dim3A_5 : vector<16xi32>
    %add3A = arith.constant 0 : i32
    %add3A_8 = arith.addi %mul3A_2, %add3A : i32
    %dma_start3A = arith.constant 0 : i32
    %dma_start3A_9 = arith.constant 0 : i32
    %dma_start3A_10 = arith.constant 0 : i32
    %dma_start3A_11 = arith.constant 0 : i32
    %dma_start3A_12 = tpu.memref_slice %arg7[%dma_start3A, %dma_start3A_10, %dma_start3A_11] : memref<3x16x64xi32, #tpu.memory_space<vmem>> -> memref<1x16x64xi32, #tpu.memory_space<vmem>>
    %dma_start3A_13 = tpu.memref_squeeze %dma_start3A_12 : memref<1x16x64xi32, #tpu.memory_space<vmem>> -> memref<16x64xi32, #tpu.memory_space<vmem>>
    %dma_start3A_14 = arith.constant 0 : i32
    %dma_start3A_15 = tpu.memref_slice %arg3[%add3A_8, %dma_start3A_14] : memref<5120x64xi32, #tpu.memory_space<hbm>> -> memref<16x64xi32, #tpu.memory_space<hbm>>
    %dma_start3A_16 = tpu.memref_slice %arg13[%dma_start3A_9] : memref<3x!tpu.dma_semaphore, #tpu.memory_space<semaphore_mem>> -> memref<1x!tpu.dma_semaphore, #tpu.memory_space<semaphore_mem>>
    %dma_start3A_17 = tpu.memref_squeeze %dma_start3A_16 : memref<1x!tpu.dma_semaphore, #tpu.memory_space<semaphore_mem>> -> memref<!tpu.dma_semaphore, #tpu.memory_space<semaphore_mem>>
    %dma_start3A_18 = arith.constant 0 : i32
    %dma_start3A_19 = arith.constant 0 : i32
    %dma_start3A_20 = tpu.memref_slice %arg7[%dma_start3A, %dma_start3A_18, %dma_start3A_19] : memref<3x16x64xi32, #tpu.memory_space<vmem>> -> memref<1x16x64xi32, #tpu.memory_space<vmem>>
    %dma_start3A_21 = tpu.memref_squeeze %dma_start3A_20 : memref<1x16x64xi32, #tpu.memory_space<vmem>> -> memref<16x64xi32, #tpu.memory_space<vmem>>
    %dma_start3A_22 = arith.constant 0 : i32
    %dma_start3A_23 = tpu.memref_slice %arg3[%add3A_8, %dma_start3A_22] : memref<5120x64xi32, #tpu.memory_space<hbm>> -> memref<16x64xi32, #tpu.memory_space<hbm>>
    tpu.enqueue_dma source(%dma_start3A_23 : memref<16x64xi32, #tpu.memory_space<hbm>>) target(%dma_start3A_21 : memref<16x64xi32, #tpu.memory_space<vmem>>) target_semaphore(%dma_start3A_17 : memref<!tpu.dma_semaphore, #tpu.memory_space<semaphore_mem>>)
    %dma_start3A_24 = arith.constant 0 : i32
    %dma_start3A_25 = arith.constant 0 : i32
    %dma_start3A_26 = arith.constant 0 : i32
    %dma_start3A_27 = arith.constant 0 : i32
    %dma_start3A_28 = tpu.memref_slice %arg8[%dma_start3A_24, %dma_start3A_26, %dma_start3A_27] : memref<3x16x64xi32, #tpu.memory_space<vmem>> -> memref<1x16x64xi32, #tpu.memory_space<vmem>>
    %dma_start3A_29 = tpu.memref_squeeze %dma_start3A_28 : memref<1x16x64xi32, #tpu.memory_space<vmem>> -> memref<16x64xi32, #tpu.memory_space<vmem>>
    %dma_start3A_30 = arith.constant 0 : i32
    %dma_start3A_31 = tpu.memref_slice %arg4[%add3A_8, %dma_start3A_30] : memref<5120x64xi32, #tpu.memory_space<hbm>> -> memref<16x64xi32, #tpu.memory_space<hbm>>
    %dma_start3A_32 = tpu.memref_slice %arg13[%dma_start3A_25] : memref<3x!tpu.dma_semaphore, #tpu.memory_space<semaphore_mem>> -> memref<1x!tpu.dma_semaphore, #tpu.memory_space<semaphore_mem>>
    %dma_start3A_33 = tpu.memref_squeeze %dma_start3A_32 : memref<1x!tpu.dma_semaphore, #tpu.memory_space<semaphore_mem>> -> memref<!tpu.dma_semaphore, #tpu.memory_space<semaphore_mem>>
    %dma_start3A_34 = arith.constant 0 : i32
    %dma_start3A_35 = arith.constant 0 : i32
    %dma_start3A_36 = tpu.memref_slice %arg8[%dma_start3A_24, %dma_start3A_34, %dma_start3A_35] : memref<3x16x64xi32, #tpu.memory_space<vmem>> -> memref<1x16x64xi32, #tpu.memory_space<vmem>>
    %dma_start3A_37 = tpu.memref_squeeze %dma_start3A_36 : memref<1x16x64xi32, #tpu.memory_space<vmem>> -> memref<16x64xi32, #tpu.memory_space<vmem>>
    %dma_start3A_38 = arith.constant 0 : i32
    %dma_start3A_39 = tpu.memref_slice %arg4[%add3A_8, %dma_start3A_38] : memref<5120x64xi32, #tpu.memory_space<hbm>> -> memref<16x64xi32, #tpu.memory_space<hbm>>
    tpu.enqueue_dma source(%dma_start3A_39 : memref<16x64xi32, #tpu.memory_space<hbm>>) target(%dma_start3A_37 : memref<16x64xi32, #tpu.memory_space<vmem>>) target_semaphore(%dma_start3A_33 : memref<!tpu.dma_semaphore, #tpu.memory_space<semaphore_mem>>)
    %dma_wait3A = arith.constant 0 : i32
    %dma_wait3A_40 = arith.constant 0 : i32
    %dma_wait3A_41 = arith.constant 0 : i32
    %dma_wait3A_42 = arith.constant 0 : i32
    %dma_wait3A_43 = tpu.memref_slice %arg7[%dma_wait3A, %dma_wait3A_41, %dma_wait3A_42] : memref<3x16x64xi32, #tpu.memory_space<vmem>> -> memref<1x16x64xi32, #tpu.memory_space<vmem>>
    %dma_wait3A_44 = tpu.memref_squeeze %dma_wait3A_43 : memref<1x16x64xi32, #tpu.memory_space<vmem>> -> memref<16x64xi32, #tpu.memory_space<vmem>>
    %dma_wait3A_45 = arith.constant 0 : i32
    %dma_wait3A_46 = tpu.memref_slice %arg3[%mul3A_2, %dma_wait3A_45] : memref<5120x64xi32, #tpu.memory_space<hbm>> -> memref<16x64xi32, #tpu.memory_space<hbm>>
    %dma_wait3A_47 = tpu.memref_slice %arg13[%dma_wait3A_40] : memref<3x!tpu.dma_semaphore, #tpu.memory_space<semaphore_mem>> -> memref<1x!tpu.dma_semaphore, #tpu.memory_space<semaphore_mem>>
    %dma_wait3A_48 = tpu.memref_squeeze %dma_wait3A_47 : memref<1x!tpu.dma_semaphore, #tpu.memory_space<semaphore_mem>> -> memref<!tpu.dma_semaphore, #tpu.memory_space<semaphore_mem>>
    %dma_wait3A_49 = arith.constant 0 : i32
    %dma_wait3A_50 = arith.constant 0 : i32
    %dma_wait3A_51 = tpu.memref_slice %arg7[%dma_wait3A, %dma_wait3A_49, %dma_wait3A_50] : memref<3x16x64xi32, #tpu.memory_space<vmem>> -> memref<1x16x64xi32, #tpu.memory_space<vmem>>
    %dma_wait3A_52 = tpu.memref_squeeze %dma_wait3A_51 : memref<1x16x64xi32, #tpu.memory_space<vmem>> -> memref<16x64xi32, #tpu.memory_space<vmem>>
    %dma_wait3A_53 = arith.constant 0 : i32
    %dma_wait3A_54 = tpu.memref_slice %arg3[%mul3A_2, %dma_wait3A_53] : memref<5120x64xi32, #tpu.memory_space<hbm>> -> memref<16x64xi32, #tpu.memory_space<hbm>>
    tpu.wait_dma2 semaphore(%dma_wait3A_48 : memref<!tpu.dma_semaphore, #tpu.memory_space<semaphore_mem>>) src(%dma_wait3A_54 : memref<16x64xi32, #tpu.memory_space<hbm>>) dst(%dma_wait3A_52 : memref<16x64xi32, #tpu.memory_space<vmem>>)
    %dma_wait3A_55 = arith.constant 0 : i32
    %dma_wait3A_56 = arith.constant 0 : i32
    %dma_wait3A_57 = arith.constant 0 : i32
    %dma_wait3A_58 = arith.constant 0 : i32
    %dma_wait3A_59 = tpu.memref_slice %arg8[%dma_wait3A_55, %dma_wait3A_57, %dma_wait3A_58] : memref<3x16x64xi32, #tpu.memory_space<vmem>> -> memref<1x16x64xi32, #tpu.memory_space<vmem>>
    %dma_wait3A_60 = tpu.memref_squeeze %dma_wait3A_59 : memref<1x16x64xi32, #tpu.memory_space<vmem>> -> memref<16x64xi32, #tpu.memory_space<vmem>>
    %dma_wait3A_61 = arith.constant 0 : i32
    %dma_wait3A_62 = tpu.memref_slice %arg4[%mul3A_2, %dma_wait3A_61] : memref<5120x64xi32, #tpu.memory_space<hbm>> -> memref<16x64xi32, #tpu.memory_space<hbm>>
    %dma_wait3A_63 = tpu.memref_slice %arg13[%dma_wait3A_56] : memref<3x!tpu.dma_semaphore, #tpu.memory_space<semaphore_mem>> -> memref<1x!tpu.dma_semaphore, #tpu.memory_space<semaphore_mem>>
    %dma_wait3A_64 = tpu.memref_squeeze %dma_wait3A_63 : memref<1x!tpu.dma_semaphore, #tpu.memory_space<semaphore_mem>> -> memref<!tpu.dma_semaphore, #tpu.memory_space<semaphore_mem>>
    %dma_wait3A_65 = arith.constant 0 : i32
    %dma_wait3A_66 = arith.constant 0 : i32
    %dma_wait3A_67 = tpu.memref_slice %arg8[%dma_wait3A_55, %dma_wait3A_65, %dma_wait3A_66] : memref<3x16x64xi32, #tpu.memory_space<vmem>> -> memref<1x16x64xi32, #tpu.memory_space<vmem>>
    %dma_wait3A_68 = tpu.memref_squeeze %dma_wait3A_67 : memref<1x16x64xi32, #tpu.memory_space<vmem>> -> memref<16x64xi32, #tpu.memory_space<vmem>>
    %dma_wait3A_69 = arith.constant 0 : i32
    %dma_wait3A_70 = tpu.memref_slice %arg4[%mul3A_2, %dma_wait3A_69] : memref<5120x64xi32, #tpu.memory_space<hbm>> -> memref<16x64xi32, #tpu.memory_space<hbm>>
    tpu.wait_dma2 semaphore(%dma_wait3A_64 : memref<!tpu.dma_semaphore, #tpu.memory_space<semaphore_mem>>) src(%dma_wait3A_70 : memref<16x64xi32, #tpu.memory_space<hbm>>) dst(%dma_wait3A_68 : memref<16x64xi32, #tpu.memory_space<vmem>>)
    %get3A = arith.constant 0 : i32
    %get3A_71 = arith.constant 0 : i32
    %get3A_72 = arith.index_cast %get3A : i32 to index
    %get3A_73 = arith.index_cast %get3A_71 : i32 to index
    %get3A_74 = arith.constant 0 : index
    %get3A_75 = tpu.vector_load %arg7[%get3A_72, %get3A_73, %get3A_74] {strides = array<i32>} : memref<3x16x64xi32, #tpu.memory_space<vmem>>, vector<1x1x16xi32>,
    %get3A_76 = vector.shape_cast %get3A_75 : vector<1x1x16xi32> to vector<16xi32>
    %add3A_77 = arith.addi %get3A_76, %mul3A_7 : vector<16xi32>
    %swap3A = arith.constant 0 : i32
    %swap3A_78 = arith.constant 0 : i32
    %swap3A_79 = arith.index_cast %swap3A : i32 to index
    %swap3A_80 = arith.index_cast %swap3A_78 : i32 to index
    %swap3A_81 = arith.constant 0 : index
    %swap3A_82 = tpu.vector_load %arg7[%swap3A_79, %swap3A_80, %swap3A_81] {strides = array<i32>} : memref<3x16x64xi32, #tpu.memory_space<vmem>>, vector<1x1x16xi32>,
    %swap3A_83 = vector.shape_cast %swap3A_82 : vector<1x1x16xi32> to vector<16xi32>
    %swap3A_84 = vector.shape_cast %add3A_77 : vector<16xi32> to vector<1x1x16xi32>
    tpu.vector_store %arg7[%swap3A_79, %swap3A_80, %swap3A_81], %swap3A_84 {strides = array<i32>} : memref<3x16x64xi32, #tpu.memory_space<vmem>>, vector<1x1x16xi32>,
    %get3A_85 = arith.constant 0 : i32
    %get3A_86 = arith.constant 0 : i32
    %get3A_87 = arith.index_cast %get3A_85 : i32 to index
    %get3A_88 = arith.index_cast %get3A_86 : i32 to index
    %get3A_89 = arith.constant 16 : index
    %get3A_90 = tpu.vector_load %arg7[%get3A_87, %get3A_88, %get3A_89] {strides = array<i32>} : memref<3x16x64xi32, #tpu.memory_space<vmem>>, vector<1x1x16xi32>,
    %get3A_91 = vector.shape_cast %get3A_90 : vector<1x1x16xi32> to vector<16xi32>
    %add3A_92 = arith.addi %get3A_91, %mul3A_7 : vector<16xi32>
    %swap3A_93 = arith.constant 0 : i32
    %swap3A_94 = arith.constant 0 : i32
    %swap3A_95 = arith.index_cast %swap3A_93 : i32 to index
    %swap3A_96 = arith.index_cast %swap3A_94 : i32 to index
    %swap3A_97 = arith.constant 16 : index
    %swap3A_98 = tpu.vector_load %arg7[%swap3A_95, %swap3A_96, %swap3A_97] {strides = array<i32>} : memref<3x16x64xi32, #tpu.memory_space<vmem>>, vector<1x1x16xi32>,
    %swap3A_99 = vector.shape_cast %swap3A_98 : vector<1x1x16xi32> to vector<16xi32>
    %swap3A_100 = vector.shape_cast %add3A_92 : vector<16xi32> to vector<1x1x16xi32>
    tpu.vector_store %arg7[%swap3A_95, %swap3A_96, %swap3A_97], %swap3A_100 {strides = array<i32>} : memref<3x16x64xi32, #tpu.memory_space<vmem>>, vector<1x1x16xi32>,
    %get3A_101 = arith.constant 0 : i32
    %get3A_102 = arith.constant 0 : i32
    %get3A_103 = arith.index_cast %get3A_101 : i32 to index
    %get3A_104 = arith.index_cast %get3A_102 : i32 to index
    %get3A_105 = arith.constant 32 : index
    %get3A_106 = tpu.vector_load %arg7[%get3A_103, %get3A_104, %get3A_105] {strides = array<i32>} : memref<3x16x64xi32, #tpu.memory_space<vmem>>, vector<1x1x16xi32>,
    %get3A_107 = vector.shape_cast %get3A_106 : vector<1x1x16xi32> to vector<16xi32>
    %add3A_108 = arith.addi %get3A_107, %mul3A_7 : vector<16xi32>
    %swap3A_109 = arith.constant 0 : i32
    %swap3A_110 = arith.constant 0 : i32
    %swap3A_111 = arith.index_cast %swap3A_109 : i32 to index
    %swap3A_112 = arith.index_cast %swap3A_110 : i32 to index
    %swap3A_113 = arith.constant 32 : index
    %swap3A_114 = tpu.vector_load %arg7[%swap3A_111, %swap3A_112, %swap3A_113] {strides = array<i32>} : memref<3x16x64xi32, #tpu.memory_space<vmem>>, vector<1x1x16xi32>,
    %swap3A_115 = vector.shape_cast %swap3A_114 : vector<1x1x16xi32> to vector<16xi32>
    %swap3A_116 = vector.shape_cast %add3A_108 : vector<16xi32> to vector<1x1x16xi32>
    tpu.vector_store %arg7[%swap3A_111, %swap3A_112, %swap3A_113], %swap3A_116 {strides = array<i32>} : memref<3x16x64xi32, #tpu.memory_space<vmem>>, vector<1x1x16xi32>,
    %get3A_117 = arith.constant 0 : i32
    %get3A_118 = arith.constant 0 : i32
    %get3A_119 = arith.index_cast %get3A_117 : i32 to index
    %get3A_120 = arith.index_cast %get3A_118 : i32 to index
    %get3A_121 = arith.constant 48 : index
    %get3A_122 = tpu.vector_load %arg7[%get3A_119, %get3A_120, %get3A_121] {strides = array<i32>} : memref<3x16x64xi32, #tpu.memory_space<vmem>>, vector<1x1x16xi32>,
    %get3A_123 = vector.shape_cast %get3A_122 : vector<1x1x16xi32> to vector<16xi32>
    %add3A_124 = arith.addi %get3A_123, %mul3A_7 : vector<16xi32>
    %swap3A_125 = arith.constant 0 : i32
    %swap3A_126 = arith.constant 0 : i32
    %swap3A_127 = arith.index_cast %swap3A_125 : i32 to index
    %swap3A_128 = arith.index_cast %swap3A_126 : i32 to index
    %swap3A_129 = arith.constant 48 : index
    %swap3A_130 = tpu.vector_load %arg7[%swap3A_127, %swap3A_128, %swap3A_129] {strides = array<i32>} : memref<3x16x64xi32, #tpu.memory_space<vmem>>, vector<1x1x16xi32>,
    %swap3A_131 = vector.shape_cast %swap3A_130 : vector<1x1x16xi32> to vector<16xi32>
    %swap3A_132 = vector.shape_cast %add3A_124 : vector<16xi32> to vector<1x1x16xi32>
    tpu.vector_store %arg7[%swap3A_127, %swap3A_128, %swap3A_129], %swap3A_132 {strides = array<i32>} : memref<3x16x64xi32, #tpu.memory_space<vmem>>, vector<1x1x16xi32>,
    %get3A_133 = arith.constant 0 : i32
    %get3A_134 = arith.constant 1 : i32
    %get3A_135 = arith.index_cast %get3A_133 : i32 to index
    %get3A_136 = arith.index_cast %get3A_134 : i32 to index
    %get3A_137 = arith.constant 0 : index
    %get3A_138 = tpu.vector_load %arg7[%get3A_135, %get3A_136, %get3A_137] {strides = array<i32>} : memref<3x16x64xi32, #tpu.memory_space<vmem>>, vector<1x1x16xi32>,
    %get3A_139 = vector.shape_cast %get3A_138 : vector<1x1x16xi32> to vector<16xi32>
    %add3A_140 = arith.addi %get3A_139, %mul3A_7 : vector<16xi32>
    %swap3A_141 = arith.constant 0 : i32
    %swap3A_142 = arith.constant 1 : i32
    %swap3A_143 = arith.index_cast %swap3A_141 : i32 to index
    %swap3A_144 = arith.index_cast %swap3A_142 : i32 to index
    %swap3A_145 = arith.constant 0 : index
    %swap3A_146 = tpu.vector_load %arg7[%swap3A_143, %swap3A_144, %swap3A_145] {strides = array<i32>} : memref<3x16x64xi32, #tpu.memory_space<vmem>>, vector<1x1x16xi32>,
    %swap3A_147 = vector.shape_cast %swap3A_146 : vector<1x1x16xi32> to vector<16xi32>
    %swap3A_148 = vector.shape_cast %add3A_140 : vector<16xi32> to vector<1x1x16xi32>
    tpu.vector_store %arg7[%swap3A_143, %swap3A_144, %swap3A_145], %swap3A_148 {strides = array<i32>} : memref<3x16x64xi32, #tpu.memory_space<vmem>>, vector<1x1x16xi32>,
    %get3A_149 = arith.constant 0 : i32
    %get3A_150 = arith.constant 1 : i32
    %get3A_151 = arith.index_cast %get3A_149 : i32 to index
    %get3A_152 = arith.index_cast %get3A_150 : i32 to index
    %get3A_153 = arith.constant 16 : index
    %get3A_154 = tpu.vector_load %arg7[%get3A_151, %get3A_152, %get3A_153] {strides = array<i32>} : memref<3x16x64xi32, #tpu.memory_space<vmem>>, vector<1x1x16xi32>,
    %get3A_155 = vector.shape_cast %get3A_154 : vector<1x1x16xi32> to vector<16xi32>
    %add3A_156 = arith.addi %get3A_155, %mul3A_7 : vector<16xi32>
    %swap3A_157 = arith.constant 0 : i32
    %swap3A_158 = arith.constant 1 : i32
    %swap3A_159 = arith.index_cast %swap3A_157 : i32 to index
    %swap3A_160 = arith.index_cast %swap3A_158 : i32 to index
    %swap3A_161 = arith.constant 16 : index
    %swap3A_162 = tpu.vector_load %arg7[%swap3A_159, %swap3A_160, %swap3A_161] {strides = array<i32>} : memref<3x16x64xi32, #tpu.memory_space<vmem>>, vector<1x1x16xi32>,
    %swap3A_163 = vector.shape_cast %swap3A_162 : vector<1x1x16xi32> to vector<16xi32>
    %swap3A_164 = vector.shape_cast %add3A_156 : vector<16xi32> to vector<1x1x16xi32>
    tpu.vector_store %arg7[%swap3A_159, %swap3A_160, %swap3A_161], %swap3A_164 {strides = array<i32>} : memref<3x16x64xi32, #tpu.memory_space<vmem>>, vector<1x1x16xi32>,
    %get3A_165 = arith.constant 0 : i32
    %get3A_166 = arith.constant 1 : i32
    %get3A_167 = arith.index_cast %get3A_165 : i32 to index
    %get3A_168 = arith.index_cast %get3A_166 : i32 to index
    %get3A_169 = arith.constant 32 : index
    %get3A_170 = tpu.vector_load %arg7[%get3A_167, %get3A_168, %get3A_169] {strides = array<i32>} : memref<3x16x64xi32, #tpu.memory_space<vmem>>, vector<1x1x16xi32>,
    %get3A_171 = vector.shape_cast %get3A_170 : vector<1x1x16xi32> to vector<16xi32>
    %add3A_172 = arith.addi %get3A_171, %mul3A_7 : vector<16xi32>
    %swap3A_173 = arith.constant 0 : i32
    %swap3A_174 = arith.constant 1 : i32
    %swap3A_175 = arith.index_cast %swap3A_173 : i32 to index
    %swap3A_176 = arith.index_cast %swap3A_174 : i32 to index
    %swap3A_177 = arith.constant 32 : index
    %swap3A_178 = tpu.vector_load %arg7[%swap3A_175, %swap3A_176, %swap3A_177] {strides = array<i32>} : memref<3x16x64xi32, #tpu.memory_space<vmem>>, vector<1x1x16xi32>,
    %swap3A_179 = vector.shape_cast %swap3A_178 : vector<1x1x16xi32> to vector<16xi32>
    %swap3A_180 = vector.shape_cast %add3A_172 : vector<16xi32> to vector<1x1x16xi32>
    tpu.vector_store %arg7[%swap3A_175, %swap3A_176, %swap3A_177], %swap3A_180 {strides = array<i32>} : memref<3x16x64xi32, #tpu.memory_space<vmem>>, vector<1x1x16xi32>,
    %get3A_181 = arith.constant 0 : i32
    %get3A_182 = arith.constant 1 : i32
    %get3A_183 = arith.index_cast %get3A_181 : i32 to index
    %get3A_184 = arith.index_cast %get3A_182 : i32 to index
    %get3A_185 = arith.constant 48 : index
    %get3A_186 = tpu.vector_load %arg7[%get3A_183, %get3A_184, %get3A_185] {strides = array<i32>} : memref<3x16x64xi32, #tpu.memory_space<vmem>>, vector<1x1x16xi32>,
    %get3A_187 = vector.shape_cast %get3A_186 : vector<1x1x16xi32> to vector<16xi32>
    %add3A_188 = arith.addi %get3A_187, %mul3A_7 : vector<16xi32>
    %swap3A_189 = arith.constant 0 : i32
    %swap3A_190 = arith.constant 1 : i32
    %swap3A_191 = arith.index_cast %swap3A_189 : i32 to index
    %swap3A_192 = arith.index_cast %swap3A_190 : i32 to index
    %swap3A_193 = arith.constant 48 : index
    %swap3A_194 = tpu.vector_load %arg7[%swap3A_191, %swap3A_192, %swap3A_193] {strides = array<i32>} : memref<3x16x64xi32, #tpu.memory_space<vmem>>, vector<1x1x16xi32>,
    %swap3A_195 = vector.shape_cast %swap3A_194 : vector<1x1x16xi32> to vector<16xi32>
    %swap3A_196 = vector.shape_cast %add3A_188 : vector<16xi32> to vector<1x1x16xi32>
    tpu.vector_store %arg7[%swap3A_191, %swap3A_192, %swap3A_193], %swap3A_196 {strides = array<i32>} : memref<3x16x64xi32, #tpu.memory_space<vmem>>, vector<1x1x16xi32>,
    %get3A_197 = arith.constant 0 : i32
    %get3A_198 = arith.constant 2 : i32
    %get3A_199 = arith.index_cast %get3A_197 : i32 to index
    %get3A_200 = arith.index_cast %get3A_198 : i32 to index
    %get3A_201 = arith.constant 0 : index
    %get3A_202 = tpu.vector_load %arg7[%get3A_199, %get3A_200, %get3A_201] {strides = array<i32>} : memref<3x16x64xi32, #tpu.memory_space<vmem>>, vector<1x1x16xi32>,
    %get3A_203 = vector.shape_cast %get3A_202 : vector<1x1x16xi32> to vector<16xi32>
    %add3A_204 = arith.addi %get3A_203, %mul3A_7 : vector<16xi32>
    %swap3A_205 = arith.constant 0 : i32
    %swap3A_206 = arith.constant 2 : i32
    %swap3A_207 = arith.index_cast %swap3A_205 : i32 to index
    %swap3A_208 = arith.index_cast %swap3A_206 : i32 to index
    %swap3A_209 = arith.constant 0 : index
    %swap3A_210 = tpu.vector_load %arg7[%swap3A_207, %swap3A_208, %swap3A_209] {strides = array<i32>} : memref<3x16x64xi32, #tpu.memory_space<vmem>>, vector<1x1x16xi32>,
    %swap3A_211 = vector.shape_cast %swap3A_210 : vector<1x1x16xi32> to vector<16xi32>
    %swap3A_212 = vector.shape_cast %add3A_204 : vector<16xi32> to vector<1x1x16xi32>
    tpu.vector_store %arg7[%swap3A_207, %swap3A_208, %swap3A_209], %swap3A_212 {strides = array<i32>} : memref<3x16x64xi32, #tpu.memory_space<vmem>>, vector<1x1x16xi32>,
    %get3A_213 = arith.constant 0 : i32
    %get3A_214 = arith.constant 2 : i32
    %get3A_215 = arith.index_cast %get3A_213 : i32 to index
    %get3A_216 = arith.index_cast %get3A_214 : i32 to index
    %get3A_217 = arith.constant 16 : index
    %get3A_218 = tpu.vector_load %arg7[%get3A_215, %get3A_216, %get3A_217] {strides = array<i32>} : memref<3x16x64xi32, #tpu.memory_space<vmem>>, vector<1x1x16xi32>,
    %get3A_219 = vector.shape_cast %get3A_218 : vector<1x1x16xi32> to vector<16xi32>
    %add3A_220 = arith.addi %get3A_219, %mul3A_7 : vector<16xi32>
    %swap3A_221 = arith.constant 0 : i32
    %swap3A_222 = arith.constant 2 : i32
    %swap3A_223 = arith.index_cast %swap3A_221 : i32 to index
    %swap3A_224 = arith.index_cast %swap3A_222 : i32 to index
    %swap3A_225 = arith.constant 16 : index
    %swap3A_226 = tpu.vector_load %arg7[%swap3A_223, %swap3A_224, %swap3A_225] {strides = array<i32>} : memref<3x16x64xi32, #tpu.memory_space<vmem>>, vector<1x1x16xi32>,
    %swap3A_227 = vector.shape_cast %swap3A_226 : vector<1x1x16xi32> to vector<16xi32>
    %swap3A_228 = vector.shape_cast %add3A_220 : vector<16xi32> to vector<1x1x16xi32>
    tpu.vector_store %arg7[%swap3A_223, %swap3A_224, %swap3A_225], %swap3A_228 {strides = array<i32>} : memref<3x16x64xi32, #tpu.memory_space<vmem>>, vector<1x1x16xi32>,
    %get3A_229 = arith.constant 0 : i32
    %get3A_230 = arith.constant 2 : i32
    %get3A_231 = arith.index_cast %get3A_229 : i32 to index
    %get3A_232 = arith.index_cast %get3A_230 : i32 to index
    %get3A_233 = arith.constant 32 : index
    %get3A_234 = tpu.vector_load %arg7[%get3A_231, %get3A_232, %get3A_233] {strides = array<i32>} : memref<3x16x64xi32, #tpu.memory_space<vmem>>, vector<1x1x16xi32>,
    %get3A_235 = vector.shape_cast %get3A_234 : vector<1x1x16xi32> to vector<16xi32>
    %add3A_236 = arith.addi %get3A_235, %mul3A_7 : vector<16xi32>
    %swap3A_237 = arith.constant 0 : i32
    %swap3A_238 = arith.constant 2 : i32
    %swap3A_239 = arith.index_cast %swap3A_237 : i32 to index
    %swap3A_240 = arith.index_cast %swap3A_238 : i32 to index
    %swap3A_241 = arith.constant 32 : index
    %swap3A_242 = tpu.vector_load %arg7[%swap3A_239, %swap3A_240, %swap3A_241] {strides = array<i32>} : memref<3x16x64xi32, #tpu.memory_space<vmem>>, vector<1x1x16xi32>,
    %swap3A_243 = vector.shape_cast %swap3A_242 : vector<1x1x16xi32> to vector<16xi32>
    %swap3A_244 = vector.shape_cast %add3A_236 : vector<16xi32> to vector<1x1x16xi32>
    tpu.vector_store %arg7[%swap3A_239, %swap3A_240, %swap3A_241], %swap3A_244 {strides = array<i32>} : memref<3x16x64xi32, #tpu.memory_space<vmem>>, vector<1x1x16xi32>,
    %get3A_245 = arith.constant 0 : i32
    %get3A_246 = arith.constant 2 : i32
    %get3A_247 = arith.index_cast %get3A_245 : i32 to index
    %get3A_248 = arith.index_cast %get3A_246 : i32 to index
    %get3A_249 = arith.constant 48 : index
    %get3A_250 = tpu.vector_load %arg7[%get3A_247, %get3A_248, %get3A_249] {strides = array<i32>} : memref<3x16x64xi32, #tpu.memory_space<vmem>>, vector<1x1x16xi32>,
    %get3A_251 = vector.shape_cast %get3A_250 : vector<1x1x16xi32> to vector<16xi32>
    %add3A_252 = arith.addi %get3A_251, %mul3A_7 : vector<16xi32>
    %swap3A_253 = arith.constant 0 : i32
    %swap3A_254 = arith.constant 2 : i32
    %swap3A_255 = arith.index_cast %swap3A_253 : i32 to index
    %swap3A_256 = arith.index_cast %swap3A_254 : i32 to index
    %swap3A_257 = arith.constant 48 : index
    %swap3A_258 = tpu.vector_load %arg7[%swap3A_255, %swap3A_256, %swap3A_257] {strides = array<i32>} : memref<3x16x64xi32, #tpu.memory_space<vmem>>, vector<1x1x16xi32>,
    %swap3A_259 = vector.shape_cast %swap3A_258 : vector<1x1x16xi32> to vector<16xi32>
    %swap3A_260 = vector.shape_cast %add3A_252 : vector<16xi32> to vector<1x1x16xi32>
    tpu.vector_store %arg7[%swap3A_255, %swap3A_256, %swap3A_257], %swap3A_260 {strides = array<i32>} : memref<3x16x64xi32, #tpu.memory_space<vmem>>, vector<1x1x16xi32>,
    %get3A_261 = arith.constant 0 : i32
    %get3A_262 = arith.constant 3 : i32
    %get3A_263 = arith.index_cast %get3A_261 : i32 to index
    %get3A_264 = arith.index_cast %get3A_262 : i32 to index
    %get3A_265 = arith.constant 0 : index
    %get3A_266 = tpu.vector_load %arg7[%get3A_263, %get3A_264, %get3A_265] {strides = array<i32>} : memref<3x16x64xi32, #tpu.memory_space<vmem>>, vector<1x1x16xi32>,
    %get3A_267 = vector.shape_cast %get3A_266 : vector<1x1x16xi32> to vector<16xi32>
    %add3A_268 = arith.addi %get3A_267, %mul3A_7 : vector<16xi32>
    %swap3A_269 = arith.constant 0 : i32
    %swap3A_270 = arith.constant 3 : i32
    %swap3A_271 = arith.index_cast %swap3A_269 : i32 to index
    %swap3A_272 = arith.index_cast %swap3A_270 : i32 to index
    %swap3A_273 = arith.constant 0 : index
    %swap3A_274 = tpu.vector_load %arg7[%swap3A_271, %swap3A_272, %swap3A_273] {strides = array<i32>} : memref<3x16x64xi32, #tpu.memory_space<vmem>>, vector<1x1x16xi32>,
    %swap3A_275 = vector.shape_cast %swap3A_274 : vector<1x1x16xi32> to vector<16xi32>
    %swap3A_276 = vector.shape_cast %add3A_268 : vector<16xi32> to vector<1x1x16xi32>
    tpu.vector_store %arg7[%swap3A_271, %swap3A_272, %swap3A_273], %swap3A_276 {strides = array<i32>} : memref<3x16x64xi32, #tpu.memory_space<vmem>>, vector<1x1x16xi32>,
    %get3A_277 = arith.constant 0 : i32
    %get3A_278 = arith.constant 3 : i32
    %get3A_279 = arith.index_cast %get3A_277 : i32 to index
    %get3A_280 = arith.index_cast %get3A_278 : i32 to index
    %get3A_281 = arith.constant 16 : index
    %get3A_282 = tpu.vector_load %arg7[%get3A_279, %get3A_280, %get3A_281] {strides = array<i32>} : memref<3x16x64xi32, #tpu.memory_space<vmem>>, vector<1x1x16xi32>,
    %get3A_283 = vector.shape_cast %get3A_282 : vector<1x1x16xi32> to vector<16xi32>
    %add3A_284 = arith.addi %get3A_283, %mul3A_7 : vector<16xi32>
    %swap3A_285 = arith.constant 0 : i32
    %swap3A_286 = arith.constant 3 : i32
    %swap3A_287 = arith.index_cast %swap3A_285 : i32 to index
    %swap3A_288 = arith.index_cast %swap3A_286 : i32 to index
    %swap3A_289 = arith.constant 16 : index
    %swap3A_290 = tpu.vector_load %arg7[%swap3A_287, %swap3A_288, %swap3A_289] {strides = array<i32>} : memref<3x16x64xi32, #tpu.memory_space<vmem>>, vector<1x1x16xi32>,
    %swap3A_291 = vector.shape_cast %swap3A_290 : vector<1x1x16xi32> to vector<16xi32>
    %swap3A_292 = vector.shape_cast %add3A_284 : vector<16xi32> to vector<1x1x16xi32>
    tpu.vector_store %arg7[%swap3A_287, %swap3A_288, %swap3A_289], %swap3A_292 {strides = array<i32>} : memref<3x16x64xi32, #tpu.memory_space<vmem>>, vector<1x1x16xi32>,
    %get3A_293 = arith.constant 0 : i32
    %get3A_294 = arith.constant 3 : i32
    %get3A_295 = arith.index_cast %get3A_293 : i32 to index
    %get3A_296 = arith.index_cast %get3A_294 : i32 to index
    %get3A_297 = arith.constant 32 : index
    %get3A_298 = tpu.vector_load %arg7[%get3A_295, %get3A_296, %get3A_297] {strides = array<i32>} : memref<3x16x64xi32, #tpu.memory_space<vmem>>, vector<1x1x16xi32>,
    %get3A_299 = vector.shape_cast %get3A_298 : vector<1x1x16xi32> to vector<16xi32>
    %add3A_300 = arith.addi %get3A_299, %mul3A_7 : vector<16xi32>
    %swap3A_301 = arith.constant 0 : i32
    %swap3A_302 = arith.constant 3 : i32
    %swap3A_303 = arith.index_cast %swap3A_301 : i32 to index
    %swap3A_304 = arith.index_cast %swap3A_302 : i32 to index
    %swap3A_305 = arith.constant 32 : index
    %swap3A_306 = tpu.vector_load %arg7[%swap3A_303, %swap3A_304, %swap3A_305] {strides = array<i32>} : memref<3x16x64xi32, #tpu.memory_space<vmem>>, vector<1x1x16xi32>,
    %swap3A_307 = vector.shape_cast %swap3A_306 : vector<1x1x16xi32> to vector<16xi32>
    %swap3A_308 = vector.shape_cast %add3A_300 : vector<16xi32> to vector<1x1x16xi32>
    tpu.vector_store %arg7[%swap3A_303, %swap3A_304, %swap3A_305], %swap3A_308 {strides = array<i32>} : memref<3x16x64xi32, #tpu.memory_space<vmem>>, vector<1x1x16xi32>,
    %get3A_309 = arith.constant 0 : i32
    %get3A_310 = arith.constant 3 : i32
    %get3A_311 = arith.index_cast %get3A_309 : i32 to index
    %get3A_312 = arith.index_cast %get3A_310 : i32 to index
    %get3A_313 = arith.constant 48 : index
    %get3A_314 = tpu.vector_load %arg7[%get3A_311, %get3A_312, %get3A_313] {strides = array<i32>} : memref<3x16x64xi32, #tpu.memory_space<vmem>>, vector<1x1x16xi32>,
    %get3A_315 = vector.shape_cast %get3A_314 : vector<1x1x16xi32> to vector<16xi32>
    %add3A_316 = arith.addi %get3A_315, %mul3A_7 : vector<16xi32>
    %swap3A_317 = arith.constant 0 : i32
    %swap3A_318 = arith.constant 3 : i32
    %swap3A_319 = arith.index_cast %swap3A_317 : i32 to index
    %swap3A_320 = arith.index_cast %swap3A_318 : i32 to index
    %swap3A_321 = arith.constant 48 : index
    %swap3A_322 = tpu.vector_load %arg7[%swap3A_319, %swap3A_320, %swap3A_321] {strides = array<i32>} : memref<3x16x64xi32, #tpu.memory_space<vmem>>, vector<1x1x16xi32>,
    %swap3A_323 = vector.shape_cast %swap3A_322 : vector<1x1x16xi32> to vector<16xi32>
    %swap3A_324 = vector.shape_cast %add3A_316 : vector<16xi32> to vector<1x1x16xi32>
    tpu.vector_store %arg7[%swap3A_319, %swap3A_320, %swap3A_321], %swap3A_324 {strides = array<i32>} : memref<3x16x64xi32, #tpu.memory_space<vmem>>, vector<1x1x16xi32>,
    %get3A_325 = arith.constant 0 : i32
    %get3A_326 = arith.constant 4 : i32
    %get3A_327 = arith.index_cast %get3A_325 : i32 to index
    %get3A_328 = arith.index_cast %get3A_326 : i32 to index
    %get3A_329 = arith.constant 0 : index
    %get3A_330 = tpu.vector_load %arg7[%get3A_327, %get3A_328, %get3A_329] {strides = array<i32>} : memref<3x16x64xi32, #tpu.memory_space<vmem>>, vector<1x1x16xi32>,
    %get3A_331 = vector.shape_cast %get3A_330 : vector<1x1x16xi32> to vector<16xi32>
    %add3A_332 = arith.addi %get3A_331, %mul3A_7 : vector<16xi32>
    %swap3A_333 = arith.constant 0 : i32
    %swap3A_334 = arith.constant 4 : i32
    %swap3A_335 = arith.index_cast %swap3A_333 : i32 to index
    %swap3A_336 = arith.index_cast %swap3A_334 : i32 to index
    %swap3A_337 = arith.constant 0 : index
    %swap3A_338 = tpu.vector_load %arg7[%swap3A_335, %swap3A_336, %swap3A_337] {strides = array<i32>} : memref<3x16x64xi32, #tpu.memory_space<vmem>>, vector<1x1x16xi32>,
    %swap3A_339 = vector.shape_cast %swap3A_338 : vector<1x1x16xi32> to vector<16xi32>
    %swap3A_340 = vector.shape_cast %add3A_332 : vector<16xi32> to vector<1x1x16xi32>
    tpu.vector_store %arg7[%swap3A_335, %swap3A_336, %swap3A_337], %swap3A_340 {strides = array<i32>} : memref<3x16x64xi32, #tpu.memory_space<vmem>>, vector<1x1x16xi32>,
    %get3A_341 = arith.constant 0 : i32
    %get3A_342 = arith.constant 4 : i32
    %get3A_343 = arith.index_cast %get3A_341 : i32 to index
    %get3A_344 = arith.index_cast %get3A_342 : i32 to index
    %get3A_345 = arith.constant 16 : index
    %get3A_346 = tpu.vector_load %arg7[%get3A_343, %get3A_344, %get3A_345] {strides = array<i32>} : memref<3x16x64xi32, #tpu.memory_space<vmem>>, vector<1x1x16xi32>,
    %get3A_347 = vector.shape_cast %get3A_346 : vector<1x1x16xi32> to vector<16xi32>
    %add3A_348 = arith.addi %get3A_347, %mul3A_7 : vector<16xi32>
    %swap3A_349 = arith.constant 0 : i32
    %swap3A_350 = arith.constant 4 : i32
    %swap3A_351 = arith.index_cast %swap3A_349 : i32 to index
    %swap3A_352 = arith.index_cast %swap3A_350 : i32 to index
    %swap3A_353 = arith.constant 16 : index
    %swap3A_354 = tpu.vector_load %arg7[%swap3A_351, %swap3A_352, %swap3A_353] {strides = array<i32>} : memref<3x16x64xi32, #tpu.memory_space<vmem>>, vector<1x1x16xi32>,
    %swap3A_355 = vector.shape_cast %swap3A_354 : vector<1x1x16xi32> to vector<16xi32>
    %swap3A_356 = vector.shape_cast %add3A_348 : vector<16xi32> to vector<1x1x16xi32>
    tpu.vector_store %arg7[%swap3A_351, %swap3A_352, %swap3A_353], %swap3A_356 {strides = array<i32>} : memref<3x16x64xi32, #tpu.memory_space<vmem>>, vector<1x1x16xi32>,
    %get3A_357 = arith.constant 0 : i32
    %get3A_358 = arith.constant 4 : i32
    %get3A_359 = arith.index_cast %get3A_357 : i32 to index
    %get3A_360 = arith.index_cast %get3A_358 : i32 to index
    %get3A_361 = arith.constant 32 : index
    %get3A_362 = tpu.vector_load %arg7[%get3A_359, %get3A_360, %get3A_361] {strides = array<i32>} : memref<3x16x64xi32, #tpu.memory_space<vmem>>, vector<1x1x16xi32>,
    %get3A_363 = vector.shape_cast %get3A_362 : vector<1x1x16xi32> to vector<16xi32>
    %add3A_364 = arith.addi %get3A_363, %mul3A_7 : vector<16xi32>
    %swap3A_365 = arith.constant 0 : i32
    %swap3A_366 = arith.constant 4 : i32
    %swap3A_367 = arith.index_cast %swap3A_365 : i32 to index
    %swap3A_368 = arith.index_cast %swap3A_366 : i32 to index
    %swap3A_369 = arith.constant 32 : index
    %swap3A_370 = tpu.vector_load %arg7[%swap3A_367, %swap3A_368, %swap3A_369] {strides = array<i32>} : memref<3x16x64xi32, #tpu.memory_space<vmem>>, vector<1x1x16xi32>,
    %swap3A_371 = vector.shape_cast %swap3A_370 : vector<1x1x16xi32> to vector<16xi32>
    %swap3A_372 = vector.shape_cast %add3A_364 : vector<16xi32> to vector<1x1x16xi32>
    tpu.vector_store %arg7[%swap3A_367, %swap3A_368, %swap3A_369], %swap3A_372 {strides = array<i32>} : memref<3x16x64xi32, #tpu.memory_space<vmem>>, vector<1x1x16xi32>,
    %get3A_373 = arith.constant 0 : i32
    %get3A_374 = arith.constant 4 : i32
    %get3A_375 = arith.index_cast %get3A_373 : i32 to index
    %get3A_376 = arith.index_cast %get3A_374 : i32 to index
    %get3A_377 = arith.constant 48 : index
    %get3A_378 = tpu.vector_load %arg7[%get3A_375, %get3A_376, %get3A_377] {strides = array<i32>} : memref<3x16x64xi32, #tpu.memory_space<vmem>>, vector<1x1x16xi32>,
    %get3A_379 = vector.shape_cast %get3A_378 : vector<1x1x16xi32> to vector<16xi32>
    %add3A_380 = arith.addi %get3A_379, %mul3A_7 : vector<16xi32>
    %swap3A_381 = arith.constant 0 : i32
    %swap3A_382 = arith.constant 4 : i32
    %swap3A_383 = arith.index_cast %swap3A_381 : i32 to index
    %swap3A_384 = arith.index_cast %swap3A_382 : i32 to index
    %swap3A_385 = arith.constant 48 : index
    %swap3A_386 = tpu.vector_load %arg7[%swap3A_383, %swap3A_384, %swap3A_385] {strides = array<i32>} : memref<3x16x64xi32, #tpu.memory_space<vmem>>, vector<1x1x16xi32>,
    %swap3A_387 = vector.shape_cast %swap3A_386 : vector<1x1x16xi32> to vector<16xi32>
    %swap3A_388 = vector.shape_cast %add3A_380 : vector<16xi32> to vector<1x1x16xi32>
    tpu.vector_store %arg7[%swap3A_383, %swap3A_384, %swap3A_385], %swap3A_388 {strides = array<i32>} : memref<3x16x64xi32, #tpu.memory_space<vmem>>, vector<1x1x16xi32>,
    %get3A_389 = arith.constant 0 : i32
    %get3A_390 = arith.constant 5 : i32
    %get3A_391 = arith.index_cast %get3A_389 : i32 to index
    %get3A_392 = arith.index_cast %get3A_390 : i32 to index
    %get3A_393 = arith.constant 0 : index
    %get3A_394 = tpu.vector_load %arg7[%get3A_391, %get3A_392, %get3A_393] {strides = array<i32>} : memref<3x16x64xi32, #tpu.memory_space<vmem>>, vector<1x1x16xi32>,
    %get3A_395 = vector.shape_cast %get3A_394 : vector<1x1x16xi32> to vector<16xi32>
    %add3A_396 = arith.addi %get3A_395, %mul3A_7 : vector<16xi32>
    %swap3A_397 = arith.constant 0 : i32
    %swap3A_398 = arith.constant 5 : i32
    %swap3A_399 = arith.index_cast %swap3A_397 : i32 to index
    %swap3A_400 = arith.index_cast %swap3A_398 : i32 to index
    %swap3A_401 = arith.constant 0 : index
    %swap3A_402 = tpu.vector_load %arg7[%swap3A_399, %swap3A_400, %swap3A_401] {strides = array<i32>} : memref<3x16x64xi32, #tpu.memory_space<vmem>>, vector<1x1x16xi32>,
    %swap3A_403 = vector.shape_cast %swap3A_402 : vector<1x1x16xi32> to vector<16xi32>
    %swap3A_404 = vector.shape_cast %add3A_396 : vector<16xi32> to vector<1x1x16xi32>
    tpu.vector_store %arg7[%swap3A_399, %swap3A_400, %swap3A_401], %swap3A_404 {strides = array<i32>} : memref<3x16x64xi32, #tpu.memory_space<vmem>>, vector<1x1x16xi32>,
    %get3A_405 = arith.constant 0 : i32
    %get3A_406 = arith.constant 5 : i32
    %get3A_407 = arith.index_cast %get3A_405 : i32 to index
    %get3A_408 = arith.index_cast %get3A_406 : i32 to index
    %get3A_409 = arith.constant 16 : index
    %get3A_410 = tpu.vector_load %arg7[%get3A_407, %get3A_408, %get3A_409] {strides = array<i32>} : memref<3x16x64xi32, #tpu.memory_space<vmem>>, vector<1x1x16xi32>,
    %get3A_411 = vector.shape_cast %get3A_410 : vector<1x1x16xi32> to vector<16xi32>
    %add3A_412 = arith.addi %get3A_411, %mul3A_7 : vector<16xi32>
    %swap3A_413 = arith.constant 0 : i32
    %swap3A_414 = arith.constant 5 : i32
    %swap3A_415 = arith.index_cast %swap3A_413 : i32 to index
    %swap3A_416 = arith.index_cast %swap3A_414 : i32 to index
    %swap3A_417 = arith.constant 16 : index
    %swap3A_418 = tpu.vector_load %arg7[%swap3A_415, %swap3A_416, %swap3A_417] {strides = array<i32>} : memref<3x16x64xi32, #tpu.memory_space<vmem>>, vector<1x1x16xi32>,
    %swap3A_419 = vector.shape_cast %swap3A_418 : vector<1x1x16xi32> to vector<16xi32>
    %swap3A_420 = vector.shape_cast %add3A_412 : vector<16xi32> to vector<1x1x16xi32>
    tpu.vector_store %arg7[%swap3A_415, %swap3A_416, %swap3A_417], %swap3A_420 {strides = array<i32>} : memref<3x16x64xi32, #tpu.memory_space<vmem>>, vector<1x1x16xi32>,
    %get3A_421 = arith.constant 0 : i32
    %get3A_422 = arith.constant 5 : i32
    %get3A_423 = arith.index_cast %get3A_421 : i32 to index
    %get3A_424 = arith.index_cast %get3A_422 : i32 to index
    %get3A_425 = arith.constant 32 : index
    %get3A_426 = tpu.vector_load %arg7[%get3A_423, %get3A_424, %get3A_425] {strides = array<i32>} : memref<3x16x64xi32, #tpu.memory_space<vmem>>, vector<1x1x16xi32>,
    %get3A_427 = vector.shape_cast %get3A_426 : vector<1x1x16xi32> to vector<16xi32>
    %add3A_428 = arith.addi %get3A_427, %mul3A_7 : vector<16xi32>
    %swap3A_429 = arith.constant 0 : i32
    %swap3A_430 = arith.constant 5 : i32
    %swap3A_431 = arith.index_cast %swap3A_429 : i32 to index
    %swap3A_432 = arith.index_cast %swap3A_430 : i32 to index
    %swap3A_433 = arith.constant 32 : index
    %swap3A_434 = tpu.vector_load %arg7[%swap3A_431, %swap3A_432, %swap3A_433] {strides = array<i32>} : memref<3x16x64xi32, #tpu.memory_space<vmem>>, vector<1x1x16xi32>,
    %swap3A_435 = vector.shape_cast %swap3A_434 : vector<1x1x16xi32> to vector<16xi32>
    %swap3A_436 = vector.shape_cast %add3A_428 : vector<16xi32> to vector<1x1x16xi32>
    tpu.vector_store %arg7[%swap3A_431, %swap3A_432, %swap3A_433], %swap3A_436 {strides = array<i32>} : memref<3x16x64xi32, #tpu.memory_space<vmem>>, vector<1x1x16xi32>,
    %get3A_437 = arith.constant 0 : i32
    %get3A_438 = arith.constant 5 : i32
    %get3A_439 = arith.index_cast %get3A_437 : i32 to index
    %get3A_440 = arith.index_cast %get3A_438 : i32 to index
    %get3A_441 = arith.constant 48 : index
    %get3A_442 = tpu.vector_load %arg7[%get3A_439, %get3A_440, %get3A_441] {strides = array<i32>} : memref<3x16x64xi32, #tpu.memory_space<vmem>>, vector<1x1x16xi32>,
    %get3A_443 = vector.shape_cast %get3A_442 : vector<1x1x16xi32> to vector<16xi32>
    %add3A_444 = arith.addi %get3A_443, %mul3A_7 : vector<16xi32>
    %swap3A_445 = arith.constant 0 : i32
    %swap3A_446 = arith.constant 5 : i32
    %swap3A_447 = arith.index_cast %swap3A_445 : i32 to index
    %swap3A_448 = arith.index_cast %swap3A_446 : i32 to index
    %swap3A_449 = arith.constant 48 : index
    %swap3A_450 = tpu.vector_load %arg7[%swap3A_447, %swap3A_448, %swap3A_449] {strides = array<i32>} : memref<3x16x64xi32, #tpu.memory_space<vmem>>, vector<1x1x16xi32>,
    %swap3A_451 = vector.shape_cast %swap3A_450 : vector<1x1x16xi32> to vector<16xi32>
    %swap3A_452 = vector.shape_cast %add3A_444 : vector<16xi32> to vector<1x1x16xi32>
    tpu.vector_store %arg7[%swap3A_447, %swap3A_448, %swap3A_449], %swap3A_452 {strides = array<i32>} : memref<3x16x64xi32, #tpu.memory_space<vmem>>, vector<1x1x16xi32>,
    %get3A_453 = arith.constant 0 : i32
    %get3A_454 = arith.constant 6 : i32
    %get3A_455 = arith.index_cast %get3A_453 : i32 to index
    %get3A_456 = arith.index_cast %get3A_454 : i32 to index
    %get3A_457 = arith.constant 0 : index
    %get3A_458 = tpu.vector_load %arg7[%get3A_455, %get3A_456, %get3A_457] {strides = array<i32>} : memref<3x16x64xi32, #tpu.memory_space<vmem>>, vector<1x1x16xi32>,
    %get3A_459 = vector.shape_cast %get3A_458 : vector<1x1x16xi32> to vector<16xi32>
    %add3A_460 = arith.addi %get3A_459, %mul3A_7 : vector<16xi32>
    %swap3A_461 = arith.constant 0 : i32
    %swap3A_462 = arith.constant 6 : i32
    %swap3A_463 = arith.index_cast %swap3A_461 : i32 to index
    %swap3A_464 = arith.index_cast %swap3A_462 : i32 to index
    %swap3A_465 = arith.constant 0 : index
    %swap3A_466 = tpu.vector_load %arg7[%swap3A_463, %swap3A_464, %swap3A_465] {strides = array<i32>} : memref<3x16x64xi32, #tpu.memory_space<vmem>>, vector<1x1x16xi32>,
    %swap3A_467 = vector.shape_cast %swap3A_466 : vector<1x1x16xi32> to vector<16xi32>
    %swap3A_468 = vector.shape_cast %add3A_460 : vector<16xi32> to vector<1x1x16xi32>
    tpu.vector_store %arg7[%swap3A_463, %swap3A_464, %swap3A_465], %swap3A_468 {strides = array<i32>} : memref<3x16x64xi32, #tpu.memory_space<vmem>>, vector<1x1x16xi32>,
    %get3A_469 = arith.constant 0 : i32
    %get3A_470 = arith.constant 6 : i32
    %get3A_471 = arith.index_cast %get3A_469 : i32 to index
    %get3A_472 = arith.index_cast %get3A_470 : i32 to index
    %get3A_473 = arith.constant 16 : index
    %get3A_474 = tpu.vector_load %arg7[%get3A_471, %get3A_472, %get3A_473] {strides = array<i32>} : memref<3x16x64xi32, #tpu.memory_space<vmem>>, vector<1x1x16xi32>,
    %get3A_475 = vector.shape_cast %get3A_474 : vector<1x1x16xi32> to vector<16xi32>
    %add3A_476 = arith.addi %get3A_475, %mul3A_7 : vector<16xi32>
    %swap3A_477 = arith.constant 0 : i32
    %swap3A_478 = arith.constant 6 : i32
    %swap3A_479 = arith.index_cast %swap3A_477 : i32 to index
    %swap3A_480 = arith.index_cast %swap3A_478 : i32 to index
    %swap3A_481 = arith.constant 16 : index
    %swap3A_482 = tpu.vector_load %arg7[%swap3A_479, %swap3A_480, %swap3A_481] {strides = array<i32>} : memref<3x16x64xi32, #tpu.memory_space<vmem>>, vector<1x1x16xi32>,
    %swap3A_483 = vector.shape_cast %swap3A_482 : vector<1x1x16xi32> to vector<16xi32>
    %swap3A_484 = vector.shape_cast %add3A_476 : vector<16xi32> to vector<1x1x16xi32>
    tpu.vector_store %arg7[%swap3A_479, %swap3A_480, %swap3A_481], %swap3A_484 {strides = array<i32>} : memref<3x16x64xi32, #tpu.memory_space<vmem>>, vector<1x1x16xi32>,
    %get3A_485 = arith.constant 0 : i32
    %get3A_486 = arith.constant 6 : i32
    %get3A_487 = arith.index_cast %get3A_485 : i32 to index
    %get3A_488 = arith.index_cast %get3A_486 : i32 to index
    %get3A_489 = arith.constant 32 : index
    %get3A_490 = tpu.vector_load %arg7[%get3A_487, %get3A_488, %get3A_489] {strides = array<i32>} : memref<3x16x64xi32, #tpu.memory_space<vmem>>, vector<1x1x16xi32>,
    %get3A_491 = vector.shape_cast %get3A_490 : vector<1x1x16xi32> to vector<16xi32>
    %add3A_492 = arith.addi %get3A_491, %mul3A_7 : vector<16xi32>
    %swap3A_493 = arith.constant 0 : i32
    %swap3A_494 = arith.constant 6 : i32
    %swap3A_495 = arith.index_cast %swap3A_493 : i32 to index
    %swap3A_496 = arith.index_cast %swap3A_494 : i32 to index
    %swap3A_497 = arith.constant 32 : index
    %swap3A_498 = tpu.vector_load %arg7[%swap3A_495, %swap3A_496, %swap3A_497] {strides = array<i32>} : memref<3x16x64xi32, #tpu.memory_space<vmem>>, vector<1x1x16xi32>,
    %swap3A_499 = vector.shape_cast %swap3A_498 : vector<1x1x16xi32> to vector<16xi32>
    %swap3A_500 = vector.shape_cast %add3A_492 : vector<16xi32> to vector<1x1x16xi32>
    tpu.vector_store %arg7[%swap3A_495, %swap3A_496, %swap3A_497], %swap3A_500 {strides = array<i32>} : memref<3x16x64xi32, #tpu.memory_space<vmem>>, vector<1x1x16xi32>,
    %get3A_501 = arith.constant 0 : i32
    %get3A_502 = arith.constant 6 : i32
    %get3A_503 = arith.index_cast %get3A_501 : i32 to index
    %get3A_504 = arith.index_cast %get3A_502 : i32 to index
    %get3A_505 = arith.constant 48 : index
    %get3A_506 = tpu.vector_load %arg7[%get3A_503, %get3A_504, %get3A_505] {strides = array<i32>} : memref<3x16x64xi32, #tpu.memory_space<vmem>>, vector<1x1x16xi32>,
    %get3A_507 = vector.shape_cast %get3A_506 : vector<1x1x16xi32> to vector<16xi32>
    %add3A_508 = arith.addi %get3A_507, %mul3A_7 : vector<16xi32>
    %swap3A_509 = arith.constant 0 : i32
    %swap3A_510 = arith.constant 6 : i32
    %swap3A_511 = arith.index_cast %swap3A_509 : i32 to index
    %swap3A_512 = arith.index_cast %swap3A_510 : i32 to index
    %swap3A_513 = arith.constant 48 : index
    %swap3A_514 = tpu.vector_load %arg7[%swap3A_511, %swap3A_512, %swap3A_513] {strides = array<i32>} : memref<3x16x64xi32, #tpu.memory_space<vmem>>, vector<1x1x16xi32>,
    %swap3A_515 = vector.shape_cast %swap3A_514 : vector<1x1x16xi32> to vector<16xi32>
    %swap3A_516 = vector.shape_cast %add3A_508 : vector<16xi32> to vector<1x1x16xi32>
    tpu.vector_store %arg7[%swap3A_511, %swap3A_512, %swap3A_513], %swap3A_516 {strides = array<i32>} : memref<3x16x64xi32, #tpu.memory_space<vmem>>, vector<1x1x16xi32>,
    %get3A_517 = arith.constant 0 : i32
    %get3A_518 = arith.constant 7 : i32
    %get3A_519 = arith.index_cast %get3A_517 : i32 to index
    %get3A_520 = arith.index_cast %get3A_518 : i32 to index
    %get3A_521 = arith.constant 0 : index
    %get3A_522 = tpu.vector_load %arg7[%get3A_519, %get3A_520, %get3A_521] {strides = array<i32>} : memref<3x16x64xi32, #tpu.memory_space<vmem>>, vector<1x1x16xi32>,
    %get3A_523 = vector.shape_cast %get3A_522 : vector<1x1x16xi32> to vector<16xi32>
    %add3A_524 = arith.addi %get3A_523, %mul3A_7 : vector<16xi32>
    %swap3A_525 = arith.constant 0 : i32
    %swap3A_526 = arith.constant 7 : i32
    %swap3A_527 = arith.index_cast %swap3A_525 : i32 to index
    %swap3A_528 = arith.index_cast %swap3A_526 : i32 to index
    %swap3A_529 = arith.constant 0 : index
    %swap3A_530 = tpu.vector_load %arg7[%swap3A_527, %swap3A_528, %swap3A_529] {strides = array<i32>} : memref<3x16x64xi32, #tpu.memory_space<vmem>>, vector<1x1x16xi32>,
    %swap3A_531 = vector.shape_cast %swap3A_530 : vector<1x1x16xi32> to vector<16xi32>
    %swap3A_532 = vector.shape_cast %add3A_524 : vector<16xi32> to vector<1x1x16xi32>
    tpu.vector_store %arg7[%swap3A_527, %swap3A_528, %swap3A_529], %swap3A_532 {strides = array<i32>} : memref<3x16x64xi32, #tpu.memory_space<vmem>>, vector<1x1x16xi32>,
    %get3A_533 = arith.constant 0 : i32
    %get3A_534 = arith.constant 7 : i32
    %get3A_535 = arith.index_cast %get3A_533 : i32 to index
    %get3A_536 = arith.index_cast %get3A_534 : i32 to index
    %get3A_537 = arith.constant 16 : index
    %get3A_538 = tpu.vector_load %arg7[%get3A_535, %get3A_536, %get3A_537] {strides = array<i32>} : memref<3x16x64xi32, #tpu.memory_space<vmem>>, vector<1x1x16xi32>,
    %get3A_539 = vector.shape_cast %get3A_538 : vector<1x1x16xi32> to vector<16xi32>
    %add3A_540 = arith.addi %get3A_539, %mul3A_7 : vector<16xi32>
    %swap3A_541 = arith.constant 0 : i32
    %swap3A_542 = arith.constant 7 : i32
    %swap3A_543 = arith.index_cast %swap3A_541 : i32 to index
    %swap3A_544 = arith.index_cast %swap3A_542 : i32 to index
    %swap3A_545 = arith.constant 16 : index
    %swap3A_546 = tpu.vector_load %arg7[%swap3A_543, %swap3A_544, %swap3A_545] {strides = array<i32>} : memref<3x16x64xi32, #tpu.memory_space<vmem>>, vector<1x1x16xi32>,
    %swap3A_547 = vector.shape_cast %swap3A_546 : vector<1x1x16xi32> to vector<16xi32>
    %swap3A_548 = vector.shape_cast %add3A_540 : vector<16xi32> to vector<1x1x16xi32>
    tpu.vector_store %arg7[%swap3A_543, %swap3A_544, %swap3A_545], %swap3A_548 {strides = array<i32>} : memref<3x16x64xi32, #tpu.memory_space<vmem>>, vector<1x1x16xi32>,
    %get3A_549 = arith.constant 0 : i32
    %get3A_550 = arith.constant 7 : i32
    %get3A_551 = arith.index_cast %get3A_549 : i32 to index
    %get3A_552 = arith.index_cast %get3A_550 : i32 to index
    %get3A_553 = arith.constant 32 : index
    %get3A_554 = tpu.vector_load %arg7[%get3A_551, %get3A_552, %get3A_553] {strides = array<i32>} : memref<3x16x64xi32, #tpu.memory_space<vmem>>, vector<1x1x16xi32>,
    %get3A_555 = vector.shape_cast %get3A_554 : vector<1x1x16xi32> to vector<16xi32>
    %add3A_556 = arith.addi %get3A_555, %mul3A_7 : vector<16xi32>
    %swap3A_557 = arith.constant 0 : i32
    %swap3A_558 = arith.constant 7 : i32
    %swap3A_559 = arith.index_cast %swap3A_557 : i32 to index
    %swap3A_560 = arith.index_cast %swap3A_558 : i32 to index
    %swap3A_561 = arith.constant 32 : index
    %swap3A_562 = tpu.vector_load %arg7[%swap3A_559, %swap3A_560, %swap3A_561] {strides = array<i32>} : memref<3x16x64xi32, #tpu.memory_space<vmem>>, vector<1x1x16xi32>,
    %swap3A_563 = vector.shape_cast %swap3A_562 : vector<1x1x16xi32> to vector<16xi32>
    %swap3A_564 = vector.shape_cast %add3A_556 : vector<16xi32> to vector<1x1x16xi32>
    tpu.vector_store %arg7[%swap3A_559, %swap3A_560, %swap3A_561], %swap3A_564 {strides = array<i32>} : memref<3x16x64xi32, #tpu.memory_space<vmem>>, vector<1x1x16xi32>,
    %get3A_565 = arith.constant 0 : i32
    %get3A_566 = arith.constant 7 : i32
    %get3A_567 = arith.index_cast %get3A_565 : i32 to index
    %get3A_568 = arith.index_cast %get3A_566 : i32 to index
    %get3A_569 = arith.constant 48 : index
    %get3A_570 = tpu.vector_load %arg7[%get3A_567, %get3A_568, %get3A_569] {strides = array<i32>} : memref<3x16x64xi32, #tpu.memory_space<vmem>>, vector<1x1x16xi32>,
    %get3A_571 = vector.shape_cast %get3A_570 : vector<1x1x16xi32> to vector<16xi32>
    %add3A_572 = arith.addi %get3A_571, %mul3A_7 : vector<16xi32>
    %swap3A_573 = arith.constant 0 : i32
    %swap3A_574 = arith.constant 7 : i32
    %swap3A_575 = arith.index_cast %swap3A_573 : i32 to index
    %swap3A_576 = arith.index_cast %swap3A_574 : i32 to index
    %swap3A_577 = arith.constant 48 : index
    %swap3A_578 = tpu.vector_load %arg7[%swap3A_575, %swap3A_576, %swap3A_577] {strides = array<i32>} : memref<3x16x64xi32, #tpu.memory_space<vmem>>, vector<1x1x16xi32>,
    %swap3A_579 = vector.shape_cast %swap3A_578 : vector<1x1x16xi32> to vector<16xi32>
    %swap3A_580 = vector.shape_cast %add3A_572 : vector<16xi32> to vector<1x1x16xi32>
    tpu.vector_store %arg7[%swap3A_575, %swap3A_576, %swap3A_577], %swap3A_580 {strides = array<i32>} : memref<3x16x64xi32, #tpu.memory_space<vmem>>, vector<1x1x16xi32>,
    %get3A_581 = arith.constant 0 : i32
    %get3A_582 = arith.constant 8 : i32
    %get3A_583 = arith.index_cast %get3A_581 : i32 to index
    %get3A_584 = arith.index_cast %get3A_582 : i32 to index
    %get3A_585 = arith.constant 0 : index
    %get3A_586 = tpu.vector_load %arg7[%get3A_583, %get3A_584, %get3A_585] {strides = array<i32>} : memref<3x16x64xi32, #tpu.memory_space<vmem>>, vector<1x1x16xi32>,
    %get3A_587 = vector.shape_cast %get3A_586 : vector<1x1x16xi32> to vector<16xi32>
    %add3A_588 = arith.addi %get3A_587, %mul3A_7 : vector<16xi32>
    %swap3A_589 = arith.constant 0 : i32
    %swap3A_590 = arith.constant 8 : i32
    %swap3A_591 = arith.index_cast %swap3A_589 : i32 to index
    %swap3A_592 = arith.index_cast %swap3A_590 : i32 to index
    %swap3A_593 = arith.constant 0 : index
    %swap3A_594 = tpu.vector_load %arg7[%swap3A_591, %swap3A_592, %swap3A_593] {strides = array<i32>} : memref<3x16x64xi32, #tpu.memory_space<vmem>>, vector<1x1x16xi32>,
    %swap3A_595 = vector.shape_cast %swap3A_594 : vector<1x1x16xi32> to vector<16xi32>
    %swap3A_596 = vector.shape_cast %add3A_588 : vector<16xi32> to vector<1x1x16xi32>
    tpu.vector_store %arg7[%swap3A_591, %swap3A_592, %swap3A_593], %swap3A_596 {strides = array<i32>} : memref<3x16x64xi32, #tpu.memory_space<vmem>>, vector<1x1x16xi32>,
    %get3A_597 = arith.constant 0 : i32
    %get3A_598 = arith.constant 8 : i32
    %get3A_599 = arith.index_cast %get3A_597 : i32 to index
    %get3A_600 = arith.index_cast %get3A_598 : i32 to index
    %get3A_601 = arith.constant 16 : index
    %get3A_602 = tpu.vector_load %arg7[%get3A_599, %get3A_600, %get3A_601] {strides = array<i32>} : memref<3x16x64xi32, #tpu.memory_space<vmem>>, vector<1x1x16xi32>,
    %get3A_603 = vector.shape_cast %get3A_602 : vector<1x1x16xi32> to vector<16xi32>
    %add3A_604 = arith.addi %get3A_603, %mul3A_7 : vector<16xi32>
    %swap3A_605 = arith.constant 0 : i32
    %swap3A_606 = arith.constant 8 : i32
    %swap3A_607 = arith.index_cast %swap3A_605 : i32 to index
    %swap3A_608 = arith.index_cast %swap3A_606 : i32 to index
    %swap3A_609 = arith.constant 16 : index
    %swap3A_610 = tpu.vector_load %arg7[%swap3A_607, %swap3A_608, %swap3A_609] {strides = array<i32>} : memref<3x16x64xi32, #tpu.memory_space<vmem>>, vector<1x1x16xi32>,
    %swap3A_611 = vector.shape_cast %swap3A_610 : vector<1x1x16xi32> to vector<16xi32>
    %swap3A_612 = vector.shape_cast %add3A_604 : vector<16xi32> to vector<1x1x16xi32>
    tpu.vector_store %arg7[%swap3A_607, %swap3A_608, %swap3A_609], %swap3A_612 {strides = array<i32>} : memref<3x16x64xi32, #tpu.memory_space<vmem>>, vector<1x1x16xi32>,
    %get3A_613 = arith.constant 0 : i32
    %get3A_614 = arith.constant 8 : i32
    %get3A_615 = arith.index_cast %get3A_613 : i32 to index
    %get3A_616 = arith.index_cast %get3A_614 : i32 to index
    %get3A_617 = arith.constant 32 : index
    %get3A_618 = tpu.vector_load %arg7[%get3A_615, %get3A_616, %get3A_617] {strides = array<i32>} : memref<3x16x64xi32, #tpu.memory_space<vmem>>, vector<1x1x16xi32>,
    %get3A_619 = vector.shape_cast %get3A_618 : vector<1x1x16xi32> to vector<16xi32>
    %add3A_620 = arith.addi %get3A_619, %mul3A_7 : vector<16xi32>
    %swap3A_621 = arith.constant 0 : i32
    %swap3A_622 = arith.constant 8 : i32
    %swap3A_623 = arith.index_cast %swap3A_621 : i32 to index
    %swap3A_624 = arith.index_cast %swap3A_622 : i32 to index
    %swap3A_625 = arith.constant 32 : index
    %swap3A_626 = tpu.vector_load %arg7[%swap3A_623, %swap3A_624, %swap3A_625] {strides = array<i32>} : memref<3x16x64xi32, #tpu.memory_space<vmem>>, vector<1x1x16xi32>,
    %swap3A_627 = vector.shape_cast %swap3A_626 : vector<1x1x16xi32> to vector<16xi32>
    %swap3A_628 = vector.shape_cast %add3A_620 : vector<16xi32> to vector<1x1x16xi32>
    tpu.vector_store %arg7[%swap3A_623, %swap3A_624, %swap3A_625], %swap3A_628 {strides = array<i32>} : memref<3x16x64xi32, #tpu.memory_space<vmem>>, vector<1x1x16xi32>,
    %get3A_629 = arith.constant 0 : i32
    %get3A_630 = arith.constant 8 : i32
    %get3A_631 = arith.index_cast %get3A_629 : i32 to index
    %get3A_632 = arith.index_cast %get3A_630 : i32 to index
    %get3A_633 = arith.constant 48 : index
    %get3A_634 = tpu.vector_load %arg7[%get3A_631, %get3A_632, %get3A_633] {strides = array<i32>} : memref<3x16x64xi32, #tpu.memory_space<vmem>>, vector<1x1x16xi32>,
    %get3A_635 = vector.shape_cast %get3A_634 : vector<1x1x16xi32> to vector<16xi32>
    %add3A_636 = arith.addi %get3A_635, %mul3A_7 : vector<16xi32>
    %swap3A_637 = arith.constant 0 : i32
    %swap3A_638 = arith.constant 8 : i32
    %swap3A_639 = arith.index_cast %swap3A_637 : i32 to index
    %swap3A_640 = arith.index_cast %swap3A_638 : i32 to index
    %swap3A_641 = arith.constant 48 : index
    %swap3A_642 = tpu.vector_load %arg7[%swap3A_639, %swap3A_640, %swap3A_641] {strides = array<i32>} : memref<3x16x64xi32, #tpu.memory_space<vmem>>, vector<1x1x16xi32>,
    %swap3A_643 = vector.shape_cast %swap3A_642 : vector<1x1x16xi32> to vector<16xi32>
    %swap3A_644 = vector.shape_cast %add3A_636 : vector<16xi32> to vector<1x1x16xi32>
    tpu.vector_store %arg7[%swap3A_639, %swap3A_640, %swap3A_641], %swap3A_644 {strides = array<i32>} : memref<3x16x64xi32, #tpu.memory_space<vmem>>, vector<1x1x16xi32>,
    %get3A_645 = arith.constant 0 : i32
    %get3A_646 = arith.constant 9 : i32
    %get3A_647 = arith.index_cast %get3A_645 : i32 to index
    %get3A_648 = arith.index_cast %get3A_646 : i32 to index
    %get3A_649 = arith.constant 0 : index
    %get3A_650 = tpu.vector_load %arg7[%get3A_647, %get3A_648, %get3A_649] {strides = array<i32>} : memref<3x16x64xi32, #tpu.memory_space<vmem>>, vector<1x1x16xi32>,
    %get3A_651 = vector.shape_cast %get3A_650 : vector<1x1x16xi32> to vector<16xi32>
    %add3A_652 = arith.addi %get3A_651, %mul3A_7 : vector<16xi32>
    %swap3A_653 = arith.constant 0 : i32
    %swap3A_654 = arith.constant 9 : i32
    %swap3A_655 = arith.index_cast %swap3A_653 : i32 to index
    %swap3A_656 = arith.index_cast %swap3A_654 : i32 to index
    %swap3A_657 = arith.constant 0 : index
    %swap3A_658 = tpu.vector_load %arg7[%swap3A_655, %swap3A_656, %swap3A_657] {strides = array<i32>} : memref<3x16x64xi32, #tpu.memory_space<vmem>>, vector<1x1x16xi32>,
    %swap3A_659 = vector.shape_cast %swap3A_658 : vector<1x1x16xi32> to vector<16xi32>
    %swap3A_660 = vector.shape_cast %add3A_652 : vector<16xi32> to vector<1x1x16xi32>
    tpu.vector_store %arg7[%swap3A_655, %swap3A_656, %swap3A_657], %swap3A_660 {strides = array<i32>} : memref<3x16x64xi32, #tpu.memory_space<vmem>>, vector<1x1x16xi32>,
    %get3A_661 = arith.constant 0 : i32
    %get3A_662 = arith.constant 9 : i32
    %get3A_663 = arith.index_cast %get3A_661 : i32 to index
    %get3A_664 = arith.index_cast %get3A_662 : i32 to index
    %get3A_665 = arith.constant 16 : index
    %get3A_666 = tpu.vector_load %arg7[%get3A_663, %get3A_664, %get3A_665] {strides = array<i32>} : memref<3x16x64xi32, #tpu.memory_space<vmem>>, vector<1x1x16xi32>,
    %get3A_667 = vector.shape_cast %get3A_666 : vector<1x1x16xi32> to vector<16xi32>
    %add3A_668 = arith.addi %get3A_667, %mul3A_7 : vector<16xi32>
    %swap3A_669 = arith.constant 0 : i32
    %swap3A_670 = arith.constant 9 : i32
    %swap3A_671 = arith.index_cast %swap3A_669 : i32 to index
    %swap3A_672 = arith.index_cast %swap3A_670 : i32 to index
    %swap3A_673 = arith.constant 16 : index
    %swap3A_674 = tpu.vector_load %arg7[%swap3A_671, %swap3A_672, %swap3A_673] {strides = array<i32>} : memref<3x16x64xi32, #tpu.memory_space<vmem>>, vector<1x1x16xi32>,
    %swap3A_675 = vector.shape_cast %swap3A_674 : vector<1x1x16xi32> to vector<16xi32>
    %swap3A_676 = vector.shape_cast %add3A_668 : vector<16xi32> to vector<1x1x16xi32>
    tpu.vector_store %arg7[%swap3A_671, %swap3A_672, %swap3A_673], %swap3A_676 {strides = array<i32>} : memref<3x16x64xi32, #tpu.memory_space<vmem>>, vector<1x1x16xi32>,
    %get3A_677 = arith.constant 0 : i32
    %get3A_678 = arith.constant 9 : i32
    %get3A_679 = arith.index_cast %get3A_677 : i32 to index
    %get3A_680 = arith.index_cast %get3A_678 : i32 to index
    %get3A_681 = arith.constant 32 : index
    %get3A_682 = tpu.vector_load %arg7[%get3A_679, %get3A_680, %get3A_681] {strides = array<i32>} : memref<3x16x64xi32, #tpu.memory_space<vmem>>, vector<1x1x16xi32>,
    %get3A_683 = vector.shape_cast %get3A_682 : vector<1x1x16xi32> to vector<16xi32>
    %add3A_684 = arith.addi %get3A_683, %mul3A_7 : vector<16xi32>
    %swap3A_685 = arith.constant 0 : i32
    %swap3A_686 = arith.constant 9 : i32
    %swap3A_687 = arith.index_cast %swap3A_685 : i32 to index
    %swap3A_688 = arith.index_cast %swap3A_686 : i32 to index
    %swap3A_689 = arith.constant 32 : index
    %swap3A_690 = tpu.vector_load %arg7[%swap3A_687, %swap3A_688, %swap3A_689] {strides = array<i32>} : memref<3x16x64xi32, #tpu.memory_space<vmem>>, vector<1x1x16xi32>,
    %swap3A_691 = vector.shape_cast %swap3A_690 : vector<1x1x16xi32> to vector<16xi32>
    %swap3A_692 = vector.shape_cast %add3A_684 : vector<16xi32> to vector<1x1x16xi32>
    tpu.vector_store %arg7[%swap3A_687, %swap3A_688, %swap3A_689], %swap3A_692 {strides = array<i32>} : memref<3x16x64xi32, #tpu.memory_space<vmem>>, vector<1x1x16xi32>,
    %get3A_693 = arith.constant 0 : i32
    %get3A_694 = arith.constant 9 : i32
    %get3A_695 = arith.index_cast %get3A_693 : i32 to index
    %get3A_696 = arith.index_cast %get3A_694 : i32 to index
    %get3A_697 = arith.constant 48 : index
    %get3A_698 = tpu.vector_load %arg7[%get3A_695, %get3A_696, %get3A_697] {strides = array<i32>} : memref<3x16x64xi32, #tpu.memory_space<vmem>>, vector<1x1x16xi32>,
    %get3A_699 = vector.shape_cast %get3A_698 : vector<1x1x16xi32> to vector<16xi32>
    %add3A_700 = arith.addi %get3A_699, %mul3A_7 : vector<16xi32>
    %swap3A_701 = arith.constant 0 : i32
    %swap3A_702 = arith.constant 9 : i32
    %swap3A_703 = arith.index_cast %swap3A_701 : i32 to index
    %swap3A_704 = arith.index_cast %swap3A_702 : i32 to index
    %swap3A_705 = arith.constant 48 : index
    %swap3A_706 = tpu.vector_load %arg7[%swap3A_703, %swap3A_704, %swap3A_705] {strides = array<i32>} : memref<3x16x64xi32, #tpu.memory_space<vmem>>, vector<1x1x16xi32>,
    %swap3A_707 = vector.shape_cast %swap3A_706 : vector<1x1x16xi32> to vector<16xi32>
    %swap3A_708 = vector.shape_cast %add3A_700 : vector<16xi32> to vector<1x1x16xi32>
    tpu.vector_store %arg7[%swap3A_703, %swap3A_704, %swap3A_705], %swap3A_708 {strides = array<i32>} : memref<3x16x64xi32, #tpu.memory_space<vmem>>, vector<1x1x16xi32>,
    %get3A_709 = arith.constant 0 : i32
    %get3A_710 = arith.constant 10 : i32
    %get3A_711 = arith.index_cast %get3A_709 : i32 to index
    %get3A_712 = arith.index_cast %get3A_710 : i32 to index
    %get3A_713 = arith.constant 0 : index
    %get3A_714 = tpu.vector_load %arg7[%get3A_711, %get3A_712, %get3A_713] {strides = array<i32>} : memref<3x16x64xi32, #tpu.memory_space<vmem>>, vector<1x1x16xi32>,
    %get3A_715 = vector.shape_cast %get3A_714 : vector<1x1x16xi32> to vector<16xi32>
    %add3A_716 = arith.addi %get3A_715, %mul3A_7 : vector<16xi32>
    %swap3A_717 = arith.constant 0 : i32
    %swap3A_718 = arith.constant 10 : i32
    %swap3A_719 = arith.index_cast %swap3A_717 : i32 to index
    %swap3A_720 = arith.index_cast %swap3A_718 : i32 to index
    %swap3A_721 = arith.constant 0 : index
    %swap3A_722 = tpu.vector_load %arg7[%swap3A_719, %swap3A_720, %swap3A_721] {strides = array<i32>} : memref<3x16x64xi32, #tpu.memory_space<vmem>>, vector<1x1x16xi32>,
    %swap3A_723 = vector.shape_cast %swap3A_722 : vector<1x1x16xi32> to vector<16xi32>
    %swap3A_724 = vector.shape_cast %add3A_716 : vector<16xi32> to vector<1x1x16xi32>
    tpu.vector_store %arg7[%swap3A_719, %swap3A_720, %swap3A_721], %swap3A_724 {strides = array<i32>} : memref<3x16x64xi32, #tpu.memory_space<vmem>>, vector<1x1x16xi32>,
    %get3A_725 = arith.constant 0 : i32
    %get3A_726 = arith.constant 10 : i32
    %get3A_727 = arith.index_cast %get3A_725 : i32 to index
    %get3A_728 = arith.index_cast %get3A_726 : i32 to index
    %get3A_729 = arith.constant 16 : index
    %get3A_730 = tpu.vector_load %arg7[%get3A_727, %get3A_728, %get3A_729] {strides = array<i32>} : memref<3x16x64xi32, #tpu.memory_space<vmem>>, vector<1x1x16xi32>,
    %get3A_731 = vector.shape_cast %get3A_730 : vector<1x1x16xi32> to vector<16xi32>
    %add3A_732 = arith.addi %get3A_731, %mul3A_7 : vector<16xi32>
    %swap3A_733 = arith.constant 0 : i32
    %swap3A_734 = arith.constant 10 : i32
    %swap3A_735 = arith.index_cast %swap3A_733 : i32 to index
    %swap3A_736 = arith.index_cast %swap3A_734 : i32 to index
    %swap3A_737 = arith.constant 16 : index
    %swap3A_738 = tpu.vector_load %arg7[%swap3A_735, %swap3A_736, %swap3A_737] {strides = array<i32>} : memref<3x16x64xi32, #tpu.memory_space<vmem>>, vector<1x1x16xi32>,
    %swap3A_739 = vector.shape_cast %swap3A_738 : vector<1x1x16xi32> to vector<16xi32>
    %swap3A_740 = vector.shape_cast %add3A_732 : vector<16xi32> to vector<1x1x16xi32>
    tpu.vector_store %arg7[%swap3A_735, %swap3A_736, %swap3A_737], %swap3A_740 {strides = array<i32>} : memref<3x16x64xi32, #tpu.memory_space<vmem>>, vector<1x1x16xi32>,
    %get3A_741 = arith.constant 0 : i32
    %get3A_742 = arith.constant 10 : i32
    %get3A_743 = arith.index_cast %get3A_741 : i32 to index
    %get3A_744 = arith.index_cast %get3A_742 : i32 to index
    %get3A_745 = arith.constant 32 : index
    %get3A_746 = tpu.vector_load %arg7[%get3A_743, %get3A_744, %get3A_745] {strides = array<i32>} : memref<3x16x64xi32, #tpu.memory_space<vmem>>, vector<1x1x16xi32>,
    %get3A_747 = vector.shape_cast %get3A_746 : vector<1x1x16xi32> to vector<16xi32>
    %add3A_748 = arith.addi %get3A_747, %mul3A_7 : vector<16xi32>
    %swap3A_749 = arith.constant 0 : i32
    %swap3A_750 = arith.constant 10 : i32
    %swap3A_751 = arith.index_cast %swap3A_749 : i32 to index
    %swap3A_752 = arith.index_cast %swap3A_750 : i32 to index
    %swap3A_753 = arith.constant 32 : index
    %swap3A_754 = tpu.vector_load %arg7[%swap3A_751, %swap3A_752, %swap3A_753] {strides = array<i32>} : memref<3x16x64xi32, #tpu.memory_space<vmem>>, vector<1x1x16xi32>,
    %swap3A_755 = vector.shape_cast %swap3A_754 : vector<1x1x16xi32> to vector<16xi32>
    %swap3A_756 = vector.shape_cast %add3A_748 : vector<16xi32> to vector<1x1x16xi32>
    tpu.vector_store %arg7[%swap3A_751, %swap3A_752, %swap3A_753], %swap3A_756 {strides = array<i32>} : memref<3x16x64xi32, #tpu.memory_space<vmem>>, vector<1x1x16xi32>,
    %get3A_757 = arith.constant 0 : i32
    %get3A_758 = arith.constant 10 : i32
    %get3A_759 = arith.index_cast %get3A_757 : i32 to index
    %get3A_760 = arith.index_cast %get3A_758 : i32 to index
    %get3A_761 = arith.constant 48 : index
    %get3A_762 = tpu.vector_load %arg7[%get3A_759, %get3A_760, %get3A_761] {strides = array<i32>} : memref<3x16x64xi32, #tpu.memory_space<vmem>>, vector<1x1x16xi32>,
    %get3A_763 = vector.shape_cast %get3A_762 : vector<1x1x16xi32> to vector<16xi32>
    %add3A_764 = arith.addi %get3A_763, %mul3A_7 : vector<16xi32>
    %swap3A_765 = arith.constant 0 : i32
    %swap3A_766 = arith.constant 10 : i32
    %swap3A_767 = arith.index_cast %swap3A_765 : i32 to index
    %swap3A_768 = arith.index_cast %swap3A_766 : i32 to index
    %swap3A_769 = arith.constant 48 : index
    %swap3A_770 = tpu.vector_load %arg7[%swap3A_767, %swap3A_768, %swap3A_769] {strides = array<i32>} : memref<3x16x64xi32, #tpu.memory_space<vmem>>, vector<1x1x16xi32>,
    %swap3A_771 = vector.shape_cast %swap3A_770 : vector<1x1x16xi32> to vector<16xi32>
    %swap3A_772 = vector.shape_cast %add3A_764 : vector<16xi32> to vector<1x1x16xi32>
    tpu.vector_store %arg7[%swap3A_767, %swap3A_768, %swap3A_769], %swap3A_772 {strides = array<i32>} : memref<3x16x64xi32, #tpu.memory_space<vmem>>, vector<1x1x16xi32>,
    %get3A_773 = arith.constant 0 : i32
    %get3A_774 = arith.constant 11 : i32
    %get3A_775 = arith.index_cast %get3A_773 : i32 to index
    %get3A_776 = arith.index_cast %get3A_774 : i32 to index
    %get3A_777 = arith.constant 0 : index
    %get3A_778 = tpu.vector_load %arg7[%get3A_775, %get3A_776, %get3A_777] {strides = array<i32>} : memref<3x16x64xi32, #tpu.memory_space<vmem>>, vector<1x1x16xi32>,
    %get3A_779 = vector.shape_cast %get3A_778 : vector<1x1x16xi32> to vector<16xi32>
    %add3A_780 = arith.addi %get3A_779, %mul3A_7 : vector<16xi32>
    %swap3A_781 = arith.constant 0 : i32
    %swap3A_782 = arith.constant 11 : i32
    %swap3A_783 = arith.index_cast %swap3A_781 : i32 to index
    %swap3A_784 = arith.index_cast %swap3A_782 : i32 to index
    %swap3A_785 = arith.constant 0 : index
    %swap3A_786 = tpu.vector_load %arg7[%swap3A_783, %swap3A_784, %swap3A_785] {strides = array<i32>} : memref<3x16x64xi32, #tpu.memory_space<vmem>>, vector<1x1x16xi32>,
    %swap3A_787 = vector.shape_cast %swap3A_786 : vector<1x1x16xi32> to vector<16xi32>
    %swap3A_788 = vector.shape_cast %add3A_780 : vector<16xi32> to vector<1x1x16xi32>
    tpu.vector_store %arg7[%swap3A_783, %swap3A_784, %swap3A_785], %swap3A_788 {strides = array<i32>} : memref<3x16x64xi32, #tpu.memory_space<vmem>>, vector<1x1x16xi32>,
    %get3A_789 = arith.constant 0 : i32
    %get3A_790 = arith.constant 11 : i32
    %get3A_791 = arith.index_cast %get3A_789 : i32 to index
    %get3A_792 = arith.index_cast %get3A_790 : i32 to index
    %get3A_793 = arith.constant 16 : index
    %get3A_794 = tpu.vector_load %arg7[%get3A_791, %get3A_792, %get3A_793] {strides = array<i32>} : memref<3x16x64xi32, #tpu.memory_space<vmem>>, vector<1x1x16xi32>,
    %get3A_795 = vector.shape_cast %get3A_794 : vector<1x1x16xi32> to vector<16xi32>
    %add3A_796 = arith.addi %get3A_795, %mul3A_7 : vector<16xi32>
    %swap3A_797 = arith.constant 0 : i32
    %swap3A_798 = arith.constant 11 : i32
    %swap3A_799 = arith.index_cast %swap3A_797 : i32 to index
    %swap3A_800 = arith.index_cast %swap3A_798 : i32 to index
    %swap3A_801 = arith.constant 16 : index
    %swap3A_802 = tpu.vector_load %arg7[%swap3A_799, %swap3A_800, %swap3A_801] {strides = array<i32>} : memref<3x16x64xi32, #tpu.memory_space<vmem>>, vector<1x1x16xi32>,
    %swap3A_803 = vector.shape_cast %swap3A_802 : vector<1x1x16xi32> to vector<16xi32>
    %swap3A_804 = vector.shape_cast %add3A_796 : vector<16xi32> to vector<1x1x16xi32>
    tpu.vector_store %arg7[%swap3A_799, %swap3A_800, %swap3A_801], %swap3A_804 {strides = array<i32>} : memref<3x16x64xi32, #tpu.memory_space<vmem>>, vector<1x1x16xi32>,
    %get3A_805 = arith.constant 0 : i32
    %get3A_806 = arith.constant 11 : i32
    %get3A_807 = arith.index_cast %get3A_805 : i32 to index
    %get3A_808 = arith.index_cast %get3A_806 : i32 to index
    %get3A_809 = arith.constant 32 : index
    %get3A_810 = tpu.vector_load %arg7[%get3A_807, %get3A_808, %get3A_809] {strides = array<i32>} : memref<3x16x64xi32, #tpu.memory_space<vmem>>, vector<1x1x16xi32>,
    %get3A_811 = vector.shape_cast %get3A_810 : vector<1x1x16xi32> to vector<16xi32>
    %add3A_812 = arith.addi %get3A_811, %mul3A_7 : vector<16xi32>
    %swap3A_813 = arith.constant 0 : i32
    %swap3A_814 = arith.constant 11 : i32
    %swap3A_815 = arith.index_cast %swap3A_813 : i32 to index
    %swap3A_816 = arith.index_cast %swap3A_814 : i32 to index
    %swap3A_817 = arith.constant 32 : index
    %swap3A_818 = tpu.vector_load %arg7[%swap3A_815, %swap3A_816, %swap3A_817] {strides = array<i32>} : memref<3x16x64xi32, #tpu.memory_space<vmem>>, vector<1x1x16xi32>,
    %swap3A_819 = vector.shape_cast %swap3A_818 : vector<1x1x16xi32> to vector<16xi32>
    %swap3A_820 = vector.shape_cast %add3A_812 : vector<16xi32> to vector<1x1x16xi32>
    tpu.vector_store %arg7[%swap3A_815, %swap3A_816, %swap3A_817], %swap3A_820 {strides = array<i32>} : memref<3x16x64xi32, #tpu.memory_space<vmem>>, vector<1x1x16xi32>,
    %get3A_821 = arith.constant 0 : i32
    %get3A_822 = arith.constant 11 : i32
    %get3A_823 = arith.index_cast %get3A_821 : i32 to index
    %get3A_824 = arith.index_cast %get3A_822 : i32 to index
    %get3A_825 = arith.constant 48 : index
    %get3A_826 = tpu.vector_load %arg7[%get3A_823, %get3A_824, %get3A_825] {strides = array<i32>} : memref<3x16x64xi32, #tpu.memory_space<vmem>>, vector<1x1x16xi32>,
    %get3A_827 = vector.shape_cast %get3A_826 : vector<1x1x16xi32> to vector<16xi32>
    %add3A_828 = arith.addi %get3A_827, %mul3A_7 : vector<16xi32>
    %swap3A_829 = arith.constant 0 : i32
    %swap3A_830 = arith.constant 11 : i32
    %swap3A_831 = arith.index_cast %swap3A_829 : i32 to index
    %swap3A_832 = arith.index_cast %swap3A_830 : i32 to index
    %swap3A_833 = arith.constant 48 : index
    %swap3A_834 = tpu.vector_load %arg7[%swap3A_831, %swap3A_832, %swap3A_833] {strides = array<i32>} : memref<3x16x64xi32, #tpu.memory_space<vmem>>, vector<1x1x16xi32>,
    %swap3A_835 = vector.shape_cast %swap3A_834 : vector<1x1x16xi32> to vector<16xi32>
    %swap3A_836 = vector.shape_cast %add3A_828 : vector<16xi32> to vector<1x1x16xi32>
    tpu.vector_store %arg7[%swap3A_831, %swap3A_832, %swap3A_833], %swap3A_836 {strides = array<i32>} : memref<3x16x64xi32, #tpu.memory_space<vmem>>, vector<1x1x16xi32>,
    %get3A_837 = arith.constant 0 : i32
    %get3A_838 = arith.constant 12 : i32
    %get3A_839 = arith.index_cast %get3A_837 : i32 to index
    %get3A_840 = arith.index_cast %get3A_838 : i32 to index
    %get3A_841 = arith.constant 0 : index
    %get3A_842 = tpu.vector_load %arg7[%get3A_839, %get3A_840, %get3A_841] {strides = array<i32>} : memref<3x16x64xi32, #tpu.memory_space<vmem>>, vector<1x1x16xi32>,
    %get3A_843 = vector.shape_cast %get3A_842 : vector<1x1x16xi32> to vector<16xi32>
    %add3A_844 = arith.addi %get3A_843, %mul3A_7 : vector<16xi32>
    %swap3A_845 = arith.constant 0 : i32
    %swap3A_846 = arith.constant 12 : i32
    %swap3A_847 = arith.index_cast %swap3A_845 : i32 to index
    %swap3A_848 = arith.index_cast %swap3A_846 : i32 to index
    %swap3A_849 = arith.constant 0 : index
    %swap3A_850 = tpu.vector_load %arg7[%swap3A_847, %swap3A_848, %swap3A_849] {strides = array<i32>} : memref<3x16x64xi32, #tpu.memory_space<vmem>>, vector<1x1x16xi32>,
    %swap3A_851 = vector.shape_cast %swap3A_850 : vector<1x1x16xi32> to vector<16xi32>
    %swap3A_852 = vector.shape_cast %add3A_844 : vector<16xi32> to vector<1x1x16xi32>
    tpu.vector_store %arg7[%swap3A_847, %swap3A_848, %swap3A_849], %swap3A_852 {strides = array<i32>} : memref<3x16x64xi32, #tpu.memory_space<vmem>>, vector<1x1x16xi32>,
    %get3A_853 = arith.constant 0 : i32
    %get3A_854 = arith.constant 12 : i32
    %get3A_855 = arith.index_cast %get3A_853 : i32 to index
    %get3A_856 = arith.index_cast %get3A_854 : i32 to index
    %get3A_857 = arith.constant 16 : index
    %get3A_858 = tpu.vector_load %arg7[%get3A_855, %get3A_856, %get3A_857] {strides = array<i32>} : memref<3x16x64xi32, #tpu.memory_space<vmem>>, vector<1x1x16xi32>,
    %get3A_859 = vector.shape_cast %get3A_858 : vector<1x1x16xi32> to vector<16xi32>
    %add3A_860 = arith.addi %get3A_859, %mul3A_7 : vector<16xi32>
    %swap3A_861 = arith.constant 0 : i32
    %swap3A_862 = arith.constant 12 : i32
    %swap3A_863 = arith.index_cast %swap3A_861 : i32 to index
    %swap3A_864 = arith.index_cast %swap3A_862 : i32 to index
    %swap3A_865 = arith.constant 16 : index
    %swap3A_866 = tpu.vector_load %arg7[%swap3A_863, %swap3A_864, %swap3A_865] {strides = array<i32>} : memref<3x16x64xi32, #tpu.memory_space<vmem>>, vector<1x1x16xi32>,
    %swap3A_867 = vector.shape_cast %swap3A_866 : vector<1x1x16xi32> to vector<16xi32>
    %swap3A_868 = vector.shape_cast %add3A_860 : vector<16xi32> to vector<1x1x16xi32>
    tpu.vector_store %arg7[%swap3A_863, %swap3A_864, %swap3A_865], %swap3A_868 {strides = array<i32>} : memref<3x16x64xi32, #tpu.memory_space<vmem>>, vector<1x1x16xi32>,
    %get3A_869 = arith.constant 0 : i32
    %get3A_870 = arith.constant 12 : i32
    %get3A_871 = arith.index_cast %get3A_869 : i32 to index
    %get3A_872 = arith.index_cast %get3A_870 : i32 to index
    %get3A_873 = arith.constant 32 : index
    %get3A_874 = tpu.vector_load %arg7[%get3A_871, %get3A_872, %get3A_873] {strides = array<i32>} : memref<3x16x64xi32, #tpu.memory_space<vmem>>, vector<1x1x16xi32>,
    %get3A_875 = vector.shape_cast %get3A_874 : vector<1x1x16xi32> to vector<16xi32>
    %add3A_876 = arith.addi %get3A_875, %mul3A_7 : vector<16xi32>
    %swap3A_877 = arith.constant 0 : i32
    %swap3A_878 = arith.constant 12 : i32
    %swap3A_879 = arith.index_cast %swap3A_877 : i32 to index
    %swap3A_880 = arith.index_cast %swap3A_878 : i32 to index
    %swap3A_881 = arith.constant 32 : index
    %swap3A_882 = tpu.vector_load %arg7[%swap3A_879, %swap3A_880, %swap3A_881] {strides = array<i32>} : memref<3x16x64xi32, #tpu.memory_space<vmem>>, vector<1x1x16xi32>,
    %swap3A_883 = vector.shape_cast %swap3A_882 : vector<1x1x16xi32> to vector<16xi32>
    %swap3A_884 = vector.shape_cast %add3A_876 : vector<16xi32> to vector<1x1x16xi32>
    tpu.vector_store %arg7[%swap3A_879, %swap3A_880, %swap3A_881], %swap3A_884 {strides = array<i32>} : memref<3x16x64xi32, #tpu.memory_space<vmem>>, vector<1x1x16xi32>,
    %get3A_885 = arith.constant 0 : i32
    %get3A_886 = arith.constant 12 : i32
    %get3A_887 = arith.index_cast %get3A_885 : i32 to index
    %get3A_888 = arith.index_cast %get3A_886 : i32 to index
    %get3A_889 = arith.constant 48 : index
    %get3A_890 = tpu.vector_load %arg7[%get3A_887, %get3A_888, %get3A_889] {strides = array<i32>} : memref<3x16x64xi32, #tpu.memory_space<vmem>>, vector<1x1x16xi32>,
    %get3A_891 = vector.shape_cast %get3A_890 : vector<1x1x16xi32> to vector<16xi32>
    %add3A_892 = arith.addi %get3A_891, %mul3A_7 : vector<16xi32>
    %swap3A_893 = arith.constant 0 : i32
    %swap3A_894 = arith.constant 12 : i32
    %swap3A_895 = arith.index_cast %swap3A_893 : i32 to index
    %swap3A_896 = arith.index_cast %swap3A_894 : i32 to index
    %swap3A_897 = arith.constant 48 : index
    %swap3A_898 = tpu.vector_load %arg7[%swap3A_895, %swap3A_896, %swap3A_897] {strides = array<i32>} : memref<3x16x64xi32, #tpu.memory_space<vmem>>, vector<1x1x16xi32>,
    %swap3A_899 = vector.shape_cast %swap3A_898 : vector<1x1x16xi32> to vector<16xi32>
    %swap3A_900 = vector.shape_cast %add3A_892 : vector<16xi32> to vector<1x1x16xi32>
    tpu.vector_store %arg7[%swap3A_895, %swap3A_896, %swap3A_897], %swap3A_900 {strides = array<i32>} : memref<3x16x64xi32, #tpu.memory_space<vmem>>, vector<1x1x16xi32>,
    %get3A_901 = arith.constant 0 : i32
    %get3A_902 = arith.constant 13 : i32
    %get3A_903 = arith.index_cast %get3A_901 : i32 to index
    %get3A_904 = arith.index_cast %get3A_902 : i32 to index
    %get3A_905 = arith.constant 0 : index
    %get3A_906 = tpu.vector_load %arg7[%get3A_903, %get3A_904, %get3A_905] {strides = array<i32>} : memref<3x16x64xi32, #tpu.memory_space<vmem>>, vector<1x1x16xi32>,
    %get3A_907 = vector.shape_cast %get3A_906 : vector<1x1x16xi32> to vector<16xi32>
    %add3A_908 = arith.addi %get3A_907, %mul3A_7 : vector<16xi32>
    %swap3A_909 = arith.constant 0 : i32
    %swap3A_910 = arith.constant 13 : i32
    %swap3A_911 = arith.index_cast %swap3A_909 : i32 to index
    %swap3A_912 = arith.index_cast %swap3A_910 : i32 to index
    %swap3A_913 = arith.constant 0 : index
    %swap3A_914 = tpu.vector_load %arg7[%swap3A_911, %swap3A_912, %swap3A_913] {strides = array<i32>} : memref<3x16x64xi32, #tpu.memory_space<vmem>>, vector<1x1x16xi32>,
    %swap3A_915 = vector.shape_cast %swap3A_914 : vector<1x1x16xi32> to vector<16xi32>
    %swap3A_916 = vector.shape_cast %add3A_908 : vector<16xi32> to vector<1x1x16xi32>
    tpu.vector_store %arg7[%swap3A_911, %swap3A_912, %swap3A_913], %swap3A_916 {strides = array<i32>} : memref<3x16x64xi32, #tpu.memory_space<vmem>>, vector<1x1x16xi32>,
    %get3A_917 = arith.constant 0 : i32
    %get3A_918 = arith.constant 13 : i32
    %get3A_919 = arith.index_cast %get3A_917 : i32 to index
    %get3A_920 = arith.index_cast %get3A_918 : i32 to index
    %get3A_921 = arith.constant 16 : index
    %get3A_922 = tpu.vector_load %arg7[%get3A_919, %get3A_920, %get3A_921] {strides = array<i32>} : memref<3x16x64xi32, #tpu.memory_space<vmem>>, vector<1x1x16xi32>,
    %get3A_923 = vector.shape_cast %get3A_922 : vector<1x1x16xi32> to vector<16xi32>
    %add3A_924 = arith.addi %get3A_923, %mul3A_7 : vector<16xi32>
    %swap3A_925 = arith.constant 0 : i32
    %swap3A_926 = arith.constant 13 : i32
    %swap3A_927 = arith.index_cast %swap3A_925 : i32 to index
    %swap3A_928 = arith.index_cast %swap3A_926 : i32 to index
    %swap3A_929 = arith.constant 16 : index
    %swap3A_930 = tpu.vector_load %arg7[%swap3A_927, %swap3A_928, %swap3A_929] {strides = array<i32>} : memref<3x16x64xi32, #tpu.memory_space<vmem>>, vector<1x1x16xi32>,
    %swap3A_931 = vector.shape_cast %swap3A_930 : vector<1x1x16xi32> to vector<16xi32>
    %swap3A_932 = vector.shape_cast %add3A_924 : vector<16xi32> to vector<1x1x16xi32>
    tpu.vector_store %arg7[%swap3A_927, %swap3A_928, %swap3A_929], %swap3A_932 {strides = array<i32>} : memref<3x16x64xi32, #tpu.memory_space<vmem>>, vector<1x1x16xi32>,
    %get3A_933 = arith.constant 0 : i32
    %get3A_934 = arith.constant 13 : i32
    %get3A_935 = arith.index_cast %get3A_933 : i32 to index
    %get3A_936 = arith.index_cast %get3A_934 : i32 to index
    %get3A_937 = arith.constant 32 : index
    %get3A_938 = tpu.vector_load %arg7[%get3A_935, %get3A_936, %get3A_937] {strides = array<i32>} : memref<3x16x64xi32, #tpu.memory_space<vmem>>, vector<1x1x16xi32>,
    %get3A_939 = vector.shape_cast %get3A_938 : vector<1x1x16xi32> to vector<16xi32>
    %add3A_940 = arith.addi %get3A_939, %mul3A_7 : vector<16xi32>
    %swap3A_941 = arith.constant 0 : i32
    %swap3A_942 = arith.constant 13 : i32
    %swap3A_943 = arith.index_cast %swap3A_941 : i32 to index
    %swap3A_944 = arith.index_cast %swap3A_942 : i32 to index
    %swap3A_945 = arith.constant 32 : index
    %swap3A_946 = tpu.vector_load %arg7[%swap3A_943, %swap3A_944, %swap3A_945] {strides = array<i32>} : memref<3x16x64xi32, #tpu.memory_space<vmem>>, vector<1x1x16xi32>,
    %swap3A_947 = vector.shape_cast %swap3A_946 : vector<1x1x16xi32> to vector<16xi32>
    %swap3A_948 = vector.shape_cast %add3A_940 : vector<16xi32> to vector<1x1x16xi32>
    tpu.vector_store %arg7[%swap3A_943, %swap3A_944, %swap3A_945], %swap3A_948 {strides = array<i32>} : memref<3x16x64xi32, #tpu.memory_space<vmem>>, vector<1x1x16xi32>,
    %get3A_949 = arith.constant 0 : i32
    %get3A_950 = arith.constant 13 : i32
    %get3A_951 = arith.index_cast %get3A_949 : i32 to index
    %get3A_952 = arith.index_cast %get3A_950 : i32 to index
    %get3A_953 = arith.constant 48 : index
    %get3A_954 = tpu.vector_load %arg7[%get3A_951, %get3A_952, %get3A_953] {strides = array<i32>} : memref<3x16x64xi32, #tpu.memory_space<vmem>>, vector<1x1x16xi32>,
    %get3A_955 = vector.shape_cast %get3A_954 : vector<1x1x16xi32> to vector<16xi32>
    %add3A_956 = arith.addi %get3A_955, %mul3A_7 : vector<16xi32>
    %swap3A_957 = arith.constant 0 : i32
    %swap3A_958 = arith.constant 13 : i32
    %swap3A_959 = arith.index_cast %swap3A_957 : i32 to index
    %swap3A_960 = arith.index_cast %swap3A_958 : i32 to index
    %swap3A_961 = arith.constant 48 : index
    %swap3A_962 = tpu.vector_load %arg7[%swap3A_959, %swap3A_960, %swap3A_961] {strides = array<i32>} : memref<3x16x64xi32, #tpu.memory_space<vmem>>, vector<1x1x16xi32>,
    %swap3A_963 = vector.shape_cast %swap3A_962 : vector<1x1x16xi32> to vector<16xi32>
    %swap3A_964 = vector.shape_cast %add3A_956 : vector<16xi32> to vector<1x1x16xi32>
    tpu.vector_store %arg7[%swap3A_959, %swap3A_960, %swap3A_961], %swap3A_964 {strides = array<i32>} : memref<3x16x64xi32, #tpu.memory_space<vmem>>, vector<1x1x16xi32>,
    %get3A_965 = arith.constant 0 : i32
    %get3A_966 = arith.constant 14 : i32
    %get3A_967 = arith.index_cast %get3A_965 : i32 to index
    %get3A_968 = arith.index_cast %get3A_966 : i32 to index
    %get3A_969 = arith.constant 0 : index
    %get3A_970 = tpu.vector_load %arg7[%get3A_967, %get3A_968, %get3A_969] {strides = array<i32>} : memref<3x16x64xi32, #tpu.memory_space<vmem>>, vector<1x1x16xi32>,
    %get3A_971 = vector.shape_cast %get3A_970 : vector<1x1x16xi32> to vector<16xi32>
    %add3A_972 = arith.addi %get3A_971, %mul3A_7 : vector<16xi32>
    %swap3A_973 = arith.constant 0 : i32
    %swap3A_974 = arith.constant 14 : i32
    %swap3A_975 = arith.index_cast %swap3A_973 : i32 to index
    %swap3A_976 = arith.index_cast %swap3A_974 : i32 to index
    %swap3A_977 = arith.constant 0 : index
    %swap3A_978 = tpu.vector_load %arg7[%swap3A_975, %swap3A_976, %swap3A_977] {strides = array<i32>} : memref<3x16x64xi32, #tpu.memory_space<vmem>>, vector<1x1x16xi32>,
    %swap3A_979 = vector.shape_cast %swap3A_978 : vector<1x1x16xi32> to vector<16xi32>
    %swap3A_980 = vector.shape_cast %add3A_972 : vector<16xi32> to vector<1x1x16xi32>
    tpu.vector_store %arg7[%swap3A_975, %swap3A_976, %swap3A_977], %swap3A_980 {strides = array<i32>} : memref<3x16x64xi32, #tpu.memory_space<vmem>>, vector<1x1x16xi32>,
    %get3A_981 = arith.constant 0 : i32
    %get3A_982 = arith.constant 14 : i32
    %get3A_983 = arith.index_cast %get3A_981 : i32 to index
    %get3A_984 = arith.index_cast %get3A_982 : i32 to index
    %get3A_985 = arith.constant 16 : index
    %get3A_986 = tpu.vector_load %arg7[%get3A_983, %get3A_984, %get3A_985] {strides = array<i32>} : memref<3x16x64xi32, #tpu.memory_space<vmem>>, vector<1x1x16xi32>,
    %get3A_987 = vector.shape_cast %get3A_986 : vector<1x1x16xi32> to vector<16xi32>
    %add3A_988 = arith.addi %get3A_987, %mul3A_7 : vector<16xi32>
    %swap3A_989 = arith.constant 0 : i32
    %swap3A_990 = arith.constant 14 : i32
    %swap3A_991 = arith.index_cast %swap3A_989 : i32 to index
    %swap3A_992 = arith.index_cast %swap3A_990 : i32 to index
    %swap3A_993 = arith.constant 16 : index
    %swap3A_994 = tpu.vector_load %arg7[%swap3A_991, %swap3A_992, %swap3A_993] {strides = array<i32>} : memref<3x16x64xi32, #tpu.memory_space<vmem>>, vector<1x1x16xi32>,
    %swap3A_995 = vector.shape_cast %swap3A_994 : vector<1x1x16xi32> to vector<16xi32>
    %swap3A_996 = vector.shape_cast %add3A_988 : vector<16xi32> to vector<1x1x16xi32>
    tpu.vector_store %arg7[%swap3A_991, %swap3A_992, %swap3A_993], %swap3A_996 {strides = array<i32>} : memref<3x16x64xi32, #tpu.memory_space<vmem>>, vector<1x1x16xi32>,
    %get3A_997 = arith.constant 0 : i32
    %get3A_998 = arith.constant 14 : i32
    %get3A_999 = arith.index_cast %get3A_997 : i32 to index
    %get3A_1000 = arith.index_cast %get3A_998 : i32 to index
    %get3A_1001 = arith.constant 32 : index
    %get3A_1002 = tpu.vector_load %arg7[%get3A_999, %get3A_1000, %get3A_1001] {strides = array<i32>} : memref<3x16x64xi32, #tpu.memory_space<vmem>>, vector<1x1x16xi32>,
    %get3A_1003 = vector.shape_cast %get3A_1002 : vector<1x1x16xi32> to vector<16xi32>
    %add3A_1004 = arith.addi %get3A_1003, %mul3A_7 : vector<16xi32>
    %swap3A_1005 = arith.constant 0 : i32
    %swap3A_1006 = arith.constant 14 : i32
    %swap3A_1007 = arith.index_cast %swap3A_1005 : i32 to index
    %swap3A_1008 = arith.index_cast %swap3A_1006 : i32 to index
    %swap3A_1009 = arith.constant 32 : index
    %swap3A_1010 = tpu.vector_load %arg7[%swap3A_1007, %swap3A_1008, %swap3A_1009] {strides = array<i32>} : memref<3x16x64xi32, #tpu.memory_space<vmem>>, vector<1x1x16xi32>,
    %swap3A_1011 = vector.shape_cast %swap3A_1010 : vector<1x1x16xi32> to vector<16xi32>
    %swap3A_1012 = vector.shape_cast %add3A_1004 : vector<16xi32> to vector<1x1x16xi32>
    tpu.vector_store %arg7[%swap3A_1007, %swap3A_1008, %swap3A_1009], %swap3A_1012 {strides = array<i32>} : memref<3x16x64xi32, #tpu.memory_space<vmem>>, vector<1x1x16xi32>,
    %get3A_1013 = arith.constant 0 : i32
    %get3A_1014 = arith.constant 14 : i32
    %get3A_1015 = arith.index_cast %get3A_1013 : i32 to index
    %get3A_1016 = arith.index_cast %get3A_1014 : i32 to index
    %get3A_1017 = arith.constant 48 : index
    %get3A_1018 = tpu.vector_load %arg7[%get3A_1015, %get3A_1016, %get3A_1017] {strides = array<i32>} : memref<3x16x64xi32, #tpu.memory_space<vmem>>, vector<1x1x16xi32>,
    %get3A_1019 = vector.shape_cast %get3A_1018 : vector<1x1x16xi32> to vector<16xi32>
    %add3A_1020 = arith.addi %get3A_1019, %mul3A_7 : vector<16xi32>
    %swap3A_1021 = arith.constant 0 : i32
    %swap3A_1022 = arith.constant 14 : i32
    %swap3A_1023 = arith.index_cast %swap3A_1021 : i32 to index
    %swap3A_1024 = arith.index_cast %swap3A_1022 : i32 to index
    %swap3A_1025 = arith.constant 48 : index
    %swap3A_1026 = tpu.vector_load %arg7[%swap3A_1023, %swap3A_1024, %swap3A_1025] {strides = array<i32>} : memref<3x16x64xi32, #tpu.memory_space<vmem>>, vector<1x1x16xi32>,
    %swap3A_1027 = vector.shape_cast %swap3A_1026 : vector<1x1x16xi32> to vector<16xi32>
    %swap3A_1028 = vector.shape_cast %add3A_1020 : vector<16xi32> to vector<1x1x16xi32>
    tpu.vector_store %arg7[%swap3A_1023, %swap3A_1024, %swap3A_1025], %swap3A_1028 {strides = array<i32>} : memref<3x16x64xi32, #tpu.memory_space<vmem>>, vector<1x1x16xi32>,
    %get3A_1029 = arith.constant 0 : i32
    %get3A_1030 = arith.constant 15 : i32
    %get3A_1031 = arith.index_cast %get3A_1029 : i32 to index
    %get3A_1032 = arith.index_cast %get3A_1030 : i32 to index
    %get3A_1033 = arith.constant 0 : index
    %get3A_1034 = tpu.vector_load %arg7[%get3A_1031, %get3A_1032, %get3A_1033] {strides = array<i32>} : memref<3x16x64xi32, #tpu.memory_space<vmem>>, vector<1x1x16xi32>,
    %get3A_1035 = vector.shape_cast %get3A_1034 : vector<1x1x16xi32> to vector<16xi32>
    %add3A_1036 = arith.addi %get3A_1035, %mul3A_7 : vector<16xi32>
    %swap3A_1037 = arith.constant 0 : i32
    %swap3A_1038 = arith.constant 15 : i32
    %swap3A_1039 = arith.index_cast %swap3A_1037 : i32 to index
    %swap3A_1040 = arith.index_cast %swap3A_1038 : i32 to index
    %swap3A_1041 = arith.constant 0 : index
    %swap3A_1042 = tpu.vector_load %arg7[%swap3A_1039, %swap3A_1040, %swap3A_1041] {strides = array<i32>} : memref<3x16x64xi32, #tpu.memory_space<vmem>>, vector<1x1x16xi32>,
    %swap3A_1043 = vector.shape_cast %swap3A_1042 : vector<1x1x16xi32> to vector<16xi32>
    %swap3A_1044 = vector.shape_cast %add3A_1036 : vector<16xi32> to vector<1x1x16xi32>
    tpu.vector_store %arg7[%swap3A_1039, %swap3A_1040, %swap3A_1041], %swap3A_1044 {strides = array<i32>} : memref<3x16x64xi32, #tpu.memory_space<vmem>>, vector<1x1x16xi32>,
    %get3A_1045 = arith.constant 0 : i32
    %get3A_1046 = arith.constant 15 : i32
    %get3A_1047 = arith.index_cast %get3A_1045 : i32 to index
    %get3A_1048 = arith.index_cast %get3A_1046 : i32 to index
    %get3A_1049 = arith.constant 16 : index
    %get3A_1050 = tpu.vector_load %arg7[%get3A_1047, %get3A_1048, %get3A_1049] {strides = array<i32>} : memref<3x16x64xi32, #tpu.memory_space<vmem>>, vector<1x1x16xi32>,
    %get3A_1051 = vector.shape_cast %get3A_1050 : vector<1x1x16xi32> to vector<16xi32>
    %add3A_1052 = arith.addi %get3A_1051, %mul3A_7 : vector<16xi32>
    %swap3A_1053 = arith.constant 0 : i32
    %swap3A_1054 = arith.constant 15 : i32
    %swap3A_1055 = arith.index_cast %swap3A_1053 : i32 to index
    %swap3A_1056 = arith.index_cast %swap3A_1054 : i32 to index
    %swap3A_1057 = arith.constant 16 : index
    %swap3A_1058 = tpu.vector_load %arg7[%swap3A_1055, %swap3A_1056, %swap3A_1057] {strides = array<i32>} : memref<3x16x64xi32, #tpu.memory_space<vmem>>, vector<1x1x16xi32>,
    %swap3A_1059 = vector.shape_cast %swap3A_1058 : vector<1x1x16xi32> to vector<16xi32>
    %swap3A_1060 = vector.shape_cast %add3A_1052 : vector<16xi32> to vector<1x1x16xi32>
    tpu.vector_store %arg7[%swap3A_1055, %swap3A_1056, %swap3A_1057], %swap3A_1060 {strides = array<i32>} : memref<3x16x64xi32, #tpu.memory_space<vmem>>, vector<1x1x16xi32>,
    %get3A_1061 = arith.constant 0 : i32
    %get3A_1062 = arith.constant 15 : i32
    %get3A_1063 = arith.index_cast %get3A_1061 : i32 to index
    %get3A_1064 = arith.index_cast %get3A_1062 : i32 to index
    %get3A_1065 = arith.constant 32 : index
    %get3A_1066 = tpu.vector_load %arg7[%get3A_1063, %get3A_1064, %get3A_1065] {strides = array<i32>} : memref<3x16x64xi32, #tpu.memory_space<vmem>>, vector<1x1x16xi32>,
    %get3A_1067 = vector.shape_cast %get3A_1066 : vector<1x1x16xi32> to vector<16xi32>
    %add3A_1068 = arith.addi %get3A_1067, %mul3A_7 : vector<16xi32>
    %swap3A_1069 = arith.constant 0 : i32
    %swap3A_1070 = arith.constant 15 : i32
    %swap3A_1071 = arith.index_cast %swap3A_1069 : i32 to index
    %swap3A_1072 = arith.index_cast %swap3A_1070 : i32 to index
    %swap3A_1073 = arith.constant 32 : index
    %swap3A_1074 = tpu.vector_load %arg7[%swap3A_1071, %swap3A_1072, %swap3A_1073] {strides = array<i32>} : memref<3x16x64xi32, #tpu.memory_space<vmem>>, vector<1x1x16xi32>,
    %swap3A_1075 = vector.shape_cast %swap3A_1074 : vector<1x1x16xi32> to vector<16xi32>
    %swap3A_1076 = vector.shape_cast %add3A_1068 : vector<16xi32> to vector<1x1x16xi32>
    tpu.vector_store %arg7[%swap3A_1071, %swap3A_1072, %swap3A_1073], %swap3A_1076 {strides = array<i32>} : memref<3x16x64xi32, #tpu.memory_space<vmem>>, vector<1x1x16xi32>,
    %get3A_1077 = arith.constant 0 : i32
    %get3A_1078 = arith.constant 15 : i32
    %get3A_1079 = arith.index_cast %get3A_1077 : i32 to index
    %get3A_1080 = arith.index_cast %get3A_1078 : i32 to index
    %get3A_1081 = arith.constant 48 : index
    %get3A_1082 = tpu.vector_load %arg7[%get3A_1079, %get3A_1080, %get3A_1081] {strides = array<i32>} : memref<3x16x64xi32, #tpu.memory_space<vmem>>, vector<1x1x16xi32>,
    %get3A_1083 = vector.shape_cast %get3A_1082 : vector<1x1x16xi32> to vector<16xi32>
    %add3A_1084 = arith.addi %get3A_1083, %mul3A_7 : vector<16xi32>
    %swap3A_1085 = arith.constant 0 : i32
    %swap3A_1086 = arith.constant 15 : i32
    %swap3A_1087 = arith.index_cast %swap3A_1085 : i32 to index
    %swap3A_1088 = arith.index_cast %swap3A_1086 : i32 to index
    %swap3A_1089 = arith.constant 48 : index
    %swap3A_1090 = tpu.vector_load %arg7[%swap3A_1087, %swap3A_1088, %swap3A_1089] {strides = array<i32>} : memref<3x16x64xi32, #tpu.memory_space<vmem>>, vector<1x1x16xi32>,
    %swap3A_1091 = vector.shape_cast %swap3A_1090 : vector<1x1x16xi32> to vector<16xi32>
    %swap3A_1092 = vector.shape_cast %add3A_1084 : vector<16xi32> to vector<1x1x16xi32>
    tpu.vector_store %arg7[%swap3A_1087, %swap3A_1088, %swap3A_1089], %swap3A_1092 {strides = array<i32>} : memref<3x16x64xi32, #tpu.memory_space<vmem>>, vector<1x1x16xi32>,
    %add3A_1093 = arith.constant 16 : i32
    %add3A_1094 = arith.addi %mul3A_2, %add3A_1093 : i32
    %dma_start3A_1095 = arith.constant 1 : i32
    %dma_start3A_1096 = arith.constant 1 : i32
    %dma_start3A_1097 = arith.constant 0 : i32
    %dma_start3A_1098 = arith.constant 0 : i32
    %dma_start3A_1099 = tpu.memref_slice %arg7[%dma_start3A_1095, %dma_start3A_1097, %dma_start3A_1098] : memref<3x16x64xi32, #tpu.memory_space<vmem>> -> memref<1x16x64xi32, #tpu.memory_space<vmem>>
    %dma_start3A_1100 = tpu.memref_squeeze %dma_start3A_1099 : memref<1x16x64xi32, #tpu.memory_space<vmem>> -> memref<16x64xi32, #tpu.memory_space<vmem>>
    %dma_start3A_1101 = arith.constant 0 : i32
    %dma_start3A_1102 = tpu.memref_slice %arg3[%add3A_1094, %dma_start3A_1101] : memref<5120x64xi32, #tpu.memory_space<hbm>> -> memref<16x64xi32, #tpu.memory_space<hbm>>
    %dma_start3A_1103 = tpu.memref_slice %arg13[%dma_start3A_1096] : memref<3x!tpu.dma_semaphore, #tpu.memory_space<semaphore_mem>> -> memref<1x!tpu.dma_semaphore, #tpu.memory_space<semaphore_mem>>
    %dma_start3A_1104 = tpu.memref_squeeze %dma_start3A_1103 : memref<1x!tpu.dma_semaphore, #tpu.memory_space<semaphore_mem>> -> memref<!tpu.dma_semaphore, #tpu.memory_space<semaphore_mem>>
    %dma_start3A_1105 = arith.constant 0 : i32
    %dma_start3A_1106 = arith.constant 0 : i32
    %dma_start3A_1107 = tpu.memref_slice %arg7[%dma_start3A_1095, %dma_start3A_1105, %dma_start3A_1106] : memref<3x16x64xi32, #tpu.memory_space<vmem>> -> memref<1x16x64xi32, #tpu.memory_space<vmem>>
    %dma_start3A_1108 = tpu.memref_squeeze %dma_start3A_1107 : memref<1x16x64xi32, #tpu.memory_space<vmem>> -> memref<16x64xi32, #tpu.memory_space<vmem>>
    %dma_start3A_1109 = arith.constant 0 : i32
    %dma_start3A_1110 = tpu.memref_slice %arg3[%add3A_1094, %dma_start3A_1109] : memref<5120x64xi32, #tpu.memory_space<hbm>> -> memref<16x64xi32, #tpu.memory_space<hbm>>
    tpu.enqueue_dma source(%dma_start3A_1110 : memref<16x64xi32, #tpu.memory_space<hbm>>) target(%dma_start3A_1108 : memref<16x64xi32, #tpu.memory_space<vmem>>) target_semaphore(%dma_start3A_1104 : memref<!tpu.dma_semaphore, #tpu.memory_space<semaphore_mem>>)
    %dma_start3A_1111 = arith.constant 1 : i32
    %dma_start3A_1112 = arith.constant 1 : i32
    %dma_start3A_1113 = arith.constant 0 : i32
    %dma_start3A_1114 = arith.constant 0 : i32
    %dma_start3A_1115 = tpu.memref_slice %arg8[%dma_start3A_1111, %dma_start3A_1113, %dma_start3A_1114] : memref<3x16x64xi32, #tpu.memory_space<vmem>> -> memref<1x16x64xi32, #tpu.memory_space<vmem>>
    %dma_start3A_1116 = tpu.memref_squeeze %dma_start3A_1115 : memref<1x16x64xi32, #tpu.memory_space<vmem>> -> memref<16x64xi32, #tpu.memory_space<vmem>>
    %dma_start3A_1117 = arith.constant 0 : i32
    %dma_start3A_1118 = tpu.memref_slice %arg4[%add3A_1094, %dma_start3A_1117] : memref<5120x64xi32, #tpu.memory_space<hbm>> -> memref<16x64xi32, #tpu.memory_space<hbm>>
    %dma_start3A_1119 = tpu.memref_slice %arg13[%dma_start3A_1112] : memref<3x!tpu.dma_semaphore, #tpu.memory_space<semaphore_mem>> -> memref<1x!tpu.dma_semaphore, #tpu.memory_space<semaphore_mem>>
    %dma_start3A_1120 = tpu.memref_squeeze %dma_start3A_1119 : memref<1x!tpu.dma_semaphore, #tpu.memory_space<semaphore_mem>> -> memref<!tpu.dma_semaphore, #tpu.memory_space<semaphore_mem>>
    %dma_start3A_1121 = arith.constant 0 : i32
    %dma_start3A_1122 = arith.constant 0 : i32
    %dma_start3A_1123 = tpu.memref_slice %arg8[%dma_start3A_1111, %dma_start3A_1121, %dma_start3A_1122] : memref<3x16x64xi32, #tpu.memory_space<vmem>> -> memref<1x16x64xi32, #tpu.memory_space<vmem>>
    %dma_start3A_1124 = tpu.memref_squeeze %dma_start3A_1123 : memref<1x16x64xi32, #tpu.memory_space<vmem>> -> memref<16x64xi32, #tpu.memory_space<vmem>>
    %dma_start3A_1125 = arith.constant 0 : i32
    %dma_start3A_1126 = tpu.memref_slice %arg4[%add3A_1094, %dma_start3A_1125] : memref<5120x64xi32, #tpu.memory_space<hbm>> -> memref<16x64xi32, #tpu.memory_space<hbm>>
    tpu.enqueue_dma source(%dma_start3A_1126 : memref<16x64xi32, #tpu.memory_space<hbm>>) target(%dma_start3A_1124 : memref<16x64xi32, #tpu.memory_space<vmem>>) target_semaphore(%dma_start3A_1120 : memref<!tpu.dma_semaphore, #tpu.memory_space<semaphore_mem>>)
    %div3A = arith.constant 0 : i32
    %div3A_1127 = arith.constant 16 : i32
    %div3A_1128 = arith.divsi %div3A, %div3A_1127 : i32
    %rem3A = arith.constant 3 : i32
    %rem3A_1129 = arith.remsi %div3A_1128, %rem3A : i32
    %rem3A_1130 = arith.constant 0 : i32
    %rem3A_1131 = arith.constant 16 : i32
    %rem3A_1132 = arith.remsi %rem3A_1130, %rem3A_1131 : i32
    %rem3A_1133 = arith.constant 0 : i32
    %rem3A_1134 = arith.constant 4 : i32
    %rem3A_1135 = arith.remsi %rem3A_1133, %rem3A_1134 : i32
    %dma_start3A_1136 = arith.constant 0 : i32
    %dma_start3A_1137 = arith.constant 0 : i32
    %dma_start3A_1138 = tpu.memref_slice %arg9[%rem3A_1135, %dma_start3A_1136, %dma_start3A_1137] : memref<4x64x128xf32, #tpu.memory_space<vmem>> -> memref<1x64x128xf32, #tpu.memory_space<vmem>>
    %dma_start3A_1139 = tpu.memref_squeeze %dma_start3A_1138 : memref<1x64x128xf32, #tpu.memory_space<vmem>> -> memref<64x128xf32, #tpu.memory_space<vmem>>
    %dma_start3A_1140 = arith.constant 0 : i32
    %dma_start3A_1141 = tpu.memref_slice %arg7[%rem3A_1129, %rem3A_1132, %dma_start3A_1140] : memref<3x16x64xi32, #tpu.memory_space<vmem>> -> memref<1x1x64xi32, #tpu.memory_space<vmem>>
    %dma_start3A_1142 = tpu.memref_squeeze %dma_start3A_1141 : memref<1x1x64xi32, #tpu.memory_space<vmem>> -> memref<64xi32, #tpu.memory_space<vmem>>
    %dma_start3A_1143 = arith.constant 0 : i32
    %dma_start3A_1144 = arith.constant 0 : i32
    %dma_start3A_1145 = tpu.memref_slice %arg2[%dma_start3A_1143, %dma_start3A_1144] : memref<20000x128xf32, #tpu.memory_space<hbm>> -> memref<20000x128xf32, #tpu.memory_space<hbm>>
    %dma_start3A_1146 = tpu.memref_slice %arg11[%rem3A_1135] : memref<4x!tpu.dma_semaphore, #tpu.memory_space<semaphore_mem>> -> memref<1x!tpu.dma_semaphore, #tpu.memory_space<semaphore_mem>>
    %dma_start3A_1147 = tpu.memref_squeeze %dma_start3A_1146 : memref<1x!tpu.dma_semaphore, #tpu.memory_space<semaphore_mem>> -> memref<!tpu.dma_semaphore, #tpu.memory_space<semaphore_mem>>
    tpu.enqueue_indirect_dma source(%dma_start3A_1145 : memref<20000x128xf32, #tpu.memory_space<hbm>>) target(%dma_start3A_1139 : memref<64x128xf32, #tpu.memory_space<vmem>>) offsets(%dma_start3A_1142 : memref<64xi32, #tpu.memory_space<vmem>>) semaphore(%dma_start3A_1147 : memref<!tpu.dma_semaphore, #tpu.memory_space<semaphore_mem>>)
    %div3A_1148 = arith.constant 1 : i32
    %div3A_1149 = arith.constant 16 : i32
    %div3A_1150 = arith.divsi %div3A_1148, %div3A_1149 : i32
    %rem3A_1151 = arith.constant 3 : i32
    %rem3A_1152 = arith.remsi %div3A_1150, %rem3A_1151 : i32
    %rem3A_1153 = arith.constant 1 : i32
    %rem3A_1154 = arith.constant 16 : i32
    %rem3A_1155 = arith.remsi %rem3A_1153, %rem3A_1154 : i32
    %rem3A_1156 = arith.constant 1 : i32
    %rem3A_1157 = arith.constant 4 : i32
    %rem3A_1158 = arith.remsi %rem3A_1156, %rem3A_1157 : i32
    %dma_start3A_1159 = arith.constant 0 : i32
    %dma_start3A_1160 = arith.constant 0 : i32
    %dma_start3A_1161 = tpu.memref_slice %arg9[%rem3A_1158, %dma_start3A_1159, %dma_start3A_1160] : memref<4x64x128xf32, #tpu.memory_space<vmem>> -> memref<1x64x128xf32, #tpu.memory_space<vmem>>
    %dma_start3A_1162 = tpu.memref_squeeze %dma_start3A_1161 : memref<1x64x128xf32, #tpu.memory_space<vmem>> -> memref<64x128xf32, #tpu.memory_space<vmem>>
    %dma_start3A_1163 = arith.constant 0 : i32
    %dma_start3A_1164 = tpu.memref_slice %arg7[%rem3A_1152, %rem3A_1155, %dma_start3A_1163] : memref<3x16x64xi32, #tpu.memory_space<vmem>> -> memref<1x1x64xi32, #tpu.memory_space<vmem>>
    %dma_start3A_1165 = tpu.memref_squeeze %dma_start3A_1164 : memref<1x1x64xi32, #tpu.memory_space<vmem>> -> memref<64xi32, #tpu.memory_space<vmem>>
    %dma_start3A_1166 = arith.constant 0 : i32
    %dma_start3A_1167 = arith.constant 0 : i32
    %dma_start3A_1168 = tpu.memref_slice %arg2[%dma_start3A_1166, %dma_start3A_1167] : memref<20000x128xf32, #tpu.memory_space<hbm>> -> memref<20000x128xf32, #tpu.memory_space<hbm>>
    %dma_start3A_1169 = tpu.memref_slice %arg11[%rem3A_1158] : memref<4x!tpu.dma_semaphore, #tpu.memory_space<semaphore_mem>> -> memref<1x!tpu.dma_semaphore, #tpu.memory_space<semaphore_mem>>
    %dma_start3A_1170 = tpu.memref_squeeze %dma_start3A_1169 : memref<1x!tpu.dma_semaphore, #tpu.memory_space<semaphore_mem>> -> memref<!tpu.dma_semaphore, #tpu.memory_space<semaphore_mem>>
    tpu.enqueue_indirect_dma source(%dma_start3A_1168 : memref<20000x128xf32, #tpu.memory_space<hbm>>) target(%dma_start3A_1162 : memref<64x128xf32, #tpu.memory_space<vmem>>) offsets(%dma_start3A_1165 : memref<64xi32, #tpu.memory_space<vmem>>) semaphore(%dma_start3A_1170 : memref<!tpu.dma_semaphore, #tpu.memory_space<semaphore_mem>>)
    %div3A_1171 = arith.constant 2 : i32
    %div3A_1172 = arith.constant 16 : i32
    %div3A_1173 = arith.divsi %div3A_1171, %div3A_1172 : i32
    %rem3A_1174 = arith.constant 3 : i32
    %rem3A_1175 = arith.remsi %div3A_1173, %rem3A_1174 : i32
    %rem3A_1176 = arith.constant 2 : i32
    %rem3A_1177 = arith.constant 16 : i32
    %rem3A_1178 = arith.remsi %rem3A_1176, %rem3A_1177 : i32
    %rem3A_1179 = arith.constant 2 : i32
    %rem3A_1180 = arith.constant 4 : i32
    %rem3A_1181 = arith.remsi %rem3A_1179, %rem3A_1180 : i32
    %dma_start3A_1182 = arith.constant 0 : i32
    %dma_start3A_1183 = arith.constant 0 : i32
    %dma_start3A_1184 = tpu.memref_slice %arg9[%rem3A_1181, %dma_start3A_1182, %dma_start3A_1183] : memref<4x64x128xf32, #tpu.memory_space<vmem>> -> memref<1x64x128xf32, #tpu.memory_space<vmem>>
    %dma_start3A_1185 = tpu.memref_squeeze %dma_start3A_1184 : memref<1x64x128xf32, #tpu.memory_space<vmem>> -> memref<64x128xf32, #tpu.memory_space<vmem>>
    %dma_start3A_1186 = arith.constant 0 : i32
    %dma_start3A_1187 = tpu.memref_slice %arg7[%rem3A_1175, %rem3A_1178, %dma_start3A_1186] : memref<3x16x64xi32, #tpu.memory_space<vmem>> -> memref<1x1x64xi32, #tpu.memory_space<vmem>>
    %dma_start3A_1188 = tpu.memref_squeeze %dma_start3A_1187 : memref<1x1x64xi32, #tpu.memory_space<vmem>> -> memref<64xi32, #tpu.memory_space<vmem>>
    %dma_start3A_1189 = arith.constant 0 : i32
    %dma_start3A_1190 = arith.constant 0 : i32
    %dma_start3A_1191 = tpu.memref_slice %arg2[%dma_start3A_1189, %dma_start3A_1190] : memref<20000x128xf32, #tpu.memory_space<hbm>> -> memref<20000x128xf32, #tpu.memory_space<hbm>>
    %dma_start3A_1192 = tpu.memref_slice %arg11[%rem3A_1181] : memref<4x!tpu.dma_semaphore, #tpu.memory_space<semaphore_mem>> -> memref<1x!tpu.dma_semaphore, #tpu.memory_space<semaphore_mem>>
    %dma_start3A_1193 = tpu.memref_squeeze %dma_start3A_1192 : memref<1x!tpu.dma_semaphore, #tpu.memory_space<semaphore_mem>> -> memref<!tpu.dma_semaphore, #tpu.memory_space<semaphore_mem>>
    tpu.enqueue_indirect_dma source(%dma_start3A_1191 : memref<20000x128xf32, #tpu.memory_space<hbm>>) target(%dma_start3A_1185 : memref<64x128xf32, #tpu.memory_space<vmem>>) offsets(%dma_start3A_1188 : memref<64xi32, #tpu.memory_space<vmem>>) semaphore(%dma_start3A_1193 : memref<!tpu.dma_semaphore, #tpu.memory_space<semaphore_mem>>)
    %scan3A = arith.constant 0 : i32
    %scan3A_1194 = arith.constant 0 : i32
    %scan3A_1195 = arith.constant 320 : i32
    %scan3A_1196 = arith.addi %scan3A_1194, %scan3A_1195 : i32
    %scan3A_1197 = arith.constant 1 : i32
    scf.for %scan3A_1264 = %scan3A_1194 to %scan3A_1196 step %scan3A_1197  : i32 {
      %rem3A_1265 = arith.constant 4 : i32
      %rem3A_1266 = arith.remsi %scan3A_1264, %rem3A_1265 : i32
      %add3A_1267 = arith.constant 3 : i32
      %add3A_1268 = arith.addi %scan3A_1264, %add3A_1267 : i32
      %rem3A_1269 = arith.constant 4 : i32
      %rem3A_1270 = arith.remsi %add3A_1268, %rem3A_1269 : i32
      %ge3A = arith.constant 1 : i32
      %ge3A_1271 = arith.cmpi sge, %scan3A_1264, %ge3A : i32
      %lt3A = arith.constant 320 : i32
      %lt3A_1272 = arith.cmpi slt, %add3A_1268, %lt3A : i32
      %and3A = arith.andi %ge3A_1271, %lt3A_1272 : i1
      %convert_element_type3A = arith.extui %and3A : i1 to i32
      %cond3A = arith.constant 0 : i32
      %cond3A_1273 = arith.cmpi ne, %convert_element_type3A, %cond3A : i32
      scf.if %cond3A_1273 {
        %dma_wait3A_1317 = arith.constant 0 : i32
        %dma_wait3A_1318 = arith.constant 0 : i32
        %dma_wait3A_1319 = arith.constant 0 : i32
        %dma_wait3A_1320 = arith.constant 0 : i32
        %dma_wait3A_1321 = tpu.memref_slice %arg9[%rem3A_1270, %dma_wait3A_1319, %dma_wait3A_1320] : memref<4x64x128xf32, #tpu.memory_space<vmem>> -> memref<1x64x128xf32, #tpu.memory_space<vmem>>
        %dma_wait3A_1322 = tpu.memref_squeeze %dma_wait3A_1321 : memref<1x64x128xf32, #tpu.memory_space<vmem>> -> memref<64x128xf32, #tpu.memory_space<vmem>>
        %dma_wait3A_1323 = arith.constant 0 : i32
        %dma_wait3A_1324 = tpu.memref_slice %arg8[%dma_wait3A_1317, %dma_wait3A_1318, %dma_wait3A_1323] : memref<3x16x64xi32, #tpu.memory_space<vmem>> -> memref<1x1x64xi32, #tpu.memory_space<vmem>>
        %dma_wait3A_1325 = tpu.memref_squeeze %dma_wait3A_1324 : memref<1x1x64xi32, #tpu.memory_space<vmem>> -> memref<64xi32, #tpu.memory_space<vmem>>
        %dma_wait3A_1326 = arith.constant 0 : i32
        %dma_wait3A_1327 = arith.constant 0 : i32
        %dma_wait3A_1328 = tpu.memref_slice %arg10[%dma_wait3A_1326, %dma_wait3A_1327] : memref<10240x128xf32, #tpu.memory_space<vmem_shared>> -> memref<10240x128xf32, #tpu.memory_space<vmem_shared>>
        %dma_wait3A_1329 = tpu.memref_slice %arg12[%rem3A_1270] : memref<4x!tpu.dma_semaphore, #tpu.memory_space<semaphore_mem>> -> memref<1x!tpu.dma_semaphore, #tpu.memory_space<semaphore_mem>>
        %dma_wait3A_1330 = tpu.memref_squeeze %dma_wait3A_1329 : memref<1x!tpu.dma_semaphore, #tpu.memory_space<semaphore_mem>> -> memref<!tpu.dma_semaphore, #tpu.memory_space<semaphore_mem>>
        tpu.wait_indirect_dma semaphore(%dma_wait3A_1330 : memref<!tpu.dma_semaphore, #tpu.memory_space<semaphore_mem>>) src(%dma_wait3A_1322 : memref<64x128xf32, #tpu.memory_space<vmem>>) dst(%dma_wait3A_1328 : memref<10240x128xf32, #tpu.memory_space<vmem_shared>>)
      } else {
      }
      %rem3A_1274 = arith.constant 16 : i32
      %rem3A_1275 = arith.remsi %scan3A_1264, %rem3A_1274 : i32
      %eq3A = arith.constant 0 : i32
      %eq3A_1276 = arith.cmpi eq, %rem3A_1275, %eq3A : i32
      %convert_element_type3A_1277 = arith.extui %eq3A_1276 : i1 to i32
      %cond3A_1278 = arith.constant 0 : i32
      %cond3A_1279 = arith.cmpi ne, %convert_element_type3A_1277, %cond3A_1278 : i32
      scf.if %cond3A_1279 {
        %div3A_1317 = arith.constant 16 : i32
        %div3A_1318 = arith.divsi %scan3A_1264, %div3A_1317 : i32
        %add3A_1319 = arith.constant 2 : i32
        %add3A_1320 = arith.addi %div3A_1318, %add3A_1319 : i32
        %lt3A_1321 = arith.constant 20 : i32
        %lt3A_1322 = arith.cmpi slt, %add3A_1320, %lt3A_1321 : i32
        %convert_element_type3A_1323 = arith.extui %lt3A_1322 : i1 to i32
        %cond3A_1324 = arith.constant 0 : i32
        %cond3A_1325 = arith.cmpi ne, %convert_element_type3A_1323, %cond3A_1324 : i32
        scf.if %cond3A_1325 {
          %add3A_1333 = arith.constant 2 : i32
          %add3A_1334 = arith.addi %div3A_1318, %add3A_1333 : i32
          %add3A_1335 = arith.constant 2 : i32
          %add3A_1336 = arith.addi %div3A_1318, %add3A_1335 : i32
          %rem3A_1337 = arith.constant 3 : i32
          %rem3A_1338 = arith.remsi %add3A_1336, %rem3A_1337 : i32
          %mul3A_1339 = arith.constant 16 : i32
          %mul3A_1340 = arith.muli %add3A_1334, %mul3A_1339 : i32
          %add3A_1341 = arith.addi %mul3A_2, %mul3A_1340 : i32
          %dma_start3A_1342 = arith.constant 0 : i32
          %dma_start3A_1343 = arith.constant 0 : i32
          %dma_start3A_1344 = tpu.memref_slice %arg7[%rem3A_1338, %dma_start3A_1342, %dma_start3A_1343] : memref<3x16x64xi32, #tpu.memory_space<vmem>> -> memref<1x16x64xi32, #tpu.memory_space<vmem>>
          %dma_start3A_1345 = tpu.memref_squeeze %dma_start3A_1344 : memref<1x16x64xi32, #tpu.memory_space<vmem>> -> memref<16x64xi32, #tpu.memory_space<vmem>>
          %dma_start3A_1346 = arith.constant 0 : i32
          %dma_start3A_1347 = tpu.memref_slice %arg3[%add3A_1341, %dma_start3A_1346] : memref<5120x64xi32, #tpu.memory_space<hbm>> -> memref<16x64xi32, #tpu.memory_space<hbm>>
          %dma_start3A_1348 = tpu.memref_slice %arg13[%rem3A_1338] : memref<3x!tpu.dma_semaphore, #tpu.memory_space<semaphore_mem>> -> memref<1x!tpu.dma_semaphore, #tpu.memory_space<semaphore_mem>>
          %dma_start3A_1349 = tpu.memref_squeeze %dma_start3A_1348 : memref<1x!tpu.dma_semaphore, #tpu.memory_space<semaphore_mem>> -> memref<!tpu.dma_semaphore, #tpu.memory_space<semaphore_mem>>
          %dma_start3A_1350 = arith.constant 0 : i32
          %dma_start3A_1351 = arith.constant 0 : i32
          %dma_start3A_1352 = tpu.memref_slice %arg7[%rem3A_1338, %dma_start3A_1350, %dma_start3A_1351] : memref<3x16x64xi32, #tpu.memory_space<vmem>> -> memref<1x16x64xi32, #tpu.memory_space<vmem>>
          %dma_start3A_1353 = tpu.memref_squeeze %dma_start3A_1352 : memref<1x16x64xi32, #tpu.memory_space<vmem>> -> memref<16x64xi32, #tpu.memory_space<vmem>>
          %dma_start3A_1354 = arith.constant 0 : i32
          %dma_start3A_1355 = tpu.memref_slice %arg3[%add3A_1341, %dma_start3A_1354] : memref<5120x64xi32, #tpu.memory_space<hbm>> -> memref<16x64xi32, #tpu.memory_space<hbm>>
          tpu.enqueue_dma source(%dma_start3A_1355 : memref<16x64xi32, #tpu.memory_space<hbm>>) target(%dma_start3A_1353 : memref<16x64xi32, #tpu.memory_space<vmem>>) target_semaphore(%dma_start3A_1349 : memref<!tpu.dma_semaphore, #tpu.memory_space<semaphore_mem>>)
          %dma_start3A_1356 = arith.constant 0 : i32
          %dma_start3A_1357 = arith.constant 0 : i32
          %dma_start3A_1358 = tpu.memref_slice %arg8[%rem3A_1338, %dma_start3A_1356, %dma_start3A_1357] : memref<3x16x64xi32, #tpu.memory_space<vmem>> -> memref<1x16x64xi32, #tpu.memory_space<vmem>>
          %dma_start3A_1359 = tpu.memref_squeeze %dma_start3A_1358 : memref<1x16x64xi32, #tpu.memory_space<vmem>> -> memref<16x64xi32, #tpu.memory_space<vmem>>
          %dma_start3A_1360 = arith.constant 0 : i32
          %dma_start3A_1361 = tpu.memref_slice %arg4[%add3A_1341, %dma_start3A_1360] : memref<5120x64xi32, #tpu.memory_space<hbm>> -> memref<16x64xi32, #tpu.memory_space<hbm>>
          %dma_start3A_1362 = tpu.memref_slice %arg13[%rem3A_1338] : memref<3x!tpu.dma_semaphore, #tpu.memory_space<semaphore_mem>> -> memref<1x!tpu.dma_semaphore, #tpu.memory_space<semaphore_mem>>
          %dma_start3A_1363 = tpu.memref_squeeze %dma_start3A_1362 : memref<1x!tpu.dma_semaphore, #tpu.memory_space<semaphore_mem>> -> memref<!tpu.dma_semaphore, #tpu.memory_space<semaphore_mem>>
          %dma_start3A_1364 = arith.constant 0 : i32
          %dma_start3A_1365 = arith.constant 0 : i32
          %dma_start3A_1366 = tpu.memref_slice %arg8[%rem3A_1338, %dma_start3A_1364, %dma_start3A_1365] : memref<3x16x64xi32, #tpu.memory_space<vmem>> -> memref<1x16x64xi32, #tpu.memory_space<vmem>>
          %dma_start3A_1367 = tpu.memref_squeeze %dma_start3A_1366 : memref<1x16x64xi32, #tpu.memory_space<vmem>> -> memref<16x64xi32, #tpu.memory_space<vmem>>
          %dma_start3A_1368 = arith.constant 0 : i32
          %dma_start3A_1369 = tpu.memref_slice %arg4[%add3A_1341, %dma_start3A_1368] : memref<5120x64xi32, #tpu.memory_space<hbm>> -> memref<16x64xi32, #tpu.memory_space<hbm>>
          tpu.enqueue_dma source(%dma_start3A_1369 : memref<16x64xi32, #tpu.memory_space<hbm>>) target(%dma_start3A_1367 : memref<16x64xi32, #tpu.memory_space<vmem>>) target_semaphore(%dma_start3A_1363 : memref<!tpu.dma_semaphore, #tpu.memory_space<semaphore_mem>>)
        } else {
        }
        %add3A_1326 = arith.constant 1 : i32
        %add3A_1327 = arith.addi %div3A_1318, %add3A_1326 : i32
        %lt3A_1328 = arith.constant 20 : i32
        %lt3A_1329 = arith.cmpi slt, %add3A_1327, %lt3A_1328 : i32
        %convert_element_type3A_1330 = arith.extui %lt3A_1329 : i1 to i32
        %cond3A_1331 = arith.constant 0 : i32
        %cond3A_1332 = arith.cmpi ne, %convert_element_type3A_1330, %cond3A_1331 : i32
        scf.if %cond3A_1332 {
          %add3A_1333 = arith.constant 1 : i32
          %add3A_1334 = arith.addi %div3A_1318, %add3A_1333 : i32
          %rem3A_1335 = arith.constant 3 : i32
          %rem3A_1336 = arith.remsi %add3A_1334, %rem3A_1335 : i32
          %dma_wait3A_1337 = arith.constant 0 : i32
          %dma_wait3A_1338 = arith.constant 0 : i32
          %dma_wait3A_1339 = tpu.memref_slice %arg7[%rem3A_1336, %dma_wait3A_1337, %dma_wait3A_1338] : memref<3x16x64xi32, #tpu.memory_space<vmem>> -> memref<1x16x64xi32, #tpu.memory_space<vmem>>
          %dma_wait3A_1340 = tpu.memref_squeeze %dma_wait3A_1339 : memref<1x16x64xi32, #tpu.memory_space<vmem>> -> memref<16x64xi32, #tpu.memory_space<vmem>>
          %dma_wait3A_1341 = arith.constant 0 : i32
          %dma_wait3A_1342 = tpu.memref_slice %arg3[%mul3A_2, %dma_wait3A_1341] : memref<5120x64xi32, #tpu.memory_space<hbm>> -> memref<16x64xi32, #tpu.memory_space<hbm>>
          %dma_wait3A_1343 = tpu.memref_slice %arg13[%rem3A_1336] : memref<3x!tpu.dma_semaphore, #tpu.memory_space<semaphore_mem>> -> memref<1x!tpu.dma_semaphore, #tpu.memory_space<semaphore_mem>>
          %dma_wait3A_1344 = tpu.memref_squeeze %dma_wait3A_1343 : memref<1x!tpu.dma_semaphore, #tpu.memory_space<semaphore_mem>> -> memref<!tpu.dma_semaphore, #tpu.memory_space<semaphore_mem>>
          %dma_wait3A_1345 = arith.constant 0 : i32
          %dma_wait3A_1346 = arith.constant 0 : i32
          %dma_wait3A_1347 = tpu.memref_slice %arg7[%rem3A_1336, %dma_wait3A_1345, %dma_wait3A_1346] : memref<3x16x64xi32, #tpu.memory_space<vmem>> -> memref<1x16x64xi32, #tpu.memory_space<vmem>>
          %dma_wait3A_1348 = tpu.memref_squeeze %dma_wait3A_1347 : memref<1x16x64xi32, #tpu.memory_space<vmem>> -> memref<16x64xi32, #tpu.memory_space<vmem>>
          %dma_wait3A_1349 = arith.constant 0 : i32
          %dma_wait3A_1350 = tpu.memref_slice %arg3[%mul3A_2, %dma_wait3A_1349] : memref<5120x64xi32, #tpu.memory_space<hbm>> -> memref<16x64xi32, #tpu.memory_space<hbm>>
          tpu.wait_dma2 semaphore(%dma_wait3A_1344 : memref<!tpu.dma_semaphore, #tpu.memory_space<semaphore_mem>>) src(%dma_wait3A_1350 : memref<16x64xi32, #tpu.memory_space<hbm>>) dst(%dma_wait3A_1348 : memref<16x64xi32, #tpu.memory_space<vmem>>)
          %dma_wait3A_1351 = arith.constant 0 : i32
          %dma_wait3A_1352 = arith.constant 0 : i32
          %dma_wait3A_1353 = tpu.memref_slice %arg8[%rem3A_1336, %dma_wait3A_1351, %dma_wait3A_1352] : memref<3x16x64xi32, #tpu.memory_space<vmem>> -> memref<1x16x64xi32, #tpu.memory_space<vmem>>
          %dma_wait3A_1354 = tpu.memref_squeeze %dma_wait3A_1353 : memref<1x16x64xi32, #tpu.memory_space<vmem>> -> memref<16x64xi32, #tpu.memory_space<vmem>>
          %dma_wait3A_1355 = arith.constant 0 : i32
          %dma_wait3A_1356 = tpu.memref_slice %arg4[%mul3A_2, %dma_wait3A_1355] : memref<5120x64xi32, #tpu.memory_space<hbm>> -> memref<16x64xi32, #tpu.memory_space<hbm>>
          %dma_wait3A_1357 = tpu.memref_slice %arg13[%rem3A_1336] : memref<3x!tpu.dma_semaphore, #tpu.memory_space<semaphore_mem>> -> memref<1x!tpu.dma_semaphore, #tpu.memory_space<semaphore_mem>>
          %dma_wait3A_1358 = tpu.memref_squeeze %dma_wait3A_1357 : memref<1x!tpu.dma_semaphore, #tpu.memory_space<semaphore_mem>> -> memref<!tpu.dma_semaphore, #tpu.memory_space<semaphore_mem>>
          %dma_wait3A_1359 = arith.constant 0 : i32
          %dma_wait3A_1360 = arith.constant 0 : i32
          %dma_wait3A_1361 = tpu.memref_slice %arg8[%rem3A_1336, %dma_wait3A_1359, %dma_wait3A_1360] : memref<3x16x64xi32, #tpu.memory_space<vmem>> -> memref<1x16x64xi32, #tpu.memory_space<vmem>>
          %dma_wait3A_1362 = tpu.memref_squeeze %dma_wait3A_1361 : memref<1x16x64xi32, #tpu.memory_space<vmem>> -> memref<16x64xi32, #tpu.memory_space<vmem>>
          %dma_wait3A_1363 = arith.constant 0 : i32
          %dma_wait3A_1364 = tpu.memref_slice %arg4[%mul3A_2, %dma_wait3A_1363] : memref<5120x64xi32, #tpu.memory_space<hbm>> -> memref<16x64xi32, #tpu.memory_space<hbm>>
          tpu.wait_dma2 semaphore(%dma_wait3A_1358 : memref<!tpu.dma_semaphore, #tpu.memory_space<semaphore_mem>>) src(%dma_wait3A_1364 : memref<16x64xi32, #tpu.memory_space<hbm>>) dst(%dma_wait3A_1362 : memref<16x64xi32, #tpu.memory_space<vmem>>)
          %get3A_1365 = arith.constant 0 : i32
          %get3A_1366 = arith.index_cast %rem3A_1336 : i32 to index
          %get3A_1367 = arith.index_cast %get3A_1365 : i32 to index
          %get3A_1368 = arith.constant 0 : index
          %get3A_1369 = tpu.vector_load %arg7[%get3A_1366, %get3A_1367, %get3A_1368] {strides = array<i32>} : memref<3x16x64xi32, #tpu.memory_space<vmem>>, vector<1x1x16xi32>,
          %get3A_1370 = vector.shape_cast %get3A_1369 : vector<1x1x16xi32> to vector<16xi32>
          %add3A_1371 = arith.addi %get3A_1370, %mul3A_7 : vector<16xi32>
          %swap3A_1372 = arith.constant 0 : i32
          %swap3A_1373 = arith.index_cast %rem3A_1336 : i32 to index
          %swap3A_1374 = arith.index_cast %swap3A_1372 : i32 to index
          %swap3A_1375 = arith.constant 0 : index
          %swap3A_1376 = tpu.vector_load %arg7[%swap3A_1373, %swap3A_1374, %swap3A_1375] {strides = array<i32>} : memref<3x16x64xi32, #tpu.memory_space<vmem>>, vector<1x1x16xi32>,
          %swap3A_1377 = vector.shape_cast %swap3A_1376 : vector<1x1x16xi32> to vector<16xi32>
          %swap3A_1378 = vector.shape_cast %add3A_1371 : vector<16xi32> to vector<1x1x16xi32>
          tpu.vector_store %arg7[%swap3A_1373, %swap3A_1374, %swap3A_1375], %swap3A_1378 {strides = array<i32>} : memref<3x16x64xi32, #tpu.memory_space<vmem>>, vector<1x1x16xi32>,
          %get3A_1379 = arith.constant 0 : i32
          %get3A_1380 = arith.index_cast %rem3A_1336 : i32 to index
          %get3A_1381 = arith.index_cast %get3A_1379 : i32 to index
          %get3A_1382 = arith.constant 16 : index
          %get3A_1383 = tpu.vector_load %arg7[%get3A_1380, %get3A_1381, %get3A_1382] {strides = array<i32>} : memref<3x16x64xi32, #tpu.memory_space<vmem>>, vector<1x1x16xi32>,
          %get3A_1384 = vector.shape_cast %get3A_1383 : vector<1x1x16xi32> to vector<16xi32>
          %add3A_1385 = arith.addi %get3A_1384, %mul3A_7 : vector<16xi32>
          %swap3A_1386 = arith.constant 0 : i32
          %swap3A_1387 = arith.index_cast %rem3A_1336 : i32 to index
          %swap3A_1388 = arith.index_cast %swap3A_1386 : i32 to index
          %swap3A_1389 = arith.constant 16 : index
          %swap3A_1390 = tpu.vector_load %arg7[%swap3A_1387, %swap3A_1388, %swap3A_1389] {strides = array<i32>} : memref<3x16x64xi32, #tpu.memory_space<vmem>>, vector<1x1x16xi32>,
          %swap3A_1391 = vector.shape_cast %swap3A_1390 : vector<1x1x16xi32> to vector<16xi32>
          %swap3A_1392 = vector.shape_cast %add3A_1385 : vector<16xi32> to vector<1x1x16xi32>
          tpu.vector_store %arg7[%swap3A_1387, %swap3A_1388, %swap3A_1389], %swap3A_1392 {strides = array<i32>} : memref<3x16x64xi32, #tpu.memory_space<vmem>>, vector<1x1x16xi32>,
          %get3A_1393 = arith.constant 0 : i32
          %get3A_1394 = arith.index_cast %rem3A_1336 : i32 to index
          %get3A_1395 = arith.index_cast %get3A_1393 : i32 to index
          %get3A_1396 = arith.constant 32 : index
          %get3A_1397 = tpu.vector_load %arg7[%get3A_1394, %get3A_1395, %get3A_1396] {strides = array<i32>} : memref<3x16x64xi32, #tpu.memory_space<vmem>>, vector<1x1x16xi32>,
          %get3A_1398 = vector.shape_cast %get3A_1397 : vector<1x1x16xi32> to vector<16xi32>
          %add3A_1399 = arith.addi %get3A_1398, %mul3A_7 : vector<16xi32>
          %swap3A_1400 = arith.constant 0 : i32
          %swap3A_1401 = arith.index_cast %rem3A_1336 : i32 to index
          %swap3A_1402 = arith.index_cast %swap3A_1400 : i32 to index
          %swap3A_1403 = arith.constant 32 : index
          %swap3A_1404 = tpu.vector_load %arg7[%swap3A_1401, %swap3A_1402, %swap3A_1403] {strides = array<i32>} : memref<3x16x64xi32, #tpu.memory_space<vmem>>, vector<1x1x16xi32>,
          %swap3A_1405 = vector.shape_cast %swap3A_1404 : vector<1x1x16xi32> to vector<16xi32>
          %swap3A_1406 = vector.shape_cast %add3A_1399 : vector<16xi32> to vector<1x1x16xi32>
          tpu.vector_store %arg7[%swap3A_1401, %swap3A_1402, %swap3A_1403], %swap3A_1406 {strides = array<i32>} : memref<3x16x64xi32, #tpu.memory_space<vmem>>, vector<1x1x16xi32>,
          %get3A_1407 = arith.constant 0 : i32
          %get3A_1408 = arith.index_cast %rem3A_1336 : i32 to index
          %get3A_1409 = arith.index_cast %get3A_1407 : i32 to index
          %get3A_1410 = arith.constant 48 : index
          %get3A_1411 = tpu.vector_load %arg7[%get3A_1408, %get3A_1409, %get3A_1410] {strides = array<i32>} : memref<3x16x64xi32, #tpu.memory_space<vmem>>, vector<1x1x16xi32>,
          %get3A_1412 = vector.shape_cast %get3A_1411 : vector<1x1x16xi32> to vector<16xi32>
          %add3A_1413 = arith.addi %get3A_1412, %mul3A_7 : vector<16xi32>
          %swap3A_1414 = arith.constant 0 : i32
          %swap3A_1415 = arith.index_cast %rem3A_1336 : i32 to index
          %swap3A_1416 = arith.index_cast %swap3A_1414 : i32 to index
          %swap3A_1417 = arith.constant 48 : index
          %swap3A_1418 = tpu.vector_load %arg7[%swap3A_1415, %swap3A_1416, %swap3A_1417] {strides = array<i32>} : memref<3x16x64xi32, #tpu.memory_space<vmem>>, vector<1x1x16xi32>,
          %swap3A_1419 = vector.shape_cast %swap3A_1418 : vector<1x1x16xi32> to vector<16xi32>
          %swap3A_1420 = vector.shape_cast %add3A_1413 : vector<16xi32> to vector<1x1x16xi32>
          tpu.vector_store %arg7[%swap3A_1415, %swap3A_1416, %swap3A_1417], %swap3A_1420 {strides = array<i32>} : memref<3x16x64xi32, #tpu.memory_space<vmem>>, vector<1x1x16xi32>,
          %get3A_1421 = arith.constant 1 : i32
          %get3A_1422 = arith.index_cast %rem3A_1336 : i32 to index
          %get3A_1423 = arith.index_cast %get3A_1421 : i32 to index
          %get3A_1424 = arith.constant 0 : index
          %get3A_1425 = tpu.vector_load %arg7[%get3A_1422, %get3A_1423, %get3A_1424] {strides = array<i32>} : memref<3x16x64xi32, #tpu.memory_space<vmem>>, vector<1x1x16xi32>,
          %get3A_1426 = vector.shape_cast %get3A_1425 : vector<1x1x16xi32> to vector<16xi32>
          %add3A_1427 = arith.addi %get3A_1426, %mul3A_7 : vector<16xi32>
          %swap3A_1428 = arith.constant 1 : i32
          %swap3A_1429 = arith.index_cast %rem3A_1336 : i32 to index
          %swap3A_1430 = arith.index_cast %swap3A_1428 : i32 to index
          %swap3A_1431 = arith.constant 0 : index
          %swap3A_1432 = tpu.vector_load %arg7[%swap3A_1429, %swap3A_1430, %swap3A_1431] {strides = array<i32>} : memref<3x16x64xi32, #tpu.memory_space<vmem>>, vector<1x1x16xi32>,
          %swap3A_1433 = vector.shape_cast %swap3A_1432 : vector<1x1x16xi32> to vector<16xi32>
          %swap3A_1434 = vector.shape_cast %add3A_1427 : vector<16xi32> to vector<1x1x16xi32>
          tpu.vector_store %arg7[%swap3A_1429, %swap3A_1430, %swap3A_1431], %swap3A_1434 {strides = array<i32>} : memref<3x16x64xi32, #tpu.memory_space<vmem>>, vector<1x1x16xi32>,
          %get3A_1435 = arith.constant 1 : i32
          %get3A_1436 = arith.index_cast %rem3A_1336 : i32 to index
          %get3A_1437 = arith.index_cast %get3A_1435 : i32 to index
          %get3A_1438 = arith.constant 16 : index
          %get3A_1439 = tpu.vector_load %arg7[%get3A_1436, %get3A_1437, %get3A_1438] {strides = array<i32>} : memref<3x16x64xi32, #tpu.memory_space<vmem>>, vector<1x1x16xi32>,
          %get3A_1440 = vector.shape_cast %get3A_1439 : vector<1x1x16xi32> to vector<16xi32>
          %add3A_1441 = arith.addi %get3A_1440, %mul3A_7 : vector<16xi32>
          %swap3A_1442 = arith.constant 1 : i32
          %swap3A_1443 = arith.index_cast %rem3A_1336 : i32 to index
          %swap3A_1444 = arith.index_cast %swap3A_1442 : i32 to index
          %swap3A_1445 = arith.constant 16 : index
          %swap3A_1446 = tpu.vector_load %arg7[%swap3A_1443, %swap3A_1444, %swap3A_1445] {strides = array<i32>} : memref<3x16x64xi32, #tpu.memory_space<vmem>>, vector<1x1x16xi32>,
          %swap3A_1447 = vector.shape_cast %swap3A_1446 : vector<1x1x16xi32> to vector<16xi32>
          %swap3A_1448 = vector.shape_cast %add3A_1441 : vector<16xi32> to vector<1x1x16xi32>
          tpu.vector_store %arg7[%swap3A_1443, %swap3A_1444, %swap3A_1445], %swap3A_1448 {strides = array<i32>} : memref<3x16x64xi32, #tpu.memory_space<vmem>>, vector<1x1x16xi32>,
          %get3A_1449 = arith.constant 1 : i32
          %get3A_1450 = arith.index_cast %rem3A_1336 : i32 to index
          %get3A_1451 = arith.index_cast %get3A_1449 : i32 to index
          %get3A_1452 = arith.constant 32 : index
          %get3A_1453 = tpu.vector_load %arg7[%get3A_1450, %get3A_1451, %get3A_1452] {strides = array<i32>} : memref<3x16x64xi32, #tpu.memory_space<vmem>>, vector<1x1x16xi32>,
          %get3A_1454 = vector.shape_cast %get3A_1453 : vector<1x1x16xi32> to vector<16xi32>
          %add3A_1455 = arith.addi %get3A_1454, %mul3A_7 : vector<16xi32>
          %swap3A_1456 = arith.constant 1 : i32
          %swap3A_1457 = arith.index_cast %rem3A_1336 : i32 to index
          %swap3A_1458 = arith.index_cast %swap3A_1456 : i32 to index
          %swap3A_1459 = arith.constant 32 : index
          %swap3A_1460 = tpu.vector_load %arg7[%swap3A_1457, %swap3A_1458, %swap3A_1459] {strides = array<i32>} : memref<3x16x64xi32, #tpu.memory_space<vmem>>, vector<1x1x16xi32>,
          %swap3A_1461 = vector.shape_cast %swap3A_1460 : vector<1x1x16xi32> to vector<16xi32>
          %swap3A_1462 = vector.shape_cast %add3A_1455 : vector<16xi32> to vector<1x1x16xi32>
          tpu.vector_store %arg7[%swap3A_1457, %swap3A_1458, %swap3A_1459], %swap3A_1462 {strides = array<i32>} : memref<3x16x64xi32, #tpu.memory_space<vmem>>, vector<1x1x16xi32>,
          %get3A_1463 = arith.constant 1 : i32
          %get3A_1464 = arith.index_cast %rem3A_1336 : i32 to index
          %get3A_1465 = arith.index_cast %get3A_1463 : i32 to index
          %get3A_1466 = arith.constant 48 : index
          %get3A_1467 = tpu.vector_load %arg7[%get3A_1464, %get3A_1465, %get3A_1466] {strides = array<i32>} : memref<3x16x64xi32, #tpu.memory_space<vmem>>, vector<1x1x16xi32>,
          %get3A_1468 = vector.shape_cast %get3A_1467 : vector<1x1x16xi32> to vector<16xi32>
          %add3A_1469 = arith.addi %get3A_1468, %mul3A_7 : vector<16xi32>
          %swap3A_1470 = arith.constant 1 : i32
          %swap3A_1471 = arith.index_cast %rem3A_1336 : i32 to index
          %swap3A_1472 = arith.index_cast %swap3A_1470 : i32 to index
          %swap3A_1473 = arith.constant 48 : index
          %swap3A_1474 = tpu.vector_load %arg7[%swap3A_1471, %swap3A_1472, %swap3A_1473] {strides = array<i32>} : memref<3x16x64xi32, #tpu.memory_space<vmem>>, vector<1x1x16xi32>,
          %swap3A_1475 = vector.shape_cast %swap3A_1474 : vector<1x1x16xi32> to vector<16xi32>
          %swap3A_1476 = vector.shape_cast %add3A_1469 : vector<16xi32> to vector<1x1x16xi32>
          tpu.vector_store %arg7[%swap3A_1471, %swap3A_1472, %swap3A_1473], %swap3A_1476 {strides = array<i32>} : memref<3x16x64xi32, #tpu.memory_space<vmem>>, vector<1x1x16xi32>,
          %get3A_1477 = arith.constant 2 : i32
          %get3A_1478 = arith.index_cast %rem3A_1336 : i32 to index
          %get3A_1479 = arith.index_cast %get3A_1477 : i32 to index
          %get3A_1480 = arith.constant 0 : index
          %get3A_1481 = tpu.vector_load %arg7[%get3A_1478, %get3A_1479, %get3A_1480] {strides = array<i32>} : memref<3x16x64xi32, #tpu.memory_space<vmem>>, vector<1x1x16xi32>,
          %get3A_1482 = vector.shape_cast %get3A_1481 : vector<1x1x16xi32> to vector<16xi32>
          %add3A_1483 = arith.addi %get3A_1482, %mul3A_7 : vector<16xi32>
          %swap3A_1484 = arith.constant 2 : i32
          %swap3A_1485 = arith.index_cast %rem3A_1336 : i32 to index
          %swap3A_1486 = arith.index_cast %swap3A_1484 : i32 to index
          %swap3A_1487 = arith.constant 0 : index
          %swap3A_1488 = tpu.vector_load %arg7[%swap3A_1485, %swap3A_1486, %swap3A_1487] {strides = array<i32>} : memref<3x16x64xi32, #tpu.memory_space<vmem>>, vector<1x1x16xi32>,
          %swap3A_1489 = vector.shape_cast %swap3A_1488 : vector<1x1x16xi32> to vector<16xi32>
          %swap3A_1490 = vector.shape_cast %add3A_1483 : vector<16xi32> to vector<1x1x16xi32>
          tpu.vector_store %arg7[%swap3A_1485, %swap3A_1486, %swap3A_1487], %swap3A_1490 {strides = array<i32>} : memref<3x16x64xi32, #tpu.memory_space<vmem>>, vector<1x1x16xi32>,
          %get3A_1491 = arith.constant 2 : i32
          %get3A_1492 = arith.index_cast %rem3A_1336 : i32 to index
          %get3A_1493 = arith.index_cast %get3A_1491 : i32 to index
          %get3A_1494 = arith.constant 16 : index
          %get3A_1495 = tpu.vector_load %arg7[%get3A_1492, %get3A_1493, %get3A_1494] {strides = array<i32>} : memref<3x16x64xi32, #tpu.memory_space<vmem>>, vector<1x1x16xi32>,
          %get3A_1496 = vector.shape_cast %get3A_1495 : vector<1x1x16xi32> to vector<16xi32>
          %add3A_1497 = arith.addi %get3A_1496, %mul3A_7 : vector<16xi32>
          %swap3A_1498 = arith.constant 2 : i32
          %swap3A_1499 = arith.index_cast %rem3A_1336 : i32 to index
          %swap3A_1500 = arith.index_cast %swap3A_1498 : i32 to index
          %swap3A_1501 = arith.constant 16 : index
          %swap3A_1502 = tpu.vector_load %arg7[%swap3A_1499, %swap3A_1500, %swap3A_1501] {strides = array<i32>} : memref<3x16x64xi32, #tpu.memory_space<vmem>>, vector<1x1x16xi32>,
          %swap3A_1503 = vector.shape_cast %swap3A_1502 : vector<1x1x16xi32> to vector<16xi32>
          %swap3A_1504 = vector.shape_cast %add3A_1497 : vector<16xi32> to vector<1x1x16xi32>
          tpu.vector_store %arg7[%swap3A_1499, %swap3A_1500, %swap3A_1501], %swap3A_1504 {strides = array<i32>} : memref<3x16x64xi32, #tpu.memory_space<vmem>>, vector<1x1x16xi32>,
          %get3A_1505 = arith.constant 2 : i32
          %get3A_1506 = arith.index_cast %rem3A_1336 : i32 to index
          %get3A_1507 = arith.index_cast %get3A_1505 : i32 to index
          %get3A_1508 = arith.constant 32 : index
          %get3A_1509 = tpu.vector_load %arg7[%get3A_1506, %get3A_1507, %get3A_1508] {strides = array<i32>} : memref<3x16x64xi32, #tpu.memory_space<vmem>>, vector<1x1x16xi32>,
          %get3A_1510 = vector.shape_cast %get3A_1509 : vector<1x1x16xi32> to vector<16xi32>
          %add3A_1511 = arith.addi %get3A_1510, %mul3A_7 : vector<16xi32>
          %swap3A_1512 = arith.constant 2 : i32
          %swap3A_1513 = arith.index_cast %rem3A_1336 : i32 to index
          %swap3A_1514 = arith.index_cast %swap3A_1512 : i32 to index
          %swap3A_1515 = arith.constant 32 : index
          %swap3A_1516 = tpu.vector_load %arg7[%swap3A_1513, %swap3A_1514, %swap3A_1515] {strides = array<i32>} : memref<3x16x64xi32, #tpu.memory_space<vmem>>, vector<1x1x16xi32>,
          %swap3A_1517 = vector.shape_cast %swap3A_1516 : vector<1x1x16xi32> to vector<16xi32>
          %swap3A_1518 = vector.shape_cast %add3A_1511 : vector<16xi32> to vector<1x1x16xi32>
          tpu.vector_store %arg7[%swap3A_1513, %swap3A_1514, %swap3A_1515], %swap3A_1518 {strides = array<i32>} : memref<3x16x64xi32, #tpu.memory_space<vmem>>, vector<1x1x16xi32>,
          %get3A_1519 = arith.constant 2 : i32
          %get3A_1520 = arith.index_cast %rem3A_1336 : i32 to index
          %get3A_1521 = arith.index_cast %get3A_1519 : i32 to index
          %get3A_1522 = arith.constant 48 : index
          %get3A_1523 = tpu.vector_load %arg7[%get3A_1520, %get3A_1521, %get3A_1522] {strides = array<i32>} : memref<3x16x64xi32, #tpu.memory_space<vmem>>, vector<1x1x16xi32>,
          %get3A_1524 = vector.shape_cast %get3A_1523 : vector<1x1x16xi32> to vector<16xi32>
          %add3A_1525 = arith.addi %get3A_1524, %mul3A_7 : vector<16xi32>
          %swap3A_1526 = arith.constant 2 : i32
          %swap3A_1527 = arith.index_cast %rem3A_1336 : i32 to index
          %swap3A_1528 = arith.index_cast %swap3A_1526 : i32 to index
          %swap3A_1529 = arith.constant 48 : index
          %swap3A_1530 = tpu.vector_load %arg7[%swap3A_1527, %swap3A_1528, %swap3A_1529] {strides = array<i32>} : memref<3x16x64xi32, #tpu.memory_space<vmem>>, vector<1x1x16xi32>,
          %swap3A_1531 = vector.shape_cast %swap3A_1530 : vector<1x1x16xi32> to vector<16xi32>
          %swap3A_1532 = vector.shape_cast %add3A_1525 : vector<16xi32> to vector<1x1x16xi32>
          tpu.vector_store %arg7[%swap3A_1527, %swap3A_1528, %swap3A_1529], %swap3A_1532 {strides = array<i32>} : memref<3x16x64xi32, #tpu.memory_space<vmem>>, vector<1x1x16xi32>,
          %get3A_1533 = arith.constant 3 : i32
          %get3A_1534 = arith.index_cast %rem3A_1336 : i32 to index
          %get3A_1535 = arith.index_cast %get3A_1533 : i32 to index
          %get3A_1536 = arith.constant 0 : index
          %get3A_1537 = tpu.vector_load %arg7[%get3A_1534, %get3A_1535, %get3A_1536] {strides = array<i32>} : memref<3x16x64xi32, #tpu.memory_space<vmem>>, vector<1x1x16xi32>,
          %get3A_1538 = vector.shape_cast %get3A_1537 : vector<1x1x16xi32> to vector<16xi32>
          %add3A_1539 = arith.addi %get3A_1538, %mul3A_7 : vector<16xi32>
          %swap3A_1540 = arith.constant 3 : i32
          %swap3A_1541 = arith.index_cast %rem3A_1336 : i32 to index
          %swap3A_1542 = arith.index_cast %swap3A_1540 : i32 to index
          %swap3A_1543 = arith.constant 0 : index
          %swap3A_1544 = tpu.vector_load %arg7[%swap3A_1541, %swap3A_1542, %swap3A_1543] {strides = array<i32>} : memref<3x16x64xi32, #tpu.memory_space<vmem>>, vector<1x1x16xi32>,
          %swap3A_1545 = vector.shape_cast %swap3A_1544 : vector<1x1x16xi32> to vector<16xi32>
          %swap3A_1546 = vector.shape_cast %add3A_1539 : vector<16xi32> to vector<1x1x16xi32>
          tpu.vector_store %arg7[%swap3A_1541, %swap3A_1542, %swap3A_1543], %swap3A_1546 {strides = array<i32>} : memref<3x16x64xi32, #tpu.memory_space<vmem>>, vector<1x1x16xi32>,
          %get3A_1547 = arith.constant 3 : i32
          %get3A_1548 = arith.index_cast %rem3A_1336 : i32 to index
          %get3A_1549 = arith.index_cast %get3A_1547 : i32 to index
          %get3A_1550 = arith.constant 16 : index
          %get3A_1551 = tpu.vector_load %arg7[%get3A_1548, %get3A_1549, %get3A_1550] {strides = array<i32>} : memref<3x16x64xi32, #tpu.memory_space<vmem>>, vector<1x1x16xi32>,
          %get3A_1552 = vector.shape_cast %get3A_1551 : vector<1x1x16xi32> to vector<16xi32>
          %add3A_1553 = arith.addi %get3A_1552, %mul3A_7 : vector<16xi32>
          %swap3A_1554 = arith.constant 3 : i32
          %swap3A_1555 = arith.index_cast %rem3A_1336 : i32 to index
          %swap3A_1556 = arith.index_cast %swap3A_1554 : i32 to index
          %swap3A_1557 = arith.constant 16 : index
          %swap3A_1558 = tpu.vector_load %arg7[%swap3A_1555, %swap3A_1556, %swap3A_1557] {strides = array<i32>} : memref<3x16x64xi32, #tpu.memory_space<vmem>>, vector<1x1x16xi32>,
          %swap3A_1559 = vector.shape_cast %swap3A_1558 : vector<1x1x16xi32> to vector<16xi32>
          %swap3A_1560 = vector.shape_cast %add3A_1553 : vector<16xi32> to vector<1x1x16xi32>
          tpu.vector_store %arg7[%swap3A_1555, %swap3A_1556, %swap3A_1557], %swap3A_1560 {strides = array<i32>} : memref<3x16x64xi32, #tpu.memory_space<vmem>>, vector<1x1x16xi32>,
          %get3A_1561 = arith.constant 3 : i32
          %get3A_1562 = arith.index_cast %rem3A_1336 : i32 to index
          %get3A_1563 = arith.index_cast %get3A_1561 : i32 to index
          %get3A_1564 = arith.constant 32 : index
          %get3A_1565 = tpu.vector_load %arg7[%get3A_1562, %get3A_1563, %get3A_1564] {strides = array<i32>} : memref<3x16x64xi32, #tpu.memory_space<vmem>>, vector<1x1x16xi32>,
          %get3A_1566 = vector.shape_cast %get3A_1565 : vector<1x1x16xi32> to vector<16xi32>
          %add3A_1567 = arith.addi %get3A_1566, %mul3A_7 : vector<16xi32>
          %swap3A_1568 = arith.constant 3 : i32
          %swap3A_1569 = arith.index_cast %rem3A_1336 : i32 to index
          %swap3A_1570 = arith.index_cast %swap3A_1568 : i32 to index
          %swap3A_1571 = arith.constant 32 : index
          %swap3A_1572 = tpu.vector_load %arg7[%swap3A_1569, %swap3A_1570, %swap3A_1571] {strides = array<i32>} : memref<3x16x64xi32, #tpu.memory_space<vmem>>, vector<1x1x16xi32>,
          %swap3A_1573 = vector.shape_cast %swap3A_1572 : vector<1x1x16xi32> to vector<16xi32>
          %swap3A_1574 = vector.shape_cast %add3A_1567 : vector<16xi32> to vector<1x1x16xi32>
          tpu.vector_store %arg7[%swap3A_1569, %swap3A_1570, %swap3A_1571], %swap3A_1574 {strides = array<i32>} : memref<3x16x64xi32, #tpu.memory_space<vmem>>, vector<1x1x16xi32>,
          %get3A_1575 = arith.constant 3 : i32
          %get3A_1576 = arith.index_cast %rem3A_1336 : i32 to index
          %get3A_1577 = arith.index_cast %get3A_1575 : i32 to index
          %get3A_1578 = arith.constant 48 : index
          %get3A_1579 = tpu.vector_load %arg7[%get3A_1576, %get3A_1577, %get3A_1578] {strides = array<i32>} : memref<3x16x64xi32, #tpu.memory_space<vmem>>, vector<1x1x16xi32>,
          %get3A_1580 = vector.shape_cast %get3A_1579 : vector<1x1x16xi32> to vector<16xi32>
          %add3A_1581 = arith.addi %get3A_1580, %mul3A_7 : vector<16xi32>
          %swap3A_1582 = arith.constant 3 : i32
          %swap3A_1583 = arith.index_cast %rem3A_1336 : i32 to index
          %swap3A_1584 = arith.index_cast %swap3A_1582 : i32 to index
          %swap3A_1585 = arith.constant 48 : index
          %swap3A_1586 = tpu.vector_load %arg7[%swap3A_1583, %swap3A_1584, %swap3A_1585] {strides = array<i32>} : memref<3x16x64xi32, #tpu.memory_space<vmem>>, vector<1x1x16xi32>,
          %swap3A_1587 = vector.shape_cast %swap3A_1586 : vector<1x1x16xi32> to vector<16xi32>
          %swap3A_1588 = vector.shape_cast %add3A_1581 : vector<16xi32> to vector<1x1x16xi32>
          tpu.vector_store %arg7[%swap3A_1583, %swap3A_1584, %swap3A_1585], %swap3A_1588 {strides = array<i32>} : memref<3x16x64xi32, #tpu.memory_space<vmem>>, vector<1x1x16xi32>,
          %get3A_1589 = arith.constant 4 : i32
          %get3A_1590 = arith.index_cast %rem3A_1336 : i32 to index
          %get3A_1591 = arith.index_cast %get3A_1589 : i32 to index
          %get3A_1592 = arith.constant 0 : index
          %get3A_1593 = tpu.vector_load %arg7[%get3A_1590, %get3A_1591, %get3A_1592] {strides = array<i32>} : memref<3x16x64xi32, #tpu.memory_space<vmem>>, vector<1x1x16xi32>,
          %get3A_1594 = vector.shape_cast %get3A_1593 : vector<1x1x16xi32> to vector<16xi32>
          %add3A_1595 = arith.addi %get3A_1594, %mul3A_7 : vector<16xi32>
          %swap3A_1596 = arith.constant 4 : i32
          %swap3A_1597 = arith.index_cast %rem3A_1336 : i32 to index
          %swap3A_1598 = arith.index_cast %swap3A_1596 : i32 to index
          %swap3A_1599 = arith.constant 0 : index
          %swap3A_1600 = tpu.vector_load %arg7[%swap3A_1597, %swap3A_1598, %swap3A_1599] {strides = array<i32>} : memref<3x16x64xi32, #tpu.memory_space<vmem>>, vector<1x1x16xi32>,
          %swap3A_1601 = vector.shape_cast %swap3A_1600 : vector<1x1x16xi32> to vector<16xi32>
          %swap3A_1602 = vector.shape_cast %add3A_1595 : vector<16xi32> to vector<1x1x16xi32>
          tpu.vector_store %arg7[%swap3A_1597, %swap3A_1598, %swap3A_1599], %swap3A_1602 {strides = array<i32>} : memref<3x16x64xi32, #tpu.memory_space<vmem>>, vector<1x1x16xi32>,
          %get3A_1603 = arith.constant 4 : i32
          %get3A_1604 = arith.index_cast %rem3A_1336 : i32 to index
          %get3A_1605 = arith.index_cast %get3A_1603 : i32 to index
          %get3A_1606 = arith.constant 16 : index
          %get3A_1607 = tpu.vector_load %arg7[%get3A_1604, %get3A_1605, %get3A_1606] {strides = array<i32>} : memref<3x16x64xi32, #tpu.memory_space<vmem>>, vector<1x1x16xi32>,
          %get3A_1608 = vector.shape_cast %get3A_1607 : vector<1x1x16xi32> to vector<16xi32>
          %add3A_1609 = arith.addi %get3A_1608, %mul3A_7 : vector<16xi32>
          %swap3A_1610 = arith.constant 4 : i32
          %swap3A_1611 = arith.index_cast %rem3A_1336 : i32 to index
          %swap3A_1612 = arith.index_cast %swap3A_1610 : i32 to index
          %swap3A_1613 = arith.constant 16 : index
          %swap3A_1614 = tpu.vector_load %arg7[%swap3A_1611, %swap3A_1612, %swap3A_1613] {strides = array<i32>} : memref<3x16x64xi32, #tpu.memory_space<vmem>>, vector<1x1x16xi32>,
          %swap3A_1615 = vector.shape_cast %swap3A_1614 : vector<1x1x16xi32> to vector<16xi32>
          %swap3A_1616 = vector.shape_cast %add3A_1609 : vector<16xi32> to vector<1x1x16xi32>
          tpu.vector_store %arg7[%swap3A_1611, %swap3A_1612, %swap3A_1613], %swap3A_1616 {strides = array<i32>} : memref<3x16x64xi32, #tpu.memory_space<vmem>>, vector<1x1x16xi32>,
          %get3A_1617 = arith.constant 4 : i32
          %get3A_1618 = arith.index_cast %rem3A_1336 : i32 to index
          %get3A_1619 = arith.index_cast %get3A_1617 : i32 to index
          %get3A_1620 = arith.constant 32 : index
          %get3A_1621 = tpu.vector_load %arg7[%get3A_1618, %get3A_1619, %get3A_1620] {strides = array<i32>} : memref<3x16x64xi32, #tpu.memory_space<vmem>>, vector<1x1x16xi32>,
          %get3A_1622 = vector.shape_cast %get3A_1621 : vector<1x1x16xi32> to vector<16xi32>
          %add3A_1623 = arith.addi %get3A_1622, %mul3A_7 : vector<16xi32>
          %swap3A_1624 = arith.constant 4 : i32
          %swap3A_1625 = arith.index_cast %rem3A_1336 : i32 to index
          %swap3A_1626 = arith.index_cast %swap3A_1624 : i32 to index
          %swap3A_1627 = arith.constant 32 : index
          %swap3A_1628 = tpu.vector_load %arg7[%swap3A_1625, %swap3A_1626, %swap3A_1627] {strides = array<i32>} : memref<3x16x64xi32, #tpu.memory_space<vmem>>, vector<1x1x16xi32>,
          %swap3A_1629 = vector.shape_cast %swap3A_1628 : vector<1x1x16xi32> to vector<16xi32>
          %swap3A_1630 = vector.shape_cast %add3A_1623 : vector<16xi32> to vector<1x1x16xi32>
          tpu.vector_store %arg7[%swap3A_1625, %swap3A_1626, %swap3A_1627], %swap3A_1630 {strides = array<i32>} : memref<3x16x64xi32, #tpu.memory_space<vmem>>, vector<1x1x16xi32>,
          %get3A_1631 = arith.constant 4 : i32
          %get3A_1632 = arith.index_cast %rem3A_1336 : i32 to index
          %get3A_1633 = arith.index_cast %get3A_1631 : i32 to index
          %get3A_1634 = arith.constant 48 : index
          %get3A_1635 = tpu.vector_load %arg7[%get3A_1632, %get3A_1633, %get3A_1634] {strides = array<i32>} : memref<3x16x64xi32, #tpu.memory_space<vmem>>, vector<1x1x16xi32>,
          %get3A_1636 = vector.shape_cast %get3A_1635 : vector<1x1x16xi32> to vector<16xi32>
          %add3A_1637 = arith.addi %get3A_1636, %mul3A_7 : vector<16xi32>
          %swap3A_1638 = arith.constant 4 : i32
          %swap3A_1639 = arith.index_cast %rem3A_1336 : i32 to index
          %swap3A_1640 = arith.index_cast %swap3A_1638 : i32 to index
          %swap3A_1641 = arith.constant 48 : index
          %swap3A_1642 = tpu.vector_load %arg7[%swap3A_1639, %swap3A_1640, %swap3A_1641] {strides = array<i32>} : memref<3x16x64xi32, #tpu.memory_space<vmem>>, vector<1x1x16xi32>,
          %swap3A_1643 = vector.shape_cast %swap3A_1642 : vector<1x1x16xi32> to vector<16xi32>
          %swap3A_1644 = vector.shape_cast %add3A_1637 : vector<16xi32> to vector<1x1x16xi32>
          tpu.vector_store %arg7[%swap3A_1639, %swap3A_1640, %swap3A_1641], %swap3A_1644 {strides = array<i32>} : memref<3x16x64xi32, #tpu.memory_space<vmem>>, vector<1x1x16xi32>,
          %get3A_1645 = arith.constant 5 : i32
          %get3A_1646 = arith.index_cast %rem3A_1336 : i32 to index
          %get3A_1647 = arith.index_cast %get3A_1645 : i32 to index
          %get3A_1648 = arith.constant 0 : index
          %get3A_1649 = tpu.vector_load %arg7[%get3A_1646, %get3A_1647, %get3A_1648] {strides = array<i32>} : memref<3x16x64xi32, #tpu.memory_space<vmem>>, vector<1x1x16xi32>,
          %get3A_1650 = vector.shape_cast %get3A_1649 : vector<1x1x16xi32> to vector<16xi32>
          %add3A_1651 = arith.addi %get3A_1650, %mul3A_7 : vector<16xi32>
          %swap3A_1652 = arith.constant 5 : i32
          %swap3A_1653 = arith.index_cast %rem3A_1336 : i32 to index
          %swap3A_1654 = arith.index_cast %swap3A_1652 : i32 to index
          %swap3A_1655 = arith.constant 0 : index
          %swap3A_1656 = tpu.vector_load %arg7[%swap3A_1653, %swap3A_1654, %swap3A_1655] {strides = array<i32>} : memref<3x16x64xi32, #tpu.memory_space<vmem>>, vector<1x1x16xi32>,
          %swap3A_1657 = vector.shape_cast %swap3A_1656 : vector<1x1x16xi32> to vector<16xi32>
          %swap3A_1658 = vector.shape_cast %add3A_1651 : vector<16xi32> to vector<1x1x16xi32>
          tpu.vector_store %arg7[%swap3A_1653, %swap3A_1654, %swap3A_1655], %swap3A_1658 {strides = array<i32>} : memref<3x16x64xi32, #tpu.memory_space<vmem>>, vector<1x1x16xi32>,
          %get3A_1659 = arith.constant 5 : i32
          %get3A_1660 = arith.index_cast %rem3A_1336 : i32 to index
          %get3A_1661 = arith.index_cast %get3A_1659 : i32 to index
          %get3A_1662 = arith.constant 16 : index
          %get3A_1663 = tpu.vector_load %arg7[%get3A_1660, %get3A_1661, %get3A_1662] {strides = array<i32>} : memref<3x16x64xi32, #tpu.memory_space<vmem>>, vector<1x1x16xi32>,
          %get3A_1664 = vector.shape_cast %get3A_1663 : vector<1x1x16xi32> to vector<16xi32>
          %add3A_1665 = arith.addi %get3A_1664, %mul3A_7 : vector<16xi32>
          %swap3A_1666 = arith.constant 5 : i32
          %swap3A_1667 = arith.index_cast %rem3A_1336 : i32 to index
          %swap3A_1668 = arith.index_cast %swap3A_1666 : i32 to index
          %swap3A_1669 = arith.constant 16 : index
          %swap3A_1670 = tpu.vector_load %arg7[%swap3A_1667, %swap3A_1668, %swap3A_1669] {strides = array<i32>} : memref<3x16x64xi32, #tpu.memory_space<vmem>>, vector<1x1x16xi32>,
          %swap3A_1671 = vector.shape_cast %swap3A_1670 : vector<1x1x16xi32> to vector<16xi32>
          %swap3A_1672 = vector.shape_cast %add3A_1665 : vector<16xi32> to vector<1x1x16xi32>
          tpu.vector_store %arg7[%swap3A_1667, %swap3A_1668, %swap3A_1669], %swap3A_1672 {strides = array<i32>} : memref<3x16x64xi32, #tpu.memory_space<vmem>>, vector<1x1x16xi32>,
          %get3A_1673 = arith.constant 5 : i32
          %get3A_1674 = arith.index_cast %rem3A_1336 : i32 to index
          %get3A_1675 = arith.index_cast %get3A_1673 : i32 to index
          %get3A_1676 = arith.constant 32 : index
          %get3A_1677 = tpu.vector_load %arg7[%get3A_1674, %get3A_1675, %get3A_1676] {strides = array<i32>} : memref<3x16x64xi32, #tpu.memory_space<vmem>>, vector<1x1x16xi32>,
          %get3A_1678 = vector.shape_cast %get3A_1677 : vector<1x1x16xi32> to vector<16xi32>
          %add3A_1679 = arith.addi %get3A_1678, %mul3A_7 : vector<16xi32>
          %swap3A_1680 = arith.constant 5 : i32
          %swap3A_1681 = arith.index_cast %rem3A_1336 : i32 to index
          %swap3A_1682 = arith.index_cast %swap3A_1680 : i32 to index
          %swap3A_1683 = arith.constant 32 : index
          %swap3A_1684 = tpu.vector_load %arg7[%swap3A_1681, %swap3A_1682, %swap3A_1683] {strides = array<i32>} : memref<3x16x64xi32, #tpu.memory_space<vmem>>, vector<1x1x16xi32>,
          %swap3A_1685 = vector.shape_cast %swap3A_1684 : vector<1x1x16xi32> to vector<16xi32>
          %swap3A_1686 = vector.shape_cast %add3A_1679 : vector<16xi32> to vector<1x1x16xi32>
          tpu.vector_store %arg7[%swap3A_1681, %swap3A_1682, %swap3A_1683], %swap3A_1686 {strides = array<i32>} : memref<3x16x64xi32, #tpu.memory_space<vmem>>, vector<1x1x16xi32>,
          %get3A_1687 = arith.constant 5 : i32
          %get3A_1688 = arith.index_cast %rem3A_1336 : i32 to index
          %get3A_1689 = arith.index_cast %get3A_1687 : i32 to index
          %get3A_1690 = arith.constant 48 : index
          %get3A_1691 = tpu.vector_load %arg7[%get3A_1688, %get3A_1689, %get3A_1690] {strides = array<i32>} : memref<3x16x64xi32, #tpu.memory_space<vmem>>, vector<1x1x16xi32>,
          %get3A_1692 = vector.shape_cast %get3A_1691 : vector<1x1x16xi32> to vector<16xi32>
          %add3A_1693 = arith.addi %get3A_1692, %mul3A_7 : vector<16xi32>
          %swap3A_1694 = arith.constant 5 : i32
          %swap3A_1695 = arith.index_cast %rem3A_1336 : i32 to index
          %swap3A_1696 = arith.index_cast %swap3A_1694 : i32 to index
          %swap3A_1697 = arith.constant 48 : index
          %swap3A_1698 = tpu.vector_load %arg7[%swap3A_1695, %swap3A_1696, %swap3A_1697] {strides = array<i32>} : memref<3x16x64xi32, #tpu.memory_space<vmem>>, vector<1x1x16xi32>,
          %swap3A_1699 = vector.shape_cast %swap3A_1698 : vector<1x1x16xi32> to vector<16xi32>
          %swap3A_1700 = vector.shape_cast %add3A_1693 : vector<16xi32> to vector<1x1x16xi32>
          tpu.vector_store %arg7[%swap3A_1695, %swap3A_1696, %swap3A_1697], %swap3A_1700 {strides = array<i32>} : memref<3x16x64xi32, #tpu.memory_space<vmem>>, vector<1x1x16xi32>,
          %get3A_1701 = arith.constant 6 : i32
          %get3A_1702 = arith.index_cast %rem3A_1336 : i32 to index
          %get3A_1703 = arith.index_cast %get3A_1701 : i32 to index
          %get3A_1704 = arith.constant 0 : index
          %get3A_1705 = tpu.vector_load %arg7[%get3A_1702, %get3A_1703, %get3A_1704] {strides = array<i32>} : memref<3x16x64xi32, #tpu.memory_space<vmem>>, vector<1x1x16xi32>,
          %get3A_1706 = vector.shape_cast %get3A_1705 : vector<1x1x16xi32> to vector<16xi32>
          %add3A_1707 = arith.addi %get3A_1706, %mul3A_7 : vector<16xi32>
          %swap3A_1708 = arith.constant 6 : i32
          %swap3A_1709 = arith.index_cast %rem3A_1336 : i32 to index
          %swap3A_1710 = arith.index_cast %swap3A_1708 : i32 to index
          %swap3A_1711 = arith.constant 0 : index
          %swap3A_1712 = tpu.vector_load %arg7[%swap3A_1709, %swap3A_1710, %swap3A_1711] {strides = array<i32>} : memref<3x16x64xi32, #tpu.memory_space<vmem>>, vector<1x1x16xi32>,
          %swap3A_1713 = vector.shape_cast %swap3A_1712 : vector<1x1x16xi32> to vector<16xi32>
          %swap3A_1714 = vector.shape_cast %add3A_1707 : vector<16xi32> to vector<1x1x16xi32>
          tpu.vector_store %arg7[%swap3A_1709, %swap3A_1710, %swap3A_1711], %swap3A_1714 {strides = array<i32>} : memref<3x16x64xi32, #tpu.memory_space<vmem>>, vector<1x1x16xi32>,
          %get3A_1715 = arith.constant 6 : i32
          %get3A_1716 = arith.index_cast %rem3A_1336 : i32 to index
          %get3A_1717 = arith.index_cast %get3A_1715 : i32 to index
          %get3A_1718 = arith.constant 16 : index
          %get3A_1719 = tpu.vector_load %arg7[%get3A_1716, %get3A_1717, %get3A_1718] {strides = array<i32>} : memref<3x16x64xi32, #tpu.memory_space<vmem>>, vector<1x1x16xi32>,
          %get3A_1720 = vector.shape_cast %get3A_1719 : vector<1x1x16xi32> to vector<16xi32>
          %add3A_1721 = arith.addi %get3A_1720, %mul3A_7 : vector<16xi32>
          %swap3A_1722 = arith.constant 6 : i32
          %swap3A_1723 = arith.index_cast %rem3A_1336 : i32 to index
          %swap3A_1724 = arith.index_cast %swap3A_1722 : i32 to index
          %swap3A_1725 = arith.constant 16 : index
          %swap3A_1726 = tpu.vector_load %arg7[%swap3A_1723, %swap3A_1724, %swap3A_1725] {strides = array<i32>} : memref<3x16x64xi32, #tpu.memory_space<vmem>>, vector<1x1x16xi32>,
          %swap3A_1727 = vector.shape_cast %swap3A_1726 : vector<1x1x16xi32> to vector<16xi32>
          %swap3A_1728 = vector.shape_cast %add3A_1721 : vector<16xi32> to vector<1x1x16xi32>
          tpu.vector_store %arg7[%swap3A_1723, %swap3A_1724, %swap3A_1725], %swap3A_1728 {strides = array<i32>} : memref<3x16x64xi32, #tpu.memory_space<vmem>>, vector<1x1x16xi32>,
          %get3A_1729 = arith.constant 6 : i32
          %get3A_1730 = arith.index_cast %rem3A_1336 : i32 to index
          %get3A_1731 = arith.index_cast %get3A_1729 : i32 to index
          %get3A_1732 = arith.constant 32 : index
          %get3A_1733 = tpu.vector_load %arg7[%get3A_1730, %get3A_1731, %get3A_1732] {strides = array<i32>} : memref<3x16x64xi32, #tpu.memory_space<vmem>>, vector<1x1x16xi32>,
          %get3A_1734 = vector.shape_cast %get3A_1733 : vector<1x1x16xi32> to vector<16xi32>
          %add3A_1735 = arith.addi %get3A_1734, %mul3A_7 : vector<16xi32>
          %swap3A_1736 = arith.constant 6 : i32
          %swap3A_1737 = arith.index_cast %rem3A_1336 : i32 to index
          %swap3A_1738 = arith.index_cast %swap3A_1736 : i32 to index
          %swap3A_1739 = arith.constant 32 : index
          %swap3A_1740 = tpu.vector_load %arg7[%swap3A_1737, %swap3A_1738, %swap3A_1739] {strides = array<i32>} : memref<3x16x64xi32, #tpu.memory_space<vmem>>, vector<1x1x16xi32>,
          %swap3A_1741 = vector.shape_cast %swap3A_1740 : vector<1x1x16xi32> to vector<16xi32>
          %swap3A_1742 = vector.shape_cast %add3A_1735 : vector<16xi32> to vector<1x1x16xi32>
          tpu.vector_store %arg7[%swap3A_1737, %swap3A_1738, %swap3A_1739], %swap3A_1742 {strides = array<i32>} : memref<3x16x64xi32, #tpu.memory_space<vmem>>, vector<1x1x16xi32>,
          %get3A_1743 = arith.constant 6 : i32
          %get3A_1744 = arith.index_cast %rem3A_1336 : i32 to index
          %get3A_1745 = arith.index_cast %get3A_1743 : i32 to index
          %get3A_1746 = arith.constant 48 : index
          %get3A_1747 = tpu.vector_load %arg7[%get3A_1744, %get3A_1745, %get3A_1746] {strides = array<i32>} : memref<3x16x64xi32, #tpu.memory_space<vmem>>, vector<1x1x16xi32>,
          %get3A_1748 = vector.shape_cast %get3A_1747 : vector<1x1x16xi32> to vector<16xi32>
          %add3A_1749 = arith.addi %get3A_1748, %mul3A_7 : vector<16xi32>
          %swap3A_1750 = arith.constant 6 : i32
          %swap3A_1751 = arith.index_cast %rem3A_1336 : i32 to index
          %swap3A_1752 = arith.index_cast %swap3A_1750 : i32 to index
          %swap3A_1753 = arith.constant 48 : index
          %swap3A_1754 = tpu.vector_load %arg7[%swap3A_1751, %swap3A_1752, %swap3A_1753] {strides = array<i32>} : memref<3x16x64xi32, #tpu.memory_space<vmem>>, vector<1x1x16xi32>,
          %swap3A_1755 = vector.shape_cast %swap3A_1754 : vector<1x1x16xi32> to vector<16xi32>
          %swap3A_1756 = vector.shape_cast %add3A_1749 : vector<16xi32> to vector<1x1x16xi32>
          tpu.vector_store %arg7[%swap3A_1751, %swap3A_1752, %swap3A_1753], %swap3A_1756 {strides = array<i32>} : memref<3x16x64xi32, #tpu.memory_space<vmem>>, vector<1x1x16xi32>,
          %get3A_1757 = arith.constant 7 : i32
          %get3A_1758 = arith.index_cast %rem3A_1336 : i32 to index
          %get3A_1759 = arith.index_cast %get3A_1757 : i32 to index
          %get3A_1760 = arith.constant 0 : index
          %get3A_1761 = tpu.vector_load %arg7[%get3A_1758, %get3A_1759, %get3A_1760] {strides = array<i32>} : memref<3x16x64xi32, #tpu.memory_space<vmem>>, vector<1x1x16xi32>,
          %get3A_1762 = vector.shape_cast %get3A_1761 : vector<1x1x16xi32> to vector<16xi32>
          %add3A_1763 = arith.addi %get3A_1762, %mul3A_7 : vector<16xi32>
          %swap3A_1764 = arith.constant 7 : i32
          %swap3A_1765 = arith.index_cast %rem3A_1336 : i32 to index
          %swap3A_1766 = arith.index_cast %swap3A_1764 : i32 to index
          %swap3A_1767 = arith.constant 0 : index
          %swap3A_1768 = tpu.vector_load %arg7[%swap3A_1765, %swap3A_1766, %swap3A_1767] {strides = array<i32>} : memref<3x16x64xi32, #tpu.memory_space<vmem>>, vector<1x1x16xi32>,
          %swap3A_1769 = vector.shape_cast %swap3A_1768 : vector<1x1x16xi32> to vector<16xi32>
          %swap3A_1770 = vector.shape_cast %add3A_1763 : vector<16xi32> to vector<1x1x16xi32>
          tpu.vector_store %arg7[%swap3A_1765, %swap3A_1766, %swap3A_1767], %swap3A_1770 {strides = array<i32>} : memref<3x16x64xi32, #tpu.memory_space<vmem>>, vector<1x1x16xi32>,
          %get3A_1771 = arith.constant 7 : i32
          %get3A_1772 = arith.index_cast %rem3A_1336 : i32 to index
          %get3A_1773 = arith.index_cast %get3A_1771 : i32 to index
          %get3A_1774 = arith.constant 16 : index
          %get3A_1775 = tpu.vector_load %arg7[%get3A_1772, %get3A_1773, %get3A_1774] {strides = array<i32>} : memref<3x16x64xi32, #tpu.memory_space<vmem>>, vector<1x1x16xi32>,
          %get3A_1776 = vector.shape_cast %get3A_1775 : vector<1x1x16xi32> to vector<16xi32>
          %add3A_1777 = arith.addi %get3A_1776, %mul3A_7 : vector<16xi32>
          %swap3A_1778 = arith.constant 7 : i32
          %swap3A_1779 = arith.index_cast %rem3A_1336 : i32 to index
          %swap3A_1780 = arith.index_cast %swap3A_1778 : i32 to index
          %swap3A_1781 = arith.constant 16 : index
          %swap3A_1782 = tpu.vector_load %arg7[%swap3A_1779, %swap3A_1780, %swap3A_1781] {strides = array<i32>} : memref<3x16x64xi32, #tpu.memory_space<vmem>>, vector<1x1x16xi32>,
          %swap3A_1783 = vector.shape_cast %swap3A_1782 : vector<1x1x16xi32> to vector<16xi32>
          %swap3A_1784 = vector.shape_cast %add3A_1777 : vector<16xi32> to vector<1x1x16xi32>
          tpu.vector_store %arg7[%swap3A_1779, %swap3A_1780, %swap3A_1781], %swap3A_1784 {strides = array<i32>} : memref<3x16x64xi32, #tpu.memory_space<vmem>>, vector<1x1x16xi32>,
          %get3A_1785 = arith.constant 7 : i32
          %get3A_1786 = arith.index_cast %rem3A_1336 : i32 to index
          %get3A_1787 = arith.index_cast %get3A_1785 : i32 to index
          %get3A_1788 = arith.constant 32 : index
          %get3A_1789 = tpu.vector_load %arg7[%get3A_1786, %get3A_1787, %get3A_1788] {strides = array<i32>} : memref<3x16x64xi32, #tpu.memory_space<vmem>>, vector<1x1x16xi32>,
          %get3A_1790 = vector.shape_cast %get3A_1789 : vector<1x1x16xi32> to vector<16xi32>
          %add3A_1791 = arith.addi %get3A_1790, %mul3A_7 : vector<16xi32>
          %swap3A_1792 = arith.constant 7 : i32
          %swap3A_1793 = arith.index_cast %rem3A_1336 : i32 to index
          %swap3A_1794 = arith.index_cast %swap3A_1792 : i32 to index
          %swap3A_1795 = arith.constant 32 : index
          %swap3A_1796 = tpu.vector_load %arg7[%swap3A_1793, %swap3A_1794, %swap3A_1795] {strides = array<i32>} : memref<3x16x64xi32, #tpu.memory_space<vmem>>, vector<1x1x16xi32>,
          %swap3A_1797 = vector.shape_cast %swap3A_1796 : vector<1x1x16xi32> to vector<16xi32>
          %swap3A_1798 = vector.shape_cast %add3A_1791 : vector<16xi32> to vector<1x1x16xi32>
          tpu.vector_store %arg7[%swap3A_1793, %swap3A_1794, %swap3A_1795], %swap3A_1798 {strides = array<i32>} : memref<3x16x64xi32, #tpu.memory_space<vmem>>, vector<1x1x16xi32>,
          %get3A_1799 = arith.constant 7 : i32
          %get3A_1800 = arith.index_cast %rem3A_1336 : i32 to index
          %get3A_1801 = arith.index_cast %get3A_1799 : i32 to index
          %get3A_1802 = arith.constant 48 : index
          %get3A_1803 = tpu.vector_load %arg7[%get3A_1800, %get3A_1801, %get3A_1802] {strides = array<i32>} : memref<3x16x64xi32, #tpu.memory_space<vmem>>, vector<1x1x16xi32>,
          %get3A_1804 = vector.shape_cast %get3A_1803 : vector<1x1x16xi32> to vector<16xi32>
          %add3A_1805 = arith.addi %get3A_1804, %mul3A_7 : vector<16xi32>
          %swap3A_1806 = arith.constant 7 : i32
          %swap3A_1807 = arith.index_cast %rem3A_1336 : i32 to index
          %swap3A_1808 = arith.index_cast %swap3A_1806 : i32 to index
          %swap3A_1809 = arith.constant 48 : index
          %swap3A_1810 = tpu.vector_load %arg7[%swap3A_1807, %swap3A_1808, %swap3A_1809] {strides = array<i32>} : memref<3x16x64xi32, #tpu.memory_space<vmem>>, vector<1x1x16xi32>,
          %swap3A_1811 = vector.shape_cast %swap3A_1810 : vector<1x1x16xi32> to vector<16xi32>
          %swap3A_1812 = vector.shape_cast %add3A_1805 : vector<16xi32> to vector<1x1x16xi32>
          tpu.vector_store %arg7[%swap3A_1807, %swap3A_1808, %swap3A_1809], %swap3A_1812 {strides = array<i32>} : memref<3x16x64xi32, #tpu.memory_space<vmem>>, vector<1x1x16xi32>,
          %get3A_1813 = arith.constant 8 : i32
          %get3A_1814 = arith.index_cast %rem3A_1336 : i32 to index
          %get3A_1815 = arith.index_cast %get3A_1813 : i32 to index
          %get3A_1816 = arith.constant 0 : index
          %get3A_1817 = tpu.vector_load %arg7[%get3A_1814, %get3A_1815, %get3A_1816] {strides = array<i32>} : memref<3x16x64xi32, #tpu.memory_space<vmem>>, vector<1x1x16xi32>,
          %get3A_1818 = vector.shape_cast %get3A_1817 : vector<1x1x16xi32> to vector<16xi32>
          %add3A_1819 = arith.addi %get3A_1818, %mul3A_7 : vector<16xi32>
          %swap3A_1820 = arith.constant 8 : i32
          %swap3A_1821 = arith.index_cast %rem3A_1336 : i32 to index
          %swap3A_1822 = arith.index_cast %swap3A_1820 : i32 to index
          %swap3A_1823 = arith.constant 0 : index
          %swap3A_1824 = tpu.vector_load %arg7[%swap3A_1821, %swap3A_1822, %swap3A_1823] {strides = array<i32>} : memref<3x16x64xi32, #tpu.memory_space<vmem>>, vector<1x1x16xi32>,
          %swap3A_1825 = vector.shape_cast %swap3A_1824 : vector<1x1x16xi32> to vector<16xi32>
          %swap3A_1826 = vector.shape_cast %add3A_1819 : vector<16xi32> to vector<1x1x16xi32>
          tpu.vector_store %arg7[%swap3A_1821, %swap3A_1822, %swap3A_1823], %swap3A_1826 {strides = array<i32>} : memref<3x16x64xi32, #tpu.memory_space<vmem>>, vector<1x1x16xi32>,
          %get3A_1827 = arith.constant 8 : i32
          %get3A_1828 = arith.index_cast %rem3A_1336 : i32 to index
          %get3A_1829 = arith.index_cast %get3A_1827 : i32 to index
          %get3A_1830 = arith.constant 16 : index
          %get3A_1831 = tpu.vector_load %arg7[%get3A_1828, %get3A_1829, %get3A_1830] {strides = array<i32>} : memref<3x16x64xi32, #tpu.memory_space<vmem>>, vector<1x1x16xi32>,
          %get3A_1832 = vector.shape_cast %get3A_1831 : vector<1x1x16xi32> to vector<16xi32>
          %add3A_1833 = arith.addi %get3A_1832, %mul3A_7 : vector<16xi32>
          %swap3A_1834 = arith.constant 8 : i32
          %swap3A_1835 = arith.index_cast %rem3A_1336 : i32 to index
          %swap3A_1836 = arith.index_cast %swap3A_1834 : i32 to index
          %swap3A_1837 = arith.constant 16 : index
          %swap3A_1838 = tpu.vector_load %arg7[%swap3A_1835, %swap3A_1836, %swap3A_1837] {strides = array<i32>} : memref<3x16x64xi32, #tpu.memory_space<vmem>>, vector<1x1x16xi32>,
          %swap3A_1839 = vector.shape_cast %swap3A_1838 : vector<1x1x16xi32> to vector<16xi32>
          %swap3A_1840 = vector.shape_cast %add3A_1833 : vector<16xi32> to vector<1x1x16xi32>
          tpu.vector_store %arg7[%swap3A_1835, %swap3A_1836, %swap3A_1837], %swap3A_1840 {strides = array<i32>} : memref<3x16x64xi32, #tpu.memory_space<vmem>>, vector<1x1x16xi32>,
          %get3A_1841 = arith.constant 8 : i32
          %get3A_1842 = arith.index_cast %rem3A_1336 : i32 to index
          %get3A_1843 = arith.index_cast %get3A_1841 : i32 to index
          %get3A_1844 = arith.constant 32 : index
          %get3A_1845 = tpu.vector_load %arg7[%get3A_1842, %get3A_1843, %get3A_1844] {strides = array<i32>} : memref<3x16x64xi32, #tpu.memory_space<vmem>>, vector<1x1x16xi32>,
          %get3A_1846 = vector.shape_cast %get3A_1845 : vector<1x1x16xi32> to vector<16xi32>
          %add3A_1847 = arith.addi %get3A_1846, %mul3A_7 : vector<16xi32>
          %swap3A_1848 = arith.constant 8 : i32
          %swap3A_1849 = arith.index_cast %rem3A_1336 : i32 to index
          %swap3A_1850 = arith.index_cast %swap3A_1848 : i32 to index
          %swap3A_1851 = arith.constant 32 : index
          %swap3A_1852 = tpu.vector_load %arg7[%swap3A_1849, %swap3A_1850, %swap3A_1851] {strides = array<i32>} : memref<3x16x64xi32, #tpu.memory_space<vmem>>, vector<1x1x16xi32>,
          %swap3A_1853 = vector.shape_cast %swap3A_1852 : vector<1x1x16xi32> to vector<16xi32>
          %swap3A_1854 = vector.shape_cast %add3A_1847 : vector<16xi32> to vector<1x1x16xi32>
          tpu.vector_store %arg7[%swap3A_1849, %swap3A_1850, %swap3A_1851], %swap3A_1854 {strides = array<i32>} : memref<3x16x64xi32, #tpu.memory_space<vmem>>, vector<1x1x16xi32>,
          %get3A_1855 = arith.constant 8 : i32
          %get3A_1856 = arith.index_cast %rem3A_1336 : i32 to index
          %get3A_1857 = arith.index_cast %get3A_1855 : i32 to index
          %get3A_1858 = arith.constant 48 : index
          %get3A_1859 = tpu.vector_load %arg7[%get3A_1856, %get3A_1857, %get3A_1858] {strides = array<i32>} : memref<3x16x64xi32, #tpu.memory_space<vmem>>, vector<1x1x16xi32>,
          %get3A_1860 = vector.shape_cast %get3A_1859 : vector<1x1x16xi32> to vector<16xi32>
          %add3A_1861 = arith.addi %get3A_1860, %mul3A_7 : vector<16xi32>
          %swap3A_1862 = arith.constant 8 : i32
          %swap3A_1863 = arith.index_cast %rem3A_1336 : i32 to index
          %swap3A_1864 = arith.index_cast %swap3A_1862 : i32 to index
          %swap3A_1865 = arith.constant 48 : index
          %swap3A_1866 = tpu.vector_load %arg7[%swap3A_1863, %swap3A_1864, %swap3A_1865] {strides = array<i32>} : memref<3x16x64xi32, #tpu.memory_space<vmem>>, vector<1x1x16xi32>,
          %swap3A_1867 = vector.shape_cast %swap3A_1866 : vector<1x1x16xi32> to vector<16xi32>
          %swap3A_1868 = vector.shape_cast %add3A_1861 : vector<16xi32> to vector<1x1x16xi32>
          tpu.vector_store %arg7[%swap3A_1863, %swap3A_1864, %swap3A_1865], %swap3A_1868 {strides = array<i32>} : memref<3x16x64xi32, #tpu.memory_space<vmem>>, vector<1x1x16xi32>,
          %get3A_1869 = arith.constant 9 : i32
          %get3A_1870 = arith.index_cast %rem3A_1336 : i32 to index
          %get3A_1871 = arith.index_cast %get3A_1869 : i32 to index
          %get3A_1872 = arith.constant 0 : index
          %get3A_1873 = tpu.vector_load %arg7[%get3A_1870, %get3A_1871, %get3A_1872] {strides = array<i32>} : memref<3x16x64xi32, #tpu.memory_space<vmem>>, vector<1x1x16xi32>,
          %get3A_1874 = vector.shape_cast %get3A_1873 : vector<1x1x16xi32> to vector<16xi32>
          %add3A_1875 = arith.addi %get3A_1874, %mul3A_7 : vector<16xi32>
          %swap3A_1876 = arith.constant 9 : i32
          %swap3A_1877 = arith.index_cast %rem3A_1336 : i32 to index
          %swap3A_1878 = arith.index_cast %swap3A_1876 : i32 to index
          %swap3A_1879 = arith.constant 0 : index
          %swap3A_1880 = tpu.vector_load %arg7[%swap3A_1877, %swap3A_1878, %swap3A_1879] {strides = array<i32>} : memref<3x16x64xi32, #tpu.memory_space<vmem>>, vector<1x1x16xi32>,
          %swap3A_1881 = vector.shape_cast %swap3A_1880 : vector<1x1x16xi32> to vector<16xi32>
          %swap3A_1882 = vector.shape_cast %add3A_1875 : vector<16xi32> to vector<1x1x16xi32>
          tpu.vector_store %arg7[%swap3A_1877, %swap3A_1878, %swap3A_1879], %swap3A_1882 {strides = array<i32>} : memref<3x16x64xi32, #tpu.memory_space<vmem>>, vector<1x1x16xi32>,
          %get3A_1883 = arith.constant 9 : i32
          %get3A_1884 = arith.index_cast %rem3A_1336 : i32 to index
          %get3A_1885 = arith.index_cast %get3A_1883 : i32 to index
          %get3A_1886 = arith.constant 16 : index
          %get3A_1887 = tpu.vector_load %arg7[%get3A_1884, %get3A_1885, %get3A_1886] {strides = array<i32>} : memref<3x16x64xi32, #tpu.memory_space<vmem>>, vector<1x1x16xi32>,
          %get3A_1888 = vector.shape_cast %get3A_1887 : vector<1x1x16xi32> to vector<16xi32>
          %add3A_1889 = arith.addi %get3A_1888, %mul3A_7 : vector<16xi32>
          %swap3A_1890 = arith.constant 9 : i32
          %swap3A_1891 = arith.index_cast %rem3A_1336 : i32 to index
          %swap3A_1892 = arith.index_cast %swap3A_1890 : i32 to index
          %swap3A_1893 = arith.constant 16 : index
          %swap3A_1894 = tpu.vector_load %arg7[%swap3A_1891, %swap3A_1892, %swap3A_1893] {strides = array<i32>} : memref<3x16x64xi32, #tpu.memory_space<vmem>>, vector<1x1x16xi32>,
          %swap3A_1895 = vector.shape_cast %swap3A_1894 : vector<1x1x16xi32> to vector<16xi32>
          %swap3A_1896 = vector.shape_cast %add3A_1889 : vector<16xi32> to vector<1x1x16xi32>
          tpu.vector_store %arg7[%swap3A_1891, %swap3A_1892, %swap3A_1893], %swap3A_1896 {strides = array<i32>} : memref<3x16x64xi32, #tpu.memory_space<vmem>>, vector<1x1x16xi32>,
          %get3A_1897 = arith.constant 9 : i32
          %get3A_1898 = arith.index_cast %rem3A_1336 : i32 to index
          %get3A_1899 = arith.index_cast %get3A_1897 : i32 to index
          %get3A_1900 = arith.constant 32 : index
          %get3A_1901 = tpu.vector_load %arg7[%get3A_1898, %get3A_1899, %get3A_1900] {strides = array<i32>} : memref<3x16x64xi32, #tpu.memory_space<vmem>>, vector<1x1x16xi32>,
          %get3A_1902 = vector.shape_cast %get3A_1901 : vector<1x1x16xi32> to vector<16xi32>
          %add3A_1903 = arith.addi %get3A_1902, %mul3A_7 : vector<16xi32>
          %swap3A_1904 = arith.constant 9 : i32
          %swap3A_1905 = arith.index_cast %rem3A_1336 : i32 to index
          %swap3A_1906 = arith.index_cast %swap3A_1904 : i32 to index
          %swap3A_1907 = arith.constant 32 : index
          %swap3A_1908 = tpu.vector_load %arg7[%swap3A_1905, %swap3A_1906, %swap3A_1907] {strides = array<i32>} : memref<3x16x64xi32, #tpu.memory_space<vmem>>, vector<1x1x16xi32>,
          %swap3A_1909 = vector.shape_cast %swap3A_1908 : vector<1x1x16xi32> to vector<16xi32>
          %swap3A_1910 = vector.shape_cast %add3A_1903 : vector<16xi32> to vector<1x1x16xi32>
          tpu.vector_store %arg7[%swap3A_1905, %swap3A_1906, %swap3A_1907], %swap3A_1910 {strides = array<i32>} : memref<3x16x64xi32, #tpu.memory_space<vmem>>, vector<1x1x16xi32>,
          %get3A_1911 = arith.constant 9 : i32
          %get3A_1912 = arith.index_cast %rem3A_1336 : i32 to index
          %get3A_1913 = arith.index_cast %get3A_1911 : i32 to index
          %get3A_1914 = arith.constant 48 : index
          %get3A_1915 = tpu.vector_load %arg7[%get3A_1912, %get3A_1913, %get3A_1914] {strides = array<i32>} : memref<3x16x64xi32, #tpu.memory_space<vmem>>, vector<1x1x16xi32>,
          %get3A_1916 = vector.shape_cast %get3A_1915 : vector<1x1x16xi32> to vector<16xi32>
          %add3A_1917 = arith.addi %get3A_1916, %mul3A_7 : vector<16xi32>
          %swap3A_1918 = arith.constant 9 : i32
          %swap3A_1919 = arith.index_cast %rem3A_1336 : i32 to index
          %swap3A_1920 = arith.index_cast %swap3A_1918 : i32 to index
          %swap3A_1921 = arith.constant 48 : index
          %swap3A_1922 = tpu.vector_load %arg7[%swap3A_1919, %swap3A_1920, %swap3A_1921] {strides = array<i32>} : memref<3x16x64xi32, #tpu.memory_space<vmem>>, vector<1x1x16xi32>,
          %swap3A_1923 = vector.shape_cast %swap3A_1922 : vector<1x1x16xi32> to vector<16xi32>
          %swap3A_1924 = vector.shape_cast %add3A_1917 : vector<16xi32> to vector<1x1x16xi32>
          tpu.vector_store %arg7[%swap3A_1919, %swap3A_1920, %swap3A_1921], %swap3A_1924 {strides = array<i32>} : memref<3x16x64xi32, #tpu.memory_space<vmem>>, vector<1x1x16xi32>,
          %get3A_1925 = arith.constant 10 : i32
          %get3A_1926 = arith.index_cast %rem3A_1336 : i32 to index
          %get3A_1927 = arith.index_cast %get3A_1925 : i32 to index
          %get3A_1928 = arith.constant 0 : index
          %get3A_1929 = tpu.vector_load %arg7[%get3A_1926, %get3A_1927, %get3A_1928] {strides = array<i32>} : memref<3x16x64xi32, #tpu.memory_space<vmem>>, vector<1x1x16xi32>,
          %get3A_1930 = vector.shape_cast %get3A_1929 : vector<1x1x16xi32> to vector<16xi32>
          %add3A_1931 = arith.addi %get3A_1930, %mul3A_7 : vector<16xi32>
          %swap3A_1932 = arith.constant 10 : i32
          %swap3A_1933 = arith.index_cast %rem3A_1336 : i32 to index
          %swap3A_1934 = arith.index_cast %swap3A_1932 : i32 to index
          %swap3A_1935 = arith.constant 0 : index
          %swap3A_1936 = tpu.vector_load %arg7[%swap3A_1933, %swap3A_1934, %swap3A_1935] {strides = array<i32>} : memref<3x16x64xi32, #tpu.memory_space<vmem>>, vector<1x1x16xi32>,
          %swap3A_1937 = vector.shape_cast %swap3A_1936 : vector<1x1x16xi32> to vector<16xi32>
          %swap3A_1938 = vector.shape_cast %add3A_1931 : vector<16xi32> to vector<1x1x16xi32>
          tpu.vector_store %arg7[%swap3A_1933, %swap3A_1934, %swap3A_1935], %swap3A_1938 {strides = array<i32>} : memref<3x16x64xi32, #tpu.memory_space<vmem>>, vector<1x1x16xi32>,
          %get3A_1939 = arith.constant 10 : i32
          %get3A_1940 = arith.index_cast %rem3A_1336 : i32 to index
          %get3A_1941 = arith.index_cast %get3A_1939 : i32 to index
          %get3A_1942 = arith.constant 16 : index
          %get3A_1943 = tpu.vector_load %arg7[%get3A_1940, %get3A_1941, %get3A_1942] {strides = array<i32>} : memref<3x16x64xi32, #tpu.memory_space<vmem>>, vector<1x1x16xi32>,
          %get3A_1944 = vector.shape_cast %get3A_1943 : vector<1x1x16xi32> to vector<16xi32>
          %add3A_1945 = arith.addi %get3A_1944, %mul3A_7 : vector<16xi32>
          %swap3A_1946 = arith.constant 10 : i32
          %swap3A_1947 = arith.index_cast %rem3A_1336 : i32 to index
          %swap3A_1948 = arith.index_cast %swap3A_1946 : i32 to index
          %swap3A_1949 = arith.constant 16 : index
          %swap3A_1950 = tpu.vector_load %arg7[%swap3A_1947, %swap3A_1948, %swap3A_1949] {strides = array<i32>} : memref<3x16x64xi32, #tpu.memory_space<vmem>>, vector<1x1x16xi32>,
          %swap3A_1951 = vector.shape_cast %swap3A_1950 : vector<1x1x16xi32> to vector<16xi32>
          %swap3A_1952 = vector.shape_cast %add3A_1945 : vector<16xi32> to vector<1x1x16xi32>
          tpu.vector_store %arg7[%swap3A_1947, %swap3A_1948, %swap3A_1949], %swap3A_1952 {strides = array<i32>} : memref<3x16x64xi32, #tpu.memory_space<vmem>>, vector<1x1x16xi32>,
          %get3A_1953 = arith.constant 10 : i32
          %get3A_1954 = arith.index_cast %rem3A_1336 : i32 to index
          %get3A_1955 = arith.index_cast %get3A_1953 : i32 to index
          %get3A_1956 = arith.constant 32 : index
          %get3A_1957 = tpu.vector_load %arg7[%get3A_1954, %get3A_1955, %get3A_1956] {strides = array<i32>} : memref<3x16x64xi32, #tpu.memory_space<vmem>>, vector<1x1x16xi32>,
          %get3A_1958 = vector.shape_cast %get3A_1957 : vector<1x1x16xi32> to vector<16xi32>
          %add3A_1959 = arith.addi %get3A_1958, %mul3A_7 : vector<16xi32>
          %swap3A_1960 = arith.constant 10 : i32
          %swap3A_1961 = arith.index_cast %rem3A_1336 : i32 to index
          %swap3A_1962 = arith.index_cast %swap3A_1960 : i32 to index
          %swap3A_1963 = arith.constant 32 : index
          %swap3A_1964 = tpu.vector_load %arg7[%swap3A_1961, %swap3A_1962, %swap3A_1963] {strides = array<i32>} : memref<3x16x64xi32, #tpu.memory_space<vmem>>, vector<1x1x16xi32>,
          %swap3A_1965 = vector.shape_cast %swap3A_1964 : vector<1x1x16xi32> to vector<16xi32>
          %swap3A_1966 = vector.shape_cast %add3A_1959 : vector<16xi32> to vector<1x1x16xi32>
          tpu.vector_store %arg7[%swap3A_1961, %swap3A_1962, %swap3A_1963], %swap3A_1966 {strides = array<i32>} : memref<3x16x64xi32, #tpu.memory_space<vmem>>, vector<1x1x16xi32>,
          %get3A_1967 = arith.constant 10 : i32
          %get3A_1968 = arith.index_cast %rem3A_1336 : i32 to index
          %get3A_1969 = arith.index_cast %get3A_1967 : i32 to index
          %get3A_1970 = arith.constant 48 : index
          %get3A_1971 = tpu.vector_load %arg7[%get3A_1968, %get3A_1969, %get3A_1970] {strides = array<i32>} : memref<3x16x64xi32, #tpu.memory_space<vmem>>, vector<1x1x16xi32>,
          %get3A_1972 = vector.shape_cast %get3A_1971 : vector<1x1x16xi32> to vector<16xi32>
          %add3A_1973 = arith.addi %get3A_1972, %mul3A_7 : vector<16xi32>
          %swap3A_1974 = arith.constant 10 : i32
          %swap3A_1975 = arith.index_cast %rem3A_1336 : i32 to index
          %swap3A_1976 = arith.index_cast %swap3A_1974 : i32 to index
          %swap3A_1977 = arith.constant 48 : index
          %swap3A_1978 = tpu.vector_load %arg7[%swap3A_1975, %swap3A_1976, %swap3A_1977] {strides = array<i32>} : memref<3x16x64xi32, #tpu.memory_space<vmem>>, vector<1x1x16xi32>,
          %swap3A_1979 = vector.shape_cast %swap3A_1978 : vector<1x1x16xi32> to vector<16xi32>
          %swap3A_1980 = vector.shape_cast %add3A_1973 : vector<16xi32> to vector<1x1x16xi32>
          tpu.vector_store %arg7[%swap3A_1975, %swap3A_1976, %swap3A_1977], %swap3A_1980 {strides = array<i32>} : memref<3x16x64xi32, #tpu.memory_space<vmem>>, vector<1x1x16xi32>,
          %get3A_1981 = arith.constant 11 : i32
          %get3A_1982 = arith.index_cast %rem3A_1336 : i32 to index
          %get3A_1983 = arith.index_cast %get3A_1981 : i32 to index
          %get3A_1984 = arith.constant 0 : index
          %get3A_1985 = tpu.vector_load %arg7[%get3A_1982, %get3A_1983, %get3A_1984] {strides = array<i32>} : memref<3x16x64xi32, #tpu.memory_space<vmem>>, vector<1x1x16xi32>,
          %get3A_1986 = vector.shape_cast %get3A_1985 : vector<1x1x16xi32> to vector<16xi32>
          %add3A_1987 = arith.addi %get3A_1986, %mul3A_7 : vector<16xi32>
          %swap3A_1988 = arith.constant 11 : i32
          %swap3A_1989 = arith.index_cast %rem3A_1336 : i32 to index
          %swap3A_1990 = arith.index_cast %swap3A_1988 : i32 to index
          %swap3A_1991 = arith.constant 0 : index
          %swap3A_1992 = tpu.vector_load %arg7[%swap3A_1989, %swap3A_1990, %swap3A_1991] {strides = array<i32>} : memref<3x16x64xi32, #tpu.memory_space<vmem>>, vector<1x1x16xi32>,
          %swap3A_1993 = vector.shape_cast %swap3A_1992 : vector<1x1x16xi32> to vector<16xi32>
          %swap3A_1994 = vector.shape_cast %add3A_1987 : vector<16xi32> to vector<1x1x16xi32>
          tpu.vector_store %arg7[%swap3A_1989, %swap3A_1990, %swap3A_1991], %swap3A_1994 {strides = array<i32>} : memref<3x16x64xi32, #tpu.memory_space<vmem>>, vector<1x1x16xi32>,
          %get3A_1995 = arith.constant 11 : i32
          %get3A_1996 = arith.index_cast %rem3A_1336 : i32 to index
          %get3A_1997 = arith.index_cast %get3A_1995 : i32 to index
          %get3A_1998 = arith.constant 16 : index
          %get3A_1999 = tpu.vector_load %arg7[%get3A_1996, %get3A_1997, %get3A_1998] {strides = array<i32>} : memref<3x16x64xi32, #tpu.memory_space<vmem>>, vector<1x1x16xi32>,
          %get3A_2000 = vector.shape_cast %get3A_1999 : vector<1x1x16xi32> to vector<16xi32>
          %add3A_2001 = arith.addi %get3A_2000, %mul3A_7 : vector<16xi32>
          %swap3A_2002 = arith.constant 11 : i32
          %swap3A_2003 = arith.index_cast %rem3A_1336 : i32 to index
          %swap3A_2004 = arith.index_cast %swap3A_2002 : i32 to index
          %swap3A_2005 = arith.constant 16 : index
          %swap3A_2006 = tpu.vector_load %arg7[%swap3A_2003, %swap3A_2004, %swap3A_2005] {strides = array<i32>} : memref<3x16x64xi32, #tpu.memory_space<vmem>>, vector<1x1x16xi32>,
          %swap3A_2007 = vector.shape_cast %swap3A_2006 : vector<1x1x16xi32> to vector<16xi32>
          %swap3A_2008 = vector.shape_cast %add3A_2001 : vector<16xi32> to vector<1x1x16xi32>
          tpu.vector_store %arg7[%swap3A_2003, %swap3A_2004, %swap3A_2005], %swap3A_2008 {strides = array<i32>} : memref<3x16x64xi32, #tpu.memory_space<vmem>>, vector<1x1x16xi32>,
          %get3A_2009 = arith.constant 11 : i32
          %get3A_2010 = arith.index_cast %rem3A_1336 : i32 to index
          %get3A_2011 = arith.index_cast %get3A_2009 : i32 to index
          %get3A_2012 = arith.constant 32 : index
          %get3A_2013 = tpu.vector_load %arg7[%get3A_2010, %get3A_2011, %get3A_2012] {strides = array<i32>} : memref<3x16x64xi32, #tpu.memory_space<vmem>>, vector<1x1x16xi32>,
          %get3A_2014 = vector.shape_cast %get3A_2013 : vector<1x1x16xi32> to vector<16xi32>
          %add3A_2015 = arith.addi %get3A_2014, %mul3A_7 : vector<16xi32>
          %swap3A_2016 = arith.constant 11 : i32
          %swap3A_2017 = arith.index_cast %rem3A_1336 : i32 to index
          %swap3A_2018 = arith.index_cast %swap3A_2016 : i32 to index
          %swap3A_2019 = arith.constant 32 : index
          %swap3A_2020 = tpu.vector_load %arg7[%swap3A_2017, %swap3A_2018, %swap3A_2019] {strides = array<i32>} : memref<3x16x64xi32, #tpu.memory_space<vmem>>, vector<1x1x16xi32>,
          %swap3A_2021 = vector.shape_cast %swap3A_2020 : vector<1x1x16xi32> to vector<16xi32>
          %swap3A_2022 = vector.shape_cast %add3A_2015 : vector<16xi32> to vector<1x1x16xi32>
          tpu.vector_store %arg7[%swap3A_2017, %swap3A_2018, %swap3A_2019], %swap3A_2022 {strides = array<i32>} : memref<3x16x64xi32, #tpu.memory_space<vmem>>, vector<1x1x16xi32>,
          %get3A_2023 = arith.constant 11 : i32
          %get3A_2024 = arith.index_cast %rem3A_1336 : i32 to index
          %get3A_2025 = arith.index_cast %get3A_2023 : i32 to index
          %get3A_2026 = arith.constant 48 : index
          %get3A_2027 = tpu.vector_load %arg7[%get3A_2024, %get3A_2025, %get3A_2026] {strides = array<i32>} : memref<3x16x64xi32, #tpu.memory_space<vmem>>, vector<1x1x16xi32>,
          %get3A_2028 = vector.shape_cast %get3A_2027 : vector<1x1x16xi32> to vector<16xi32>
          %add3A_2029 = arith.addi %get3A_2028, %mul3A_7 : vector<16xi32>
          %swap3A_2030 = arith.constant 11 : i32
          %swap3A_2031 = arith.index_cast %rem3A_1336 : i32 to index
          %swap3A_2032 = arith.index_cast %swap3A_2030 : i32 to index
          %swap3A_2033 = arith.constant 48 : index
          %swap3A_2034 = tpu.vector_load %arg7[%swap3A_2031, %swap3A_2032, %swap3A_2033] {strides = array<i32>} : memref<3x16x64xi32, #tpu.memory_space<vmem>>, vector<1x1x16xi32>,
          %swap3A_2035 = vector.shape_cast %swap3A_2034 : vector<1x1x16xi32> to vector<16xi32>
          %swap3A_2036 = vector.shape_cast %add3A_2029 : vector<16xi32> to vector<1x1x16xi32>
          tpu.vector_store %arg7[%swap3A_2031, %swap3A_2032, %swap3A_2033], %swap3A_2036 {strides = array<i32>} : memref<3x16x64xi32, #tpu.memory_space<vmem>>, vector<1x1x16xi32>,
          %get3A_2037 = arith.constant 12 : i32
          %get3A_2038 = arith.index_cast %rem3A_1336 : i32 to index
          %get3A_2039 = arith.index_cast %get3A_2037 : i32 to index
          %get3A_2040 = arith.constant 0 : index
          %get3A_2041 = tpu.vector_load %arg7[%get3A_2038, %get3A_2039, %get3A_2040] {strides = array<i32>} : memref<3x16x64xi32, #tpu.memory_space<vmem>>, vector<1x1x16xi32>,
          %get3A_2042 = vector.shape_cast %get3A_2041 : vector<1x1x16xi32> to vector<16xi32>
          %add3A_2043 = arith.addi %get3A_2042, %mul3A_7 : vector<16xi32>
          %swap3A_2044 = arith.constant 12 : i32
          %swap3A_2045 = arith.index_cast %rem3A_1336 : i32 to index
          %swap3A_2046 = arith.index_cast %swap3A_2044 : i32 to index
          %swap3A_2047 = arith.constant 0 : index
          %swap3A_2048 = tpu.vector_load %arg7[%swap3A_2045, %swap3A_2046, %swap3A_2047] {strides = array<i32>} : memref<3x16x64xi32, #tpu.memory_space<vmem>>, vector<1x1x16xi32>,
          %swap3A_2049 = vector.shape_cast %swap3A_2048 : vector<1x1x16xi32> to vector<16xi32>
          %swap3A_2050 = vector.shape_cast %add3A_2043 : vector<16xi32> to vector<1x1x16xi32>
          tpu.vector_store %arg7[%swap3A_2045, %swap3A_2046, %swap3A_2047], %swap3A_2050 {strides = array<i32>} : memref<3x16x64xi32, #tpu.memory_space<vmem>>, vector<1x1x16xi32>,
          %get3A_2051 = arith.constant 12 : i32
          %get3A_2052 = arith.index_cast %rem3A_1336 : i32 to index
          %get3A_2053 = arith.index_cast %get3A_2051 : i32 to index
          %get3A_2054 = arith.constant 16 : index
          %get3A_2055 = tpu.vector_load %arg7[%get3A_2052, %get3A_2053, %get3A_2054] {strides = array<i32>} : memref<3x16x64xi32, #tpu.memory_space<vmem>>, vector<1x1x16xi32>,
          %get3A_2056 = vector.shape_cast %get3A_2055 : vector<1x1x16xi32> to vector<16xi32>
          %add3A_2057 = arith.addi %get3A_2056, %mul3A_7 : vector<16xi32>
          %swap3A_2058 = arith.constant 12 : i32
          %swap3A_2059 = arith.index_cast %rem3A_1336 : i32 to index
          %swap3A_2060 = arith.index_cast %swap3A_2058 : i32 to index
          %swap3A_2061 = arith.constant 16 : index
          %swap3A_2062 = tpu.vector_load %arg7[%swap3A_2059, %swap3A_2060, %swap3A_2061] {strides = array<i32>} : memref<3x16x64xi32, #tpu.memory_space<vmem>>, vector<1x1x16xi32>,
          %swap3A_2063 = vector.shape_cast %swap3A_2062 : vector<1x1x16xi32> to vector<16xi32>
          %swap3A_2064 = vector.shape_cast %add3A_2057 : vector<16xi32> to vector<1x1x16xi32>
          tpu.vector_store %arg7[%swap3A_2059, %swap3A_2060, %swap3A_2061], %swap3A_2064 {strides = array<i32>} : memref<3x16x64xi32, #tpu.memory_space<vmem>>, vector<1x1x16xi32>,
          %get3A_2065 = arith.constant 12 : i32
          %get3A_2066 = arith.index_cast %rem3A_1336 : i32 to index
          %get3A_2067 = arith.index_cast %get3A_2065 : i32 to index
          %get3A_2068 = arith.constant 32 : index
          %get3A_2069 = tpu.vector_load %arg7[%get3A_2066, %get3A_2067, %get3A_2068] {strides = array<i32>} : memref<3x16x64xi32, #tpu.memory_space<vmem>>, vector<1x1x16xi32>,
          %get3A_2070 = vector.shape_cast %get3A_2069 : vector<1x1x16xi32> to vector<16xi32>
          %add3A_2071 = arith.addi %get3A_2070, %mul3A_7 : vector<16xi32>
          %swap3A_2072 = arith.constant 12 : i32
          %swap3A_2073 = arith.index_cast %rem3A_1336 : i32 to index
          %swap3A_2074 = arith.index_cast %swap3A_2072 : i32 to index
          %swap3A_2075 = arith.constant 32 : index
          %swap3A_2076 = tpu.vector_load %arg7[%swap3A_2073, %swap3A_2074, %swap3A_2075] {strides = array<i32>} : memref<3x16x64xi32, #tpu.memory_space<vmem>>, vector<1x1x16xi32>,
          %swap3A_2077 = vector.shape_cast %swap3A_2076 : vector<1x1x16xi32> to vector<16xi32>
          %swap3A_2078 = vector.shape_cast %add3A_2071 : vector<16xi32> to vector<1x1x16xi32>
          tpu.vector_store %arg7[%swap3A_2073, %swap3A_2074, %swap3A_2075], %swap3A_2078 {strides = array<i32>} : memref<3x16x64xi32, #tpu.memory_space<vmem>>, vector<1x1x16xi32>,
          %get3A_2079 = arith.constant 12 : i32
          %get3A_2080 = arith.index_cast %rem3A_1336 : i32 to index
          %get3A_2081 = arith.index_cast %get3A_2079 : i32 to index
          %get3A_2082 = arith.constant 48 : index
          %get3A_2083 = tpu.vector_load %arg7[%get3A_2080, %get3A_2081, %get3A_2082] {strides = array<i32>} : memref<3x16x64xi32, #tpu.memory_space<vmem>>, vector<1x1x16xi32>,
          %get3A_2084 = vector.shape_cast %get3A_2083 : vector<1x1x16xi32> to vector<16xi32>
          %add3A_2085 = arith.addi %get3A_2084, %mul3A_7 : vector<16xi32>
          %swap3A_2086 = arith.constant 12 : i32
          %swap3A_2087 = arith.index_cast %rem3A_1336 : i32 to index
          %swap3A_2088 = arith.index_cast %swap3A_2086 : i32 to index
          %swap3A_2089 = arith.constant 48 : index
          %swap3A_2090 = tpu.vector_load %arg7[%swap3A_2087, %swap3A_2088, %swap3A_2089] {strides = array<i32>} : memref<3x16x64xi32, #tpu.memory_space<vmem>>, vector<1x1x16xi32>,
          %swap3A_2091 = vector.shape_cast %swap3A_2090 : vector<1x1x16xi32> to vector<16xi32>
          %swap3A_2092 = vector.shape_cast %add3A_2085 : vector<16xi32> to vector<1x1x16xi32>
          tpu.vector_store %arg7[%swap3A_2087, %swap3A_2088, %swap3A_2089], %swap3A_2092 {strides = array<i32>} : memref<3x16x64xi32, #tpu.memory_space<vmem>>, vector<1x1x16xi32>,
          %get3A_2093 = arith.constant 13 : i32
          %get3A_2094 = arith.index_cast %rem3A_1336 : i32 to index
          %get3A_2095 = arith.index_cast %get3A_2093 : i32 to index
          %get3A_2096 = arith.constant 0 : index
          %get3A_2097 = tpu.vector_load %arg7[%get3A_2094, %get3A_2095, %get3A_2096] {strides = array<i32>} : memref<3x16x64xi32, #tpu.memory_space<vmem>>, vector<1x1x16xi32>,
          %get3A_2098 = vector.shape_cast %get3A_2097 : vector<1x1x16xi32> to vector<16xi32>
          %add3A_2099 = arith.addi %get3A_2098, %mul3A_7 : vector<16xi32>
          %swap3A_2100 = arith.constant 13 : i32
          %swap3A_2101 = arith.index_cast %rem3A_1336 : i32 to index
          %swap3A_2102 = arith.index_cast %swap3A_2100 : i32 to index
          %swap3A_2103 = arith.constant 0 : index
          %swap3A_2104 = tpu.vector_load %arg7[%swap3A_2101, %swap3A_2102, %swap3A_2103] {strides = array<i32>} : memref<3x16x64xi32, #tpu.memory_space<vmem>>, vector<1x1x16xi32>,
          %swap3A_2105 = vector.shape_cast %swap3A_2104 : vector<1x1x16xi32> to vector<16xi32>
          %swap3A_2106 = vector.shape_cast %add3A_2099 : vector<16xi32> to vector<1x1x16xi32>
          tpu.vector_store %arg7[%swap3A_2101, %swap3A_2102, %swap3A_2103], %swap3A_2106 {strides = array<i32>} : memref<3x16x64xi32, #tpu.memory_space<vmem>>, vector<1x1x16xi32>,
          %get3A_2107 = arith.constant 13 : i32
          %get3A_2108 = arith.index_cast %rem3A_1336 : i32 to index
          %get3A_2109 = arith.index_cast %get3A_2107 : i32 to index
          %get3A_2110 = arith.constant 16 : index
          %get3A_2111 = tpu.vector_load %arg7[%get3A_2108, %get3A_2109, %get3A_2110] {strides = array<i32>} : memref<3x16x64xi32, #tpu.memory_space<vmem>>, vector<1x1x16xi32>,
          %get3A_2112 = vector.shape_cast %get3A_2111 : vector<1x1x16xi32> to vector<16xi32>
          %add3A_2113 = arith.addi %get3A_2112, %mul3A_7 : vector<16xi32>
          %swap3A_2114 = arith.constant 13 : i32
          %swap3A_2115 = arith.index_cast %rem3A_1336 : i32 to index
          %swap3A_2116 = arith.index_cast %swap3A_2114 : i32 to index
          %swap3A_2117 = arith.constant 16 : index
          %swap3A_2118 = tpu.vector_load %arg7[%swap3A_2115, %swap3A_2116, %swap3A_2117] {strides = array<i32>} : memref<3x16x64xi32, #tpu.memory_space<vmem>>, vector<1x1x16xi32>,
          %swap3A_2119 = vector.shape_cast %swap3A_2118 : vector<1x1x16xi32> to vector<16xi32>
          %swap3A_2120 = vector.shape_cast %add3A_2113 : vector<16xi32> to vector<1x1x16xi32>
          tpu.vector_store %arg7[%swap3A_2115, %swap3A_2116, %swap3A_2117], %swap3A_2120 {strides = array<i32>} : memref<3x16x64xi32, #tpu.memory_space<vmem>>, vector<1x1x16xi32>,
          %get3A_2121 = arith.constant 13 : i32
          %get3A_2122 = arith.index_cast %rem3A_1336 : i32 to index
          %get3A_2123 = arith.index_cast %get3A_2121 : i32 to index
          %get3A_2124 = arith.constant 32 : index
          %get3A_2125 = tpu.vector_load %arg7[%get3A_2122, %get3A_2123, %get3A_2124] {strides = array<i32>} : memref<3x16x64xi32, #tpu.memory_space<vmem>>, vector<1x1x16xi32>,
          %get3A_2126 = vector.shape_cast %get3A_2125 : vector<1x1x16xi32> to vector<16xi32>
          %add3A_2127 = arith.addi %get3A_2126, %mul3A_7 : vector<16xi32>
          %swap3A_2128 = arith.constant 13 : i32
          %swap3A_2129 = arith.index_cast %rem3A_1336 : i32 to index
          %swap3A_2130 = arith.index_cast %swap3A_2128 : i32 to index
          %swap3A_2131 = arith.constant 32 : index
          %swap3A_2132 = tpu.vector_load %arg7[%swap3A_2129, %swap3A_2130, %swap3A_2131] {strides = array<i32>} : memref<3x16x64xi32, #tpu.memory_space<vmem>>, vector<1x1x16xi32>,
          %swap3A_2133 = vector.shape_cast %swap3A_2132 : vector<1x1x16xi32> to vector<16xi32>
          %swap3A_2134 = vector.shape_cast %add3A_2127 : vector<16xi32> to vector<1x1x16xi32>
          tpu.vector_store %arg7[%swap3A_2129, %swap3A_2130, %swap3A_2131], %swap3A_2134 {strides = array<i32>} : memref<3x16x64xi32, #tpu.memory_space<vmem>>, vector<1x1x16xi32>,
          %get3A_2135 = arith.constant 13 : i32
          %get3A_2136 = arith.index_cast %rem3A_1336 : i32 to index
          %get3A_2137 = arith.index_cast %get3A_2135 : i32 to index
          %get3A_2138 = arith.constant 48 : index
          %get3A_2139 = tpu.vector_load %arg7[%get3A_2136, %get3A_2137, %get3A_2138] {strides = array<i32>} : memref<3x16x64xi32, #tpu.memory_space<vmem>>, vector<1x1x16xi32>,
          %get3A_2140 = vector.shape_cast %get3A_2139 : vector<1x1x16xi32> to vector<16xi32>
          %add3A_2141 = arith.addi %get3A_2140, %mul3A_7 : vector<16xi32>
          %swap3A_2142 = arith.constant 13 : i32
          %swap3A_2143 = arith.index_cast %rem3A_1336 : i32 to index
          %swap3A_2144 = arith.index_cast %swap3A_2142 : i32 to index
          %swap3A_2145 = arith.constant 48 : index
          %swap3A_2146 = tpu.vector_load %arg7[%swap3A_2143, %swap3A_2144, %swap3A_2145] {strides = array<i32>} : memref<3x16x64xi32, #tpu.memory_space<vmem>>, vector<1x1x16xi32>,
          %swap3A_2147 = vector.shape_cast %swap3A_2146 : vector<1x1x16xi32> to vector<16xi32>
          %swap3A_2148 = vector.shape_cast %add3A_2141 : vector<16xi32> to vector<1x1x16xi32>
          tpu.vector_store %arg7[%swap3A_2143, %swap3A_2144, %swap3A_2145], %swap3A_2148 {strides = array<i32>} : memref<3x16x64xi32, #tpu.memory_space<vmem>>, vector<1x1x16xi32>,
          %get3A_2149 = arith.constant 14 : i32
          %get3A_2150 = arith.index_cast %rem3A_1336 : i32 to index
          %get3A_2151 = arith.index_cast %get3A_2149 : i32 to index
          %get3A_2152 = arith.constant 0 : index
          %get3A_2153 = tpu.vector_load %arg7[%get3A_2150, %get3A_2151, %get3A_2152] {strides = array<i32>} : memref<3x16x64xi32, #tpu.memory_space<vmem>>, vector<1x1x16xi32>,
          %get3A_2154 = vector.shape_cast %get3A_2153 : vector<1x1x16xi32> to vector<16xi32>
          %add3A_2155 = arith.addi %get3A_2154, %mul3A_7 : vector<16xi32>
          %swap3A_2156 = arith.constant 14 : i32
          %swap3A_2157 = arith.index_cast %rem3A_1336 : i32 to index
          %swap3A_2158 = arith.index_cast %swap3A_2156 : i32 to index
          %swap3A_2159 = arith.constant 0 : index
          %swap3A_2160 = tpu.vector_load %arg7[%swap3A_2157, %swap3A_2158, %swap3A_2159] {strides = array<i32>} : memref<3x16x64xi32, #tpu.memory_space<vmem>>, vector<1x1x16xi32>,
          %swap3A_2161 = vector.shape_cast %swap3A_2160 : vector<1x1x16xi32> to vector<16xi32>
          %swap3A_2162 = vector.shape_cast %add3A_2155 : vector<16xi32> to vector<1x1x16xi32>
          tpu.vector_store %arg7[%swap3A_2157, %swap3A_2158, %swap3A_2159], %swap3A_2162 {strides = array<i32>} : memref<3x16x64xi32, #tpu.memory_space<vmem>>, vector<1x1x16xi32>,
          %get3A_2163 = arith.constant 14 : i32
          %get3A_2164 = arith.index_cast %rem3A_1336 : i32 to index
          %get3A_2165 = arith.index_cast %get3A_2163 : i32 to index
          %get3A_2166 = arith.constant 16 : index
          %get3A_2167 = tpu.vector_load %arg7[%get3A_2164, %get3A_2165, %get3A_2166] {strides = array<i32>} : memref<3x16x64xi32, #tpu.memory_space<vmem>>, vector<1x1x16xi32>,
          %get3A_2168 = vector.shape_cast %get3A_2167 : vector<1x1x16xi32> to vector<16xi32>
          %add3A_2169 = arith.addi %get3A_2168, %mul3A_7 : vector<16xi32>
          %swap3A_2170 = arith.constant 14 : i32
          %swap3A_2171 = arith.index_cast %rem3A_1336 : i32 to index
          %swap3A_2172 = arith.index_cast %swap3A_2170 : i32 to index
          %swap3A_2173 = arith.constant 16 : index
          %swap3A_2174 = tpu.vector_load %arg7[%swap3A_2171, %swap3A_2172, %swap3A_2173] {strides = array<i32>} : memref<3x16x64xi32, #tpu.memory_space<vmem>>, vector<1x1x16xi32>,
          %swap3A_2175 = vector.shape_cast %swap3A_2174 : vector<1x1x16xi32> to vector<16xi32>
          %swap3A_2176 = vector.shape_cast %add3A_2169 : vector<16xi32> to vector<1x1x16xi32>
          tpu.vector_store %arg7[%swap3A_2171, %swap3A_2172, %swap3A_2173], %swap3A_2176 {strides = array<i32>} : memref<3x16x64xi32, #tpu.memory_space<vmem>>, vector<1x1x16xi32>,
          %get3A_2177 = arith.constant 14 : i32
          %get3A_2178 = arith.index_cast %rem3A_1336 : i32 to index
          %get3A_2179 = arith.index_cast %get3A_2177 : i32 to index
          %get3A_2180 = arith.constant 32 : index
          %get3A_2181 = tpu.vector_load %arg7[%get3A_2178, %get3A_2179, %get3A_2180] {strides = array<i32>} : memref<3x16x64xi32, #tpu.memory_space<vmem>>, vector<1x1x16xi32>,
          %get3A_2182 = vector.shape_cast %get3A_2181 : vector<1x1x16xi32> to vector<16xi32>
          %add3A_2183 = arith.addi %get3A_2182, %mul3A_7 : vector<16xi32>
          %swap3A_2184 = arith.constant 14 : i32
          %swap3A_2185 = arith.index_cast %rem3A_1336 : i32 to index
          %swap3A_2186 = arith.index_cast %swap3A_2184 : i32 to index
          %swap3A_2187 = arith.constant 32 : index
          %swap3A_2188 = tpu.vector_load %arg7[%swap3A_2185, %swap3A_2186, %swap3A_2187] {strides = array<i32>} : memref<3x16x64xi32, #tpu.memory_space<vmem>>, vector<1x1x16xi32>,
          %swap3A_2189 = vector.shape_cast %swap3A_2188 : vector<1x1x16xi32> to vector<16xi32>
          %swap3A_2190 = vector.shape_cast %add3A_2183 : vector<16xi32> to vector<1x1x16xi32>
          tpu.vector_store %arg7[%swap3A_2185, %swap3A_2186, %swap3A_2187], %swap3A_2190 {strides = array<i32>} : memref<3x16x64xi32, #tpu.memory_space<vmem>>, vector<1x1x16xi32>,
          %get3A_2191 = arith.constant 14 : i32
          %get3A_2192 = arith.index_cast %rem3A_1336 : i32 to index
          %get3A_2193 = arith.index_cast %get3A_2191 : i32 to index
          %get3A_2194 = arith.constant 48 : index
          %get3A_2195 = tpu.vector_load %arg7[%get3A_2192, %get3A_2193, %get3A_2194] {strides = array<i32>} : memref<3x16x64xi32, #tpu.memory_space<vmem>>, vector<1x1x16xi32>,
          %get3A_2196 = vector.shape_cast %get3A_2195 : vector<1x1x16xi32> to vector<16xi32>
          %add3A_2197 = arith.addi %get3A_2196, %mul3A_7 : vector<16xi32>
          %swap3A_2198 = arith.constant 14 : i32
          %swap3A_2199 = arith.index_cast %rem3A_1336 : i32 to index
          %swap3A_2200 = arith.index_cast %swap3A_2198 : i32 to index
          %swap3A_2201 = arith.constant 48 : index
          %swap3A_2202 = tpu.vector_load %arg7[%swap3A_2199, %swap3A_2200, %swap3A_2201] {strides = array<i32>} : memref<3x16x64xi32, #tpu.memory_space<vmem>>, vector<1x1x16xi32>,
          %swap3A_2203 = vector.shape_cast %swap3A_2202 : vector<1x1x16xi32> to vector<16xi32>
          %swap3A_2204 = vector.shape_cast %add3A_2197 : vector<16xi32> to vector<1x1x16xi32>
          tpu.vector_store %arg7[%swap3A_2199, %swap3A_2200, %swap3A_2201], %swap3A_2204 {strides = array<i32>} : memref<3x16x64xi32, #tpu.memory_space<vmem>>, vector<1x1x16xi32>,
          %get3A_2205 = arith.constant 15 : i32
          %get3A_2206 = arith.index_cast %rem3A_1336 : i32 to index
          %get3A_2207 = arith.index_cast %get3A_2205 : i32 to index
          %get3A_2208 = arith.constant 0 : index
          %get3A_2209 = tpu.vector_load %arg7[%get3A_2206, %get3A_2207, %get3A_2208] {strides = array<i32>} : memref<3x16x64xi32, #tpu.memory_space<vmem>>, vector<1x1x16xi32>,
          %get3A_2210 = vector.shape_cast %get3A_2209 : vector<1x1x16xi32> to vector<16xi32>
          %add3A_2211 = arith.addi %get3A_2210, %mul3A_7 : vector<16xi32>
          %swap3A_2212 = arith.constant 15 : i32
          %swap3A_2213 = arith.index_cast %rem3A_1336 : i32 to index
          %swap3A_2214 = arith.index_cast %swap3A_2212 : i32 to index
          %swap3A_2215 = arith.constant 0 : index
          %swap3A_2216 = tpu.vector_load %arg7[%swap3A_2213, %swap3A_2214, %swap3A_2215] {strides = array<i32>} : memref<3x16x64xi32, #tpu.memory_space<vmem>>, vector<1x1x16xi32>,
          %swap3A_2217 = vector.shape_cast %swap3A_2216 : vector<1x1x16xi32> to vector<16xi32>
          %swap3A_2218 = vector.shape_cast %add3A_2211 : vector<16xi32> to vector<1x1x16xi32>
          tpu.vector_store %arg7[%swap3A_2213, %swap3A_2214, %swap3A_2215], %swap3A_2218 {strides = array<i32>} : memref<3x16x64xi32, #tpu.memory_space<vmem>>, vector<1x1x16xi32>,
          %get3A_2219 = arith.constant 15 : i32
          %get3A_2220 = arith.index_cast %rem3A_1336 : i32 to index
          %get3A_2221 = arith.index_cast %get3A_2219 : i32 to index
          %get3A_2222 = arith.constant 16 : index
          %get3A_2223 = tpu.vector_load %arg7[%get3A_2220, %get3A_2221, %get3A_2222] {strides = array<i32>} : memref<3x16x64xi32, #tpu.memory_space<vmem>>, vector<1x1x16xi32>,
          %get3A_2224 = vector.shape_cast %get3A_2223 : vector<1x1x16xi32> to vector<16xi32>
          %add3A_2225 = arith.addi %get3A_2224, %mul3A_7 : vector<16xi32>
          %swap3A_2226 = arith.constant 15 : i32
          %swap3A_2227 = arith.index_cast %rem3A_1336 : i32 to index
          %swap3A_2228 = arith.index_cast %swap3A_2226 : i32 to index
          %swap3A_2229 = arith.constant 16 : index
          %swap3A_2230 = tpu.vector_load %arg7[%swap3A_2227, %swap3A_2228, %swap3A_2229] {strides = array<i32>} : memref<3x16x64xi32, #tpu.memory_space<vmem>>, vector<1x1x16xi32>,
          %swap3A_2231 = vector.shape_cast %swap3A_2230 : vector<1x1x16xi32> to vector<16xi32>
          %swap3A_2232 = vector.shape_cast %add3A_2225 : vector<16xi32> to vector<1x1x16xi32>
          tpu.vector_store %arg7[%swap3A_2227, %swap3A_2228, %swap3A_2229], %swap3A_2232 {strides = array<i32>} : memref<3x16x64xi32, #tpu.memory_space<vmem>>, vector<1x1x16xi32>,
          %get3A_2233 = arith.constant 15 : i32
          %get3A_2234 = arith.index_cast %rem3A_1336 : i32 to index
          %get3A_2235 = arith.index_cast %get3A_2233 : i32 to index
          %get3A_2236 = arith.constant 32 : index
          %get3A_2237 = tpu.vector_load %arg7[%get3A_2234, %get3A_2235, %get3A_2236] {strides = array<i32>} : memref<3x16x64xi32, #tpu.memory_space<vmem>>, vector<1x1x16xi32>,
          %get3A_2238 = vector.shape_cast %get3A_2237 : vector<1x1x16xi32> to vector<16xi32>
          %add3A_2239 = arith.addi %get3A_2238, %mul3A_7 : vector<16xi32>
          %swap3A_2240 = arith.constant 15 : i32
          %swap3A_2241 = arith.index_cast %rem3A_1336 : i32 to index
          %swap3A_2242 = arith.index_cast %swap3A_2240 : i32 to index
          %swap3A_2243 = arith.constant 32 : index
          %swap3A_2244 = tpu.vector_load %arg7[%swap3A_2241, %swap3A_2242, %swap3A_2243] {strides = array<i32>} : memref<3x16x64xi32, #tpu.memory_space<vmem>>, vector<1x1x16xi32>,
          %swap3A_2245 = vector.shape_cast %swap3A_2244 : vector<1x1x16xi32> to vector<16xi32>
          %swap3A_2246 = vector.shape_cast %add3A_2239 : vector<16xi32> to vector<1x1x16xi32>
          tpu.vector_store %arg7[%swap3A_2241, %swap3A_2242, %swap3A_2243], %swap3A_2246 {strides = array<i32>} : memref<3x16x64xi32, #tpu.memory_space<vmem>>, vector<1x1x16xi32>,
          %get3A_2247 = arith.constant 15 : i32
          %get3A_2248 = arith.index_cast %rem3A_1336 : i32 to index
          %get3A_2249 = arith.index_cast %get3A_2247 : i32 to index
          %get3A_2250 = arith.constant 48 : index
          %get3A_2251 = tpu.vector_load %arg7[%get3A_2248, %get3A_2249, %get3A_2250] {strides = array<i32>} : memref<3x16x64xi32, #tpu.memory_space<vmem>>, vector<1x1x16xi32>,
          %get3A_2252 = vector.shape_cast %get3A_2251 : vector<1x1x16xi32> to vector<16xi32>
          %add3A_2253 = arith.addi %get3A_2252, %mul3A_7 : vector<16xi32>
          %swap3A_2254 = arith.constant 15 : i32
          %swap3A_2255 = arith.index_cast %rem3A_1336 : i32 to index
          %swap3A_2256 = arith.index_cast %swap3A_2254 : i32 to index
          %swap3A_2257 = arith.constant 48 : index
          %swap3A_2258 = tpu.vector_load %arg7[%swap3A_2255, %swap3A_2256, %swap3A_2257] {strides = array<i32>} : memref<3x16x64xi32, #tpu.memory_space<vmem>>, vector<1x1x16xi32>,
          %swap3A_2259 = vector.shape_cast %swap3A_2258 : vector<1x1x16xi32> to vector<16xi32>
          %swap3A_2260 = vector.shape_cast %add3A_2253 : vector<16xi32> to vector<1x1x16xi32>
          tpu.vector_store %arg7[%swap3A_2255, %swap3A_2256, %swap3A_2257], %swap3A_2260 {strides = array<i32>} : memref<3x16x64xi32, #tpu.memory_space<vmem>>, vector<1x1x16xi32>,
        } else {
        }
      } else {
      }
      %lt3A_1280 = arith.constant 320 : i32
      %lt3A_1281 = arith.cmpi slt, %add3A_1268, %lt3A_1280 : i32
      %convert_element_type3A_1282 = arith.extui %lt3A_1281 : i1 to i32
      %cond3A_1283 = arith.constant 0 : i32
      %cond3A_1284 = arith.cmpi ne, %convert_element_type3A_1282, %cond3A_1283 : i32
      scf.if %cond3A_1284 {
        %div3A_1317 = arith.constant 16 : i32
        %div3A_1318 = arith.divsi %add3A_1268, %div3A_1317 : i32
        %rem3A_1319 = arith.constant 3 : i32
        %rem3A_1320 = arith.remsi %div3A_1318, %rem3A_1319 : i32
        %rem3A_1321 = arith.constant 16 : i32
        %rem3A_1322 = arith.remsi %add3A_1268, %rem3A_1321 : i32
        %rem3A_1323 = arith.constant 4 : i32
        %rem3A_1324 = arith.remsi %add3A_1268, %rem3A_1323 : i32
        %dma_start3A_1325 = arith.constant 0 : i32
        %dma_start3A_1326 = arith.constant 0 : i32
        %dma_start3A_1327 = tpu.memref_slice %arg9[%rem3A_1324, %dma_start3A_1325, %dma_start3A_1326] : memref<4x64x128xf32, #tpu.memory_space<vmem>> -> memref<1x64x128xf32, #tpu.memory_space<vmem>>
        %dma_start3A_1328 = tpu.memref_squeeze %dma_start3A_1327 : memref<1x64x128xf32, #tpu.memory_space<vmem>> -> memref<64x128xf32, #tpu.memory_space<vmem>>
        %dma_start3A_1329 = arith.constant 0 : i32
        %dma_start3A_1330 = tpu.memref_slice %arg7[%rem3A_1320, %rem3A_1322, %dma_start3A_1329] : memref<3x16x64xi32, #tpu.memory_space<vmem>> -> memref<1x1x64xi32, #tpu.memory_space<vmem>>
        %dma_start3A_1331 = tpu.memref_squeeze %dma_start3A_1330 : memref<1x1x64xi32, #tpu.memory_space<vmem>> -> memref<64xi32, #tpu.memory_space<vmem>>
        %dma_start3A_1332 = arith.constant 0 : i32
        %dma_start3A_1333 = arith.constant 0 : i32
        %dma_start3A_1334 = tpu.memref_slice %arg2[%dma_start3A_1332, %dma_start3A_1333] : memref<20000x128xf32, #tpu.memory_space<hbm>> -> memref<20000x128xf32, #tpu.memory_space<hbm>>
        %dma_start3A_1335 = tpu.memref_slice %arg11[%rem3A_1324] : memref<4x!tpu.dma_semaphore, #tpu.memory_space<semaphore_mem>> -> memref<1x!tpu.dma_semaphore, #tpu.memory_space<semaphore_mem>>
        %dma_start3A_1336 = tpu.memref_squeeze %dma_start3A_1335 : memref<1x!tpu.dma_semaphore, #tpu.memory_space<semaphore_mem>> -> memref<!tpu.dma_semaphore, #tpu.memory_space<semaphore_mem>>
        tpu.enqueue_indirect_dma source(%dma_start3A_1334 : memref<20000x128xf32, #tpu.memory_space<hbm>>) target(%dma_start3A_1328 : memref<64x128xf32, #tpu.memory_space<vmem>>) offsets(%dma_start3A_1331 : memref<64xi32, #tpu.memory_space<vmem>>) semaphore(%dma_start3A_1336 : memref<!tpu.dma_semaphore, #tpu.memory_space<semaphore_mem>>)
      } else {
      }
      %dma_wait3A_1285 = arith.constant 0 : i32
      %dma_wait3A_1286 = arith.constant 0 : i32
      %dma_wait3A_1287 = arith.constant 0 : i32
      %dma_wait3A_1288 = arith.constant 0 : i32
      %dma_wait3A_1289 = tpu.memref_slice %arg9[%rem3A_1266, %dma_wait3A_1287, %dma_wait3A_1288] : memref<4x64x128xf32, #tpu.memory_space<vmem>> -> memref<1x64x128xf32, #tpu.memory_space<vmem>>
      %dma_wait3A_1290 = tpu.memref_squeeze %dma_wait3A_1289 : memref<1x64x128xf32, #tpu.memory_space<vmem>> -> memref<64x128xf32, #tpu.memory_space<vmem>>
      %dma_wait3A_1291 = arith.constant 0 : i32
      %dma_wait3A_1292 = tpu.memref_slice %arg7[%dma_wait3A_1285, %dma_wait3A_1286, %dma_wait3A_1291] : memref<3x16x64xi32, #tpu.memory_space<vmem>> -> memref<1x1x64xi32, #tpu.memory_space<vmem>>
      %dma_wait3A_1293 = tpu.memref_squeeze %dma_wait3A_1292 : memref<1x1x64xi32, #tpu.memory_space<vmem>> -> memref<64xi32, #tpu.memory_space<vmem>>
      %dma_wait3A_1294 = arith.constant 0 : i32
      %dma_wait3A_1295 = arith.constant 0 : i32
      %dma_wait3A_1296 = tpu.memref_slice %arg2[%dma_wait3A_1294, %dma_wait3A_1295] : memref<20000x128xf32, #tpu.memory_space<hbm>> -> memref<20000x128xf32, #tpu.memory_space<hbm>>
      %dma_wait3A_1297 = tpu.memref_slice %arg11[%rem3A_1266] : memref<4x!tpu.dma_semaphore, #tpu.memory_space<semaphore_mem>> -> memref<1x!tpu.dma_semaphore, #tpu.memory_space<semaphore_mem>>
      %dma_wait3A_1298 = tpu.memref_squeeze %dma_wait3A_1297 : memref<1x!tpu.dma_semaphore, #tpu.memory_space<semaphore_mem>> -> memref<!tpu.dma_semaphore, #tpu.memory_space<semaphore_mem>>
      tpu.wait_indirect_dma semaphore(%dma_wait3A_1298 : memref<!tpu.dma_semaphore, #tpu.memory_space<semaphore_mem>>) src(%dma_wait3A_1296 : memref<20000x128xf32, #tpu.memory_space<hbm>>) dst(%dma_wait3A_1290 : memref<64x128xf32, #tpu.memory_space<vmem>>)
      %div3A_1299 = arith.constant 16 : i32
      %div3A_1300 = arith.divsi %scan3A_1264, %div3A_1299 : i32
      %rem3A_1301 = arith.constant 3 : i32
      %rem3A_1302 = arith.remsi %div3A_1300, %rem3A_1301 : i32
      %rem3A_1303 = arith.constant 16 : i32
      %rem3A_1304 = arith.remsi %scan3A_1264, %rem3A_1303 : i32
      %dma_start3A_1305 = arith.constant 0 : i32
      %dma_start3A_1306 = arith.constant 0 : i32
      %dma_start3A_1307 = tpu.memref_slice %arg9[%rem3A_1266, %dma_start3A_1305, %dma_start3A_1306] : memref<4x64x128xf32, #tpu.memory_space<vmem>> -> memref<1x64x128xf32, #tpu.memory_space<vmem>>
      %dma_start3A_1308 = tpu.memref_squeeze %dma_start3A_1307 : memref<1x64x128xf32, #tpu.memory_space<vmem>> -> memref<64x128xf32, #tpu.memory_space<vmem>>
      %dma_start3A_1309 = arith.constant 0 : i32
      %dma_start3A_1310 = tpu.memref_slice %arg8[%rem3A_1302, %rem3A_1304, %dma_start3A_1309] : memref<3x16x64xi32, #tpu.memory_space<vmem>> -> memref<1x1x64xi32, #tpu.memory_space<vmem>>
      %dma_start3A_1311 = tpu.memref_squeeze %dma_start3A_1310 : memref<1x1x64xi32, #tpu.memory_space<vmem>> -> memref<64xi32, #tpu.memory_space<vmem>>
      %dma_start3A_1312 = arith.constant 0 : i32
      %dma_start3A_1313 = arith.constant 0 : i32
      %dma_start3A_1314 = tpu.memref_slice %arg10[%dma_start3A_1312, %dma_start3A_1313] : memref<10240x128xf32, #tpu.memory_space<vmem_shared>> -> memref<10240x128xf32, #tpu.memory_space<vmem_shared>>
      %dma_start3A_1315 = tpu.memref_slice %arg12[%rem3A_1266] : memref<4x!tpu.dma_semaphore, #tpu.memory_space<semaphore_mem>> -> memref<1x!tpu.dma_semaphore, #tpu.memory_space<semaphore_mem>>
      %dma_start3A_1316 = tpu.memref_squeeze %dma_start3A_1315 : memref<1x!tpu.dma_semaphore, #tpu.memory_space<semaphore_mem>> -> memref<!tpu.dma_semaphore, #tpu.memory_space<semaphore_mem>>
      tpu.enqueue_indirect_dma source(%dma_start3A_1308 : memref<64x128xf32, #tpu.memory_space<vmem>>) target(%dma_start3A_1314 : memref<10240x128xf32, #tpu.memory_space<vmem_shared>>) offsets(%dma_start3A_1311 : memref<64xi32, #tpu.memory_space<vmem>>) semaphore(%dma_start3A_1316 : memref<!tpu.dma_semaphore, #tpu.memory_space<semaphore_mem>>) {add = true}
    }
    %scan3A_1198 = arith.constant 320 : i32
    %dma_wait3A_1199 = arith.constant 0 : i32
    %dma_wait3A_1200 = arith.constant 0 : i32
    %dma_wait3A_1201 = arith.constant 0 : i32
    %dma_wait3A_1202 = arith.constant 0 : i32
    %dma_wait3A_1203 = arith.constant 0 : i32
    %dma_wait3A_1204 = arith.constant 0 : i32
    %dma_wait3A_1205 = tpu.memref_slice %arg9[%dma_wait3A_1199, %dma_wait3A_1203, %dma_wait3A_1204] : memref<4x64x128xf32, #tpu.memory_space<vmem>> -> memref<1x64x128xf32, #tpu.memory_space<vmem>>
    %dma_wait3A_1206 = tpu.memref_squeeze %dma_wait3A_1205 : memref<1x64x128xf32, #tpu.memory_space<vmem>> -> memref<64x128xf32, #tpu.memory_space<vmem>>
    %dma_wait3A_1207 = arith.constant 0 : i32
    %dma_wait3A_1208 = tpu.memref_slice %arg8[%dma_wait3A_1200, %dma_wait3A_1201, %dma_wait3A_1207] : memref<3x16x64xi32, #tpu.memory_space<vmem>> -> memref<1x1x64xi32, #tpu.memory_space<vmem>>
    %dma_wait3A_1209 = tpu.memref_squeeze %dma_wait3A_1208 : memref<1x1x64xi32, #tpu.memory_space<vmem>> -> memref<64xi32, #tpu.memory_space<vmem>>
    %dma_wait3A_1210 = arith.constant 0 : i32
    %dma_wait3A_1211 = arith.constant 0 : i32
    %dma_wait3A_1212 = tpu.memref_slice %arg10[%dma_wait3A_1210, %dma_wait3A_1211] : memref<10240x128xf32, #tpu.memory_space<vmem_shared>> -> memref<10240x128xf32, #tpu.memory_space<vmem_shared>>
    %dma_wait3A_1213 = tpu.memref_slice %arg12[%dma_wait3A_1202] : memref<4x!tpu.dma_semaphore, #tpu.memory_space<semaphore_mem>> -> memref<1x!tpu.dma_semaphore, #tpu.memory_space<semaphore_mem>>
    %dma_wait3A_1214 = tpu.memref_squeeze %dma_wait3A_1213 : memref<1x!tpu.dma_semaphore, #tpu.memory_space<semaphore_mem>> -> memref<!tpu.dma_semaphore, #tpu.memory_space<semaphore_mem>>
    tpu.wait_indirect_dma semaphore(%dma_wait3A_1214 : memref<!tpu.dma_semaphore, #tpu.memory_space<semaphore_mem>>) src(%dma_wait3A_1206 : memref<64x128xf32, #tpu.memory_space<vmem>>) dst(%dma_wait3A_1212 : memref<10240x128xf32, #tpu.memory_space<vmem_shared>>)
    %dma_wait3A_1215 = arith.constant 1 : i32
    %dma_wait3A_1216 = arith.constant 0 : i32
    %dma_wait3A_1217 = arith.constant 0 : i32
    %dma_wait3A_1218 = arith.constant 1 : i32
    %dma_wait3A_1219 = arith.constant 0 : i32
    %dma_wait3A_1220 = arith.constant 0 : i32
    %dma_wait3A_1221 = tpu.memref_slice %arg9[%dma_wait3A_1215, %dma_wait3A_1219, %dma_wait3A_1220] : memref<4x64x128xf32, #tpu.memory_space<vmem>> -> memref<1x64x128xf32, #tpu.memory_space<vmem>>
    %dma_wait3A_1222 = tpu.memref_squeeze %dma_wait3A_1221 : memref<1x64x128xf32, #tpu.memory_space<vmem>> -> memref<64x128xf32, #tpu.memory_space<vmem>>
    %dma_wait3A_1223 = arith.constant 0 : i32
    %dma_wait3A_1224 = tpu.memref_slice %arg8[%dma_wait3A_1216, %dma_wait3A_1217, %dma_wait3A_1223] : memref<3x16x64xi32, #tpu.memory_space<vmem>> -> memref<1x1x64xi32, #tpu.memory_space<vmem>>
    %dma_wait3A_1225 = tpu.memref_squeeze %dma_wait3A_1224 : memref<1x1x64xi32, #tpu.memory_space<vmem>> -> memref<64xi32, #tpu.memory_space<vmem>>
    %dma_wait3A_1226 = arith.constant 0 : i32
    %dma_wait3A_1227 = arith.constant 0 : i32
    %dma_wait3A_1228 = tpu.memref_slice %arg10[%dma_wait3A_1226, %dma_wait3A_1227] : memref<10240x128xf32, #tpu.memory_space<vmem_shared>> -> memref<10240x128xf32, #tpu.memory_space<vmem_shared>>
    %dma_wait3A_1229 = tpu.memref_slice %arg12[%dma_wait3A_1218] : memref<4x!tpu.dma_semaphore, #tpu.memory_space<semaphore_mem>> -> memref<1x!tpu.dma_semaphore, #tpu.memory_space<semaphore_mem>>
    %dma_wait3A_1230 = tpu.memref_squeeze %dma_wait3A_1229 : memref<1x!tpu.dma_semaphore, #tpu.memory_space<semaphore_mem>> -> memref<!tpu.dma_semaphore, #tpu.memory_space<semaphore_mem>>
    tpu.wait_indirect_dma semaphore(%dma_wait3A_1230 : memref<!tpu.dma_semaphore, #tpu.memory_space<semaphore_mem>>) src(%dma_wait3A_1222 : memref<64x128xf32, #tpu.memory_space<vmem>>) dst(%dma_wait3A_1228 : memref<10240x128xf32, #tpu.memory_space<vmem_shared>>)
    %dma_wait3A_1231 = arith.constant 2 : i32
    %dma_wait3A_1232 = arith.constant 0 : i32
    %dma_wait3A_1233 = arith.constant 0 : i32
    %dma_wait3A_1234 = arith.constant 2 : i32
    %dma_wait3A_1235 = arith.constant 0 : i32
    %dma_wait3A_1236 = arith.constant 0 : i32
    %dma_wait3A_1237 = tpu.memref_slice %arg9[%dma_wait3A_1231, %dma_wait3A_1235, %dma_wait3A_1236] : memref<4x64x128xf32, #tpu.memory_space<vmem>> -> memref<1x64x128xf32, #tpu.memory_space<vmem>>
    %dma_wait3A_1238 = tpu.memref_squeeze %dma_wait3A_1237 : memref<1x64x128xf32, #tpu.memory_space<vmem>> -> memref<64x128xf32, #tpu.memory_space<vmem>>
    %dma_wait3A_1239 = arith.constant 0 : i32
    %dma_wait3A_1240 = tpu.memref_slice %arg8[%dma_wait3A_1232, %dma_wait3A_1233, %dma_wait3A_1239] : memref<3x16x64xi32, #tpu.memory_space<vmem>> -> memref<1x1x64xi32, #tpu.memory_space<vmem>>
    %dma_wait3A_1241 = tpu.memref_squeeze %dma_wait3A_1240 : memref<1x1x64xi32, #tpu.memory_space<vmem>> -> memref<64xi32, #tpu.memory_space<vmem>>
    %dma_wait3A_1242 = arith.constant 0 : i32
    %dma_wait3A_1243 = arith.constant 0 : i32
    %dma_wait3A_1244 = tpu.memref_slice %arg10[%dma_wait3A_1242, %dma_wait3A_1243] : memref<10240x128xf32, #tpu.memory_space<vmem_shared>> -> memref<10240x128xf32, #tpu.memory_space<vmem_shared>>
    %dma_wait3A_1245 = tpu.memref_slice %arg12[%dma_wait3A_1234] : memref<4x!tpu.dma_semaphore, #tpu.memory_space<semaphore_mem>> -> memref<1x!tpu.dma_semaphore, #tpu.memory_space<semaphore_mem>>
    %dma_wait3A_1246 = tpu.memref_squeeze %dma_wait3A_1245 : memref<1x!tpu.dma_semaphore, #tpu.memory_space<semaphore_mem>> -> memref<!tpu.dma_semaphore, #tpu.memory_space<semaphore_mem>>
    tpu.wait_indirect_dma semaphore(%dma_wait3A_1246 : memref<!tpu.dma_semaphore, #tpu.memory_space<semaphore_mem>>) src(%dma_wait3A_1238 : memref<64x128xf32, #tpu.memory_space<vmem>>) dst(%dma_wait3A_1244 : memref<10240x128xf32, #tpu.memory_space<vmem_shared>>)
    %dma_wait3A_1247 = arith.constant 3 : i32
    %dma_wait3A_1248 = arith.constant 0 : i32
    %dma_wait3A_1249 = arith.constant 0 : i32
    %dma_wait3A_1250 = arith.constant 3 : i32
    %dma_wait3A_1251 = arith.constant 0 : i32
    %dma_wait3A_1252 = arith.constant 0 : i32
    %dma_wait3A_1253 = tpu.memref_slice %arg9[%dma_wait3A_1247, %dma_wait3A_1251, %dma_wait3A_1252] : memref<4x64x128xf32, #tpu.memory_space<vmem>> -> memref<1x64x128xf32, #tpu.memory_space<vmem>>
    %dma_wait3A_1254 = tpu.memref_squeeze %dma_wait3A_1253 : memref<1x64x128xf32, #tpu.memory_space<vmem>> -> memref<64x128xf32, #tpu.memory_space<vmem>>
    %dma_wait3A_1255 = arith.constant 0 : i32
    %dma_wait3A_1256 = tpu.memref_slice %arg8[%dma_wait3A_1248, %dma_wait3A_1249, %dma_wait3A_1255] : memref<3x16x64xi32, #tpu.memory_space<vmem>> -> memref<1x1x64xi32, #tpu.memory_space<vmem>>
    %dma_wait3A_1257 = tpu.memref_squeeze %dma_wait3A_1256 : memref<1x1x64xi32, #tpu.memory_space<vmem>> -> memref<64xi32, #tpu.memory_space<vmem>>
    %dma_wait3A_1258 = arith.constant 0 : i32
    %dma_wait3A_1259 = arith.constant 0 : i32
    %dma_wait3A_1260 = tpu.memref_slice %arg10[%dma_wait3A_1258, %dma_wait3A_1259] : memref<10240x128xf32, #tpu.memory_space<vmem_shared>> -> memref<10240x128xf32, #tpu.memory_space<vmem_shared>>
    %dma_wait3A_1261 = tpu.memref_slice %arg12[%dma_wait3A_1250] : memref<4x!tpu.dma_semaphore, #tpu.memory_space<semaphore_mem>> -> memref<1x!tpu.dma_semaphore, #tpu.memory_space<semaphore_mem>>
    %dma_wait3A_1262 = tpu.memref_squeeze %dma_wait3A_1261 : memref<1x!tpu.dma_semaphore, #tpu.memory_space<semaphore_mem>> -> memref<!tpu.dma_semaphore, #tpu.memory_space<semaphore_mem>>
    tpu.wait_indirect_dma semaphore(%dma_wait3A_1262 : memref<!tpu.dma_semaphore, #tpu.memory_space<semaphore_mem>>) src(%dma_wait3A_1254 : memref<64x128xf32, #tpu.memory_space<vmem>>) dst(%dma_wait3A_1260 : memref<10240x128xf32, #tpu.memory_space<vmem_shared>>)
    %barrier3A_1263 = arith.constant 0 : index
    tpu.barrier barrier_id(%barrier3A_1263)
    "tpu.region"() ({
      %run_scoped3A = tpu.sem_alloc : memref<!tpu.dma_semaphore, #tpu.memory_space<semaphore_mem>>
      %dma_start3A_1264 = arith.constant 0 : i32
      %dma_start3A_1265 = tpu.memref_slice %arg6[%arg0, %mul3A_0, %dma_start3A_1264] : memref<2x10240x128xf32, #tpu.memory_space<hbm>> -> memref<1x640x128xf32, #tpu.memory_space<hbm>>
      %dma_start3A_1266 = tpu.memref_squeeze %dma_start3A_1265 : memref<1x640x128xf32, #tpu.memory_space<hbm>> -> memref<640x128xf32, #tpu.memory_space<hbm>>
      %dma_start3A_1267 = arith.constant 0 : i32
      %dma_start3A_1268 = tpu.memref_slice %arg10[%mul3A_0, %dma_start3A_1267] : memref<10240x128xf32, #tpu.memory_space<vmem_shared>> -> memref<640x128xf32, #tpu.memory_space<vmem_shared>>
      tpu.enqueue_dma source(%dma_start3A_1268 : memref<640x128xf32, #tpu.memory_space<vmem_shared>>) target(%dma_start3A_1266 : memref<640x128xf32, #tpu.memory_space<hbm>>) target_semaphore(%run_scoped3A : memref<!tpu.dma_semaphore, #tpu.memory_space<semaphore_mem>>)
      %dma_wait3A_1269 = arith.constant 0 : i32
      %dma_wait3A_1270 = tpu.memref_slice %arg6[%arg0, %mul3A_0, %dma_wait3A_1269] : memref<2x10240x128xf32, #tpu.memory_space<hbm>> -> memref<1x640x128xf32, #tpu.memory_space<hbm>>
      %dma_wait3A_1271 = tpu.memref_squeeze %dma_wait3A_1270 : memref<1x640x128xf32, #tpu.memory_space<hbm>> -> memref<640x128xf32, #tpu.memory_space<hbm>>
      %dma_wait3A_1272 = arith.constant 0 : i32
      %dma_wait3A_1273 = tpu.memref_slice %arg10[%mul3A_0, %dma_wait3A_1272] : memref<10240x128xf32, #tpu.memory_space<vmem_shared>> -> memref<640x128xf32, #tpu.memory_space<vmem_shared>>
      tpu.wait_dma2 semaphore(%run_scoped3A : memref<!tpu.dma_semaphore, #tpu.memory_space<semaphore_mem>>) src(%dma_wait3A_1273 : memref<640x128xf32, #tpu.memory_space<vmem_shared>>) dst(%dma_wait3A_1271 : memref<640x128xf32, #tpu.memory_space<hbm>>)
      tpu.yield
    }) : () -> ()
    return
  }
}

module attributes {stable_mosaic.version = 14 : i64} {
  func.func @_mm_scale_body(%arg0: i32, %arg1: memref<1000x128xf32, #tpu.memory_space<vmem>>, %arg2: memref<1000x128xf32, #tpu.memory_space<vmem>>, %arg3: memref<128x128xf32, #tpu.memory_space<vmem>>, %arg4: memref<1x128xf32, #tpu.memory_space<vmem>>, %arg5: memref<1000x2xf32, #tpu.memory_space<vmem>>, %arg6: memref<1000x1xf32, #tpu.memory_space<vmem>>, %arg7: memref<2x1000x128xf32, #tpu.memory_space<vmem>>) attributes {dimension_semantics = [#tpu.dimension_semantics<arbitrary>], iteration_bounds = array<i64: 10>, scalar_prefetch = 0 : i64, scratch_operands = 0 : i64, tpu.core_type = #tpu.core_type<tc>, window_params = [{transform_indices = @transform_0, window_bounds = array<i64: 1000, 128>}, {transform_indices = @transform_1, window_bounds = array<i64: 1000, 128>}, {pipeline_mode = #tpu.pipeline_mode<synchronous>, transform_indices = @transform_2, window_bounds = array<i64: 128, 128>}, {pipeline_mode = #tpu.pipeline_mode<synchronous>, transform_indices = @transform_3, window_bounds = array<i64: 1, 128>}, {transform_indices = @transform_4, window_bounds = array<i64: 1000, 2>}, {transform_indices = @transform_5, window_bounds = array<i64: 1000, 1>}, {transform_indices = @transform_6, window_bounds = array<i64: 2, 1000, 128>}]} {
    %get3A = arith.constant 0 : index
    %get3A_0 = arith.constant 0 : index
    %get3A_1 = vector.load %arg3[%get3A, %get3A_0] : memref<128x128xf32, #tpu.memory_space<vmem>>, vector<128x128xf32>
    %get3A_2 = arith.constant 0 : index
    %get3A_3 = arith.constant 0 : index
    %get3A_4 = vector.load %arg4[%get3A_2, %get3A_3] : memref<1x128xf32, #tpu.memory_space<vmem>>, vector<1x128xf32>
    %get3A_5 = arith.constant 0 : index
    %get3A_6 = arith.constant 0 : index
    %get3A_7 = vector.load %arg1[%get3A_5, %get3A_6] : memref<1000x128xf32, #tpu.memory_space<vmem>>, vector<1000x128xf32>
    %dot_general3A = arith.constant dense<0.000000e+00> : vector<1000x128xf32>
    %dot_general3A_8 = tpu.matmul %get3A_7, %get3A_1, %dot_general3A {dimension_numbers = #tpu.dot_dimension_numbers<[1], [0], [0], [1], [0, 0, 1, 1], [], []>, transpose_lhs_hint = false} : vector<1000x128xf32>, vector<128x128xf32>, vector<1000x128xf32> -> vector<1000x128xf32>
    %add3A = vector.broadcast %get3A_4 : vector<1x128xf32> to vector<1000x128xf32>
    %add3A_9 = arith.addf %dot_general3A_8, %add3A : vector<1000x128xf32>
    %get3A_10 = arith.constant 0 : index
    %get3A_11 = arith.constant 0 : index
    %get3A_12 = vector.load %arg2[%get3A_10, %get3A_11] : memref<1000x128xf32, #tpu.memory_space<vmem>>, vector<1000x128xf32>
    %dot_general3A_13 = arith.constant dense<0.000000e+00> : vector<1000x128xf32>
    %dot_general3A_14 = tpu.matmul %get3A_12, %get3A_1, %dot_general3A_13 {dimension_numbers = #tpu.dot_dimension_numbers<[1], [0], [0], [1], [0, 0, 1, 1], [], []>, transpose_lhs_hint = false} : vector<1000x128xf32>, vector<128x128xf32>, vector<1000x128xf32> -> vector<1000x128xf32>
    %add3A_15 = vector.broadcast %get3A_4 : vector<1x128xf32> to vector<1000x128xf32>
    %add3A_16 = arith.addf %dot_general3A_14, %add3A_15 : vector<1000x128xf32>
    %get3A_17 = arith.constant 0 : index
    %get3A_18 = arith.constant 0 : index
    %get3A_19 = vector.load %arg5[%get3A_17, %get3A_18] : memref<1000x2xf32, #tpu.memory_space<vmem>>, vector<1000x2xf32>
    %slice3A = vector.extract_strided_slice %get3A_19 {offsets = [0, 0], sizes = [1000, 1], strides = [1, 1]} : vector<1000x2xf32> to vector<1000x1xf32>
    %get3A_20 = arith.constant 0 : index
    %get3A_21 = arith.constant 0 : index
    %get3A_22 = vector.load %arg5[%get3A_20, %get3A_21] : memref<1000x2xf32, #tpu.memory_space<vmem>>, vector<1000x2xf32>
    %slice3A_23 = vector.extract_strided_slice %get3A_22 {offsets = [0, 1], sizes = [1000, 1], strides = [1, 1]} : vector<1000x2xf32> to vector<1000x1xf32>
    %add3A_24 = arith.addf %slice3A, %slice3A_23 : vector<1000x1xf32>
    %get3A_25 = arith.constant 0 : index
    %get3A_26 = arith.constant 0 : index
    %get3A_27 = vector.load %arg6[%get3A_25, %get3A_26] : memref<1000x1xf32, #tpu.memory_space<vmem>>, vector<1000x1xf32>
    %sub3A = arith.subf %add3A_24, %get3A_27 : vector<1000x1xf32>
    %max3A = arith.constant 1.000000e+00 : f32
    %max3A_28 = vector.broadcast %max3A : f32 to vector<1000x1xf32>
    %max3A_29 = arith.maximumf %sub3A, %max3A_28 : vector<1000x1xf32>
    %rsqrt3A = math.rsqrt %max3A_29 : vector<1000x1xf32>
    %mul3A = vector.broadcast %rsqrt3A : vector<1000x1xf32> to vector<1000x128xf32>
    %mul3A_30 = arith.mulf %add3A_9, %mul3A : vector<1000x128xf32>
    %swap3A = arith.constant 0 : index
    %swap3A_31 = arith.constant 0 : index
    %swap3A_32 = arith.constant 0 : index
    %swap3A_33 = vector.load %arg7[%swap3A, %swap3A_31, %swap3A_32] : memref<2x1000x128xf32, #tpu.memory_space<vmem>>, vector<1x1000x128xf32>
    %swap3A_34 = vector.shape_cast %swap3A_33 : vector<1x1000x128xf32> to vector<1000x128xf32>
    %swap3A_35 = vector.shape_cast %mul3A_30 : vector<1000x128xf32> to vector<1x1000x128xf32>
    tpu.vector_store %arg7[%swap3A, %swap3A_31, %swap3A_32], %swap3A_35 {strides = array<i32>} : memref<2x1000x128xf32, #tpu.memory_space<vmem>>, vector<1x1000x128xf32>,
    %mul3A_36 = vector.broadcast %rsqrt3A : vector<1000x1xf32> to vector<1000x128xf32>
    %mul3A_37 = arith.mulf %add3A_16, %mul3A_36 : vector<1000x128xf32>
    %swap3A_38 = arith.constant 1 : index
    %swap3A_39 = arith.constant 0 : index
    %swap3A_40 = arith.constant 0 : index
    %swap3A_41 = vector.load %arg7[%swap3A_38, %swap3A_39, %swap3A_40] : memref<2x1000x128xf32, #tpu.memory_space<vmem>>, vector<1x1000x128xf32>
    %swap3A_42 = vector.shape_cast %swap3A_41 : vector<1x1000x128xf32> to vector<1000x128xf32>
    %swap3A_43 = vector.shape_cast %mul3A_37 : vector<1000x128xf32> to vector<1x1000x128xf32>
    tpu.vector_store %arg7[%swap3A_38, %swap3A_39, %swap3A_40], %swap3A_43 {strides = array<i32>} : memref<2x1000x128xf32, #tpu.memory_space<vmem>>, vector<1x1000x128xf32>,
    return
  }
  func.func @transform_0(%arg0: i32) -> (i32, i32) {
    %c0_i32 = arith.constant 0 : i32
    %c0_i32_0 = arith.constant 0 : i32
    return %arg0, %c0_i32 : i32, i32
  }
  func.func @transform_1(%arg0: i32) -> (i32, i32) {
    %c0_i32 = arith.constant 0 : i32
    %c0_i32_0 = arith.constant 0 : i32
    return %arg0, %c0_i32 : i32, i32
  }
  func.func @transform_2(%arg0: i32) -> (i32, i32) {
    %c0_i32 = arith.constant 0 : i32
    %c0_i32_0 = arith.constant 0 : i32
    %c0_i32_1 = arith.constant 0 : i32
    return %c0_i32, %c0_i32_0 : i32, i32
  }
  func.func @transform_3(%arg0: i32) -> (i32, i32) {
    %c0_i32 = arith.constant 0 : i32
    %c0_i32_0 = arith.constant 0 : i32
    %c0_i32_1 = arith.constant 0 : i32
    return %c0_i32, %c0_i32_0 : i32, i32
  }
  func.func @transform_4(%arg0: i32) -> (i32, i32) {
    %c0_i32 = arith.constant 0 : i32
    %c0_i32_0 = arith.constant 0 : i32
    return %arg0, %c0_i32 : i32, i32
  }
  func.func @transform_5(%arg0: i32) -> (i32, i32) {
    %c0_i32 = arith.constant 0 : i32
    %c0_i32_0 = arith.constant 0 : i32
    return %arg0, %c0_i32 : i32, i32
  }
  func.func @transform_6(%arg0: i32) -> (i32, i32, i32) {
    %c0_i32 = arith.constant 0 : i32
    %c0_i32_0 = arith.constant 0 : i32
    %c0_i32_1 = arith.constant 0 : i32
    return %c0_i32, %arg0, %c0_i32_0 : i32, i32, i32
  }
}

module attributes {stable_mosaic.version = 14 : i64} {
  func.func @_post1_body(%arg0: i32, %arg1: memref<1x2000x128xf32, #tpu.memory_space<vmem>>, %arg2: memref<2000x2xf32, #tpu.memory_space<vmem>>, %arg3: memref<1x128xf32, #tpu.memory_space<vmem>>) attributes {dimension_semantics = [#tpu.dimension_semantics<arbitrary>], iteration_bounds = array<i64: 5>, scalar_prefetch = 0 : i64, scratch_operands = 0 : i64, tpu.core_type = #tpu.core_type<tc>, window_params = [{transform_indices = @transform_0, window_bounds = array<i64: 1, 2000, 128>}, {transform_indices = @transform_1, window_bounds = array<i64: 2000, 2>}, {pipeline_mode = #tpu.pipeline_mode<synchronous>, transform_indices = @transform_2, window_bounds = array<i64: 1, 128>}]} {
    %get3A = arith.constant 0 : index
    %get3A_0 = arith.constant 0 : index
    %get3A_1 = arith.constant 0 : index
    %get3A_2 = vector.load %arg1[%get3A, %get3A_0, %get3A_1] : memref<1x2000x128xf32, #tpu.memory_space<vmem>>, vector<1x2000x128xf32>
    %get3A_3 = vector.shape_cast %get3A_2 : vector<1x2000x128xf32> to vector<2000x128xf32>
    %get3A_4 = arith.constant 0 : index
    %get3A_5 = arith.constant 0 : index
    %get3A_6 = vector.load %arg2[%get3A_4, %get3A_5] : memref<2000x2xf32, #tpu.memory_space<vmem>>, vector<2000x2xf32>
    %slice3A = vector.extract_strided_slice %get3A_6 {offsets = [0, 0], sizes = [2000, 1], strides = [1, 1]} : vector<2000x2xf32> to vector<2000x1xf32>
    %slice3A_7 = vector.extract_strided_slice %get3A_6 {offsets = [0, 1], sizes = [2000, 1], strides = [1, 1]} : vector<2000x2xf32> to vector<2000x1xf32>
    %add3A = arith.addf %slice3A, %slice3A_7 : vector<2000x1xf32>
    %max3A = arith.constant 1.000000e+00 : f32
    %max3A_8 = vector.broadcast %max3A : f32 to vector<2000x1xf32>
    %max3A_9 = arith.maximumf %add3A, %max3A_8 : vector<2000x1xf32>
    %rsqrt3A = math.rsqrt %max3A_9 : vector<2000x1xf32>
    %mul3A = vector.broadcast %rsqrt3A : vector<2000x1xf32> to vector<2000x128xf32>
    %mul3A_10 = arith.mulf %get3A_3, %mul3A : vector<2000x128xf32>
    %gt3A = arith.constant 0.000000e+00 : f32
    %gt3A_11 = vector.broadcast %gt3A : f32 to vector<2000x128xf32>
    %gt3A_12 = arith.cmpf ogt, %mul3A_10, %gt3A_11 : vector<2000x128xf32>
    %exp3A = math.exp %mul3A_10 : vector<2000x128xf32>
    %sub3A = arith.constant 1.000000e+00 : f32
    %sub3A_13 = vector.broadcast %sub3A : f32 to vector<2000x128xf32>
    %sub3A_14 = arith.subf %exp3A, %sub3A_13 : vector<2000x128xf32>
    %mul3A_15 = arith.constant 1.67326319 : f32
    %mul3A_16 = vector.broadcast %mul3A_15 : f32 to vector<2000x128xf32>
    %mul3A_17 = arith.mulf %mul3A_16, %sub3A_14 : vector<2000x128xf32>
    %select_n3A = arith.select %gt3A_12, %mul3A_10, %mul3A_17 : vector<2000x128xi1>, vector<2000x128xf32>
    %mul3A_18 = arith.constant 1.05070102 : f32
    %mul3A_19 = vector.broadcast %mul3A_18 : f32 to vector<2000x128xf32>
    %mul3A_20 = arith.mulf %mul3A_19, %select_n3A : vector<2000x128xf32>
    %eq3A = arith.constant 0 : i32
    %eq3A_21 = arith.cmpi eq, %arg0, %eq3A : i32
    %convert_element_type3A = arith.extui %eq3A_21 : i1 to i32
    %cond3A = arith.constant 0 : i32
    %cond3A_22 = arith.cmpi ne, %convert_element_type3A, %cond3A : i32
    scf.if %cond3A_22 {
      %broadcast_in_dim3A_30 = arith.constant 0.000000e+00 : f32
      %broadcast_in_dim3A_31 = vector.broadcast %broadcast_in_dim3A_30 : f32 to vector<1x128xf32>
      %swap3A_32 = arith.constant 0 : index
      %swap3A_33 = arith.constant 0 : index
      %swap3A_34 = vector.load %arg3[%swap3A_32, %swap3A_33] : memref<1x128xf32, #tpu.memory_space<vmem>>, vector<1x128xf32>
      tpu.vector_store %arg3[%swap3A_32, %swap3A_33], %broadcast_in_dim3A_31 {strides = array<i32>} : memref<1x128xf32, #tpu.memory_space<vmem>>, vector<1x128xf32>,
    } else {
    }
    %get3A_23 = arith.constant 0 : index
    %get3A_24 = arith.constant 0 : index
    %get3A_25 = vector.load %arg3[%get3A_23, %get3A_24] : memref<1x128xf32, #tpu.memory_space<vmem>>, vector<1x128xf32>
    %reduce_sum3A = arith.constant dense<0.000000e+00> : vector<128xf32>
    %reduce_sum3A_26 = vector.multi_reduction <add>, %mul3A_20, %reduce_sum3A [0] : vector<2000x128xf32> to vector<128xf32>
    %broadcast_in_dim3A = vector.shape_cast %reduce_sum3A_26 : vector<128xf32> to vector<1x128xf32>
    %add3A_27 = arith.addf %get3A_25, %broadcast_in_dim3A : vector<1x128xf32>
    %swap3A = arith.constant 0 : index
    %swap3A_28 = arith.constant 0 : index
    %swap3A_29 = vector.load %arg3[%swap3A, %swap3A_28] : memref<1x128xf32, #tpu.memory_space<vmem>>, vector<1x128xf32>
    tpu.vector_store %arg3[%swap3A, %swap3A_28], %add3A_27 {strides = array<i32>} : memref<1x128xf32, #tpu.memory_space<vmem>>, vector<1x128xf32>,
    return
  }
  func.func @transform_0(%arg0: i32) -> (i32, i32, i32) {
    %c0_i32 = arith.constant 0 : i32
    %c0_i32_0 = arith.constant 0 : i32
    %c0_i32_1 = arith.constant 0 : i32
    return %c0_i32, %arg0, %c0_i32_0 : i32, i32, i32
  }
  func.func @transform_1(%arg0: i32) -> (i32, i32) {
    %c0_i32 = arith.constant 0 : i32
    %c0_i32_0 = arith.constant 0 : i32
    return %arg0, %c0_i32 : i32, i32
  }
  func.func @transform_2(%arg0: i32) -> (i32, i32) {
    %c0_i32 = arith.constant 0 : i32
    %c0_i32_0 = arith.constant 0 : i32
    %c0_i32_1 = arith.constant 0 : i32
    return %c0_i32, %c0_i32_0 : i32, i32
  }
}

module attributes {stable_mosaic.version = 14 : i64} {
  func.func @_post2_body(%arg0: i32, %arg1: memref<1x1000x128xf32, #tpu.memory_space<vmem>>, %arg2: memref<1x1000x128xf32, #tpu.memory_space<vmem>>, %arg3: memref<1000x2xf32, #tpu.memory_space<vmem>>, %arg4: memref<1x128xf32, #tpu.memory_space<vmem>>, %arg5: memref<128x128xf32, #tpu.memory_space<vmem>>, %arg6: memref<512x128xf32, #tpu.memory_space<vmem>>, %arg7: memref<1x128xf32, #tpu.memory_space<vmem>>, %arg8: memref<1000x128xf32, #tpu.memory_space<vmem>>, %arg9: memref<1000x1xi32, #tpu.memory_space<vmem>>, %arg10: memref<1x1x1000xf32, #tpu.memory_space<vmem>>, %arg11: memref<1x1x1000xf32, #tpu.memory_space<vmem>>, %arg12: memref<1x1xf32, #tpu.memory_space<vmem>>) attributes {dimension_semantics = [#tpu.dimension_semantics<arbitrary>], iteration_bounds = array<i64: 10>, scalar_prefetch = 0 : i64, scratch_operands = 0 : i64, tpu.core_type = #tpu.core_type<tc>, window_params = [{transform_indices = @transform_0, window_bounds = array<i64: 1, 1000, 128>}, {transform_indices = @transform_1, window_bounds = array<i64: 1, 1000, 128>}, {transform_indices = @transform_2, window_bounds = array<i64: 1000, 2>}, {pipeline_mode = #tpu.pipeline_mode<synchronous>, transform_indices = @transform_3, window_bounds = array<i64: 1, 128>}, {pipeline_mode = #tpu.pipeline_mode<synchronous>, transform_indices = @transform_4, window_bounds = array<i64: 128, 128>}, {pipeline_mode = #tpu.pipeline_mode<synchronous>, transform_indices = @transform_5, window_bounds = array<i64: 512, 128>}, {pipeline_mode = #tpu.pipeline_mode<synchronous>, transform_indices = @transform_6, window_bounds = array<i64: 1, 128>}, {transform_indices = @transform_7, window_bounds = array<i64: 1000, 128>}, {transform_indices = @transform_8, window_bounds = array<i64: 1000, 1>}, {transform_indices = @transform_9, window_bounds = array<i64: 1, 1, 1000>}, {transform_indices = @transform_10, window_bounds = array<i64: 1, 1, 1000>}, {pipeline_mode = #tpu.pipeline_mode<synchronous>, transform_indices = @transform_11, window_bounds = array<i64: 1, 1>}]} {
    %get3A = arith.constant 0 : index
    %get3A_0 = arith.constant 0 : index
    %get3A_1 = vector.load %arg3[%get3A, %get3A_0] : memref<1000x2xf32, #tpu.memory_space<vmem>>, vector<1000x2xf32>
    %slice3A = vector.extract_strided_slice %get3A_1 {offsets = [0, 0], sizes = [1000, 1], strides = [1, 1]} : vector<1000x2xf32> to vector<1000x1xf32>
    %slice3A_2 = vector.extract_strided_slice %get3A_1 {offsets = [0, 1], sizes = [1000, 1], strides = [1, 1]} : vector<1000x2xf32> to vector<1000x1xf32>
    %add3A = arith.addf %slice3A, %slice3A_2 : vector<1000x1xf32>
    %max3A = arith.constant 1.000000e+00 : f32
    %max3A_3 = vector.broadcast %max3A : f32 to vector<1000x1xf32>
    %max3A_4 = arith.maximumf %add3A, %max3A_3 : vector<1000x1xf32>
    %rsqrt3A = math.rsqrt %max3A_4 : vector<1000x1xf32>
    %get3A_5 = arith.constant 0 : index
    %get3A_6 = arith.constant 0 : index
    %get3A_7 = arith.constant 0 : index
    %get3A_8 = vector.load %arg1[%get3A_5, %get3A_6, %get3A_7] : memref<1x1000x128xf32, #tpu.memory_space<vmem>>, vector<1x1000x128xf32>
    %get3A_9 = vector.shape_cast %get3A_8 : vector<1x1000x128xf32> to vector<1000x128xf32>
    %mul3A = vector.broadcast %rsqrt3A : vector<1000x1xf32> to vector<1000x128xf32>
    %mul3A_10 = arith.mulf %get3A_9, %mul3A : vector<1000x128xf32>
    %gt3A = arith.constant 0.000000e+00 : f32
    %gt3A_11 = vector.broadcast %gt3A : f32 to vector<1000x128xf32>
    %gt3A_12 = arith.cmpf ogt, %mul3A_10, %gt3A_11 : vector<1000x128xf32>
    %exp3A = math.exp %mul3A_10 : vector<1000x128xf32>
    %sub3A = arith.constant 1.000000e+00 : f32
    %sub3A_13 = vector.broadcast %sub3A : f32 to vector<1000x128xf32>
    %sub3A_14 = arith.subf %exp3A, %sub3A_13 : vector<1000x128xf32>
    %mul3A_15 = arith.constant 1.67326319 : f32
    %mul3A_16 = vector.broadcast %mul3A_15 : f32 to vector<1000x128xf32>
    %mul3A_17 = arith.mulf %mul3A_16, %sub3A_14 : vector<1000x128xf32>
    %select_n3A = arith.select %gt3A_12, %mul3A_10, %mul3A_17 : vector<1000x128xi1>, vector<1000x128xf32>
    %mul3A_18 = arith.constant 1.05070102 : f32
    %mul3A_19 = vector.broadcast %mul3A_18 : f32 to vector<1000x128xf32>
    %mul3A_20 = arith.mulf %mul3A_19, %select_n3A : vector<1000x128xf32>
    %get3A_21 = arith.constant 0 : index
    %get3A_22 = arith.constant 0 : index
    %get3A_23 = arith.constant 0 : index
    %get3A_24 = vector.load %arg2[%get3A_21, %get3A_22, %get3A_23] : memref<1x1000x128xf32, #tpu.memory_space<vmem>>, vector<1x1000x128xf32>
    %get3A_25 = vector.shape_cast %get3A_24 : vector<1x1000x128xf32> to vector<1000x128xf32>
    %mul3A_26 = vector.broadcast %rsqrt3A : vector<1000x1xf32> to vector<1000x128xf32>
    %mul3A_27 = arith.mulf %get3A_25, %mul3A_26 : vector<1000x128xf32>
    %gt3A_28 = arith.constant 0.000000e+00 : f32
    %gt3A_29 = vector.broadcast %gt3A_28 : f32 to vector<1000x128xf32>
    %gt3A_30 = arith.cmpf ogt, %mul3A_27, %gt3A_29 : vector<1000x128xf32>
    %exp3A_31 = math.exp %mul3A_27 : vector<1000x128xf32>
    %sub3A_32 = arith.constant 1.000000e+00 : f32
    %sub3A_33 = vector.broadcast %sub3A_32 : f32 to vector<1000x128xf32>
    %sub3A_34 = arith.subf %exp3A_31, %sub3A_33 : vector<1000x128xf32>
    %mul3A_35 = arith.constant 1.67326319 : f32
    %mul3A_36 = vector.broadcast %mul3A_35 : f32 to vector<1000x128xf32>
    %mul3A_37 = arith.mulf %mul3A_36, %sub3A_34 : vector<1000x128xf32>
    %select_n3A_38 = arith.select %gt3A_30, %mul3A_27, %mul3A_37 : vector<1000x128xi1>, vector<1000x128xf32>
    %mul3A_39 = arith.constant 1.05070102 : f32
    %mul3A_40 = vector.broadcast %mul3A_39 : f32 to vector<1000x128xf32>
    %mul3A_41 = arith.mulf %mul3A_40, %select_n3A_38 : vector<1000x128xf32>
    %get3A_42 = arith.constant 0 : index
    %get3A_43 = arith.constant 0 : index
    %get3A_44 = vector.load %arg4[%get3A_42, %get3A_43] : memref<1x128xf32, #tpu.memory_space<vmem>>, vector<1x128xf32>
    %mul3A_45 = arith.constant 9.99999974E-5 : f32
    %mul3A_46 = vector.broadcast %mul3A_45 : f32 to vector<1x128xf32>
    %mul3A_47 = arith.mulf %get3A_44, %mul3A_46 : vector<1x128xf32>
    %logistic3A = arith.negf %mul3A_47 : vector<1x128xf32>
    %logistic3A_48 = math.exp %logistic3A : vector<1x128xf32>
    %logistic3A_49 = arith.constant 1.000000e+00 : f32
    %logistic3A_50 = vector.broadcast %logistic3A_49 : f32 to vector<1x128xf32>
    %logistic3A_51 = arith.addf %logistic3A_50, %logistic3A_48 : vector<1x128xf32>
    %logistic3A_52 = arith.divf %logistic3A_50, %logistic3A_51 : vector<1x128xf32>
    %get3A_53 = arith.constant 0 : index
    %get3A_54 = arith.constant 0 : index
    %get3A_55 = vector.load %arg5[%get3A_53, %get3A_54] : memref<128x128xf32, #tpu.memory_space<vmem>>, vector<128x128xf32>
    %dot_general3A = arith.constant dense<0.000000e+00> : vector<1x128xf32>
    %dot_general3A_56 = tpu.matmul %logistic3A_52, %get3A_55, %dot_general3A {dimension_numbers = #tpu.dot_dimension_numbers<[1], [1], [0], [0], [0, 0, 1, 0], [], []>, transpose_lhs_hint = false} : vector<1x128xf32>, vector<128x128xf32>, vector<1x128xf32> -> vector<1x128xf32>
    %dot_general3A_57 = arith.constant dense<0.000000e+00> : vector<1x1000xf32>
    %dot_general3A_58 = tpu.matmul %dot_general3A_56, %mul3A_20, %dot_general3A_57 {dimension_numbers = #tpu.dot_dimension_numbers<[1], [1], [0], [0], [0, 0, 1, 0], [], []>, transpose_lhs_hint = false} : vector<1x128xf32>, vector<1000x128xf32>, vector<1x1000xf32> -> vector<1x1000xf32>
    %swap3A = arith.constant 0 : index
    %swap3A_59 = arith.constant 0 : index
    %swap3A_60 = arith.constant 0 : index
    %swap3A_61 = vector.load %arg10[%swap3A, %swap3A_59, %swap3A_60] : memref<1x1x1000xf32, #tpu.memory_space<vmem>>, vector<1x1x1000xf32>
    %swap3A_62 = vector.shape_cast %swap3A_61 : vector<1x1x1000xf32> to vector<1x1000xf32>
    %swap3A_63 = vector.shape_cast %dot_general3A_58 : vector<1x1000xf32> to vector<1x1x1000xf32>
    tpu.vector_store %arg10[%swap3A, %swap3A_59, %swap3A_60], %swap3A_63 {strides = array<i32>} : memref<1x1x1000xf32, #tpu.memory_space<vmem>>, vector<1x1x1000xf32>,
    %dot_general3A_64 = arith.constant dense<0.000000e+00> : vector<1x1000xf32>
    %dot_general3A_65 = tpu.matmul %dot_general3A_56, %mul3A_41, %dot_general3A_64 {dimension_numbers = #tpu.dot_dimension_numbers<[1], [1], [0], [0], [0, 0, 1, 0], [], []>, transpose_lhs_hint = false} : vector<1x128xf32>, vector<1000x128xf32>, vector<1x1000xf32> -> vector<1x1000xf32>
    %swap3A_66 = arith.constant 0 : index
    %swap3A_67 = arith.constant 0 : index
    %swap3A_68 = arith.constant 0 : index
    %swap3A_69 = vector.load %arg11[%swap3A_66, %swap3A_67, %swap3A_68] : memref<1x1x1000xf32, #tpu.memory_space<vmem>>, vector<1x1x1000xf32>
    %swap3A_70 = vector.shape_cast %swap3A_69 : vector<1x1x1000xf32> to vector<1x1000xf32>
    %swap3A_71 = vector.shape_cast %dot_general3A_65 : vector<1x1000xf32> to vector<1x1x1000xf32>
    tpu.vector_store %arg11[%swap3A_66, %swap3A_67, %swap3A_68], %swap3A_71 {strides = array<i32>} : memref<1x1x1000xf32, #tpu.memory_space<vmem>>, vector<1x1x1000xf32>,
    %mul3A_72 = arith.mulf %mul3A_20, %mul3A_20 : vector<1000x128xf32>
    %reduce_sum3A = arith.constant dense<0.000000e+00> : vector<1000xf32>
    %reduce_sum3A_73 = vector.multi_reduction <add>, %mul3A_72, %reduce_sum3A [1] : vector<1000x128xf32> to vector<1000xf32>
    %broadcast_in_dim3A = vector.shape_cast %reduce_sum3A_73 : vector<1000xf32> to vector<1000x1xf32>
    %sqrt3A = math.sqrt %broadcast_in_dim3A : vector<1000x1xf32>
    %max3A_74 = arith.constant 9.99999996E-13 : f32
    %max3A_75 = vector.broadcast %max3A_74 : f32 to vector<1000x1xf32>
    %max3A_76 = arith.maximumf %sqrt3A, %max3A_75 : vector<1000x1xf32>
    %div3A = vector.broadcast %max3A_76 : vector<1000x1xf32> to vector<1000x128xf32>
    %div3A_77 = arith.divf %mul3A_20, %div3A : vector<1000x128xf32>
    %swap3A_78 = arith.constant 0 : index
    %swap3A_79 = arith.constant 0 : index
    %swap3A_80 = vector.load %arg8[%swap3A_78, %swap3A_79] : memref<1000x128xf32, #tpu.memory_space<vmem>>, vector<1000x128xf32>
    tpu.vector_store %arg8[%swap3A_78, %swap3A_79], %div3A_77 {strides = array<i32>} : memref<1000x128xf32, #tpu.memory_space<vmem>>, vector<1000x128xf32>,
    %get3A_81 = arith.constant 0 : index
    %get3A_82 = arith.constant 0 : index
    %get3A_83 = vector.load %arg6[%get3A_81, %get3A_82] : memref<512x128xf32, #tpu.memory_space<vmem>>, vector<512x128xf32>
    %mul3A_84 = arith.mulf %div3A_77, %div3A_77 : vector<1000x128xf32>
    %reduce_sum3A_85 = arith.constant dense<0.000000e+00> : vector<1000xf32>
    %reduce_sum3A_86 = vector.multi_reduction <add>, %mul3A_84, %reduce_sum3A_85 [1] : vector<1000x128xf32> to vector<1000xf32>
    %broadcast_in_dim3A_87 = vector.shape_cast %reduce_sum3A_86 : vector<1000xf32> to vector<1000x1xf32>
    %get3A_88 = arith.constant 0 : index
    %get3A_89 = arith.constant 0 : index
    %get3A_90 = vector.load %arg7[%get3A_88, %get3A_89] : memref<1x128xf32, #tpu.memory_space<vmem>>, vector<1x128xf32>
    %mul3A_91 = arith.mulf %get3A_83, %get3A_83 : vector<512x128xf32>
    %dot_general3A_92 = arith.constant dense<0.000000e+00> : vector<1x512xf32>
    %dot_general3A_93 = tpu.matmul %get3A_90, %mul3A_91, %dot_general3A_92 {dimension_numbers = #tpu.dot_dimension_numbers<[1], [1], [0], [0], [0, 0, 1, 0], [], []>, precision = #tpu.contract_precision<fp32>, transpose_lhs_hint = false} : vector<1x128xf32>, vector<512x128xf32>, vector<1x512xf32> -> vector<1x512xf32>
    %dot_general3A_94 = arith.constant dense<0.000000e+00> : vector<1000x512xf32>
    %dot_general3A_95 = tpu.matmul %div3A_77, %get3A_83, %dot_general3A_94 {dimension_numbers = #tpu.dot_dimension_numbers<[1], [1], [0], [0], [0, 0, 1, 0], [], []>, transpose_lhs_hint = false} : vector<1000x128xf32>, vector<512x128xf32>, vector<1000x512xf32> -> vector<1000x512xf32>
    %add3A_96 = vector.broadcast %broadcast_in_dim3A_87 : vector<1000x1xf32> to vector<1000x512xf32>
    %add3A_97 = vector.broadcast %dot_general3A_93 : vector<1x512xf32> to vector<1000x512xf32>
    %add3A_98 = arith.addf %add3A_96, %add3A_97 : vector<1000x512xf32>
    %mul3A_99 = arith.constant 2.000000e+00 : f32
    %mul3A_100 = vector.broadcast %mul3A_99 : f32 to vector<1000x512xf32>
    %mul3A_101 = arith.mulf %mul3A_100, %dot_general3A_95 : vector<1000x512xf32>
    %sub3A_102 = arith.subf %add3A_98, %mul3A_101 : vector<1000x512xf32>
    %max3A_103 = arith.constant 0.000000e+00 : f32
    %max3A_104 = vector.broadcast %max3A_103 : f32 to vector<1000x512xf32>
    %max3A_105 = arith.maximumf %sub3A_102, %max3A_104 : vector<1000x512xf32>
    %add3A_106 = arith.constant 9.99999996E-13 : f32
    %add3A_107 = vector.broadcast %add3A_106 : f32 to vector<1000x512xf32>
    %add3A_108 = arith.addf %max3A_105, %add3A_107 : vector<1000x512xf32>
    %sqrt3A_109 = math.sqrt %add3A_108 : vector<1000x512xf32>
    %reduce_min3A = arith.constant dense<0x7F800000> : vector<1000xf32>
    %reduce_min3A_110 = vector.multi_reduction <minimumf>, %sqrt3A_109, %reduce_min3A [1] : vector<1000x512xf32> to vector<1000xf32>
    %broadcast_in_dim3A_111 = vector.shape_cast %reduce_min3A_110 : vector<1000xf32> to vector<1000x1xf32>
    %iota3A = tpu.iota {dimensions = array<i32: 1>} : vector<1000x512xi32>
    %le3A = vector.broadcast %broadcast_in_dim3A_111 : vector<1000x1xf32> to vector<1000x512xf32>
    %le3A_112 = arith.cmpf ole, %sqrt3A_109, %le3A : vector<1000x512xf32>
    %jit3A = arith.constant 512 : i32
    %broadcast_in_dim3A_113 = vector.broadcast %jit3A : i32 to vector<1000x512xi32>
    %select_n3A_114 = arith.select %le3A_112, %iota3A, %broadcast_in_dim3A_113 : vector<1000x512xi1>, vector<1000x512xi32>
    %reduce_min3A_115 = arith.constant dense<2147483647> : vector<1000xi32>
    %reduce_min3A_116 = vector.multi_reduction <minsi>, %select_n3A_114, %reduce_min3A_115 [1] : vector<1000x512xi32> to vector<1000xi32>
    %broadcast_in_dim3A_117 = vector.shape_cast %reduce_min3A_116 : vector<1000xi32> to vector<1000x1xi32>
    %swap3A_118 = arith.constant 0 : index
    %swap3A_119 = arith.constant 0 : index
    %swap3A_120 = vector.load %arg9[%swap3A_118, %swap3A_119] : memref<1000x1xi32, #tpu.memory_space<vmem>>, vector<1000x1xi32>
    tpu.vector_store %arg9[%swap3A_118, %swap3A_119], %broadcast_in_dim3A_117 {strides = array<i32>} : memref<1000x1xi32, #tpu.memory_space<vmem>>, vector<1000x1xi32>,
    %reduce_sum3A_121 = vector.shape_cast %broadcast_in_dim3A_111 : vector<1000x1xf32> to vector<1x1000x1xf32>
    %reduce_sum3A_122 = arith.constant dense<0.000000e+00> : vector<1xf32>
    %reduce_sum3A_123 = vector.multi_reduction <add>, %reduce_sum3A_121, %reduce_sum3A_122 [1, 2] : vector<1x1000x1xf32> to vector<1xf32>
    %reduce_sum3A_124 = vector.shape_cast %reduce_sum3A_123 : vector<1xf32> to vector<1x1x1xf32>
    %reduce_sum3A_125 = vector.extract %reduce_sum3A_124[0, 0, 0] : f32 from vector<1x1x1xf32>
    %broadcast_in_dim3A_126 = vector.broadcast %reduce_sum3A_125 : f32 to vector<1x1xf32>
    %eq3A = arith.constant 0 : i32
    %eq3A_127 = arith.cmpi eq, %arg0, %eq3A : i32
    %convert_element_type3A = arith.extui %eq3A_127 : i1 to i32
    %cond3A = arith.constant 0 : i32
    %cond3A_128 = arith.cmpi ne, %convert_element_type3A, %cond3A : i32
    scf.if %cond3A_128 {
      %broadcast_in_dim3A_136 = arith.constant 0.000000e+00 : f32
      %broadcast_in_dim3A_137 = vector.broadcast %broadcast_in_dim3A_136 : f32 to vector<1x1xf32>
      %swap3A_138 = arith.constant 0 : index
      %swap3A_139 = arith.constant 0 : index
      %swap3A_140 = vector.load %arg12[%swap3A_138, %swap3A_139] : memref<1x1xf32, #tpu.memory_space<vmem>>, vector<1x1xf32>
      tpu.vector_store %arg12[%swap3A_138, %swap3A_139], %broadcast_in_dim3A_137 {strides = array<i32>} : memref<1x1xf32, #tpu.memory_space<vmem>>, vector<1x1xf32>,
    } else {
    }
    %get3A_129 = arith.constant 0 : index
    %get3A_130 = arith.constant 0 : index
    %get3A_131 = vector.load %arg12[%get3A_129, %get3A_130] : memref<1x1xf32, #tpu.memory_space<vmem>>, vector<1x1xf32>
    %add3A_132 = arith.addf %get3A_131, %broadcast_in_dim3A_126 : vector<1x1xf32>
    %swap3A_133 = arith.constant 0 : index
    %swap3A_134 = arith.constant 0 : index
    %swap3A_135 = vector.load %arg12[%swap3A_133, %swap3A_134] : memref<1x1xf32, #tpu.memory_space<vmem>>, vector<1x1xf32>
    tpu.vector_store %arg12[%swap3A_133, %swap3A_134], %add3A_132 {strides = array<i32>} : memref<1x1xf32, #tpu.memory_space<vmem>>, vector<1x1xf32>,
    return
  }
  func.func @transform_0(%arg0: i32) -> (i32, i32, i32) {
    %c0_i32 = arith.constant 0 : i32
    %c0_i32_0 = arith.constant 0 : i32
    %c0_i32_1 = arith.constant 0 : i32
    return %c0_i32, %arg0, %c0_i32_0 : i32, i32, i32
  }
  func.func @transform_1(%arg0: i32) -> (i32, i32, i32) {
    %c1_i32 = arith.constant 1 : i32
    %c0_i32 = arith.constant 0 : i32
    %c0_i32_0 = arith.constant 0 : i32
    return %c1_i32, %arg0, %c0_i32 : i32, i32, i32
  }
  func.func @transform_2(%arg0: i32) -> (i32, i32) {
    %c0_i32 = arith.constant 0 : i32
    %c0_i32_0 = arith.constant 0 : i32
    return %arg0, %c0_i32 : i32, i32
  }
  func.func @transform_3(%arg0: i32) -> (i32, i32) {
    %c0_i32 = arith.constant 0 : i32
    %c0_i32_0 = arith.constant 0 : i32
    %c0_i32_1 = arith.constant 0 : i32
    return %c0_i32, %c0_i32_0 : i32, i32
  }
  func.func @transform_4(%arg0: i32) -> (i32, i32) {
    %c0_i32 = arith.constant 0 : i32
    %c0_i32_0 = arith.constant 0 : i32
    %c0_i32_1 = arith.constant 0 : i32
    return %c0_i32, %c0_i32_0 : i32, i32
  }
  func.func @transform_5(%arg0: i32) -> (i32, i32) {
    %c0_i32 = arith.constant 0 : i32
    %c0_i32_0 = arith.constant 0 : i32
    %c0_i32_1 = arith.constant 0 : i32
    return %c0_i32, %c0_i32_0 : i32, i32
  }
  func.func @transform_6(%arg0: i32) -> (i32, i32) {
    %c0_i32 = arith.constant 0 : i32
    %c0_i32_0 = arith.constant 0 : i32
    %c0_i32_1 = arith.constant 0 : i32
    return %c0_i32, %c0_i32_0 : i32, i32
  }
  func.func @transform_7(%arg0: i32) -> (i32, i32) {
    %c0_i32 = arith.constant 0 : i32
    %c0_i32_0 = arith.constant 0 : i32
    return %arg0, %c0_i32 : i32, i32
  }
  func.func @transform_8(%arg0: i32) -> (i32, i32) {
    %c0_i32 = arith.constant 0 : i32
    %c0_i32_0 = arith.constant 0 : i32
    return %arg0, %c0_i32 : i32, i32
  }
  func.func @transform_9(%arg0: i32) -> (i32, i32, i32) {
    %c0_i32 = arith.constant 0 : i32
    %c0_i32_0 = arith.constant 0 : i32
    %c0_i32_1 = arith.constant 0 : i32
    return %arg0, %c0_i32, %c0_i32_0 : i32, i32, i32
  }
  func.func @transform_10(%arg0: i32) -> (i32, i32, i32) {
    %c0_i32 = arith.constant 0 : i32
    %c0_i32_0 = arith.constant 0 : i32
    %c0_i32_1 = arith.constant 0 : i32
    return %arg0, %c0_i32, %c0_i32_0 : i32, i32, i32
  }
  func.func @transform_11(%arg0: i32) -> (i32, i32) {
    %c0_i32 = arith.constant 0 : i32
    %c0_i32_0 = arith.constant 0 : i32
    %c0_i32_1 = arith.constant 0 : i32
    return %c0_i32, %c0_i32_0 : i32, i32
  }
}

</mosaic_0001>

<sc_bundles>
// kernel: kernel.10.cloned.1.call-start
scs
__scs_entry_jumppad:
0x0: {  	(pc) =	sbr.rel $0x88, $3  }
0x1: {  	(tag) =	ssettag $0x0;
	lr =	simm.s32 $0x1  }
0x2: {  	[smem:$0x3F99] =	sst lr;
	_ =	strace $0xD0000000  }
0x3: {  	_ = 	snop  }
0x4: {  	_ = 	snop  }
0x5: {  	_ = 	snop  }
0x6: {  	_ = 	snop  }
0x7: {  	_ = 	snop  }
__scs_overlays_trampoline_lowered:
0x8: {  	[smem:$0x3FA8] =	sst s0  }
0x9: {  	[smem:$0x3FA9] =	sst s1  }
0xa: {  	[smem:$0x3FAA] =	sst s2  }
0xb: {  	[smem:$0x3FAB] =	sst s3  }
0xc: {  	[smem:$0x3FAC] =	sst s4  }
0xd: {  	[smem:$0x3FAD] =	sst s5  }
0xe: {  	[smem:$0x3FAE] =	sst s6  }
0xf: {  	[smem:$0x3FAF] =	sst s7  }
0x10: {  	[smem:$0x3FB0] =	sst s8  }
0x11: {  	[smem:$0x3FB1] =	sst s9;
	s0 =	simm.s32 @!p0 $0x0  }
0x12: {  	s1 =	sld [smem:$0x3F97];
	s0 =	simm.s32 @p0 $0x1  }
0x13: {  	[smem:$0x3FB2] =	sst s0;
	s0 =	simm.s32 @!p1 $0x0  }
0x14: {  	s2 =	sld [smem:$0x3F96];
	s0 =	simm.s32 @p1 $0x1  }
0x15: {  	[smem:$0x3FB3] =	sst s0;
	s0 =	simm.s32 @!p2 $0x0  }
0x16: {  	s3 =	sld [smem:$0x3FDB];
	s0 =	simm.s32 @p2 $0x1  }
0x17: {  	s4 =	simm.s32 $0x1BF5;
	[smem:$0x3FB5] =	sst s0  }
0x18: {  	s0 =	sld [smem:$0x3F98];
	_ =	swait.ge [sflag:s4], $0x0  }
0x19: {  	s7 =	sld [smem:$0x3F99]  }
0x1a: {  	s8 =	sadd.s32 $0xFFFFE003, lr  }
0x1b: {  	s9 =	sadd.s32 $0xFFFFFEF7, lr;
	s5 =	simm.s32 $0xFFFFFFFF;
	p2 =	slt.u32 s8, $0xFFFFF086  }
0x1c: {  	p1 =	slt.u32 s9, $0xF7A;
	s5 =	simm.s32 @!p2 $0x0  }
0x1d: {  	s5 =	simm.s32 @p1 $0x1;
	p0 =	seq.s32 s7, s2  }
0x1e: {  	s7 =	smul.u32 @!p0 $0xF7A, s2;
	p2 =	seq.s32 @!p0 s5, $0x0  }
0x1f: {  	s9 =	smul.u32 $0xF7A, s1;
	s8 =	simm.s32 @!p0 $0x1BF5;
	p2 =	por !p2, p0  }
0x20: {  	[sflag:s8] =	ssyncset.s32 @!p0 $0xFFFFF086;
	s6 =	sadd.s32 @!p0 s3, s7;
	s7 =	simm.s32 @!p0 $0x108  }
0x21: {  	s3 =	sadd.s32 s3, s9;
	s6 =	sadd.s32 @!p0 $0x88, s6;
	s7 =	simm.s32 @p2 $0x1082  }
0x22: {  	[simem:s7], [sflag:s8] =	dma.local @!p0 [hbm:s6], $0xF7A  }
0x23: {  	s9 =	sor.u32 $0xD0000000, s2;
	s6 =	simm.s32 $0x108;
	_ =	swait.ge @!p0 [sflag:s8], $0x0  }
0x24: {  	s3 =	sadd.s32 $0x88, s3;
	s6 =	simm.s32 @!p1 $0x1082;
	[sflag:s4] =	ssyncset.s32 $0xFFFFF086  }
0x25: {  	[simem:s6], [sflag:s4] =	dma.local [hbm:s3], $0xF7A  }
0x26: {  	[smem:$0x3F99] =	sst s1;
	(tag) =	ssettag s2;
	_ =	strace s9  }
0x27: {  	s1 =	sld [smem:$0x3FA9]  }
0x28: {  	s2 =	sld [smem:$0x3FAA]  }
0x29: {  	s4 =	sld [smem:$0x3FAC]  }
0x2a: {  	p0 =	seq.s32 s5, $0x0;
	s5 =	sld [smem:$0x3FAD]  }
0x2b: {  	s6 =	sld [smem:$0x3FAE]  }
0x2c: {  	s7 =	sld [smem:$0x3FAF]  }
0x2d: {  	s3 =	simm.s32 $0x108;
	s8 =	sld [smem:$0x3FB0]  }
0x2e: {  	s3 =	simm.s32 @!p0 $0x1082;
	s9 =	sld [smem:$0x3FB1]  }
0x2f: {  	lr =	sadd.s32 s0, s3;
	s0 =	sld [smem:$0x3FA8]  }
0x30: {  	s3 =	sld [smem:$0x3FAB]  }
0x31: {  	[smem:$0x3FB4] =	sst s10  }
0x32: {  	s10 =	sld [smem:$0x3FB2];
	_ =	sdelay $0x3  }
0x33: {  	p0 =	seq.s32 s10, $0x1;
	s10 =	sld [smem:$0x3FB4];
	_ =	sdelay $0x3  }
0x34: {  	[smem:$0x3FB4] =	sst s10  }
0x35: {  	s10 =	sld [smem:$0x3FB3];
	_ =	sdelay $0x3  }
0x36: {  	p1 =	seq.s32 s10, $0x1;
	s10 =	sld [smem:$0x3FB4];
	_ =	sdelay $0x3  }
0x37: {  	[smem:$0x3FB4] =	sst s10  }
0x38: {  	s10 =	sld [smem:$0x3FB5]  }
0x39: {  	_ = 	snop;
	(pc) =	sbr.ind lr, $3  }
0x3a: {  	_ = 	snop  }
0x3b: {  	_ = 	snop  }
0x3c: {  	p2 =	seq.s32 s10, $0x1;
	s10 =	sld [smem:$0x3FB4]  }
0x3d: {  	_ =	shalt  }
0x3e: {  	_ =	shalt  }
0x3f: {  	_ =	shalt  }
0x40: {  	_ =	shalt  }
0x41: {  	_ =	shalt  }
0x42: {  	_ =	shalt  }
0x43: {  	_ =	shalt  }
0x44: {  	_ =	shalt  }
0x45: {  	_ =	shalt  }
0x46: {  	_ =	shalt  }
0x47: {  	_ =	shalt  }
0x48: {  	_ =	shalt  }
0x49: {  	_ =	shalt  }
0x4a: {  	_ =	shalt  }
0x4b: {  	_ =	shalt  }
0x4c: {  	_ =	shalt  }
0x4d: {  	_ =	shalt  }
0x4e: {  	_ =	shalt  }
0x4f: {  	_ =	shalt  }
0x50: {  	_ =	shalt  }
0x51: {  	_ =	shalt  }
0x52: {  	_ =	shalt  }
0x53: {  	_ =	shalt  }
0x54: {  	_ =	shalt  }
0x55: {  	_ =	shalt  }
0x56: {  	_ =	shalt  }
0x57: {  	_ =	shalt  }
0x58: {  	_ =	shalt  }
0x59: {  	_ =	shalt  }
0x5a: {  	_ =	shalt  }
0x5b: {  	_ =	shalt  }
0x5c: {  	_ =	shalt  }
0x5d: {  	_ =	shalt  }
0x5e: {  	_ =	shalt  }
0x5f: {  	_ =	shalt  }
0x60: {  	_ =	shalt  }
0x61: {  	_ =	shalt  }
0x62: {  	_ =	shalt  }
0x63: {  	_ =	shalt  }
0x64: {  	_ =	shalt  }
0x65: {  	_ =	shalt  }
0x66: {  	_ =	shalt  }
0x67: {  	_ =	shalt  }
0x68: {  	_ =	shalt  }
0x69: {  	_ =	shalt  }
0x6a: {  	_ =	shalt  }
0x6b: {  	_ =	shalt  }
0x6c: {  	_ =	shalt  }
0x6d: {  	_ =	shalt  }
0x6e: {  	_ =	shalt  }
0x6f: {  	_ =	shalt  }
0x70: {  	_ =	shalt  }
0x71: {  	_ =	shalt  }
0x72: {  	_ =	shalt  }
0x73: {  	_ =	shalt  }
0x74: {  	_ =	shalt  }
0x75: {  	_ =	shalt  }
0x76: {  	_ =	shalt  }
0x77: {  	_ =	shalt  }
0x78: {  	_ =	shalt  }
0x79: {  	_ =	shalt  }
0x7a: {  	_ =	shalt  }
0x7b: {  	_ =	shalt  }
0x7c: {  	_ =	shalt  }
0x7d: {  	_ =	shalt  }
0x7e: {  	_ =	shalt  }
0x7f: {  	_ =	shalt  }
0x80: {  	_ =	shalt  }
0x81: {  	_ =	shalt  }
0x82: {  	_ =	shalt  }
0x83: {  	_ =	shalt  }
0x84: {  	_ =	shalt  }
0x85: {  	_ =	shalt  }
0x86: {  	_ =	shalt  }
0x87: {  	_ =	shalt  }
.Lfunc_end0:
.L_simem_size_0:
called_computation.1_lowered:
.L_overlay_start_0:
0x88: {  	s2 =	sld [smem:$0x3FD9]  }
0x89: {  	s3 =	sld [smem:$0x3FFE];
	_ =	sdelay $0x1  }
0x8a: {  	s1 =	srdreg.scid  }
0x8b: {  	s0 =	sand.u32 $0x1, s1  }
0x8c: {  	s16 =	sshll.u32 s0, $0xA;
	s2 =	sadd.s32 s3, s2  }
0x8d: {  	s2 =	sadd.s32 s2, s16  }
0x8e: {  	[smem:$0x3FC0] =	sst s2  }
0x8f: {  	_ = 	snop  }
0x90: {  	(tm) =	ssettm $0x1  }
0x91: {  	s17 =	sld [smem:$0x3FFB];
	_ =	sdelay $0x3  }
0x92: {  	_ =	strace s17  }
0x93: {  	s2 =	sld [smem:$0x3FFC];
	_ =	sdelay $0x3  }
0x94: {  	_ =	strace s2  }
0x95: {  	s2 =	sld [smem:$0x3FFD];
	_ =	sdelay $0x3  }
0x96: {  	_ =	strace s2  }
0x97: {  	_ =	strace $0x8FFFFFFF  }
0x98: {  	s18 =	sld [smem:$0x3FDB];
	_ =	sdelay $0x1  }
0x99: {  	s19 =	simm.s32 $_scs_section_size  }
0x9a: {  	s4 =	simm.s32 $_size__tile_overlayer_lowered;
	s5 =	simm.s32 $_tile_overlayer_lowered  }
0x9b: {  	s22 =	simm.s32 $0x1BFF;
	s21 =	sshll.u32 s5, $0x1;
	s2 =	sadd.s32 s19, s18  }
0x9c: {  	s6 =	simm.s32 $0x0;
	s20 =	sshll.u32 s4, $0x1;
	s4 =	sadd.s32 s21, s2  }
0x9d: {  	[timem:s6], [sflag:s22] =	dma.local [hbm:s4], s20  }
0x9e: {  	_ =	swait.ge [sflag:s22], s20  }
0x9f: {  	s3 =	ssub.s32 $0x0, s20;
	[sflag:s22] =	ssyncset.done $0x0  }
0xa0: {  	[sflag:s22] =	ssyncadd.s32 s3;
	_ =	sdelay $0x1  }
0xa1: {  	s23 =	simm.s32 $0x1B8B  }
0xa2: {  	_ =	swait.ge [sflag:s23], $0x1  }
0xa3: {  	[sflag:s23] =	ssyncset.done $0x0  }
0xa4: {  	s25 =	simm.s32 $0x1B8E;
	s24 =	sld [smem:$0x3FFE];
	[sflag:s23] =	ssyncadd.s32 $0xFFFFFFFF  }
0xa5: {  	s26 =	simm.s32 $execute0_lowered;
	[smem:$0x3FD2] =	sst s25  }
0xa6: {  	s4 =	sshll.u32 s26, $0x1;
	_ =	strace $0x80000049;
	[dreg:$0x1] =	wrdreg $0xFFFFFFFF  }
0xa7: {  	s28 =	simm.s32 $_size_execute0_lowered;
	s2 =	sadd.s32 s2, s4;
	[dreg:$0x0] =	wrdreg $0x0  }
0xa8: {  	s4 =	sshll.u32 s28, $0x1;
	[dreg:$0x2] =	wrdreg s2  }
0xa9: {  	[dreg:$0x3] =	wrdreg s4  }
0xaa: {  	[dreg:$0x4] =	wrdreg $0xC0  }
0xab: {  	_ =	task [dreg:s6], $0x5FFFF  }
0xac: {  	[dreg:$0x1] =	wrdreg $0xFFFFFFFF  }
0xad: {  	[dreg:$0x0] =	wrdreg $0x60  }
0xae: {  	[dreg:$0x2] =	wrdreg s24  }
0xaf: {  	[dreg:$0x3] =	wrdreg $0xB0000  }
0xb0: {  	[dreg:$0x4] =	wrdreg $0x9  }
0xb1: {  	_ =	task.clear_ibuf [dreg:s6], $0x5FFFF;
	_ =	strace $0x90000049  }
0xb2: {  	s29 =	simm.s32 $0x9;
	_ =	strace $0x8000004B  }
0xb3: {  	_ =	swait.ge [sflag:s29], $0x1  }
0xb4: {  	[sflag:s29] =	ssyncadd.s32 $0xFFFFFFFF  }
0xb5: {  	_ =	strace $0x9000004B  }
0xb6: {  	_ =	sfence  }
0xb7: {  	s30 =	sld [smem:$0x0];
	_ =	sdelay $0x2  }
0xb8: {  	s31 =	sshll.u32 s1, $0xD;
	s1 =	sshrl.u32 s1, $0x2  }
0xb9: {  	s3 =	sand.u32 $0x4000, s31;
	s1 =	sadd.s32 s1, s30  }
0xba: {  	s0 =	sor.u32 s3, s0;
	s1 =	sshll.u32 s1, $0x11  }
0xbb: {  	s0 =	sor.u32 s1, s0  }
0xbc: {  	s0 =	sadd.s32 $0x8F2B, s0  }
0xbd: {  	[sflag:s0] =	ssyncadd.remote.s32 $0x1  }
0xbe: {  	_ =	sfence.sel $0xFFFF  }
0xbf: {  	[dreg:$0x0] =	wrdreg $0xFFFFFFFF;
	(pc) =	sbr.abs _section_cstart, $3  }
0xc0: {  	[dreg:$0x1] =	wrdreg $0xFFFFFFFF  }
0xc1: {  	_ =	task.clear_ibuf [dreg:s6], $0x2FFFF;
	_ =	strace $0x9FFFFFFF  }
0xc2: {  	(tm) =	ssettm $0x7FFFFFFF  }
0xc3: {  	_ =	shalt  }
tec
execute0_lowered:
.L_overlay_start_1:
0x0: {  	(tag) =	ssettag $0x1  }
0x1: {  	s0 =	rddreg [dreg:$0x0]  }
0x2: {  	s2 =	rddreg [dreg:$0x1]  }
0x3: {  	s13 =	stileid.u32;
	s1 =	srdreg.scid  }
0x4: {  	s3 =	simm.s32 $0x0;
	s17 =	simm.s32 $0xC;
	s19 =	simm.s32 $0x9  }
0x5: {  	s29 =	simm.s32 $0x5;
	s30 =	simm.s32 $0x6;
	s7 =	smul.u32 $0x14000, s13  }
0x6: {  	s31 =	simm.s32 $0x7;
	s1 =	sand.u32 $0x1, s1;
	s10 =	smul.u32 $0x50000, s13  }
0x7: {  	[smem:$0x7FF] =	sst s3;
	s4 =	sadd.s32 $0x33E00, s0;
	s24 =	smul.u32 $0x1400, s13  }
0x8: {  	s5 =	sadd.s32 $0xBE00, s0;
	s26 =	sshll.u32 s13, $0x6;
	s13 =	smul.u32 $0xA000, s13  }
0x9: {  	s6 =	sadd.s32 $0x1FE00, s0;
	s8 =	smul.u32 $0x140000, s1;
	_ =	strace $0x8000004A  }
0xa: {  	s21 =	ssub.s32 $0x2, s1;
	s1 =	smul.u32 $0x2710, s1;
	s9 =	sshrl.u32 s7, $0x3  }
0xb: {  	s22 =	sshrl.u32 s21, $0x1;
	s23 =	sshrl.u32 s10, $0x2;
	s12 =	sor.u32 $0x100, s24  }
0xc: {  	s28 =	sadd.s32 s5, s24;
	s10 =	sadd.s32 s6, s24;
	s7 =	sadd.s32 s7, s8  }
0xd: {  	s9 =	sadd.s32 s9, s0;
	s15 =	ssub.s32 s21, s22;
	s16 =	sadd.s32 s23, s2  }
.Ltmp0:
0xe: {  	s8 =	sor.u32 $0x1C0C, s26;
	[dreg:$0x4] =	wrdreg s28;
	(pc) =	sbr.rel .LBB2_1-.Ltmp0, $4  }
0xf: {  	s11 =	sadd.s32 s5, s12;
	s12 =	sadd.s32 s6, s12;
	s22 =	simm.s32 $0x40  }
0x10: {  	v0 =	vmov s1;
	s1 =	simm.s32 $0x0;
	s7 =	sshrl.u32 s7, $0x3;
	s25 =	sadd.s32 $0x82000, s9  }
0x11: {  	s15 =	smax.u32 s15, $0x1;
	s16 =	sshrl.u32 s16, $0x3;
	s0 =	sadd.s32 s7, s0  }
0x12: {  	[dreg:$0x3] =	wrdreg s25;
	s14 =	sadd.s32 $0xAA000, s0;
	s0 =	simm.s32 $0x8  }
.LBB2_10:
0x13: {  	_ =	swait.ge [sflag:s29], $0x2000  }
0x14: {  	[sflag:s29] =	ssyncset.done $0x0  }
0x15: {  	[sflag:s29] =	ssyncadd.s32 $0xFFFFE000  }
0x16: {  	_ =	swait.ge [sflag:s30], $0x2000  }
0x17: {  	[sflag:s30] =	ssyncset.done $0x0  }
0x18: {  	[sflag:s30] =	ssyncadd.s32 $0xFFFFE000  }
0x19: {  	_ =	swait.ge [sflag:s31], $0x2000  }
0x1a: {  	[sflag:s31] =	ssyncset.done $0x0  }
0x1b: {  	[sflag:s31] =	ssyncadd.s32 $0xFFFFE000  }
0x1c: {  	_ =	swait.ge [sflag:s0], $0x2000  }
0x1d: {  	s1 =	sadd.s32 $0x1, s1;
	[sflag:s0] =	ssyncset.done $0x0  }
0x1e: {  	p0 =	sne.s32 s1, s15;
	[sflag:s0] =	ssyncadd.s32 $0xFFFFE000  }
.Ltmp1:
0x1f: {  	[bflag:$0x0] =	sbarrier.arrive $0xFFFF;
	(pc) =	sbr.rel @!p0 .LBB2_11-.Ltmp1, $4  }
0x20: {  	[hbm:s14], [sflag:s8] =	dma.local [spmem:s16], $0x2800  }
0x21: {  	_ =	swait.ge [sflag:s17], $0x2800  }
0x22: {  	[sflag:s17] =	ssyncset.done $0x0  }
0x23: {  	[sflag:s17] =	ssyncadd.s32 $0xFFFFD800  }
.LBB2_1:
0x24: {  	s7 =	rddreg [dreg:$0x3]  }
0x25: {  	[spmem:s16], [sflag:s8] =	dma.local [hbm:s7], $0x2800  }
0x26: {  	_ =	swait.ge [sflag:s17], $0x2800  }
0x27: {  	[sflag:s17] =	ssyncset.done $0x0  }
0x28: {  	[sflag:s17] =	ssyncadd.s32 $0xFFFFD800  }
0x29: {  	[bflag:$0x0] =	sbarrier.arrive $0xFFFF  }
0x2a: {  	s18 =	rddreg [dreg:$0x4]  }
0x2b: {  	[tilespmem:s3], [sflag:$0x9] =	stream.linear.gather [hbm4b:s18+s3], $0x800, $0x38;
	[tilespmem:$0x1F000] =	vst v63  }
0x2c: {  	s20 =	simm.s32 $0x1800  }
0x2d: {  	[tilespmem:s20], [sflag:$0x9] =	stream.linear.gather [hbm4b:s10+s3], $0x800, $0x38;
	[tilespmem:$0x1F000] =	vst v63  }
0x2e: {  	_ =	swait.ge [sflag:s19], $0x800  }
0x2f: {  	[sflag:s19] =	ssyncset.done $0x0  }
0x30: {  	[sflag:s19] =	ssyncadd.s32 $0xFFFFF800  }
0x31: {  	_ =	swait.ge [sflag:s19], $0x800  }
0x32: {  	[sflag:s19] =	ssyncset.done $0x0  }
0x33: {  	[sflag:s19] =	ssyncadd.s32 $0xFFFFF800  }
0x34: {  	v1 =	vld [tilespmem:$0x0]  }
0x35: {  	v2 =	vld [tilespmem:$0x10]  }
0x36: {  	v3 =	vld [tilespmem:$0x20]  }
0x37: {  	v4 =	vld [tilespmem:$0x30]  }
0x38: {  	v5 =	vld [tilespmem:$0x80]  }
0x39: {  	v6 =	vld [tilespmem:$0x90];
	v1 =	vadd.s32 v0, v1  }
0x3a: {  	[tilespmem:$0x0] =	vst v1;
	v1 =	vadd.s32 v0, v2;
	v2 =	vld [tilespmem:$0xA0]  }
0x3b: {  	[tilespmem:$0x10] =	vst v1;
	v1 =	vadd.s32 v0, v3;
	v3 =	vld [tilespmem:$0xB0]  }
0x3c: {  	v30 =	vld [tilespmem:$0x100];
	[tilespmem:$0x20] =	vst v1;
	v1 =	vadd.s32 v0, v4  }
0x3d: {  	v31 =	vld [tilespmem:$0x110];
	[tilespmem:$0x30] =	vst v1;
	v1 =	vadd.s32 v0, v5  }
0x3e: {  	v32 =	vld [tilespmem:$0x120];
	[tilespmem:$0x80] =	vst v1;
	v1 =	vadd.s32 v0, v6  }
0x3f: {  	[tilespmem:$0x90] =	vst v1;
	v1 =	vadd.s32 v0, v2;
	v2 =	vld [tilespmem:$0x130]  }
0x40: {  	[tilespmem:$0xA0] =	vst v1;
	v1 =	vadd.s32 v0, v3;
	v3 =	vld [tilespmem:$0x180]  }
0x41: {  	v33 =	vld [tilespmem:$0x190];
	[tilespmem:$0xB0] =	vst v1;
	v1 =	vadd.s32 v0, v30  }
0x42: {  	v34 =	vld [tilespmem:$0x1A0];
	[tilespmem:$0x100] =	vst v1;
	v1 =	vadd.s32 v0, v31  }
0x43: {  	v35 =	vld [tilespmem:$0x1B0];
	[tilespmem:$0x110] =	vst v1;
	v1 =	vadd.s32 v0, v32  }
0x44: {  	[tilespmem:$0x120] =	vst v1;
	v1 =	vadd.s32 v0, v2;
	v2 =	vld [tilespmem:$0x200]  }
0x45: {  	[tilespmem:$0x130] =	vst v1;
	v1 =	vadd.s32 v0, v3;
	v3 =	vld [tilespmem:$0x210]  }
0x46: {  	v36 =	vld [tilespmem:$0x220];
	[tilespmem:$0x180] =	vst v1;
	v1 =	vadd.s32 v0, v33  }
0x47: {  	v37 =	vld [tilespmem:$0x230];
	[tilespmem:$0x190] =	vst v1;
	v1 =	vadd.s32 v0, v34  }
0x48: {  	v38 =	vld [tilespmem:$0x280];
	[tilespmem:$0x1A0] =	vst v1;
	v1 =	vadd.s32 v0, v35  }
0x49: {  	[tilespmem:$0x1B0] =	vst v1;
	v1 =	vadd.s32 v0, v2;
	v2 =	vld [tilespmem:$0x290]  }
0x4a: {  	[tilespmem:$0x200] =	vst v1;
	v1 =	vadd.s32 v0, v3;
	v3 =	vld [tilespmem:$0x2A0]  }
0x4b: {  	v39 =	vld [tilespmem:$0x2B0];
	[tilespmem:$0x210] =	vst v1;
	v1 =	vadd.s32 v0, v36  }
0x4c: {  	v40 =	vld [tilespmem:$0x300];
	[tilespmem:$0x220] =	vst v1;
	v1 =	vadd.s32 v0, v37  }
0x4d: {  	v41 =	vld [tilespmem:$0x310];
	[tilespmem:$0x230] =	vst v1;
	v1 =	vadd.s32 v0, v38  }
0x4e: {  	[tilespmem:$0x280] =	vst v1;
	v1 =	vadd.s32 v0, v2;
	v2 =	vld [tilespmem:$0x320]  }
0x4f: {  	[tilespmem:$0x290] =	vst v1;
	v1 =	vadd.s32 v0, v3;
	v3 =	vld [tilespmem:$0x330]  }
0x50: {  	v42 =	vld [tilespmem:$0x380];
	[tilespmem:$0x2A0] =	vst v1;
	v1 =	vadd.s32 v0, v39  }
0x51: {  	v43 =	vld [tilespmem:$0x390];
	[tilespmem:$0x2B0] =	vst v1;
	v1 =	vadd.s32 v0, v40  }
0x52: {  	v44 =	vld [tilespmem:$0x3A0];
	[tilespmem:$0x300] =	vst v1;
	v1 =	vadd.s32 v0, v41  }
0x53: {  	[tilespmem:$0x310] =	vst v1;
	v1 =	vadd.s32 v0, v2;
	v2 =	vld [tilespmem:$0x3B0]  }
0x54: {  	[tilespmem:$0x320] =	vst v1;
	v1 =	vadd.s32 v0, v3;
	v3 =	vld [tilespmem:$0x400]  }
0x55: {  	v45 =	vld [tilespmem:$0x410];
	[tilespmem:$0x330] =	vst v1;
	v1 =	vadd.s32 v0, v42  }
0x56: {  	v46 =	vld [tilespmem:$0x420];
	[tilespmem:$0x380] =	vst v1;
	v1 =	vadd.s32 v0, v43  }
0x57: {  	v47 =	vld [tilespmem:$0x430];
	[tilespmem:$0x390] =	vst v1;
	v1 =	vadd.s32 v0, v44  }
0x58: {  	[tilespmem:$0x3A0] =	vst v1;
	v1 =	vadd.s32 v0, v2;
	v2 =	vld [tilespmem:$0x480]  }
0x59: {  	[tilespmem:$0x3B0] =	vst v1;
	v1 =	vadd.s32 v0, v3;
	v3 =	vld [tilespmem:$0x490]  }
0x5a: {  	v48 =	vld [tilespmem:$0x4A0];
	[tilespmem:$0x400] =	vst v1;
	v1 =	vadd.s32 v0, v45  }
0x5b: {  	v49 =	vld [tilespmem:$0x4B0];
	[tilespmem:$0x410] =	vst v1;
	v1 =	vadd.s32 v0, v46  }
0x5c: {  	v50 =	vld [tilespmem:$0x500];
	[tilespmem:$0x420] =	vst v1;
	v1 =	vadd.s32 v0, v47  }
0x5d: {  	[tilespmem:$0x430] =	vst v1;
	v1 =	vadd.s32 v0, v2;
	v2 =	vld [tilespmem:$0x510]  }
0x5e: {  	[tilespmem:$0x480] =	vst v1;
	v1 =	vadd.s32 v0, v3;
	v3 =	vld [tilespmem:$0x520]  }
0x5f: {  	v51 =	vld [tilespmem:$0x530];
	[tilespmem:$0x490] =	vst v1;
	v1 =	vadd.s32 v0, v48  }
0x60: {  	v52 =	vld [tilespmem:$0x580];
	[tilespmem:$0x4A0] =	vst v1;
	v1 =	vadd.s32 v0, v49  }
0x61: {  	v53 =	vld [tilespmem:$0x590];
	[tilespmem:$0x4B0] =	vst v1;
	v1 =	vadd.s32 v0, v50  }
0x62: {  	[tilespmem:$0x500] =	vst v1;
	v1 =	vadd.s32 v0, v2;
	v2 =	vld [tilespmem:$0x5A0]  }
0x63: {  	[tilespmem:$0x510] =	vst v1;
	v1 =	vadd.s32 v0, v3;
	v3 =	vld [tilespmem:$0x5B0]  }
0x64: {  	v54 =	vld [tilespmem:$0x600];
	[tilespmem:$0x520] =	vst v1;
	v1 =	vadd.s32 v0, v51  }
0x65: {  	v55 =	vld [tilespmem:$0x610];
	[tilespmem:$0x530] =	vst v1;
	v1 =	vadd.s32 v0, v52  }
0x66: {  	v56 =	vld [tilespmem:$0x620];
	[tilespmem:$0x580] =	vst v1;
	v1 =	vadd.s32 v0, v53  }
0x67: {  	[tilespmem:$0x590] =	vst v1;
	v1 =	vadd.s32 v0, v2;
	v2 =	vld [tilespmem:$0x630]  }
0x68: {  	[tilespmem:$0x5A0] =	vst v1;
	v1 =	vadd.s32 v0, v3;
	v3 =	vld [tilespmem:$0x680]  }
0x69: {  	v57 =	vld [tilespmem:$0x690];
	[tilespmem:$0x5B0] =	vst v1;
	v1 =	vadd.s32 v0, v54  }
0x6a: {  	v58 =	vld [tilespmem:$0x6A0];
	[tilespmem:$0x600] =	vst v1;
	v1 =	vadd.s32 v0, v55  }
0x6b: {  	v59 =	vld [tilespmem:$0x6B0];
	[tilespmem:$0x610] =	vst v1;
	v1 =	vadd.s32 v0, v56  }
0x6c: {  	[tilespmem:$0x620] =	vst v1;
	v1 =	vadd.s32 v0, v2;
	v2 =	vld [tilespmem:$0x700]  }
0x6d: {  	[tilespmem:$0x630] =	vst v1;
	v1 =	vadd.s32 v0, v3;
	v3 =	vld [tilespmem:$0x710]  }
0x6e: {  	v60 =	vld [tilespmem:$0x720];
	[tilespmem:$0x680] =	vst v1;
	v1 =	vadd.s32 v0, v57  }
0x6f: {  	v61 =	vld [tilespmem:$0x730];
	[tilespmem:$0x690] =	vst v1;
	v1 =	vadd.s32 v0, v58  }
0x70: {  	v62 =	vld [tilespmem:$0x780];
	[tilespmem:$0x6A0] =	vst v1;
	v1 =	vadd.s32 v0, v59  }
0x71: {  	[tilespmem:$0x6B0] =	vst v1;
	v1 =	vadd.s32 v0, v2;
	v2 =	vld [tilespmem:$0x790]  }
0x72: {  	[tilespmem:$0x700] =	vst v1;
	v1 =	vadd.s32 v0, v3;
	v3 =	vld [tilespmem:$0x7A0]  }
0x73: {  	v63 =	vld [tilespmem:$0x7B0];
	[tilespmem:$0x710] =	vst v1;
	v1 =	vadd.s32 v0, v60  }
0x74: {  	[tilespmem:$0x720] =	vst v1;
	v1 =	vadd.s32 v0, v61  }
0x75: {  	[tilespmem:$0x730] =	vst v1;
	v1 =	vadd.s32 v0, v62  }
0x76: {  	[tilespmem:$0x780] =	vst v1;
	v1 =	vadd.s32 v0, v2  }
0x77: {  	[tilespmem:$0x790] =	vst v1;
	v1 =	vadd.s32 v0, v3  }
0x78: {  	[tilespmem:$0x7A0] =	vst v1;
	v1 =	vadd.s32 v0, v63  }
0x79: {  	s21 =	simm.s32 $0x800;
	[tilespmem:$0x7B0] =	vst v1  }
0x7a: {  	[tilespmem:s21], [sflag:$0xA] =	stream.linear.gather [hbm4b:s11+s3], $0x800, $0x38;
	[tilespmem:$0x1F000] =	vst v63  }
0x7b: {  	s23 =	simm.s32 $0x2000  }
0x7c: {  	[tilespmem:s23], [sflag:$0xA] =	stream.linear.gather [hbm4b:s12+s3], $0x800, $0x38;
	[tilespmem:$0x1F000] =	vst v63  }
0x7d: {  	s24 =	simm.s32 $0x3000  }
0x7e: {  	[tilespmem:s24], [sflag:$0x1] =	stream.indirect.gather [hbm4b:s4+s22], $0x80, s3, s22, $0xb8;
	[tilespmem:$0x1F000] =	vst v63  }
.Ltmp2:
0x7f: {  	_ = 	snop;
	(pc) =	sbr.rel .LBB2_2-.Ltmp2, $4  }
0x80: {  	s25 =	simm.s32 $0x80;
	s9 =	simm.s32 $0x5000;
	s26 =	simm.s32 $0x100  }
0x81: {  	[tilespmem:s9], [sflag:$0x2] =	stream.indirect.gather [hbm4b:s4+s22], $0x80, s25, s22, $0xb8;
	[tilespmem:$0x1F000] =	vst v63  }
0x82: {  	s28 =	simm.s32 $0x7000;
	s18 =	simm.s32 $0x600;
	s20 =	simm.s32 $0x0  }
0x83: {  	[tilespmem:s28], [sflag:$0x3] =	stream.indirect.gather [hbm4b:s4+s22], $0x80, s26, s22, $0xb8;
	[tilespmem:$0x1F000] =	vst v63  }
.LBB2_4:
0x84: {  	s26 =	sadd.s32 $0x2, s24  }
0x85: {  	s28 =	smul.u32 $0xAB, s26;
	_ =	sdelay $0x1  }
0x86: {  	s28 =	sshrl.u32 s28, $0x9  }
0x87: {  	s28 =	sand.u32 $0x7F, s28  }
0x88: {  	s28 =	smul.u32 $0x3, s28  }
0x89: {  	s7 =	sshll.u32 s26, $0xB  }
0x8a: {  	s7 =	sadd.s32 s13, s7;
	s26 =	ssub.s32 s26, s28  }
0x8b: {  	s7 =	sshrl.u32 s7, $0x3;
	s26 =	sand.u32 $0xFF, s26  }
0x8c: {  	s9 =	sadd.s32 s5, s7;
	s28 =	sadd.s32 $0x9, s26;
	s26 =	sshll.u32 s26, $0xB  }
0x8d: {  	[tilespmem:s26], [sflag:s28] =	stream.linear.gather [hbm4b:s9+s3], $0x800, $0x38;
	[tilespmem:$0x1F000] =	vst v63  }
0x8e: {  	s7 =	sadd.s32 s6, s7;
	s26 =	sadd.s32 $0x1800, s26  }
0x8f: {  	[tilespmem:s26], [sflag:s28] =	stream.linear.gather [hbm4b:s7+s3], $0x800, $0x38;
	[tilespmem:$0x1F000] =	vst v63  }
.LBB2_6:
0x90: {  	s7 =	sadd.s32 $0x1, s24  }
0x91: {  	s9 =	sand.u32 $0xFF, s7  }
0x92: {  	s9 =	smul.u32 $0xAB, s9;
	_ =	sdelay $0x1  }
0x93: {  	s9 =	sshrl.u32 s9, $0x9  }
0x94: {  	s9 =	smul.u32 $0x3, s9;
	_ =	sdelay $0x1  }
0x95: {  	s7 =	ssub.s32 s7, s9  }
0x96: {  	s7 =	sand.u32 $0xFF, s7  }
0x97: {  	s28 =	sadd.s32 $0x9, s7  }
0x98: {  	_ =	swait.ge [sflag:s28], $0x800  }
0x99: {  	[sflag:s28] =	ssyncset.done $0x0  }
0x9a: {  	[sflag:s28] =	ssyncadd.s32 $0xFFFFF800  }
0x9b: {  	_ =	swait.ge [sflag:s28], $0x800  }
0x9c: {  	[sflag:s28] =	ssyncset.done $0x0  }
0x9d: {  	s26 =	sshll.u32 s7, $0xB;
	[sflag:s28] =	ssyncadd.s32 $0xFFFFF800  }
0x9e: {  	v1 =	vld [tilespmem:s26+$0x0]  }
0x9f: {  	v2 =	vld [tilespmem:s26+$0x10]  }
0xa0: {  	v3 =	vld [tilespmem:s26+$0x20]  }
0xa1: {  	v4 =	vld [tilespmem:s26+$0x30]  }
0xa2: {  	v5 =	vld [tilespmem:s26+$0x80]  }
0xa3: {  	v6 =	vld [tilespmem:s26+$0x90];
	v1 =	vadd.s32 v0, v1  }
0xa4: {  	[tilespmem:s26+$0x0] =	vst v1;
	v1 =	vadd.s32 v0, v2;
	v2 =	vld [tilespmem:s26+$0xA0]  }
0xa5: {  	[tilespmem:s26+$0x10] =	vst v1;
	v1 =	vadd.s32 v0, v3;
	v3 =	vld [tilespmem:s26+$0xB0]  }
0xa6: {  	v30 =	vld [tilespmem:s26+$0x100];
	[tilespmem:s26+$0x20] =	vst v1;
	v1 =	vadd.s32 v0, v4  }
0xa7: {  	v31 =	vld [tilespmem:s26+$0x110];
	[tilespmem:s26+$0x30] =	vst v1;
	v1 =	vadd.s32 v0, v5  }
0xa8: {  	v32 =	vld [tilespmem:s26+$0x120];
	[tilespmem:s26+$0x80] =	vst v1;
	v1 =	vadd.s32 v0, v6  }
0xa9: {  	[tilespmem:s26+$0x90] =	vst v1;
	v1 =	vadd.s32 v0, v2;
	v2 =	vld [tilespmem:s26+$0x130]  }
0xaa: {  	[tilespmem:s26+$0xA0] =	vst v1;
	v1 =	vadd.s32 v0, v3;
	v3 =	vld [tilespmem:s26+$0x180]  }
0xab: {  	v33 =	vld [tilespmem:s26+$0x190];
	[tilespmem:s26+$0xB0] =	vst v1;
	v1 =	vadd.s32 v0, v30  }
0xac: {  	v34 =	vld [tilespmem:s26+$0x1A0];
	[tilespmem:s26+$0x100] =	vst v1;
	v1 =	vadd.s32 v0, v31  }
0xad: {  	v35 =	vld [tilespmem:s26+$0x1B0];
	[tilespmem:s26+$0x110] =	vst v1;
	v1 =	vadd.s32 v0, v32  }
0xae: {  	[tilespmem:s26+$0x120] =	vst v1;
	v1 =	vadd.s32 v0, v2;
	v2 =	vld [tilespmem:s26+$0x200]  }
0xaf: {  	[tilespmem:s26+$0x130] =	vst v1;
	v1 =	vadd.s32 v0, v3;
	v3 =	vld [tilespmem:s26+$0x210]  }
0xb0: {  	v36 =	vld [tilespmem:s26+$0x220];
	[tilespmem:s26+$0x180] =	vst v1;
	v1 =	vadd.s32 v0, v33  }
0xb1: {  	v37 =	vld [tilespmem:s26+$0x230];
	[tilespmem:s26+$0x190] =	vst v1;
	v1 =	vadd.s32 v0, v34  }
0xb2: {  	v38 =	vld [tilespmem:s26+$0x280];
	[tilespmem:s26+$0x1A0] =	vst v1;
	v1 =	vadd.s32 v0, v35  }
0xb3: {  	[tilespmem:s26+$0x1B0] =	vst v1;
	v1 =	vadd.s32 v0, v2;
	v2 =	vld [tilespmem:s26+$0x290]  }
0xb4: {  	[tilespmem:s26+$0x200] =	vst v1;
	v1 =	vadd.s32 v0, v3;
	v3 =	vld [tilespmem:s26+$0x2A0]  }
0xb5: {  	v39 =	vld [tilespmem:s26+$0x2B0];
	[tilespmem:s26+$0x210] =	vst v1;
	v1 =	vadd.s32 v0, v36  }
0xb6: {  	v40 =	vld [tilespmem:s26+$0x300];
	[tilespmem:s26+$0x220] =	vst v1;
	v1 =	vadd.s32 v0, v37  }
0xb7: {  	v41 =	vld [tilespmem:s26+$0x310];
	[tilespmem:s26+$0x230] =	vst v1;
	v1 =	vadd.s32 v0, v38  }
0xb8: {  	[tilespmem:s26+$0x280] =	vst v1;
	v1 =	vadd.s32 v0, v2;
	v2 =	vld [tilespmem:s26+$0x320]  }
0xb9: {  	[tilespmem:s26+$0x290] =	vst v1;
	v1 =	vadd.s32 v0, v3;
	v3 =	vld [tilespmem:s26+$0x330]  }
0xba: {  	v42 =	vld [tilespmem:s26+$0x380];
	[tilespmem:s26+$0x2A0] =	vst v1;
	v1 =	vadd.s32 v0, v39  }
0xbb: {  	v43 =	vld [tilespmem:s26+$0x390];
	[tilespmem:s26+$0x2B0] =	vst v1;
	v1 =	vadd.s32 v0, v40  }
0xbc: {  	v44 =	vld [tilespmem:s26+$0x3A0];
	[tilespmem:s26+$0x300] =	vst v1;
	v1 =	vadd.s32 v0, v41  }
0xbd: {  	[tilespmem:s26+$0x310] =	vst v1;
	v1 =	vadd.s32 v0, v2;
	v2 =	vld [tilespmem:s26+$0x3B0]  }
0xbe: {  	[tilespmem:s26+$0x320] =	vst v1;
	v1 =	vadd.s32 v0, v3;
	v3 =	vld [tilespmem:s26+$0x400]  }
0xbf: {  	v45 =	vld [tilespmem:s26+$0x410];
	[tilespmem:s26+$0x330] =	vst v1;
	v1 =	vadd.s32 v0, v42  }
0xc0: {  	v46 =	vld [tilespmem:s26+$0x420];
	[tilespmem:s26+$0x380] =	vst v1;
	v1 =	vadd.s32 v0, v43  }
0xc1: {  	v47 =	vld [tilespmem:s26+$0x430];
	[tilespmem:s26+$0x390] =	vst v1;
	v1 =	vadd.s32 v0, v44  }
0xc2: {  	[tilespmem:s26+$0x3A0] =	vst v1;
	v1 =	vadd.s32 v0, v2;
	v2 =	vld [tilespmem:s26+$0x480]  }
0xc3: {  	[tilespmem:s26+$0x3B0] =	vst v1;
	v1 =	vadd.s32 v0, v3;
	v3 =	vld [tilespmem:s26+$0x490]  }
0xc4: {  	v48 =	vld [tilespmem:s26+$0x4A0];
	[tilespmem:s26+$0x400] =	vst v1;
	v1 =	vadd.s32 v0, v45  }
0xc5: {  	v49 =	vld [tilespmem:s26+$0x4B0];
	[tilespmem:s26+$0x410] =	vst v1;
	v1 =	vadd.s32 v0, v46  }
0xc6: {  	v50 =	vld [tilespmem:s26+$0x500];
	[tilespmem:s26+$0x420] =	vst v1;
	v1 =	vadd.s32 v0, v47  }
0xc7: {  	[tilespmem:s26+$0x430] =	vst v1;
	v1 =	vadd.s32 v0, v2;
	v2 =	vld [tilespmem:s26+$0x510]  }
0xc8: {  	[tilespmem:s26+$0x480] =	vst v1;
	v1 =	vadd.s32 v0, v3;
	v3 =	vld [tilespmem:s26+$0x520]  }
0xc9: {  	v51 =	vld [tilespmem:s26+$0x530];
	[tilespmem:s26+$0x490] =	vst v1;
	v1 =	vadd.s32 v0, v48  }
0xca: {  	v52 =	vld [tilespmem:s26+$0x580];
	[tilespmem:s26+$0x4A0] =	vst v1;
	v1 =	vadd.s32 v0, v49  }
0xcb: {  	v53 =	vld [tilespmem:s26+$0x590];
	[tilespmem:s26+$0x4B0] =	vst v1;
	v1 =	vadd.s32 v0, v50  }
0xcc: {  	[tilespmem:s26+$0x500] =	vst v1;
	v1 =	vadd.s32 v0, v2;
	v2 =	vld [tilespmem:s26+$0x5A0]  }
0xcd: {  	[tilespmem:s26+$0x510] =	vst v1;
	v1 =	vadd.s32 v0, v3;
	v3 =	vld [tilespmem:s26+$0x5B0]  }
0xce: {  	v54 =	vld [tilespmem:s26+$0x600];
	[tilespmem:s26+$0x520] =	vst v1;
	v1 =	vadd.s32 v0, v51  }
0xcf: {  	v55 =	vld [tilespmem:s26+$0x610];
	[tilespmem:s26+$0x530] =	vst v1;
	v1 =	vadd.s32 v0, v52  }
0xd0: {  	v56 =	vld [tilespmem:s26+$0x620];
	[tilespmem:s26+$0x580] =	vst v1;
	v1 =	vadd.s32 v0, v53  }
0xd1: {  	[tilespmem:s26+$0x590] =	vst v1;
	v1 =	vadd.s32 v0, v2;
	v2 =	vld [tilespmem:s26+$0x630]  }
0xd2: {  	[tilespmem:s26+$0x5A0] =	vst v1;
	v1 =	vadd.s32 v0, v3;
	v3 =	vld [tilespmem:s26+$0x680]  }
0xd3: {  	v57 =	vld [tilespmem:s26+$0x690];
	[tilespmem:s26+$0x5B0] =	vst v1;
	v1 =	vadd.s32 v0, v54  }
0xd4: {  	v58 =	vld [tilespmem:s26+$0x6A0];
	[tilespmem:s26+$0x600] =	vst v1;
	v1 =	vadd.s32 v0, v55  }
0xd5: {  	v59 =	vld [tilespmem:s26+$0x6B0];
	[tilespmem:s26+$0x610] =	vst v1;
	v1 =	vadd.s32 v0, v56  }
0xd6: {  	[tilespmem:s26+$0x620] =	vst v1;
	v1 =	vadd.s32 v0, v2;
	v2 =	vld [tilespmem:s26+$0x700]  }
0xd7: {  	[tilespmem:s26+$0x630] =	vst v1;
	v1 =	vadd.s32 v0, v3;
	v3 =	vld [tilespmem:s26+$0x710]  }
0xd8: {  	v60 =	vld [tilespmem:s26+$0x720];
	[tilespmem:s26+$0x680] =	vst v1;
	v1 =	vadd.s32 v0, v57  }
0xd9: {  	v61 =	vld [tilespmem:s26+$0x730];
	[tilespmem:s26+$0x690] =	vst v1;
	v1 =	vadd.s32 v0, v58  }
0xda: {  	v62 =	vld [tilespmem:s26+$0x780];
	[tilespmem:s26+$0x6A0] =	vst v1;
	v1 =	vadd.s32 v0, v59  }
0xdb: {  	[tilespmem:s26+$0x6B0] =	vst v1;
	v1 =	vadd.s32 v0, v2;
	v2 =	vld [tilespmem:s26+$0x790]  }
0xdc: {  	[tilespmem:s26+$0x700] =	vst v1;
	v1 =	vadd.s32 v0, v3;
	v3 =	vld [tilespmem:s26+$0x7A0]  }
0xdd: {  	v63 =	vld [tilespmem:s26+$0x7B0];
	[tilespmem:s26+$0x710] =	vst v1;
	v1 =	vadd.s32 v0, v60  }
0xde: {  	[tilespmem:s26+$0x720] =	vst v1;
	v1 =	vadd.s32 v0, v61  }
0xdf: {  	[tilespmem:s26+$0x730] =	vst v1;
	v1 =	vadd.s32 v0, v62  }
0xe0: {  	[tilespmem:s26+$0x780] =	vst v1;
	v1 =	vadd.s32 v0, v2  }
0xe1: {  	[tilespmem:s26+$0x790] =	vst v1;
	v1 =	vadd.s32 v0, v3  }
0xe2: {  	[tilespmem:s26+$0x7A0] =	vst v1;
	v1 =	vadd.s32 v0, v63  }
0xe3: {  	[tilespmem:s26+$0x7B0] =	vst v1  }
.LBB2_8:
0xe4: {  	s7 =	sshrl.u32 s25, $0x4  }
0xe5: {  	s9 =	smul.u32 $0xAB, s7;
	_ =	sdelay $0x1  }
0xe6: {  	s9 =	sshrl.u32 s9, $0x9  }
0xe7: {  	s9 =	sand.u32 $0x7F, s9  }
0xe8: {  	s9 =	smul.u32 $0x3, s9;
	_ =	sdelay $0x1  }
0xe9: {  	s7 =	ssub.s32 s7, s9  }
0xea: {  	s25 =	sand.u32 $0x1E00, s18;
	s7 =	sand.u32 $0xFF, s7  }
0xeb: {  	s26 =	sshll.u32 s23, $0xD;
	s9 =	sshrl.u32 s25, $0x2;
	s7 =	sshll.u32 s7, $0xB  }
0xec: {  	s28 =	sadd.s32 $0x1, s23;
	s25 =	sadd.s32 $0x3000, s26;
	s7 =	sor.u32 s9, s7  }
0xed: {  	[tilespmem:s25], [sflag:s28] =	stream.indirect.gather [hbm4b:s4+s22], $0x80, s7, s22, $0xb8;
	[tilespmem:$0x1F000] =	vst v63  }
.LBB2_9:
0xee: {  	s7 =	smul.u32 $0xAB, s24;
	_ =	sdelay $0x1  }
0xef: {  	s7 =	sshrl.u32 s7, $0x9  }
0xf0: {  	s7 =	sand.u32 $0x7F, s7  }
0xf1: {  	s7 =	smul.u32 $0x3, s7  }
0xf2: {  	s9 =	sand.u32 $0x3, s20;
	s21 =	sshll.u32 s21, $0x7;
	s20 =	sadd.s32 $0x1, s20  }
0xf3: {  	s18 =	sadd.s32 $0x200, s18;
	p0 =	sne.s32 s20, $0x140;
	s7 =	ssub.s32 s24, s7  }
.Ltmp3:
0xf4: {  	s28 =	sadd.s32 $0x1, s9;
	s7 =	sand.u32 $0xFF, s7;
	(pc) =	sbr.rel @!p0 .LBB2_10-.Ltmp3, $4  }
0xf5: {  	s23 =	sshll.u32 s9, $0xD;
	_ =	swait.ge [sflag:s28], $0x2000;
	s7 =	sshll.u32 s7, $0xB  }
0xf6: {  	s9 =	sadd.s32 $0x5, s9;
	[sflag:s28] =	ssyncset.done $0x0;
	s7 =	sor.u32 s21, s7  }
0xf7: {  	s23 =	sadd.s32 $0x3000, s23;
	[sflag:s28] =	ssyncadd.s32 $0xFFFFE000;
	s7 =	sadd.s32 $0x1800, s7  }
0xf8: {  	[spmem:s2] =	stream.indirect.scatter.add.f32 [tilespmem:s23], [sflag:s9], $0x80, s7, s22, $0xb8;
	[tilespmem:$0x1F000] =	vst v63  }
.LBB2_2:
0xf9: {  	s21 =	sadd.s32 $0xFFFFFFFF, s20  }
0xfa: {  	p0 =	sgt.u32 s21, $0x13B;
	s21 =	sand.u32 $0xF, s20  }
0xfb: {  	s25 =	sadd.s32 $0x3, s20;
	p1 =	sne.s32 s21, $0x0  }
.Ltmp4:
0xfc: {  	s23 =	sand.u32 $0x3, s25;
	(pc) =	sbr.rel @!p1 .LBB2_3-.Ltmp4, $4  }
0xfd: {  	s24 =	sadd.s32 @!p0 $0x5, s23  }
0xfe: {  	_ =	swait.ge @!p0 [sflag:s24], $0x2000  }
0xff: {  	[sflag:s24] =	ssyncset.done @!p0 $0x0  }
0x100: {  	[sflag:s24] =	ssyncadd.s32 @!p0 $0xFFFFE000;
	s24 =	sshrl.u32 s20, $0x4  }
.LBB2_7:
0x101: {  	p0 =	sgt.u32 s20, $0x13C  }
.Ltmp5:
0x102: {  	_ = 	snop;
	(pc) =	sbr.rel @p0 .LBB2_9-.Ltmp5, $4  }
.Ltmp6:
0x103: {  	_ = 	snop;
	(pc) =	sbr.rel @!p0 .LBB2_8-.Ltmp6, $4  }
0x104: {  	_ = 	snop  }
0x105: {  	_ = 	snop  }
0x106: {  	_ = 	snop  }
0x107: {  	_ = 	snop  }
.LBB2_3:
0x108: {  	p0 =	sgt.u32 s20, $0x11F  }
.Ltmp7:
0x109: {  	_ = 	snop;
	(pc) =	sbr.rel @!p0 .LBB2_4-.Ltmp7, $1  }
0x10a: {  	_ =	sdelay $0x3  }
0x10b: {  	p0 =	sgt.u32 s20, $0x12F  }
.Ltmp8:
0x10c: {  	_ = 	snop;
	(pc) =	sbr.rel @p0 .LBB2_7-.Ltmp8, $4  }
.Ltmp9:
0x10d: {  	_ = 	snop;
	(pc) =	sbr.rel @!p0 .LBB2_6-.Ltmp9, $4  }
0x10e: {  	_ = 	snop  }
0x10f: {  	_ = 	snop  }
0x110: {  	_ = 	snop  }
0x111: {  	_ = 	snop  }
.LBB2_11:
0x112: {  	_ =	sfence.sel $0x180000  }
0x113: {  	[bflag:$0x0] =	sbarrier.arrive $0xFFFF  }
0x114: {  	_ =	strace $0x9000004A  }
0x115: {  	s0 =	stileid.u32;
	[bflag:$0x2] =	sbarrier.arrive $0xFFFF  }
0x116: {  	p0 =	sne.s32 s0, $0x0;
	s0 =	rddreg [dreg:$0x2]  }
0x117: {  	s0 =	sadd.s32 @!p0 $0x100000, s0  }
0x118: {  	[sflag:s0] =	ssyncadd.tile.s32 @!p0 $0x1;
	_ =	shalt  }
.Lfunc_end2:
_tile_overlayer_lowered:
.L_overlay_start_2:
0x119: {  	(tag) =	ssettag $0x2  }
0x11a: {  	s0 =	rddreg [dreg:$0x0];
	s2 =	stileid.u32  }
0x11b: {  	s1 =	rddreg [dreg:$0x1];
	p0 =	sne.s32 s2, $0x0  }
0x11c: {  	s3 =	rddreg [dreg:$0x2];
	[bflag:$0x3] =	sbarrier.arrive $0xFFFF;
	s2 =	simm.s32 @!p0 $0x1C0C  }
0x11d: {  	[timem:s3], [sflag:s2] =	dma.local @!p0 [hbm:s0], s1  }
0x11e: {  	s0 =	simm.s32 @!p0 $0xC  }
0x11f: {  	_ =	swait.ge @!p0 [sflag:s0], s1  }
0x120: {  	s1 =	ssub.s32 @!p0 $0x0, s1;
	[sflag:s0] =	ssyncset.done @!p0 $0x0  }
0x121: {  	[sflag:s0] =	ssyncadd.s32 @!p0 s1  }
0x122: {  	[bflag:$0x3] =	sbarrier.arrive $0xFFFF  }
0x123: {  	_ =	shalt  }

// kernel: kernel.7.cloned.1.call-start
scs
__scs_entry_jumppad:
0x0: {  	(pc) =	sbr.rel $0x88, $3  }
0x1: {  	(tag) =	ssettag $0x0;
	lr =	simm.s32 $0x1  }
0x2: {  	[smem:$0x3F99] =	sst lr;
	_ =	strace $0xD0000000  }
0x3: {  	_ = 	snop  }
0x4: {  	_ = 	snop  }
0x5: {  	_ = 	snop  }
0x6: {  	_ = 	snop  }
0x7: {  	_ = 	snop  }
__scs_overlays_trampoline_lowered:
0x8: {  	[smem:$0x3FA8] =	sst s0  }
0x9: {  	[smem:$0x3FA9] =	sst s1  }
0xa: {  	[smem:$0x3FAA] =	sst s2  }
0xb: {  	[smem:$0x3FAB] =	sst s3  }
0xc: {  	[smem:$0x3FAC] =	sst s4  }
0xd: {  	[smem:$0x3FAD] =	sst s5  }
0xe: {  	[smem:$0x3FAE] =	sst s6  }
0xf: {  	[smem:$0x3FAF] =	sst s7  }
0x10: {  	[smem:$0x3FB0] =	sst s8  }
0x11: {  	[smem:$0x3FB1] =	sst s9;
	s0 =	simm.s32 @!p0 $0x0  }
0x12: {  	s1 =	sld [smem:$0x3F97];
	s0 =	simm.s32 @p0 $0x1  }
0x13: {  	[smem:$0x3FB2] =	sst s0;
	s0 =	simm.s32 @!p1 $0x0  }
0x14: {  	s2 =	sld [smem:$0x3F96];
	s0 =	simm.s32 @p1 $0x1  }
0x15: {  	[smem:$0x3FB3] =	sst s0;
	s0 =	simm.s32 @!p2 $0x0  }
0x16: {  	s3 =	sld [smem:$0x3FDB];
	s0 =	simm.s32 @p2 $0x1  }
0x17: {  	s4 =	simm.s32 $0x1BF5;
	[smem:$0x3FB5] =	sst s0  }
0x18: {  	s0 =	sld [smem:$0x3F98];
	_ =	swait.ge [sflag:s4], $0x0  }
0x19: {  	s7 =	sld [smem:$0x3F99]  }
0x1a: {  	s8 =	sadd.s32 $0xFFFFE003, lr  }
0x1b: {  	s9 =	sadd.s32 $0xFFFFFEF7, lr;
	s5 =	simm.s32 $0xFFFFFFFF;
	p2 =	slt.u32 s8, $0xFFFFF086  }
0x1c: {  	p1 =	slt.u32 s9, $0xF7A;
	s5 =	simm.s32 @!p2 $0x0  }
0x1d: {  	s5 =	simm.s32 @p1 $0x1;
	p0 =	seq.s32 s7, s2  }
0x1e: {  	s7 =	smul.u32 @!p0 $0xF7A, s2;
	p2 =	seq.s32 @!p0 s5, $0x0  }
0x1f: {  	s9 =	smul.u32 $0xF7A, s1;
	s8 =	simm.s32 @!p0 $0x1BF5;
	p2 =	por !p2, p0  }
0x20: {  	[sflag:s8] =	ssyncset.s32 @!p0 $0xFFFFF086;
	s6 =	sadd.s32 @!p0 s3, s7;
	s7 =	simm.s32 @!p0 $0x108  }
0x21: {  	s3 =	sadd.s32 s3, s9;
	s6 =	sadd.s32 @!p0 $0x88, s6;
	s7 =	simm.s32 @p2 $0x1082  }
0x22: {  	[simem:s7], [sflag:s8] =	dma.local @!p0 [hbm:s6], $0xF7A  }
0x23: {  	s9 =	sor.u32 $0xD0000000, s2;
	s6 =	simm.s32 $0x108;
	_ =	swait.ge @!p0 [sflag:s8], $0x0  }
0x24: {  	s3 =	sadd.s32 $0x88, s3;
	s6 =	simm.s32 @!p1 $0x1082;
	[sflag:s4] =	ssyncset.s32 $0xFFFFF086  }
0x25: {  	[simem:s6], [sflag:s4] =	dma.local [hbm:s3], $0xF7A  }
0x26: {  	[smem:$0x3F99] =	sst s1;
	(tag) =	ssettag s2;
	_ =	strace s9  }
0x27: {  	s1 =	sld [smem:$0x3FA9]  }
0x28: {  	s2 =	sld [smem:$0x3FAA]  }
0x29: {  	s4 =	sld [smem:$0x3FAC]  }
0x2a: {  	p0 =	seq.s32 s5, $0x0;
	s5 =	sld [smem:$0x3FAD]  }
0x2b: {  	s6 =	sld [smem:$0x3FAE]  }
0x2c: {  	s7 =	sld [smem:$0x3FAF]  }
0x2d: {  	s3 =	simm.s32 $0x108;
	s8 =	sld [smem:$0x3FB0]  }
0x2e: {  	s3 =	simm.s32 @!p0 $0x1082;
	s9 =	sld [smem:$0x3FB1]  }
0x2f: {  	lr =	sadd.s32 s0, s3;
	s0 =	sld [smem:$0x3FA8]  }
0x30: {  	s3 =	sld [smem:$0x3FAB]  }
0x31: {  	[smem:$0x3FB4] =	sst s10  }
0x32: {  	s10 =	sld [smem:$0x3FB2];
	_ =	sdelay $0x3  }
0x33: {  	p0 =	seq.s32 s10, $0x1;
	s10 =	sld [smem:$0x3FB4];
	_ =	sdelay $0x3  }
0x34: {  	[smem:$0x3FB4] =	sst s10  }
0x35: {  	s10 =	sld [smem:$0x3FB3];
	_ =	sdelay $0x3  }
0x36: {  	p1 =	seq.s32 s10, $0x1;
	s10 =	sld [smem:$0x3FB4];
	_ =	sdelay $0x3  }
0x37: {  	[smem:$0x3FB4] =	sst s10  }
0x38: {  	s10 =	sld [smem:$0x3FB5]  }
0x39: {  	_ = 	snop;
	(pc) =	sbr.ind lr, $3  }
0x3a: {  	_ = 	snop  }
0x3b: {  	_ = 	snop  }
0x3c: {  	p2 =	seq.s32 s10, $0x1;
	s10 =	sld [smem:$0x3FB4]  }
0x3d: {  	_ =	shalt  }
0x3e: {  	_ =	shalt  }
0x3f: {  	_ =	shalt  }
0x40: {  	_ =	shalt  }
0x41: {  	_ =	shalt  }
0x42: {  	_ =	shalt  }
0x43: {  	_ =	shalt  }
0x44: {  	_ =	shalt  }
0x45: {  	_ =	shalt  }
0x46: {  	_ =	shalt  }
0x47: {  	_ =	shalt  }
0x48: {  	_ =	shalt  }
0x49: {  	_ =	shalt  }
0x4a: {  	_ =	shalt  }
0x4b: {  	_ =	shalt  }
0x4c: {  	_ =	shalt  }
0x4d: {  	_ =	shalt  }
0x4e: {  	_ =	shalt  }
0x4f: {  	_ =	shalt  }
0x50: {  	_ =	shalt  }
0x51: {  	_ =	shalt  }
0x52: {  	_ =	shalt  }
0x53: {  	_ =	shalt  }
0x54: {  	_ =	shalt  }
0x55: {  	_ =	shalt  }
0x56: {  	_ =	shalt  }
0x57: {  	_ =	shalt  }
0x58: {  	_ =	shalt  }
0x59: {  	_ =	shalt  }
0x5a: {  	_ =	shalt  }
0x5b: {  	_ =	shalt  }
0x5c: {  	_ =	shalt  }
0x5d: {  	_ =	shalt  }
0x5e: {  	_ =	shalt  }
0x5f: {  	_ =	shalt  }
0x60: {  	_ =	shalt  }
0x61: {  	_ =	shalt  }
0x62: {  	_ =	shalt  }
0x63: {  	_ =	shalt  }
0x64: {  	_ =	shalt  }
0x65: {  	_ =	shalt  }
0x66: {  	_ =	shalt  }
0x67: {  	_ =	shalt  }
0x68: {  	_ =	shalt  }
0x69: {  	_ =	shalt  }
0x6a: {  	_ =	shalt  }
0x6b: {  	_ =	shalt  }
0x6c: {  	_ =	shalt  }
0x6d: {  	_ =	shalt  }
0x6e: {  	_ =	shalt  }
0x6f: {  	_ =	shalt  }
0x70: {  	_ =	shalt  }
0x71: {  	_ =	shalt  }
0x72: {  	_ =	shalt  }
0x73: {  	_ =	shalt  }
0x74: {  	_ =	shalt  }
0x75: {  	_ =	shalt  }
0x76: {  	_ =	shalt  }
0x77: {  	_ =	shalt  }
0x78: {  	_ =	shalt  }
0x79: {  	_ =	shalt  }
0x7a: {  	_ =	shalt  }
0x7b: {  	_ =	shalt  }
0x7c: {  	_ =	shalt  }
0x7d: {  	_ =	shalt  }
0x7e: {  	_ =	shalt  }
0x7f: {  	_ =	shalt  }
0x80: {  	_ =	shalt  }
0x81: {  	_ =	shalt  }
0x82: {  	_ =	shalt  }
0x83: {  	_ =	shalt  }
0x84: {  	_ =	shalt  }
0x85: {  	_ =	shalt  }
0x86: {  	_ =	shalt  }
0x87: {  	_ =	shalt  }
.Lfunc_end0:
.L_simem_size_0:
called_computation_lowered:
.L_overlay_start_0:
0x88: {  	s2 =	sld [smem:$0x3FD9]  }
0x89: {  	s3 =	sld [smem:$0x3FFE];
	_ =	sdelay $0x1  }
0x8a: {  	s1 =	srdreg.scid  }
0x8b: {  	s0 =	sand.u32 $0x1, s1  }
0x8c: {  	s14 =	sshll.u32 s0, $0xA;
	s2 =	sadd.s32 s3, s2  }
0x8d: {  	s2 =	sadd.s32 s2, s14  }
0x8e: {  	[smem:$0x3FC0] =	sst s2  }
0x8f: {  	_ = 	snop  }
0x90: {  	s2 =	sld [smem:$0x3FD0];
	_ =	sdelay $0x2  }
0x91: {  	s15 =	simm.s32 $0xA;
	s4 =	simm.s32 $0x10  }
0x92: {  	[smem:s4], [sflag:s15] =	dma.local [hbm:s2], $0x1  }
0x93: {  	_ =	swait.eq [sflag:s15], $0x1  }
0x94: {  	s16 =	sld [smem:$0x10];
	[sflag:s15] =	ssyncset.done $0x0  }
0x95: {  	s17 =	sld [smem:$0x11];
	[sflag:s15] =	ssyncadd.s32 $0xFFFFFFFF  }
0x96: {  	s18 =	sld [smem:$0x12];
	(tm) =	ssettm $0x1  }
0x97: {  	s5 =	sld [smem:$0x3FFB];
	_ =	sdelay $0x3  }
0x98: {  	_ =	strace s5  }
0x99: {  	s5 =	sld [smem:$0x3FFC];
	_ =	sdelay $0x3  }
0x9a: {  	_ =	strace s5  }
0x9b: {  	s5 =	sld [smem:$0x3FFD];
	_ =	sdelay $0x3  }
0x9c: {  	_ =	strace s5  }
0x9d: {  	_ =	strace $0x8FFFFFFF  }
0x9e: {  	s19 =	sld [smem:$0x3FDB];
	_ =	sdelay $0x1  }
0x9f: {  	s6 =	simm.s32 $_scs_section_size  }
0xa0: {  	s7 =	simm.s32 $_size__tile_overlayer_lowered;
	s8 =	simm.s32 $_tile_overlayer_lowered  }
0xa1: {  	s22 =	simm.s32 $0x1BFF;
	s21 =	sshll.u32 s8, $0x1;
	s5 =	sadd.s32 s6, s19  }
0xa2: {  	s9 =	simm.s32 $0x0;
	s20 =	sshll.u32 s7, $0x1;
	s7 =	sadd.s32 s21, s5  }
0xa3: {  	[timem:s9], [sflag:s22] =	dma.local [hbm:s7], s20  }
0xa4: {  	_ =	swait.ge [sflag:s22], s20  }
0xa5: {  	s6 =	ssub.s32 $0x0, s20;
	[sflag:s22] =	ssyncset.done $0x0  }
0xa6: {  	[sflag:s22] =	ssyncadd.s32 s6;
	_ =	sdelay $0x1  }
0xa7: {  	s23 =	simm.s32 $0x1B8B  }
0xa8: {  	_ =	swait.ge [sflag:s23], $0x1  }
0xa9: {  	[sflag:s23] =	ssyncset.done $0x0  }
0xaa: {  	s25 =	simm.s32 $0x1B8E;
	s24 =	sld [smem:$0x3FFE];
	[sflag:s23] =	ssyncadd.s32 $0xFFFFFFFF  }
0xab: {  	s26 =	simm.s32 $execute0_lowered;
	[smem:$0x3FD2] =	sst s25  }
0xac: {  	s7 =	sshll.u32 s26, $0x1;
	_ =	strace $0x80000046;
	[dreg:$0x1] =	wrdreg $0xFFFFFFFF  }
0xad: {  	s28 =	simm.s32 $_size_execute0_lowered;
	s5 =	sadd.s32 s5, s7;
	[dreg:$0x0] =	wrdreg $0x0  }
0xae: {  	s7 =	sshll.u32 s28, $0x1;
	[dreg:$0x2] =	wrdreg s5  }
0xaf: {  	[dreg:$0x3] =	wrdreg s7  }
0xb0: {  	[dreg:$0x4] =	wrdreg $0xC0  }
0xb1: {  	_ =	task [dreg:s9], $0x5FFFF  }
0xb2: {  	[dreg:$0x1] =	wrdreg $0xFFFFFFFF  }
0xb3: {  	[dreg:$0x0] =	wrdreg $0x60  }
0xb4: {  	[dreg:$0x2] =	wrdreg s16  }
0xb5: {  	[dreg:$0x3] =	wrdreg s24  }
0xb6: {  	[dreg:$0x4] =	wrdreg s18  }
0xb7: {  	[dreg:$0x5] =	wrdreg s17  }
0xb8: {  	[dreg:$0x6] =	wrdreg $0x50800  }
0xb9: {  	[dreg:$0x7] =	wrdreg $0x53000  }
0xba: {  	[dreg:$0x8] =	wrdreg $0x9  }
0xbb: {  	_ =	task.clear_ibuf [dreg:s9], $0x9FFFF;
	_ =	strace $0x90000046  }
0xbc: {  	s29 =	simm.s32 $0x9;
	_ =	strace $0x80000048  }
0xbd: {  	_ =	swait.ge [sflag:s29], $0x1  }
0xbe: {  	[sflag:s29] =	ssyncadd.s32 $0xFFFFFFFF  }
0xbf: {  	_ =	strace $0x90000048  }
0xc0: {  	_ =	sfence  }
0xc1: {  	s30 =	sld [smem:$0x0];
	_ =	sdelay $0x2  }
0xc2: {  	s31 =	sshll.u32 s1, $0xD;
	s1 =	sshrl.u32 s1, $0x2  }
0xc3: {  	s3 =	sand.u32 $0x4000, s31;
	s1 =	sadd.s32 s1, s30  }
0xc4: {  	s0 =	sor.u32 s3, s0;
	s1 =	sshll.u32 s1, $0x11  }
0xc5: {  	s0 =	sor.u32 s1, s0  }
0xc6: {  	s0 =	sadd.s32 $0x8F2B, s0  }
0xc7: {  	[sflag:s0] =	ssyncadd.remote.s32 $0x1  }
0xc8: {  	_ =	sfence.sel $0xFFFF  }
0xc9: {  	[dreg:$0x0] =	wrdreg $0xFFFFFFFF;
	(pc) =	sbr.abs _section_cstart, $3  }
0xca: {  	[dreg:$0x1] =	wrdreg $0xFFFFFFFF  }
0xcb: {  	_ =	task.clear_ibuf [dreg:s9], $0x2FFFF;
	_ =	strace $0x9FFFFFFF  }
0xcc: {  	(tm) =	ssettm $0x7FFFFFFF  }
0xcd: {  	_ =	shalt  }
tec
execute0_lowered:
.L_overlay_start_1:
0x0: {  	(tag) =	ssettag $0x1  }
0x1: {  	s7 =	rddreg [dreg:$0x0]  }
0x2: {  	s5 =	rddreg [dreg:$0x1]  }
0x3: {  	s6 =	rddreg [dreg:$0x2]  }
0x4: {  	s9 =	rddreg [dreg:$0x3]  }
0x5: {  	s2 =	rddreg [dreg:$0x4]  }
0x6: {  	s0 =	srdreg.scid;
	s3 =	rddreg [dreg:$0x5]  }
0x7: {  	s4 =	simm.s32 $0x0;
	s16 =	simm.s32 $0x80;
	s17 =	simm.s32 $0x5000  }
0x8: {  	s18 =	simm.s32 $0x1;
	s8 =	sand.u32 $0x1, s0;
	s0 =	stileid.u32  }
0x9: {  	s19 =	simm.s32 $0x20;
	s20 =	simm.s32 $0x10;
	s11 =	smul.u32 $0x280, s0  }
0xa: {  	s1 =	sshll.u32 s8, $0x4;
	s12 =	ssub.s32 $0x2, s8;
	s8 =	smul.u32 $0x5000, s8  }
0xb: {  	s21 =	simm.s32 $0x0;
	[smem:$0x7FF] =	sst s4;
	s14 =	smul.u32 $0x500, s0  }
0xc: {  	s29 =	sshll.u32 s0, $0x6;
	s10 =	sor.u32 s0, s1;
	s1 =	rddreg [dreg:$0x6]  }
0xd: {  	_ =	strace $0x80000047;
	s26 =	sshrl.u32 s12, $0x1;
	s10 =	smul.u32 $0x500, s10  }
0xe: {  	s12 =	ssub.s32 s12, s26;
	s15 =	sadd.s32 s11, s2;
	s8 =	sadd.s32 s14, s8  }
0xf: {  	s28 =	sshrl.u32 s11, $0x3;
	s30 =	sadd.s32 s11, s3;
	s31 =	sshrl.u32 s8, $0x3  }
0x10: {  	s11 =	smax.u32 s12, $0x1;
	s12 =	sshrl.u32 s15, $0x3;
	s14 =	sshrl.u32 s30, $0x3  }
0x11: {  	s15 =	simm.s32 $0x2800;
	s13 =	sadd.s32 s10, s5;
	s5 =	sadd.s32 s6, s28  }
0x12: {  	s6 =	sor.u32 $0x1C02, s29;
	s7 =	sadd.s32 s7, s10;
	s9 =	sadd.s32 s9, s31  }
0x13: {  	v0 =	vimm.f32 $1.000000000e+00;
	s8 =	sadd.s32 $0x1E00, s13;
	s10 =	sadd.s32 $0x10, s9;
	s13 =	simm.s32 $0x2  }
.LBB2_1:
0x14: {  	[tilespmem:$0x5000] =	vst v0  }
0x15: {  	[tilespmem:$0x5010] =	vst v0  }
0x16: {  	[tilespmem:$0x5020] =	vst v0  }
0x17: {  	[tilespmem:$0x5030] =	vst v0  }
0x18: {  	[tilespmem:$0x5040] =	vst v0  }
0x19: {  	[tilespmem:$0x5050] =	vst v0  }
0x1a: {  	[tilespmem:$0x5060] =	vst v0  }
0x1b: {  	[tilespmem:$0x5070] =	vst v0  }
0x1c: {  	[spmem:s12], [sflag:s6] =	dma.local [hbm:s5], $0x50  }
0x1d: {  	_ =	swait.ge [sflag:s13], $0x50  }
0x1e: {  	[sflag:s13] =	ssyncset.done $0x0  }
0x1f: {  	[sflag:s13] =	ssyncadd.s32 $0xFFFFFFB0  }
0x20: {  	[spmem:s14], [sflag:s6] =	dma.local [hbm:s5], $0x50  }
0x21: {  	_ =	swait.ge [sflag:s13], $0x50  }
0x22: {  	[sflag:s13] =	ssyncset.done $0x0  }
0x23: {  	[sflag:s13] =	ssyncadd.s32 $0xFFFFFFB0  }
0x24: {  	[tilespmem:s4], [sflag:$0x2] =	stream.linear.gather [hbm4b:s7+s4], $0x2800, $0x38;
	[tilespmem:$0x5580] =	vst v63  }
0x25: {  	_ =	swait.ge [sflag:s13], $0x2800  }
0x26: {  	[sflag:s13] =	ssyncset.done $0x0  }
0x27: {  	[sflag:s13] =	ssyncadd.s32 $0xFFFFD800  }
0x28: {  	[tilespmem:s15], [sflag:$0x2] =	stream.linear.gather [hbm4b:s8+s4], $0x2800, $0x38;
	[tilespmem:$0x5580] =	vst v63  }
0x29: {  	_ =	swait.ge [sflag:s13], $0x2800  }
0x2a: {  	[sflag:s13] =	ssyncset.done $0x0  }
0x2b: {  	[sflag:s13] =	ssyncadd.s32 $0xFFFFD800  }
0x2c: {  	s22 =	simm.s32 $0x0;
	[bflag:$0x0] =	sbarrier.arrive $0xFFFF  }
0x2d: {  	[spmem:s2] =	stream.indirect.scatter.add.f32 [tilespmem:s17], [sflag:$0x1], $0x1, s22, s16, $0xb8;
	[tilespmem:$0x5580] =	vst v63  }
0x2e: {  	s31 =	simm.s32 $0x2800  }
0x2f: {  	[spmem:s3] =	stream.indirect.scatter.add.f32 [tilespmem:s17], [sflag:$0x1], $0x1, s31, s16, $0xb8;
	[tilespmem:$0x5580] =	vst v63  }
0x30: {  	_ =	swait.ge [sflag:s18], $0x80  }
0x31: {  	[sflag:s18] =	ssyncset.done $0x0  }
0x32: {  	[sflag:s18] =	ssyncadd.s32 $0xFFFFFF80  }
0x33: {  	_ =	swait.ge [sflag:s18], $0x80  }
0x34: {  	s23 =	simm.s32 $0x400;
	s22 =	simm.s32 $0x200;
	[sflag:s18] =	ssyncset.done $0x0  }
.LBB2_2:
0x35: {  	s24 =	sshra.s32 s22, $0x2  }
0x36: {  	[sflag:s18] =	ssyncadd.s32 $0xFFFFFF80;
	s22 =	smov.u32 s23;
	s25 =	sadd.s32 $0x200, s23  }
0x37: {  	[spmem:s2] =	stream.indirect.scatter.add.f32 [tilespmem:s17], [sflag:$0x1], $0x1, s24, s16, $0xb8;
	[tilespmem:$0x5580] =	vst v63  }
0x38: {  	p0 =	sne.s32 s23, $0x9E00;
	s23 =	sadd.s32 $0x2800, s24  }
0x39: {  	[spmem:s3] =	stream.indirect.scatter.add.f32 [tilespmem:s17], [sflag:$0x1], $0x1, s23, s16, $0xb8;
	[tilespmem:$0x5580] =	vst v63  }
.Ltmp0:
0x3a: {  	_ =	swait.ge [sflag:s18], $0x80;
	(pc) =	sbr.rel @p0 .LBB2_2-.Ltmp0, $4  }
0x3b: {  	[sflag:s18] =	ssyncset.done $0x0  }
0x3c: {  	[sflag:s18] =	ssyncadd.s32 $0xFFFFFF80  }
0x3d: {  	_ =	swait.ge [sflag:s18], $0x80  }
0x3e: {  	s23 =	smov.u32 s25;
	[sflag:s18] =	ssyncset.done $0x0  }
0x3f: {  	s22 =	sshra.s32 s22, $0x2;
	[sflag:s18] =	ssyncadd.s32 $0xFFFFFF80  }
0x40: {  	[spmem:s2] =	stream.indirect.scatter.add.f32 [tilespmem:s17], [sflag:$0x1], $0x1, s22, s16, $0xb8;
	[tilespmem:$0x5580] =	vst v63  }
0x41: {  	s22 =	sadd.s32 $0x2800, s22  }
0x42: {  	[spmem:s3] =	stream.indirect.scatter.add.f32 [tilespmem:s17], [sflag:$0x1], $0x1, s22, s16, $0xb8;
	[tilespmem:$0x5580] =	vst v63  }
0x43: {  	_ =	swait.ge [sflag:s18], $0x80  }
0x44: {  	[sflag:s18] =	ssyncset.done $0x0  }
0x45: {  	[sflag:s18] =	ssyncadd.s32 $0xFFFFFF80  }
0x46: {  	_ =	swait.ge [sflag:s18], $0x80  }
0x47: {  	[sflag:s18] =	ssyncset.done $0x0  }
0x48: {  	[sflag:s18] =	ssyncadd.s32 $0xFFFFFF80  }
0x49: {  	[bflag:$0x0] =	sbarrier.arrive $0xFFFF  }
0x4a: {  	[hbm:s9@s19], [sflag:s6] =	dma.strided [spmem:s12@s20], $0x50, s18, $0x10   }
0x4b: {  	s21 =	sadd.s32 $0x1, s21;
	_ =	swait.ge [sflag:s13], $0x50  }
0x4c: {  	p0 =	sne.s32 s21, s11;
	[sflag:s13] =	ssyncset.done $0x0  }
.Ltmp1:
0x4d: {  	[sflag:s13] =	ssyncadd.s32 $0xFFFFFFB0;
	(pc) =	sbr.rel @p0 .LBB2_1-.Ltmp1, $4  }
0x4e: {  	[hbm:s10@s19], [sflag:s6] =	dma.strided [spmem:s14@s20], $0x50, s18, $0x10   }
0x4f: {  	_ =	swait.ge [sflag:s13], $0x50  }
0x50: {  	[sflag:s13] =	ssyncset.done $0x0  }
0x51: {  	[sflag:s13] =	ssyncadd.s32 $0xFFFFFFB0  }
0x52: {  	_ =	sfence.sel $0x180000  }
0x53: {  	[bflag:$0x0] =	sbarrier.arrive $0xFFFF  }
0x54: {  	p0 =	sne.s32 s0, $0x0;
	_ =	strace $0x90000047  }
0x55: {  	s0 =	sadd.s32 @!p0 $0x100000, s1;
	[bflag:$0x2] =	sbarrier.arrive $0xFFFF  }
0x56: {  	[sflag:s0] =	ssyncadd.tile.s32 @!p0 $0x1;
	_ =	shalt  }
.Lfunc_end2:
_tile_overlayer_lowered:
.L_overlay_start_2:
0x57: {  	(tag) =	ssettag $0x2  }
0x58: {  	s0 =	rddreg [dreg:$0x0];
	s2 =	stileid.u32  }
0x59: {  	s1 =	rddreg [dreg:$0x1];
	p0 =	sne.s32 s2, $0x0  }
0x5a: {  	s3 =	rddreg [dreg:$0x2];
	[bflag:$0x3] =	sbarrier.arrive $0xFFFF;
	s2 =	simm.s32 @!p0 $0x1C02  }
0x5b: {  	[timem:s3], [sflag:s2] =	dma.local @!p0 [hbm:s0], s1  }
0x5c: {  	s0 =	simm.s32 @!p0 $0x2  }
0x5d: {  	_ =	swait.ge @!p0 [sflag:s0], s1  }
0x5e: {  	s1 =	ssub.s32 @!p0 $0x0, s1;
	[sflag:s0] =	ssyncset.done @!p0 $0x0  }
0x5f: {  	[sflag:s0] =	ssyncadd.s32 @!p0 s1  }
0x60: {  	[bflag:$0x3] =	sbarrier.arrive $0xFFFF  }
0x61: {  	_ =	shalt  }

</sc_bundles>
